<compile_context>
chip_gen: v7x
topology: tpu7x:2x2x1
jax: 0.10.2.dev20260603
libtpu: 0.0.44.dev20260713+nightly
codegen_flags: <defaults>
</compile_context>

<pallas_src>
import functools

import jax
import jax.numpy as jnp
from jax import lax
from jax.experimental import pallas as pl
from jax.experimental.pallas import tpu as pltpu
from jax.experimental.pallas import tpu_sc as plsc

_K = 20
_EPS = 1e-5
_MASKED = 3e38


def _leaky(h):
    return jnp.where(h >= 0, h, 0.2 * h)


def _dot_bf16(a, b):
    return lax.dot_general(a.astype(jnp.bfloat16), b.astype(jnp.bfloat16),
                           (((1,), (0,)), ((), ())),
                           preferred_element_type=jnp.float32)



def _knn_body(x_ref, xt_ref, bcand_ref, bquery_ref, out_ref, d_scr, *,
              n, qb, rc, k):
    j = pl.program_id(0)
    xb = xt_ref[...]
    sqb = jnp.sum(xb * xb, axis=0, keepdims=True)
    bquery = bquery_ref[...]
    col0 = j * qb

    ball = bcand_ref[...]
    minb = jnp.min(bquery)
    maxb = jnp.max(bquery)
    lo = jnp.sum((ball < minb).astype(jnp.int32))
    hi = jnp.sum((ball <= maxb).astype(jnp.int32))
    blk_lo = lo // rc
    blk_hi = (hi + rc - 1) // rc

    def init_body(rcI, _):
        off = pl.multiple_of(rcI * rc, rc)
        xc = x_ref[pl.ds(off, rc), :]
        sqr = jnp.sum(xc * xc, axis=1, keepdims=True)
        prod = lax.dot_general(xc, xb, (((1,), (0,)), ((), ())),
                               preferred_element_type=jnp.float32)
        d = sqr + sqb - 2.0 * prod
        bcand = bcand_ref[pl.ds(off, rc), :]
        rid = off + lax.broadcasted_iota(jnp.int32, (rc, qb), 0)
        cid = col0 + lax.broadcasted_iota(jnp.int32, (rc, qb), 1)
        d = jnp.where(bcand != bquery, _MASKED, d)
        d = jnp.where(rid == cid, _MASKED, d)
        d_scr[pl.ds(off, rc), :] = d
        return 0

    lax.fori_loop(blk_lo, blk_hi, init_body, 0)

    prev = jnp.full((1, qb), -1, jnp.int32)
    for t in range(k):
        def sel_body(rcI, carry, prev=prev):
            m, ix = carry
            off = pl.multiple_of(rcI * rc, rc)
            d = d_scr[pl.ds(off, rc), :]
            rid = off + lax.broadcasted_iota(jnp.int32, (rc, qb), 0)
            d = jnp.where(rid == prev, jnp.inf, d)
            d_scr[pl.ds(off, rc), :] = d
            cm = jnp.min(d, axis=0, keepdims=True)
            cix = jnp.min(jnp.where(d == cm, rid, n), axis=0, keepdims=True)
            take = (cm < m) | ((cm == m) & (cix < ix))
            return (jnp.where(take, cm, m), jnp.where(take, cix, ix))

        m0 = jnp.full((1, qb), jnp.inf, jnp.float32)
        ix0 = jnp.full((1, qb), n, jnp.int32)
        _, ix = lax.fori_loop(blk_lo, blk_hi, sel_body, (m0, ix0))
        out_ref[pl.ds(t, 1), :] = ix
        prev = ix


def _knn_neighbors(x, batch):
    n, c = x.shape
    qb = 256
    rc = 512
    kp = 24
    out = pl.pallas_call(
        functools.partial(_knn_body, n=n, qb=qb, rc=rc, k=_K),
        grid=(n // qb,),
        in_specs=[
            pl.BlockSpec((n, c), lambda j: (0, 0)),
            pl.BlockSpec((c, qb), lambda j: (0, j)),
            pl.BlockSpec((n, 1), lambda j: (0, 0)),
            pl.BlockSpec((1, qb), lambda j: (0, j)),
        ],
        out_specs=pl.BlockSpec((kp, qb), lambda j: (0, j)),
        out_shape=jax.ShapeDtypeStruct((kp, n), jnp.int32),
        scratch_shapes=[pltpu.VMEM((n, qb), jnp.float32)],
    )(x, x.T, batch.reshape(n, 1), batch.reshape(1, n))
    return out[:_K]



def _sc_gather(table, idx_flat):
    v, c = table.shape
    e = idx_flat.shape[0]
    info = plsc.get_sparse_core_info()
    nw = info.num_cores * info.num_subcores
    rw = e // nw
    ch = 128
    nchunk = rw // ch
    mesh = plsc.VectorSubcoreMesh(core_axis_name="c", subcore_axis_name="s")

    @functools.partial(
        pl.kernel, mesh=mesh,
        out_type=jax.ShapeDtypeStruct((e, c), jnp.float32),
        scratch_types=[
            pltpu.VMEM((ch,), jnp.int32),
            pltpu.VMEM((ch, c), jnp.float32),
            pltpu.SemaphoreType.DMA,
        ],
    )
    def gk(table_hbm, idx_hbm, out_hbm, idx_v, rows_v, sem):
        wid = lax.axis_index("s") * info.num_cores + lax.axis_index("c")
        base0 = wid * rw

        def body(ci, _):
            base = base0 + ci * ch
            pltpu.sync_copy(idx_hbm.at[pl.ds(base, ch)], idx_v)
            pltpu.async_copy(table_hbm.at[idx_v], rows_v, sem).wait()
            pltpu.sync_copy(rows_v, out_hbm.at[pl.ds(base, ch)])
            return 0

        lax.fori_loop(0, nchunk, body, 0)

    return gk(table, idx_flat)



def _affine_from_stats(st, g, be, e_count):
    mu = st[0:1, :] / e_count
    var = st[1:2, :] / e_count - mu * mu
    alpha = g * lax.rsqrt(var + _EPS)
    beta = be - alpha * mu
    return alpha, beta


def _prep_body(tin_ref, w1_ref, b1_ref, u_ref, tp_ref, *, cin, cout):
    t = tin_ref[...]
    w1a = w1_ref[0:cin, :]
    u_ref[...] = _dot_bf16(t, w1a) + b1_ref[...]
    tp_ref[:, 0:cin] = t


def _prep_affine_body(m_ref, st_ref, g_ref, be_ref, w1_ref, b1_ref,
                      x_ref, u_ref, tp_ref, *, cin, cout, e_count):
    alpha, beta = _affine_from_stats(st_ref[...], g_ref[...], be_ref[...],
                                     e_count)
    t = _leaky(alpha * m_ref[...] + beta)
    x_ref[...] = t
    w1a = w1_ref[0:cin, :]
    u_ref[...] = _dot_bf16(t, w1a) + b1_ref[...]
    tp_ref[:, 0:cin] = t


def _prep(t_in, w1, b1):
    n, cin = t_in.shape
    cout = w1.shape[1]
    cpad = ((cin + 127) // 128) * 128
    rb = 512
    return pl.pallas_call(
        functools.partial(_prep_body, cin=cin, cout=cout),
        grid=(n // rb,),
        in_specs=[
            pl.BlockSpec((rb, cin), lambda i: (i, 0)),
            pl.BlockSpec((2 * cin, cout), lambda i: (0, 0)),
            pl.BlockSpec((1, cout), lambda i: (0, 0)),
        ],
        out_specs=[
            pl.BlockSpec((rb, cout), lambda i: (i, 0)),
            pl.BlockSpec((rb, cpad), lambda i: (i, 0)),
        ],
        out_shape=[
            jax.ShapeDtypeStruct((n, cout), jnp.float32),
            jax.ShapeDtypeStruct((n, cpad), jnp.float32),
        ],
    )(t_in, w1, b1.reshape(1, cout))


def _prep_affine(m_prev, stats_prev, g, be, w1, b1, e_count):
    n, cin = m_prev.shape
    cout = w1.shape[1]
    cpad = ((cin + 127) // 128) * 128
    rb = 512
    return pl.pallas_call(
        functools.partial(_prep_affine_body, cin=cin, cout=cout,
                          e_count=e_count),
        grid=(n // rb,),
        in_specs=[
            pl.BlockSpec((rb, cin), lambda i: (i, 0)),
            pl.BlockSpec((8, cin), lambda i: (0, 0)),
            pl.BlockSpec((1, cin), lambda i: (0, 0)),
            pl.BlockSpec((1, cin), lambda i: (0, 0)),
            pl.BlockSpec((2 * cin, cout), lambda i: (0, 0)),
            pl.BlockSpec((1, cout), lambda i: (0, 0)),
        ],
        out_specs=[
            pl.BlockSpec((rb, cin), lambda i: (i, 0)),
            pl.BlockSpec((rb, cout), lambda i: (i, 0)),
            pl.BlockSpec((rb, cpad), lambda i: (i, 0)),
        ],
        out_shape=[
            jax.ShapeDtypeStruct((n, cin), jnp.float32),
            jax.ShapeDtypeStruct((n, cout), jnp.float32),
            jax.ShapeDtypeStruct((n, cpad), jnp.float32),
        ],
    )(m_prev, stats_prev, g.reshape(1, cin), be.reshape(1, cin),
      w1, b1.reshape(1, cout))


def _stats1_body(xg_ref, xi_ref, u_ref, w1_ref, out_ref):
    k = pl.program_id(0)
    nb = pl.program_id(1)
    cin = xi_ref.shape[1]
    e = xg_ref[:, 0:cin] - xi_ref[...]
    z = u_ref[...] + _dot_bf16(e, w1_ref[...])
    s = jnp.sum(z, axis=0, keepdims=True)
    q = jnp.sum(z * z, axis=0, keepdims=True)
    upd = jnp.concatenate(
        [s, q, jnp.zeros((6, z.shape[1]), jnp.float32)], axis=0)

    @pl.when(jnp.logical_and(k == 0, nb == 0))
    def _():
        out_ref[...] = upd

    @pl.when(jnp.logical_not(jnp.logical_and(k == 0, nb == 0)))
    def _():
        out_ref[...] = out_ref[...] + upd


def _stats1(xg, x_l, u, w1b):
    n, cin = x_l.shape
    cout = w1b.shape[1]
    cpad = xg.shape[1]
    rb = 512
    nbn = n // rb
    return pl.pallas_call(
        _stats1_body,
        grid=(_K, nbn),
        in_specs=[
            pl.BlockSpec((rb, cpad), lambda k, i: (k * nbn + i, 0)),
            pl.BlockSpec((rb, cin), lambda k, i: (i, 0)),
            pl.BlockSpec((rb, cout), lambda k, i: (i, 0)),
            pl.BlockSpec((cin, cout), lambda k, i: (0, 0)),
        ],
        out_specs=pl.BlockSpec((8, cout), lambda k, i: (0, 0)),
        out_shape=jax.ShapeDtypeStruct((8, cout), jnp.float32),
    )(xg, x_l, u, w1b)


def _convout_body(xg_ref, xi_ref, u_ref, w1_ref, st1_ref, g1_ref,
                  be1_ref, w2_ref, b2_ref, m_ref, st2_ref, *, e_count):
    nb = pl.program_id(0)
    k = pl.program_id(1)
    alpha, beta = _affine_from_stats(st1_ref[...], g1_ref[...], be1_ref[...],
                                     e_count)
    cin = xi_ref.shape[1]
    e = xg_ref[:, 0:cin] - xi_ref[...]
    z1 = u_ref[...] + _dot_bf16(e, w1_ref[...])
    a1 = _leaky(alpha * z1 + beta)
    z2 = _dot_bf16(a1, w2_ref[...]) + b2_ref[...]
    s = jnp.sum(z2, axis=0, keepdims=True)
    q = jnp.sum(z2 * z2, axis=0, keepdims=True)
    upd = jnp.concatenate(
        [s, q, jnp.zeros((6, z2.shape[1]), jnp.float32)], axis=0)

    @pl.when(jnp.logical_and(k == 0, nb == 0))
    def _():
        st2_ref[...] = upd

    @pl.when(jnp.logical_not(jnp.logical_and(k == 0, nb == 0)))
    def _():
        st2_ref[...] = st2_ref[...] + upd

    @pl.when(k == 0)
    def _():
        m_ref[...] = z2

    @pl.when(k > 0)
    def _():
        m_ref[...] = jnp.maximum(m_ref[...], z2)


def _convout(xg, x_l, u, w1b, stats1, g1, be1, w2, b2, e_count):
    n, cin = x_l.shape
    c = w1b.shape[1]
    cpad = xg.shape[1]
    cout = w2.shape[1]
    rb = 512
    nbn = n // rb
    return pl.pallas_call(
        functools.partial(_convout_body, e_count=e_count),
        grid=(nbn, _K),
        in_specs=[
            pl.BlockSpec((rb, cpad), lambda i, k: (k * nbn + i, 0)),
            pl.BlockSpec((rb, cin), lambda i, k: (i, 0)),
            pl.BlockSpec((rb, c), lambda i, k: (i, 0)),
            pl.BlockSpec((cin, c), lambda i, k: (0, 0)),
            pl.BlockSpec((8, c), lambda i, k: (0, 0)),
            pl.BlockSpec((1, c), lambda i, k: (0, 0)),
            pl.BlockSpec((1, c), lambda i, k: (0, 0)),
            pl.BlockSpec((c, cout), lambda i, k: (0, 0)),
            pl.BlockSpec((1, cout), lambda i, k: (0, 0)),
        ],
        out_specs=[
            pl.BlockSpec((rb, cout), lambda i, k: (i, 0)),
            pl.BlockSpec((8, cout), lambda i, k: (0, 0)),
        ],
        out_shape=[
            jax.ShapeDtypeStruct((n, cout), jnp.float32),
            jax.ShapeDtypeStruct((8, cout), jnp.float32),
        ],
    )(xg, x_l, u, w1b, stats1, g1.reshape(1, c), be1.reshape(1, c),
      w2, b2.reshape(1, cout))



def _head_body(x1_ref, x2_ref, x3_ref, x4_ref, m5_ref, st5_ref, g5_ref,
               be5_ref, wa_ref, ba_ref, wb_ref, bb_ref, wc_ref, bc_ref,
               out_ref, *, e_count, splits):
    alpha, beta = _affine_from_stats(st5_ref[...], g5_ref[...], be5_ref[...],
                                     e_count)
    x5 = _leaky(alpha * m5_ref[...] + beta)
    xs = [x1_ref[...], x2_ref[...], x3_ref[...], x4_ref[...], x5]
    acc = ba_ref[...]
    off = 0
    for xpart in xs:
        cw = xpart.shape[1]
        acc = acc + _dot_bf16(xpart, wa_ref[off:off + cw, :])
        off += cw
    h = jnp.maximum(acc, 0.0)
    h = jnp.maximum(_dot_bf16(h, wb_ref[...]) + bb_ref[...], 0.0)
    out_ref[...] = _dot_bf16(h, wc_ref[...]) + bc_ref[...]


def _head(xs, m5, stats5, g5, be5, hp, e_count):
    n = m5.shape[0]
    rb = 512
    c1, c2, c3, c4 = (x.shape[1] for x in xs)
    c5 = m5.shape[1]
    ctot = c1 + c2 + c3 + c4 + c5
    ha, hb, hc = hp["Wa"].shape[1], hp["Wb"].shape[1], hp["Wc"].shape[1]
    return pl.pallas_call(
        functools.partial(_head_body, e_count=e_count,
                          splits=(c1, c2, c3, c4, c5)),
        grid=(n // rb,),
        in_specs=[
            pl.BlockSpec((rb, c1), lambda i: (i, 0)),
            pl.BlockSpec((rb, c2), lambda i: (i, 0)),
            pl.BlockSpec((rb, c3), lambda i: (i, 0)),
            pl.BlockSpec((rb, c4), lambda i: (i, 0)),
            pl.BlockSpec((rb, c5), lambda i: (i, 0)),
            pl.BlockSpec((8, c5), lambda i: (0, 0)),
            pl.BlockSpec((1, c5), lambda i: (0, 0)),
            pl.BlockSpec((1, c5), lambda i: (0, 0)),
            pl.BlockSpec((ctot, ha), lambda i: (0, 0)),
            pl.BlockSpec((1, ha), lambda i: (0, 0)),
            pl.BlockSpec((ha, hb), lambda i: (0, 0)),
            pl.BlockSpec((1, hb), lambda i: (0, 0)),
            pl.BlockSpec((hb, hc), lambda i: (0, 0)),
            pl.BlockSpec((1, hc), lambda i: (0, 0)),
        ],
        out_specs=pl.BlockSpec((rb, hc), lambda i: (i, 0)),
        out_shape=jax.ShapeDtypeStruct((n, hc), jnp.float32),
    )(xs[0], xs[1], xs[2], xs[3], m5, stats5,
      g5.reshape(1, c5), be5.reshape(1, c5),
      hp["Wa"], hp["ba"].reshape(1, ha),
      hp["Wb"], hp["bb"].reshape(1, hb),
      hp["Wc"], hp["bc"].reshape(1, hc))



def kernel(x, batch, params):
    n = x.shape[0]
    e_count = float(n * _K)
    nbr_t = _knn_neighbors(x, batch.astype(jnp.int32))
    idx_flat = nbr_t.reshape(-1)

    convs = [params["conv1"], params["conv2"], params["conv3"],
             params["conv4"], params["conv5"]]
    xs = []
    t_in = x
    m = None
    stats2 = None
    prev = None
    x_l = t_in
    for p in convs:
        if prev is None:
            u, tp = _prep(t_in, p["W1"], p["b1"])
        else:
            x_l, u, tp = _prep_affine(m, stats2, prev["g2"], prev["be2"],
                                      p["W1"], p["b1"], e_count)
            xs.append(x_l)
        w1b = p["W1"][x_l.shape[1]:]
        xg = _sc_gather(tp, idx_flat)
        st1 = _stats1(xg, x_l, u, w1b)
        m, stats2 = _convout(xg, x_l, u, w1b, st1, p["g1"], p["be1"],
                             p["W2"], p["b2"], e_count)
        prev = p

    return _head(xs, m, stats2, prev["g2"], prev["be2"], params["head"],
                 e_count)

# --- scband reference (transcript-rebuilt; emitter-appended) ---
"""Pipeline reference for scband-dgcnnreg-14817637171207 (READ-ONLY COPY).

The authoritative reference and input builder live on the scoring server;
editing this copy changes nothing except your own understanding.
"""

import jax, jax.numpy as jnp
import numpy as np

N = 8192
K = 20
IN_C = 13
OUT_DIM = 4
N_GRAPHS = 4

def _init_linear(key, fan_in, fan_out):
    k1, k2 = jax.random.split(key)
    lim = 1.0 / np.sqrt(fan_in)
    W = jax.random.uniform(k1, (fan_in, fan_out), minval=-lim, maxval=lim, dtype=jnp.float32)
    b = jax.random.uniform(k2, (fan_out,), minval=-lim, maxval=lim, dtype=jnp.float32)
    return W, b

def _init_edgeconv(key, in_c, out_c):
    ks = jax.random.split(key, 2)
    W1, b1 = _init_linear(ks[0], in_c, out_c)
    W2, b2 = _init_linear(ks[1], out_c, out_c)
    return {"W1": W1, "b1": b1, "g1": jnp.ones((out_c,), jnp.float32), "be1": jnp.zeros((out_c,), jnp.float32),
            "W2": W2, "b2": b2, "g2": jnp.ones((out_c,), jnp.float32), "be2": jnp.zeros((out_c,), jnp.float32)}

def setup_inputs(seed: int = 0) -> dict:
    key = jax.random.key(seed)
    ks = jax.random.split(key, 9)
    x = jax.random.normal(ks[0], (N, IN_C), dtype=jnp.float32)
    batch = jnp.sort(jax.random.randint(ks[1], (N,), 0, N_GRAPHS)).astype(jnp.int32)
    params = {
        "conv1": _init_edgeconv(ks[2], 2 * IN_C, 64),
        "conv2": _init_edgeconv(ks[3], 2 * 64, 64),
        "conv3": _init_edgeconv(ks[4], 2 * 64, 128),
        "conv4": _init_edgeconv(ks[5], 2 * 128, 256),
        "conv5": _init_edgeconv(ks[6], 2 * 256, 128),
    }
    hks = jax.random.split(ks[7], 3)
    Wa, ba = _init_linear(hks[0], 64 + 64 + 128 + 256 + 128, 512)
    Wb, bb = _init_linear(hks[1], 512, 256)
    Wc, bc = _init_linear(hks[2], 256, OUT_DIM)
    params["head"] = {"Wa": Wa, "ba": ba, "Wb": Wb, "bb": bb, "Wc": Wc, "bc": bc}
    return {"x": x, "batch": batch, "params": params}

def _leaky(h):
    return jnp.where(h >= 0, h, 0.2 * h)

def _bn(h, g, b):
    mu = jnp.mean(h, axis=0)
    var = jnp.mean((h - mu) ** 2, axis=0)
    return g * (h - mu) * jax.lax.rsqrt(var + 1e-5) + b

def _edge_conv(x, src, dst, p, n):
    xi = x[dst]
    xj = x[src]
    h = jnp.concatenate([xi, xj - xi], axis=1)
    h = _leaky(_bn(h @ p["W1"] + p["b1"], p["g1"], p["be1"]))
    h = _leaky(_bn(h @ p["W2"] + p["b2"], p["g2"], p["be2"]))
    return jax.ops.segment_max(h, dst, num_segments=n)

def _knn_graph(x, batch, k):
    xs = jax.lax.stop_gradient(x)
    n = xs.shape[0]
    sq = jnp.sum(xs * xs, axis=1)
    d = sq[:, None] + sq[None, :] - 2.0 * (xs @ xs.T)
    d = jnp.where(batch[:, None] != batch[None, :], jnp.inf, d)
    idx = jnp.arange(n)
    d = d.at[idx, idx].set(jnp.inf)
    _, nbr = jax.lax.top_k(-d, k)
    dst = jnp.repeat(idx, k)
    src = nbr.reshape(-1)
    return src, dst

def reference(x, batch, params):
    n = x.shape[0]
    src, dst = _knn_graph(x, batch, K)
    x1 = _edge_conv(x, src, dst, params["conv1"], n)
    x2 = _edge_conv(x1, src, dst, params["conv2"], n)
    x3 = _edge_conv(x2, src, dst, params["conv3"], n)
    x4 = _edge_conv(x3, src, dst, params["conv4"], n)
    x5 = _edge_conv(x4, src, dst, params["conv5"], n)
    xc = jnp.concatenate([x1, x2, x3, x4, x5], axis=1)
    h = params["head"]
    o = jax.nn.relu(xc @ h["Wa"] + h["ba"])
    o = jax.nn.relu(o @ h["Wb"] + h["bb"])
    o = o @ h["Wc"] + h["bc"]
    return o

if __name__ == "__main__":
    import jax
    _d = setup_inputs()
    print(jax.jit(kernel)(*tuple(_d.values())))

</pallas_src>

<mosaic_0001>
#map = affine_map<(d0, d1) -> (0, 0)>
#map1 = affine_map<(d0, d1) -> (0)>
module attributes {stable_mosaic.version = 14 : i64} {
  func.func @gk(%arg0: i32, %arg1: i32, %arg2: memref<8192x128xf32, #tpu.memory_space<hbm>>, %arg3: memref<163840xi32, #tpu.memory_space<hbm>>, %arg4: memref<163840x128xf32, #tpu.memory_space<hbm>>, %arg5: memref<128xi32, #tpu.memory_space<vmem>>, %arg6: memref<128x128xf32, #tpu.memory_space<vmem>>, %arg7: memref<!tpu.dma_semaphore, #tpu.memory_space<semaphore_mem>>) attributes {dimension_semantics = [#tpu.dimension_semantics<core_parallel>, #tpu.dimension_semantics<subcore_parallel>], iteration_bounds = array<i64: 2, 16>, scalar_prefetch = 0 : i64, scratch_operands = 3 : i64, tpu.core_type = #tpu.core_type<sc_vector_subcore>, window_params = [{transform_indices = #map}, {transform_indices = #map1}, {transform_indices = #map}]} {
    %mul3A = arith.constant 2 : i32
    %mul3A_0 = arith.muli %arg1, %mul3A : i32
    %add3A = arith.addi %mul3A_0, %arg0 : i32
    %mul3A_1 = arith.constant 5120 : i32
    %mul3A_2 = arith.muli %add3A, %mul3A_1 : i32
    %scan3A = arith.constant 0 : i32
    %scan3A_3 = arith.constant 0 : i32
    %scan3A_4 = arith.constant 40 : i32
    %scan3A_5 = arith.addi %scan3A_3, %scan3A_4 : i32
    %scan3A_6 = arith.constant 1 : i32
    %scan3A_7 = scf.for %scan3A_9 = %scan3A_3 to %scan3A_5 step %scan3A_6 iter_args(%scan3A_10 = %scan3A) -> (i32)  : i32 {
      %mul3A_11 = arith.constant 128 : i32
      %mul3A_12 = arith.muli %scan3A_9, %mul3A_11 : i32
      %add3A_13 = arith.addi %mul3A_2, %mul3A_12 : i32
      "tpu.region"() ({
        %run_scoped3A = tpu.sem_alloc : memref<!tpu.dma_semaphore, #tpu.memory_space<semaphore_mem>>
        %dma_start3A_19 = tpu.memref_slice %arg3[%add3A_13] : memref<163840xi32, #tpu.memory_space<hbm>> -> memref<128xi32, #tpu.memory_space<hbm>>
        %dma_start3A_20 = tpu.memref_slice %arg3[%add3A_13] : memref<163840xi32, #tpu.memory_space<hbm>> -> memref<128xi32, #tpu.memory_space<hbm>>
        tpu.enqueue_dma source(%dma_start3A_20 : memref<128xi32, #tpu.memory_space<hbm>>) target(%arg5 : memref<128xi32, #tpu.memory_space<vmem>>) target_semaphore(%run_scoped3A : memref<!tpu.dma_semaphore, #tpu.memory_space<semaphore_mem>>)
        %dma_wait3A_21 = tpu.memref_slice %arg3[%add3A_13] : memref<163840xi32, #tpu.memory_space<hbm>> -> memref<128xi32, #tpu.memory_space<hbm>>
        %dma_wait3A_22 = tpu.memref_slice %arg3[%add3A_13] : memref<163840xi32, #tpu.memory_space<hbm>> -> memref<128xi32, #tpu.memory_space<hbm>>
        tpu.wait_dma2 semaphore(%run_scoped3A : memref<!tpu.dma_semaphore, #tpu.memory_space<semaphore_mem>>) src(%dma_wait3A_22 : memref<128xi32, #tpu.memory_space<hbm>>) dst(%arg5 : memref<128xi32, #tpu.memory_space<vmem>>)
        tpu.yield
      }) : () -> ()
      %dma_start3A = arith.constant 0 : i32
      %dma_start3A_14 = arith.constant 0 : i32
      %dma_start3A_15 = tpu.memref_slice %arg2[%dma_start3A, %dma_start3A_14] : memref<8192x128xf32, #tpu.memory_space<hbm>> -> memref<8192x128xf32, #tpu.memory_space<hbm>>
      tpu.enqueue_indirect_dma source(%dma_start3A_15 : memref<8192x128xf32, #tpu.memory_space<hbm>>) target(%arg6 : memref<128x128xf32, #tpu.memory_space<vmem>>) offsets(%arg5 : memref<128xi32, #tpu.memory_space<vmem>>) semaphore(%arg7 : memref<!tpu.dma_semaphore, #tpu.memory_space<semaphore_mem>>)
      %dma_wait3A = arith.constant 0 : i32
      %dma_wait3A_16 = arith.constant 0 : i32
      %dma_wait3A_17 = tpu.memref_slice %arg2[%dma_wait3A, %dma_wait3A_16] : memref<8192x128xf32, #tpu.memory_space<hbm>> -> memref<8192x128xf32, #tpu.memory_space<hbm>>
      tpu.wait_indirect_dma semaphore(%arg7 : memref<!tpu.dma_semaphore, #tpu.memory_space<semaphore_mem>>) src(%dma_wait3A_17 : memref<8192x128xf32, #tpu.memory_space<hbm>>) dst(%arg6 : memref<128x128xf32, #tpu.memory_space<vmem>>)
      "tpu.region"() ({
        %run_scoped3A = tpu.sem_alloc : memref<!tpu.dma_semaphore, #tpu.memory_space<semaphore_mem>>
        %dma_start3A_19 = arith.constant 0 : i32
        %dma_start3A_20 = tpu.memref_slice %arg4[%add3A_13, %dma_start3A_19] : memref<163840x128xf32, #tpu.memory_space<hbm>> -> memref<128x128xf32, #tpu.memory_space<hbm>>
        %dma_start3A_21 = arith.constant 0 : i32
        %dma_start3A_22 = tpu.memref_slice %arg4[%add3A_13, %dma_start3A_21] : memref<163840x128xf32, #tpu.memory_space<hbm>> -> memref<128x128xf32, #tpu.memory_space<hbm>>
        tpu.enqueue_dma source(%arg6 : memref<128x128xf32, #tpu.memory_space<vmem>>) target(%dma_start3A_22 : memref<128x128xf32, #tpu.memory_space<hbm>>) target_semaphore(%run_scoped3A : memref<!tpu.dma_semaphore, #tpu.memory_space<semaphore_mem>>)
        %dma_wait3A_23 = arith.constant 0 : i32
        %dma_wait3A_24 = tpu.memref_slice %arg4[%add3A_13, %dma_wait3A_23] : memref<163840x128xf32, #tpu.memory_space<hbm>> -> memref<128x128xf32, #tpu.memory_space<hbm>>
        %dma_wait3A_25 = arith.constant 0 : i32
        %dma_wait3A_26 = tpu.memref_slice %arg4[%add3A_13, %dma_wait3A_25] : memref<163840x128xf32, #tpu.memory_space<hbm>> -> memref<128x128xf32, #tpu.memory_space<hbm>>
        tpu.wait_dma2 semaphore(%run_scoped3A : memref<!tpu.dma_semaphore, #tpu.memory_space<semaphore_mem>>) src(%arg6 : memref<128x128xf32, #tpu.memory_space<vmem>>) dst(%dma_wait3A_26 : memref<128x128xf32, #tpu.memory_space<hbm>>)
        tpu.yield
      }) : () -> ()
      %scan3A_18 = arith.constant 0 : i32
      scf.yield %scan3A_18 : i32
    }
    %scan3A_8 = arith.constant 40 : i32
    return
  }
}

#map = affine_map<(d0, d1) -> (0, 0)>
#map1 = affine_map<(d0, d1) -> (0)>
module attributes {stable_mosaic.version = 14 : i64} {
  func.func @gk(%arg0: i32, %arg1: i32, %arg2: memref<8192x128xf32, #tpu.memory_space<hbm>>, %arg3: memref<163840xi32, #tpu.memory_space<hbm>>, %arg4: memref<163840x128xf32, #tpu.memory_space<hbm>>, %arg5: memref<128xi32, #tpu.memory_space<vmem>>, %arg6: memref<128x128xf32, #tpu.memory_space<vmem>>, %arg7: memref<!tpu.dma_semaphore, #tpu.memory_space<semaphore_mem>>) attributes {dimension_semantics = [#tpu.dimension_semantics<core_parallel>, #tpu.dimension_semantics<subcore_parallel>], iteration_bounds = array<i64: 2, 16>, scalar_prefetch = 0 : i64, scratch_operands = 3 : i64, tpu.core_type = #tpu.core_type<sc_vector_subcore>, window_params = [{transform_indices = #map}, {transform_indices = #map1}, {transform_indices = #map}]} {
    %mul3A = arith.constant 2 : i32
    %mul3A_0 = arith.muli %arg1, %mul3A : i32
    %add3A = arith.addi %mul3A_0, %arg0 : i32
    %mul3A_1 = arith.constant 5120 : i32
    %mul3A_2 = arith.muli %add3A, %mul3A_1 : i32
    %scan3A = arith.constant 0 : i32
    %scan3A_3 = arith.constant 0 : i32
    %scan3A_4 = arith.constant 40 : i32
    %scan3A_5 = arith.addi %scan3A_3, %scan3A_4 : i32
    %scan3A_6 = arith.constant 1 : i32
    %scan3A_7 = scf.for %scan3A_9 = %scan3A_3 to %scan3A_5 step %scan3A_6 iter_args(%scan3A_10 = %scan3A) -> (i32)  : i32 {
      %mul3A_11 = arith.constant 128 : i32
      %mul3A_12 = arith.muli %scan3A_9, %mul3A_11 : i32
      %add3A_13 = arith.addi %mul3A_2, %mul3A_12 : i32
      "tpu.region"() ({
        %run_scoped3A = tpu.sem_alloc : memref<!tpu.dma_semaphore, #tpu.memory_space<semaphore_mem>>
        %dma_start3A_19 = tpu.memref_slice %arg3[%add3A_13] : memref<163840xi32, #tpu.memory_space<hbm>> -> memref<128xi32, #tpu.memory_space<hbm>>
        %dma_start3A_20 = tpu.memref_slice %arg3[%add3A_13] : memref<163840xi32, #tpu.memory_space<hbm>> -> memref<128xi32, #tpu.memory_space<hbm>>
        tpu.enqueue_dma source(%dma_start3A_20 : memref<128xi32, #tpu.memory_space<hbm>>) target(%arg5 : memref<128xi32, #tpu.memory_space<vmem>>) target_semaphore(%run_scoped3A : memref<!tpu.dma_semaphore, #tpu.memory_space<semaphore_mem>>)
        %dma_wait3A_21 = tpu.memref_slice %arg3[%add3A_13] : memref<163840xi32, #tpu.memory_space<hbm>> -> memref<128xi32, #tpu.memory_space<hbm>>
        %dma_wait3A_22 = tpu.memref_slice %arg3[%add3A_13] : memref<163840xi32, #tpu.memory_space<hbm>> -> memref<128xi32, #tpu.memory_space<hbm>>
        tpu.wait_dma2 semaphore(%run_scoped3A : memref<!tpu.dma_semaphore, #tpu.memory_space<semaphore_mem>>) src(%dma_wait3A_22 : memref<128xi32, #tpu.memory_space<hbm>>) dst(%arg5 : memref<128xi32, #tpu.memory_space<vmem>>)
        tpu.yield
      }) : () -> ()
      %dma_start3A = arith.constant 0 : i32
      %dma_start3A_14 = arith.constant 0 : i32
      %dma_start3A_15 = tpu.memref_slice %arg2[%dma_start3A, %dma_start3A_14] : memref<8192x128xf32, #tpu.memory_space<hbm>> -> memref<8192x128xf32, #tpu.memory_space<hbm>>
      tpu.enqueue_indirect_dma source(%dma_start3A_15 : memref<8192x128xf32, #tpu.memory_space<hbm>>) target(%arg6 : memref<128x128xf32, #tpu.memory_space<vmem>>) offsets(%arg5 : memref<128xi32, #tpu.memory_space<vmem>>) semaphore(%arg7 : memref<!tpu.dma_semaphore, #tpu.memory_space<semaphore_mem>>)
      %dma_wait3A = arith.constant 0 : i32
      %dma_wait3A_16 = arith.constant 0 : i32
      %dma_wait3A_17 = tpu.memref_slice %arg2[%dma_wait3A, %dma_wait3A_16] : memref<8192x128xf32, #tpu.memory_space<hbm>> -> memref<8192x128xf32, #tpu.memory_space<hbm>>
      tpu.wait_indirect_dma semaphore(%arg7 : memref<!tpu.dma_semaphore, #tpu.memory_space<semaphore_mem>>) src(%dma_wait3A_17 : memref<8192x128xf32, #tpu.memory_space<hbm>>) dst(%arg6 : memref<128x128xf32, #tpu.memory_space<vmem>>)
      "tpu.region"() ({
        %run_scoped3A = tpu.sem_alloc : memref<!tpu.dma_semaphore, #tpu.memory_space<semaphore_mem>>
        %dma_start3A_19 = arith.constant 0 : i32
        %dma_start3A_20 = tpu.memref_slice %arg4[%add3A_13, %dma_start3A_19] : memref<163840x128xf32, #tpu.memory_space<hbm>> -> memref<128x128xf32, #tpu.memory_space<hbm>>
        %dma_start3A_21 = arith.constant 0 : i32
        %dma_start3A_22 = tpu.memref_slice %arg4[%add3A_13, %dma_start3A_21] : memref<163840x128xf32, #tpu.memory_space<hbm>> -> memref<128x128xf32, #tpu.memory_space<hbm>>
        tpu.enqueue_dma source(%arg6 : memref<128x128xf32, #tpu.memory_space<vmem>>) target(%dma_start3A_22 : memref<128x128xf32, #tpu.memory_space<hbm>>) target_semaphore(%run_scoped3A : memref<!tpu.dma_semaphore, #tpu.memory_space<semaphore_mem>>)
        %dma_wait3A_23 = arith.constant 0 : i32
        %dma_wait3A_24 = tpu.memref_slice %arg4[%add3A_13, %dma_wait3A_23] : memref<163840x128xf32, #tpu.memory_space<hbm>> -> memref<128x128xf32, #tpu.memory_space<hbm>>
        %dma_wait3A_25 = arith.constant 0 : i32
        %dma_wait3A_26 = tpu.memref_slice %arg4[%add3A_13, %dma_wait3A_25] : memref<163840x128xf32, #tpu.memory_space<hbm>> -> memref<128x128xf32, #tpu.memory_space<hbm>>
        tpu.wait_dma2 semaphore(%run_scoped3A : memref<!tpu.dma_semaphore, #tpu.memory_space<semaphore_mem>>) src(%arg6 : memref<128x128xf32, #tpu.memory_space<vmem>>) dst(%dma_wait3A_26 : memref<128x128xf32, #tpu.memory_space<hbm>>)
        tpu.yield
      }) : () -> ()
      %scan3A_18 = arith.constant 0 : i32
      scf.yield %scan3A_18 : i32
    }
    %scan3A_8 = arith.constant 40 : i32
    return
  }
}

#map = affine_map<(d0, d1) -> (0, 0)>
#map1 = affine_map<(d0, d1) -> (0)>
module attributes {stable_mosaic.version = 14 : i64} {
  func.func @gk(%arg0: i32, %arg1: i32, %arg2: memref<8192x128xf32, #tpu.memory_space<hbm>>, %arg3: memref<163840xi32, #tpu.memory_space<hbm>>, %arg4: memref<163840x128xf32, #tpu.memory_space<hbm>>, %arg5: memref<128xi32, #tpu.memory_space<vmem>>, %arg6: memref<128x128xf32, #tpu.memory_space<vmem>>, %arg7: memref<!tpu.dma_semaphore, #tpu.memory_space<semaphore_mem>>) attributes {dimension_semantics = [#tpu.dimension_semantics<core_parallel>, #tpu.dimension_semantics<subcore_parallel>], iteration_bounds = array<i64: 2, 16>, scalar_prefetch = 0 : i64, scratch_operands = 3 : i64, tpu.core_type = #tpu.core_type<sc_vector_subcore>, window_params = [{transform_indices = #map}, {transform_indices = #map1}, {transform_indices = #map}]} {
    %mul3A = arith.constant 2 : i32
    %mul3A_0 = arith.muli %arg1, %mul3A : i32
    %add3A = arith.addi %mul3A_0, %arg0 : i32
    %mul3A_1 = arith.constant 5120 : i32
    %mul3A_2 = arith.muli %add3A, %mul3A_1 : i32
    %scan3A = arith.constant 0 : i32
    %scan3A_3 = arith.constant 0 : i32
    %scan3A_4 = arith.constant 40 : i32
    %scan3A_5 = arith.addi %scan3A_3, %scan3A_4 : i32
    %scan3A_6 = arith.constant 1 : i32
    %scan3A_7 = scf.for %scan3A_9 = %scan3A_3 to %scan3A_5 step %scan3A_6 iter_args(%scan3A_10 = %scan3A) -> (i32)  : i32 {
      %mul3A_11 = arith.constant 128 : i32
      %mul3A_12 = arith.muli %scan3A_9, %mul3A_11 : i32
      %add3A_13 = arith.addi %mul3A_2, %mul3A_12 : i32
      "tpu.region"() ({
        %run_scoped3A = tpu.sem_alloc : memref<!tpu.dma_semaphore, #tpu.memory_space<semaphore_mem>>
        %dma_start3A_19 = tpu.memref_slice %arg3[%add3A_13] : memref<163840xi32, #tpu.memory_space<hbm>> -> memref<128xi32, #tpu.memory_space<hbm>>
        %dma_start3A_20 = tpu.memref_slice %arg3[%add3A_13] : memref<163840xi32, #tpu.memory_space<hbm>> -> memref<128xi32, #tpu.memory_space<hbm>>
        tpu.enqueue_dma source(%dma_start3A_20 : memref<128xi32, #tpu.memory_space<hbm>>) target(%arg5 : memref<128xi32, #tpu.memory_space<vmem>>) target_semaphore(%run_scoped3A : memref<!tpu.dma_semaphore, #tpu.memory_space<semaphore_mem>>)
        %dma_wait3A_21 = tpu.memref_slice %arg3[%add3A_13] : memref<163840xi32, #tpu.memory_space<hbm>> -> memref<128xi32, #tpu.memory_space<hbm>>
        %dma_wait3A_22 = tpu.memref_slice %arg3[%add3A_13] : memref<163840xi32, #tpu.memory_space<hbm>> -> memref<128xi32, #tpu.memory_space<hbm>>
        tpu.wait_dma2 semaphore(%run_scoped3A : memref<!tpu.dma_semaphore, #tpu.memory_space<semaphore_mem>>) src(%dma_wait3A_22 : memref<128xi32, #tpu.memory_space<hbm>>) dst(%arg5 : memref<128xi32, #tpu.memory_space<vmem>>)
        tpu.yield
      }) : () -> ()
      %dma_start3A = arith.constant 0 : i32
      %dma_start3A_14 = arith.constant 0 : i32
      %dma_start3A_15 = tpu.memref_slice %arg2[%dma_start3A, %dma_start3A_14] : memref<8192x128xf32, #tpu.memory_space<hbm>> -> memref<8192x128xf32, #tpu.memory_space<hbm>>
      tpu.enqueue_indirect_dma source(%dma_start3A_15 : memref<8192x128xf32, #tpu.memory_space<hbm>>) target(%arg6 : memref<128x128xf32, #tpu.memory_space<vmem>>) offsets(%arg5 : memref<128xi32, #tpu.memory_space<vmem>>) semaphore(%arg7 : memref<!tpu.dma_semaphore, #tpu.memory_space<semaphore_mem>>)
      %dma_wait3A = arith.constant 0 : i32
      %dma_wait3A_16 = arith.constant 0 : i32
      %dma_wait3A_17 = tpu.memref_slice %arg2[%dma_wait3A, %dma_wait3A_16] : memref<8192x128xf32, #tpu.memory_space<hbm>> -> memref<8192x128xf32, #tpu.memory_space<hbm>>
      tpu.wait_indirect_dma semaphore(%arg7 : memref<!tpu.dma_semaphore, #tpu.memory_space<semaphore_mem>>) src(%dma_wait3A_17 : memref<8192x128xf32, #tpu.memory_space<hbm>>) dst(%arg6 : memref<128x128xf32, #tpu.memory_space<vmem>>)
      "tpu.region"() ({
        %run_scoped3A = tpu.sem_alloc : memref<!tpu.dma_semaphore, #tpu.memory_space<semaphore_mem>>
        %dma_start3A_19 = arith.constant 0 : i32
        %dma_start3A_20 = tpu.memref_slice %arg4[%add3A_13, %dma_start3A_19] : memref<163840x128xf32, #tpu.memory_space<hbm>> -> memref<128x128xf32, #tpu.memory_space<hbm>>
        %dma_start3A_21 = arith.constant 0 : i32
        %dma_start3A_22 = tpu.memref_slice %arg4[%add3A_13, %dma_start3A_21] : memref<163840x128xf32, #tpu.memory_space<hbm>> -> memref<128x128xf32, #tpu.memory_space<hbm>>
        tpu.enqueue_dma source(%arg6 : memref<128x128xf32, #tpu.memory_space<vmem>>) target(%dma_start3A_22 : memref<128x128xf32, #tpu.memory_space<hbm>>) target_semaphore(%run_scoped3A : memref<!tpu.dma_semaphore, #tpu.memory_space<semaphore_mem>>)
        %dma_wait3A_23 = arith.constant 0 : i32
        %dma_wait3A_24 = tpu.memref_slice %arg4[%add3A_13, %dma_wait3A_23] : memref<163840x128xf32, #tpu.memory_space<hbm>> -> memref<128x128xf32, #tpu.memory_space<hbm>>
        %dma_wait3A_25 = arith.constant 0 : i32
        %dma_wait3A_26 = tpu.memref_slice %arg4[%add3A_13, %dma_wait3A_25] : memref<163840x128xf32, #tpu.memory_space<hbm>> -> memref<128x128xf32, #tpu.memory_space<hbm>>
        tpu.wait_dma2 semaphore(%run_scoped3A : memref<!tpu.dma_semaphore, #tpu.memory_space<semaphore_mem>>) src(%arg6 : memref<128x128xf32, #tpu.memory_space<vmem>>) dst(%dma_wait3A_26 : memref<128x128xf32, #tpu.memory_space<hbm>>)
        tpu.yield
      }) : () -> ()
      %scan3A_18 = arith.constant 0 : i32
      scf.yield %scan3A_18 : i32
    }
    %scan3A_8 = arith.constant 40 : i32
    return
  }
}

#map = affine_map<(d0, d1) -> (0, 0)>
#map1 = affine_map<(d0, d1) -> (0)>
module attributes {stable_mosaic.version = 14 : i64} {
  func.func @gk(%arg0: i32, %arg1: i32, %arg2: memref<8192x128xf32, #tpu.memory_space<hbm>>, %arg3: memref<163840xi32, #tpu.memory_space<hbm>>, %arg4: memref<163840x128xf32, #tpu.memory_space<hbm>>, %arg5: memref<128xi32, #tpu.memory_space<vmem>>, %arg6: memref<128x128xf32, #tpu.memory_space<vmem>>, %arg7: memref<!tpu.dma_semaphore, #tpu.memory_space<semaphore_mem>>) attributes {dimension_semantics = [#tpu.dimension_semantics<core_parallel>, #tpu.dimension_semantics<subcore_parallel>], iteration_bounds = array<i64: 2, 16>, scalar_prefetch = 0 : i64, scratch_operands = 3 : i64, tpu.core_type = #tpu.core_type<sc_vector_subcore>, window_params = [{transform_indices = #map}, {transform_indices = #map1}, {transform_indices = #map}]} {
    %mul3A = arith.constant 2 : i32
    %mul3A_0 = arith.muli %arg1, %mul3A : i32
    %add3A = arith.addi %mul3A_0, %arg0 : i32
    %mul3A_1 = arith.constant 5120 : i32
    %mul3A_2 = arith.muli %add3A, %mul3A_1 : i32
    %scan3A = arith.constant 0 : i32
    %scan3A_3 = arith.constant 0 : i32
    %scan3A_4 = arith.constant 40 : i32
    %scan3A_5 = arith.addi %scan3A_3, %scan3A_4 : i32
    %scan3A_6 = arith.constant 1 : i32
    %scan3A_7 = scf.for %scan3A_9 = %scan3A_3 to %scan3A_5 step %scan3A_6 iter_args(%scan3A_10 = %scan3A) -> (i32)  : i32 {
      %mul3A_11 = arith.constant 128 : i32
      %mul3A_12 = arith.muli %scan3A_9, %mul3A_11 : i32
      %add3A_13 = arith.addi %mul3A_2, %mul3A_12 : i32
      "tpu.region"() ({
        %run_scoped3A = tpu.sem_alloc : memref<!tpu.dma_semaphore, #tpu.memory_space<semaphore_mem>>
        %dma_start3A_19 = tpu.memref_slice %arg3[%add3A_13] : memref<163840xi32, #tpu.memory_space<hbm>> -> memref<128xi32, #tpu.memory_space<hbm>>
        %dma_start3A_20 = tpu.memref_slice %arg3[%add3A_13] : memref<163840xi32, #tpu.memory_space<hbm>> -> memref<128xi32, #tpu.memory_space<hbm>>
        tpu.enqueue_dma source(%dma_start3A_20 : memref<128xi32, #tpu.memory_space<hbm>>) target(%arg5 : memref<128xi32, #tpu.memory_space<vmem>>) target_semaphore(%run_scoped3A : memref<!tpu.dma_semaphore, #tpu.memory_space<semaphore_mem>>)
        %dma_wait3A_21 = tpu.memref_slice %arg3[%add3A_13] : memref<163840xi32, #tpu.memory_space<hbm>> -> memref<128xi32, #tpu.memory_space<hbm>>
        %dma_wait3A_22 = tpu.memref_slice %arg3[%add3A_13] : memref<163840xi32, #tpu.memory_space<hbm>> -> memref<128xi32, #tpu.memory_space<hbm>>
        tpu.wait_dma2 semaphore(%run_scoped3A : memref<!tpu.dma_semaphore, #tpu.memory_space<semaphore_mem>>) src(%dma_wait3A_22 : memref<128xi32, #tpu.memory_space<hbm>>) dst(%arg5 : memref<128xi32, #tpu.memory_space<vmem>>)
        tpu.yield
      }) : () -> ()
      %dma_start3A = arith.constant 0 : i32
      %dma_start3A_14 = arith.constant 0 : i32
      %dma_start3A_15 = tpu.memref_slice %arg2[%dma_start3A, %dma_start3A_14] : memref<8192x128xf32, #tpu.memory_space<hbm>> -> memref<8192x128xf32, #tpu.memory_space<hbm>>
      tpu.enqueue_indirect_dma source(%dma_start3A_15 : memref<8192x128xf32, #tpu.memory_space<hbm>>) target(%arg6 : memref<128x128xf32, #tpu.memory_space<vmem>>) offsets(%arg5 : memref<128xi32, #tpu.memory_space<vmem>>) semaphore(%arg7 : memref<!tpu.dma_semaphore, #tpu.memory_space<semaphore_mem>>)
      %dma_wait3A = arith.constant 0 : i32
      %dma_wait3A_16 = arith.constant 0 : i32
      %dma_wait3A_17 = tpu.memref_slice %arg2[%dma_wait3A, %dma_wait3A_16] : memref<8192x128xf32, #tpu.memory_space<hbm>> -> memref<8192x128xf32, #tpu.memory_space<hbm>>
      tpu.wait_indirect_dma semaphore(%arg7 : memref<!tpu.dma_semaphore, #tpu.memory_space<semaphore_mem>>) src(%dma_wait3A_17 : memref<8192x128xf32, #tpu.memory_space<hbm>>) dst(%arg6 : memref<128x128xf32, #tpu.memory_space<vmem>>)
      "tpu.region"() ({
        %run_scoped3A = tpu.sem_alloc : memref<!tpu.dma_semaphore, #tpu.memory_space<semaphore_mem>>
        %dma_start3A_19 = arith.constant 0 : i32
        %dma_start3A_20 = tpu.memref_slice %arg4[%add3A_13, %dma_start3A_19] : memref<163840x128xf32, #tpu.memory_space<hbm>> -> memref<128x128xf32, #tpu.memory_space<hbm>>
        %dma_start3A_21 = arith.constant 0 : i32
        %dma_start3A_22 = tpu.memref_slice %arg4[%add3A_13, %dma_start3A_21] : memref<163840x128xf32, #tpu.memory_space<hbm>> -> memref<128x128xf32, #tpu.memory_space<hbm>>
        tpu.enqueue_dma source(%arg6 : memref<128x128xf32, #tpu.memory_space<vmem>>) target(%dma_start3A_22 : memref<128x128xf32, #tpu.memory_space<hbm>>) target_semaphore(%run_scoped3A : memref<!tpu.dma_semaphore, #tpu.memory_space<semaphore_mem>>)
        %dma_wait3A_23 = arith.constant 0 : i32
        %dma_wait3A_24 = tpu.memref_slice %arg4[%add3A_13, %dma_wait3A_23] : memref<163840x128xf32, #tpu.memory_space<hbm>> -> memref<128x128xf32, #tpu.memory_space<hbm>>
        %dma_wait3A_25 = arith.constant 0 : i32
        %dma_wait3A_26 = tpu.memref_slice %arg4[%add3A_13, %dma_wait3A_25] : memref<163840x128xf32, #tpu.memory_space<hbm>> -> memref<128x128xf32, #tpu.memory_space<hbm>>
        tpu.wait_dma2 semaphore(%run_scoped3A : memref<!tpu.dma_semaphore, #tpu.memory_space<semaphore_mem>>) src(%arg6 : memref<128x128xf32, #tpu.memory_space<vmem>>) dst(%dma_wait3A_26 : memref<128x128xf32, #tpu.memory_space<hbm>>)
        tpu.yield
      }) : () -> ()
      %scan3A_18 = arith.constant 0 : i32
      scf.yield %scan3A_18 : i32
    }
    %scan3A_8 = arith.constant 40 : i32
    return
  }
}

#map = affine_map<(d0, d1) -> (0, 0)>
#map1 = affine_map<(d0, d1) -> (0)>
module attributes {stable_mosaic.version = 14 : i64} {
  func.func @gk(%arg0: i32, %arg1: i32, %arg2: memref<8192x256xf32, #tpu.memory_space<hbm>>, %arg3: memref<163840xi32, #tpu.memory_space<hbm>>, %arg4: memref<163840x256xf32, #tpu.memory_space<hbm>>, %arg5: memref<128xi32, #tpu.memory_space<vmem>>, %arg6: memref<128x256xf32, #tpu.memory_space<vmem>>, %arg7: memref<!tpu.dma_semaphore, #tpu.memory_space<semaphore_mem>>) attributes {dimension_semantics = [#tpu.dimension_semantics<core_parallel>, #tpu.dimension_semantics<subcore_parallel>], iteration_bounds = array<i64: 2, 16>, scalar_prefetch = 0 : i64, scratch_operands = 3 : i64, tpu.core_type = #tpu.core_type<sc_vector_subcore>, window_params = [{transform_indices = #map}, {transform_indices = #map1}, {transform_indices = #map}]} {
    %mul3A = arith.constant 2 : i32
    %mul3A_0 = arith.muli %arg1, %mul3A : i32
    %add3A = arith.addi %mul3A_0, %arg0 : i32
    %mul3A_1 = arith.constant 5120 : i32
    %mul3A_2 = arith.muli %add3A, %mul3A_1 : i32
    %scan3A = arith.constant 0 : i32
    %scan3A_3 = arith.constant 0 : i32
    %scan3A_4 = arith.constant 40 : i32
    %scan3A_5 = arith.addi %scan3A_3, %scan3A_4 : i32
    %scan3A_6 = arith.constant 1 : i32
    %scan3A_7 = scf.for %scan3A_9 = %scan3A_3 to %scan3A_5 step %scan3A_6 iter_args(%scan3A_10 = %scan3A) -> (i32)  : i32 {
      %mul3A_11 = arith.constant 128 : i32
      %mul3A_12 = arith.muli %scan3A_9, %mul3A_11 : i32
      %add3A_13 = arith.addi %mul3A_2, %mul3A_12 : i32
      "tpu.region"() ({
        %run_scoped3A = tpu.sem_alloc : memref<!tpu.dma_semaphore, #tpu.memory_space<semaphore_mem>>
        %dma_start3A_19 = tpu.memref_slice %arg3[%add3A_13] : memref<163840xi32, #tpu.memory_space<hbm>> -> memref<128xi32, #tpu.memory_space<hbm>>
        %dma_start3A_20 = tpu.memref_slice %arg3[%add3A_13] : memref<163840xi32, #tpu.memory_space<hbm>> -> memref<128xi32, #tpu.memory_space<hbm>>
        tpu.enqueue_dma source(%dma_start3A_20 : memref<128xi32, #tpu.memory_space<hbm>>) target(%arg5 : memref<128xi32, #tpu.memory_space<vmem>>) target_semaphore(%run_scoped3A : memref<!tpu.dma_semaphore, #tpu.memory_space<semaphore_mem>>)
        %dma_wait3A_21 = tpu.memref_slice %arg3[%add3A_13] : memref<163840xi32, #tpu.memory_space<hbm>> -> memref<128xi32, #tpu.memory_space<hbm>>
        %dma_wait3A_22 = tpu.memref_slice %arg3[%add3A_13] : memref<163840xi32, #tpu.memory_space<hbm>> -> memref<128xi32, #tpu.memory_space<hbm>>
        tpu.wait_dma2 semaphore(%run_scoped3A : memref<!tpu.dma_semaphore, #tpu.memory_space<semaphore_mem>>) src(%dma_wait3A_22 : memref<128xi32, #tpu.memory_space<hbm>>) dst(%arg5 : memref<128xi32, #tpu.memory_space<vmem>>)
        tpu.yield
      }) : () -> ()
      %dma_start3A = arith.constant 0 : i32
      %dma_start3A_14 = arith.constant 0 : i32
      %dma_start3A_15 = tpu.memref_slice %arg2[%dma_start3A, %dma_start3A_14] : memref<8192x256xf32, #tpu.memory_space<hbm>> -> memref<8192x256xf32, #tpu.memory_space<hbm>>
      tpu.enqueue_indirect_dma source(%dma_start3A_15 : memref<8192x256xf32, #tpu.memory_space<hbm>>) target(%arg6 : memref<128x256xf32, #tpu.memory_space<vmem>>) offsets(%arg5 : memref<128xi32, #tpu.memory_space<vmem>>) semaphore(%arg7 : memref<!tpu.dma_semaphore, #tpu.memory_space<semaphore_mem>>)
      %dma_wait3A = arith.constant 0 : i32
      %dma_wait3A_16 = arith.constant 0 : i32
      %dma_wait3A_17 = tpu.memref_slice %arg2[%dma_wait3A, %dma_wait3A_16] : memref<8192x256xf32, #tpu.memory_space<hbm>> -> memref<8192x256xf32, #tpu.memory_space<hbm>>
      tpu.wait_indirect_dma semaphore(%arg7 : memref<!tpu.dma_semaphore, #tpu.memory_space<semaphore_mem>>) src(%dma_wait3A_17 : memref<8192x256xf32, #tpu.memory_space<hbm>>) dst(%arg6 : memref<128x256xf32, #tpu.memory_space<vmem>>)
      "tpu.region"() ({
        %run_scoped3A = tpu.sem_alloc : memref<!tpu.dma_semaphore, #tpu.memory_space<semaphore_mem>>
        %dma_start3A_19 = arith.constant 0 : i32
        %dma_start3A_20 = tpu.memref_slice %arg4[%add3A_13, %dma_start3A_19] : memref<163840x256xf32, #tpu.memory_space<hbm>> -> memref<128x256xf32, #tpu.memory_space<hbm>>
        %dma_start3A_21 = arith.constant 0 : i32
        %dma_start3A_22 = tpu.memref_slice %arg4[%add3A_13, %dma_start3A_21] : memref<163840x256xf32, #tpu.memory_space<hbm>> -> memref<128x256xf32, #tpu.memory_space<hbm>>
        tpu.enqueue_dma source(%arg6 : memref<128x256xf32, #tpu.memory_space<vmem>>) target(%dma_start3A_22 : memref<128x256xf32, #tpu.memory_space<hbm>>) target_semaphore(%run_scoped3A : memref<!tpu.dma_semaphore, #tpu.memory_space<semaphore_mem>>)
        %dma_wait3A_23 = arith.constant 0 : i32
        %dma_wait3A_24 = tpu.memref_slice %arg4[%add3A_13, %dma_wait3A_23] : memref<163840x256xf32, #tpu.memory_space<hbm>> -> memref<128x256xf32, #tpu.memory_space<hbm>>
        %dma_wait3A_25 = arith.constant 0 : i32
        %dma_wait3A_26 = tpu.memref_slice %arg4[%add3A_13, %dma_wait3A_25] : memref<163840x256xf32, #tpu.memory_space<hbm>> -> memref<128x256xf32, #tpu.memory_space<hbm>>
        tpu.wait_dma2 semaphore(%run_scoped3A : memref<!tpu.dma_semaphore, #tpu.memory_space<semaphore_mem>>) src(%arg6 : memref<128x256xf32, #tpu.memory_space<vmem>>) dst(%dma_wait3A_26 : memref<128x256xf32, #tpu.memory_space<hbm>>)
        tpu.yield
      }) : () -> ()
      %scan3A_18 = arith.constant 0 : i32
      scf.yield %scan3A_18 : i32
    }
    %scan3A_8 = arith.constant 40 : i32
    return
  }
}

module attributes {stable_mosaic.version = 14 : i64} {
  func.func @_knn_body(%arg0: i32, %arg1: memref<8192x13xf32, #tpu.memory_space<vmem>>, %arg2: memref<13x256xf32, #tpu.memory_space<vmem>>, %arg3: memref<8192x1xi32, #tpu.memory_space<vmem>>, %arg4: memref<1x256xi32, #tpu.memory_space<vmem>>, %arg5: memref<24x256xi32, #tpu.memory_space<vmem>>, %arg6: memref<8192x256xf32, #tpu.memory_space<vmem>>) attributes {dimension_semantics = [#tpu.dimension_semantics<arbitrary>], iteration_bounds = array<i64: 32>, scalar_prefetch = 0 : i64, scratch_operands = 1 : i64, tpu.core_type = #tpu.core_type<tc>, window_params = [{pipeline_mode = #tpu.pipeline_mode<synchronous>, transform_indices = @transform_0, window_bounds = array<i64: 8192, 13>}, {transform_indices = @transform_1, window_bounds = array<i64: 13, 256>}, {pipeline_mode = #tpu.pipeline_mode<synchronous>, transform_indices = @transform_2, window_bounds = array<i64: 8192, 1>}, {transform_indices = @transform_3, window_bounds = array<i64: 1, 256>}, {transform_indices = @transform_4, window_bounds = array<i64: 24, 256>}]} {
    %get3A = arith.constant 0 : index
    %get3A_0 = arith.constant 0 : index
    %get3A_1 = vector.load %arg2[%get3A, %get3A_0] : memref<13x256xf32, #tpu.memory_space<vmem>>, vector<13x256xf32>
    %mul3A = arith.mulf %get3A_1, %get3A_1 : vector<13x256xf32>
    %reduce_sum3A = arith.constant dense<0.000000e+00> : vector<256xf32>
    %reduce_sum3A_2 = vector.multi_reduction <add>, %mul3A, %reduce_sum3A [0] : vector<13x256xf32> to vector<256xf32>
    %broadcast_in_dim3A = vector.shape_cast %reduce_sum3A_2 : vector<256xf32> to vector<1x256xf32>
    %get3A_3 = arith.constant 0 : index
    %get3A_4 = arith.constant 0 : index
    %get3A_5 = vector.load %arg4[%get3A_3, %get3A_4] : memref<1x256xi32, #tpu.memory_space<vmem>>, vector<1x256xi32>
    %mul3A_6 = arith.constant 256 : i32
    %mul3A_7 = arith.muli %arg0, %mul3A_6 : i32
    %get3A_8 = arith.constant 0 : index
    %get3A_9 = arith.constant 0 : index
    %get3A_10 = vector.load %arg3[%get3A_8, %get3A_9] : memref<8192x1xi32, #tpu.memory_space<vmem>>, vector<8192x1xi32>
    %reduce_min3A = vector.shape_cast %get3A_5 : vector<1x256xi32> to vector<1x1x256xi32>
    %reduce_min3A_11 = arith.constant dense<2147483647> : vector<1xi32>
    %reduce_min3A_12 = vector.multi_reduction <minsi>, %reduce_min3A, %reduce_min3A_11 [1, 2] : vector<1x1x256xi32> to vector<1xi32>
    %reduce_min3A_13 = vector.shape_cast %reduce_min3A_12 : vector<1xi32> to vector<1x1x1xi32>
    %reduce_min3A_14 = vector.extract %reduce_min3A_13[0, 0, 0] : i32 from vector<1x1x1xi32>
    %reduce_max3A = vector.shape_cast %get3A_5 : vector<1x256xi32> to vector<1x1x256xi32>
    %reduce_max3A_15 = arith.constant dense<-2147483648> : vector<1xi32>
    %reduce_max3A_16 = vector.multi_reduction <maxsi>, %reduce_max3A, %reduce_max3A_15 [1, 2] : vector<1x1x256xi32> to vector<1xi32>
    %reduce_max3A_17 = vector.shape_cast %reduce_max3A_16 : vector<1xi32> to vector<1x1x1xi32>
    %reduce_max3A_18 = vector.extract %reduce_max3A_17[0, 0, 0] : i32 from vector<1x1x1xi32>
    %lt3A = vector.broadcast %reduce_min3A_14 : i32 to vector<8192x1xi32>
    %lt3A_19 = arith.cmpi slt, %get3A_10, %lt3A : vector<8192x1xi32>
    %convert_element_type3A = arith.extui %lt3A_19 : vector<8192x1xi1> to vector<8192x1xi32>
    %reduce_sum3A_20 = vector.shape_cast %convert_element_type3A : vector<8192x1xi32> to vector<1x8192x1xi32>
    %reduce_sum3A_21 = arith.constant dense<0> : vector<1xi32>
    %reduce_sum3A_22 = vector.multi_reduction <add>, %reduce_sum3A_20, %reduce_sum3A_21 [1, 2] : vector<1x8192x1xi32> to vector<1xi32>
    %reduce_sum3A_23 = vector.shape_cast %reduce_sum3A_22 : vector<1xi32> to vector<1x1x1xi32>
    %reduce_sum3A_24 = vector.extract %reduce_sum3A_23[0, 0, 0] : i32 from vector<1x1x1xi32>
    %le3A = vector.broadcast %reduce_max3A_18 : i32 to vector<8192x1xi32>
    %le3A_25 = arith.cmpi sle, %get3A_10, %le3A : vector<8192x1xi32>
    %convert_element_type3A_26 = arith.extui %le3A_25 : vector<8192x1xi1> to vector<8192x1xi32>
    %reduce_sum3A_27 = vector.shape_cast %convert_element_type3A_26 : vector<8192x1xi32> to vector<1x8192x1xi32>
    %reduce_sum3A_28 = arith.constant dense<0> : vector<1xi32>
    %reduce_sum3A_29 = vector.multi_reduction <add>, %reduce_sum3A_27, %reduce_sum3A_28 [1, 2] : vector<1x8192x1xi32> to vector<1xi32>
    %reduce_sum3A_30 = vector.shape_cast %reduce_sum3A_29 : vector<1xi32> to vector<1x1x1xi32>
    %reduce_sum3A_31 = vector.extract %reduce_sum3A_30[0, 0, 0] : i32 from vector<1x1x1xi32>
    %jit3A = arith.constant 512 : i32
    %div3A = arith.divsi %reduce_sum3A_24, %jit3A : i32
    %sign3A = arith.constant 0 : i32
    %sign3A_32 = arith.cmpi sgt, %reduce_sum3A_24, %sign3A : i32
    %sign3A_33 = arith.extui %sign3A_32 : i1 to i32
    %sign3A_34 = arith.constant 0 : i32
    %sign3A_35 = arith.cmpi slt, %reduce_sum3A_24, %sign3A_34 : i32
    %sign3A_36 = arith.extui %sign3A_35 : i1 to i32
    %sign3A_37 = arith.subi %sign3A_33, %sign3A_36 : i32
    %sign3A_38 = arith.constant 0 : i32
    %sign3A_39 = arith.cmpi sgt, %jit3A, %sign3A_38 : i32
    %sign3A_40 = arith.extui %sign3A_39 : i1 to i32
    %sign3A_41 = arith.constant 0 : i32
    %sign3A_42 = arith.cmpi slt, %jit3A, %sign3A_41 : i32
    %sign3A_43 = arith.extui %sign3A_42 : i1 to i32
    %sign3A_44 = arith.subi %sign3A_40, %sign3A_43 : i32
    %ne3A = arith.cmpi ne, %sign3A_37, %sign3A_44 : i32
    %rem3A = arith.remsi %reduce_sum3A_24, %jit3A : i32
    %ne3A_45 = arith.constant 0 : i32
    %ne3A_46 = arith.cmpi ne, %rem3A, %ne3A_45 : i32
    %and3A = arith.andi %ne3A, %ne3A_46 : i1
    %sub3A = arith.constant 1 : i32
    %sub3A_47 = arith.subi %div3A, %sub3A : i32
    %select_n3A = arith.select %and3A, %sub3A_47, %div3A : i32
    %add3A = arith.constant 512 : i32
    %add3A_48 = arith.addi %reduce_sum3A_31, %add3A : i32
    %sub3A_49 = arith.constant 1 : i32
    %sub3A_50 = arith.subi %add3A_48, %sub3A_49 : i32
    %jit3A_51 = arith.constant 512 : i32
    %div3A_52 = arith.divsi %sub3A_50, %jit3A_51 : i32
    %sign3A_53 = arith.constant 0 : i32
    %sign3A_54 = arith.cmpi sgt, %sub3A_50, %sign3A_53 : i32
    %sign3A_55 = arith.extui %sign3A_54 : i1 to i32
    %sign3A_56 = arith.constant 0 : i32
    %sign3A_57 = arith.cmpi slt, %sub3A_50, %sign3A_56 : i32
    %sign3A_58 = arith.extui %sign3A_57 : i1 to i32
    %sign3A_59 = arith.subi %sign3A_55, %sign3A_58 : i32
    %sign3A_60 = arith.constant 0 : i32
    %sign3A_61 = arith.cmpi sgt, %jit3A_51, %sign3A_60 : i32
    %sign3A_62 = arith.extui %sign3A_61 : i1 to i32
    %sign3A_63 = arith.constant 0 : i32
    %sign3A_64 = arith.cmpi slt, %jit3A_51, %sign3A_63 : i32
    %sign3A_65 = arith.extui %sign3A_64 : i1 to i32
    %sign3A_66 = arith.subi %sign3A_62, %sign3A_65 : i32
    %ne3A_67 = arith.cmpi ne, %sign3A_59, %sign3A_66 : i32
    %rem3A_68 = arith.remsi %sub3A_50, %jit3A_51 : i32
    %ne3A_69 = arith.constant 0 : i32
    %ne3A_70 = arith.cmpi ne, %rem3A_68, %ne3A_69 : i32
    %and3A_71 = arith.andi %ne3A_67, %ne3A_70 : i1
    %sub3A_72 = arith.constant 1 : i32
    %sub3A_73 = arith.subi %div3A_52, %sub3A_72 : i32
    %select_n3A_74 = arith.select %and3A_71, %sub3A_73, %div3A_52 : i32
    %while3A = arith.constant 0 : i32
    %while3A_75 = arith.subi %select_n3A_74, %select_n3A : i32
    %while3A_76 = arith.addi %select_n3A, %while3A_75 : i32
    %while3A_77 = arith.constant 1 : i32
    %while3A_78 = arith.divsi %while3A_75, %while3A_77 : i32
    %while3A_79 = arith.muli %while3A_78, %while3A_77 : i32
    %while3A_80 = arith.addi %select_n3A, %while3A_79 : i32
    %while3A_81 = arith.constant 1 : i32
    %while3A_82 = scf.for %while3A_426 = %select_n3A to %while3A_80 step %while3A_81 iter_args(%while3A_427 = %while3A) -> (i32)  : i32 {
      %mul3A_428 = arith.constant 512 : i32
      %mul3A_429 = arith.muli %while3A_426, %mul3A_428 : i32
      %multiple_of3A = tpu.assume_multiple %mul3A_429, 512 : i32
      %get3A_430 = arith.index_cast %multiple_of3A : i32 to index
      %get3A_431 = arith.constant 0 : index
      %get3A_432 = vector.load %arg1[%get3A_430, %get3A_431] : memref<8192x13xf32, #tpu.memory_space<vmem>>, vector<512x13xf32>
      %mul3A_433 = arith.mulf %get3A_432, %get3A_432 : vector<512x13xf32>
      %reduce_sum3A_434 = arith.constant dense<0.000000e+00> : vector<512xf32>
      %reduce_sum3A_435 = vector.multi_reduction <add>, %mul3A_433, %reduce_sum3A_434 [1] : vector<512x13xf32> to vector<512xf32>
      %broadcast_in_dim3A_436 = vector.shape_cast %reduce_sum3A_435 : vector<512xf32> to vector<512x1xf32>
      %dot_general3A = arith.constant dense<0.000000e+00> : vector<512x256xf32>
      %dot_general3A_437 = tpu.matmul %get3A_432, %get3A_1, %dot_general3A {dimension_numbers = #tpu.dot_dimension_numbers<[1], [0], [0], [1], [0, 0, 1, 1], [], []>, transpose_lhs_hint = false} : vector<512x13xf32>, vector<13x256xf32>, vector<512x256xf32> -> vector<512x256xf32>
      %add3A_438 = vector.broadcast %broadcast_in_dim3A_436 : vector<512x1xf32> to vector<512x256xf32>
      %add3A_439 = vector.broadcast %broadcast_in_dim3A : vector<1x256xf32> to vector<512x256xf32>
      %add3A_440 = arith.addf %add3A_438, %add3A_439 : vector<512x256xf32>
      %mul3A_441 = arith.constant 2.000000e+00 : f32
      %mul3A_442 = vector.broadcast %mul3A_441 : f32 to vector<512x256xf32>
      %mul3A_443 = arith.mulf %mul3A_442, %dot_general3A_437 : vector<512x256xf32>
      %sub3A_444 = arith.subf %add3A_440, %mul3A_443 : vector<512x256xf32>
      %get3A_445 = arith.index_cast %multiple_of3A : i32 to index
      %get3A_446 = arith.constant 0 : index
      %get3A_447 = vector.load %arg3[%get3A_445, %get3A_446] : memref<8192x1xi32, #tpu.memory_space<vmem>>, vector<512x1xi32>
      %iota3A = tpu.iota {dimensions = array<i32: 0>} : vector<512x256xi32>
      %add3A_448 = vector.broadcast %multiple_of3A : i32 to vector<512x256xi32>
      %add3A_449 = arith.addi %add3A_448, %iota3A : vector<512x256xi32>
      %iota3A_450 = tpu.iota {dimensions = array<i32: 1>} : vector<512x256xi32>
      %add3A_451 = vector.broadcast %mul3A_7 : i32 to vector<512x256xi32>
      %add3A_452 = arith.addi %add3A_451, %iota3A_450 : vector<512x256xi32>
      %ne3A_453 = vector.broadcast %get3A_447 : vector<512x1xi32> to vector<512x256xi32>
      %ne3A_454 = vector.broadcast %get3A_5 : vector<1x256xi32> to vector<512x256xi32>
      %ne3A_455 = arith.cmpi ne, %ne3A_453, %ne3A_454 : vector<512x256xi32>
      %jit3A_456 = arith.constant 3.000000e+38 : f32
      %broadcast_in_dim3A_457 = vector.broadcast %jit3A_456 : f32 to vector<512x256xf32>
      %select_n3A_458 = arith.select %ne3A_455, %broadcast_in_dim3A_457, %sub3A_444 : vector<512x256xi1>, vector<512x256xf32>
      %eq3A = arith.cmpi eq, %add3A_449, %add3A_452 : vector<512x256xi32>
      %jit3A_459 = arith.constant 3.000000e+38 : f32
      %broadcast_in_dim3A_460 = vector.broadcast %jit3A_459 : f32 to vector<512x256xf32>
      %select_n3A_461 = arith.select %eq3A, %broadcast_in_dim3A_460, %select_n3A_458 : vector<512x256xi1>, vector<512x256xf32>
      %swap3A_462 = arith.index_cast %multiple_of3A : i32 to index
      %swap3A_463 = arith.constant 0 : index
      %swap3A_464 = vector.load %arg6[%swap3A_462, %swap3A_463] : memref<8192x256xf32, #tpu.memory_space<vmem>>, vector<512x256xf32>
      tpu.vector_store %arg6[%swap3A_462, %swap3A_463], %select_n3A_461 {strides = array<i32>} : memref<8192x256xf32, #tpu.memory_space<vmem>>, vector<512x256xf32>,
      %while3A_465 = arith.constant 0 : i32
      scf.yield %while3A_465 : i32
    }
    %while3A_83 = arith.constant 1 : i32
    %while3A_84 = scf.for %while3A_426 = %while3A_80 to %while3A_76 step %while3A_83 iter_args(%while3A_427 = %while3A_82) -> (i32)  : i32 {
      %mul3A_428 = arith.constant 512 : i32
      %mul3A_429 = arith.muli %while3A_426, %mul3A_428 : i32
      %multiple_of3A = tpu.assume_multiple %mul3A_429, 512 : i32
      %get3A_430 = arith.index_cast %multiple_of3A : i32 to index
      %get3A_431 = arith.constant 0 : index
      %get3A_432 = vector.load %arg1[%get3A_430, %get3A_431] : memref<8192x13xf32, #tpu.memory_space<vmem>>, vector<512x13xf32>
      %mul3A_433 = arith.mulf %get3A_432, %get3A_432 : vector<512x13xf32>
      %reduce_sum3A_434 = arith.constant dense<0.000000e+00> : vector<512xf32>
      %reduce_sum3A_435 = vector.multi_reduction <add>, %mul3A_433, %reduce_sum3A_434 [1] : vector<512x13xf32> to vector<512xf32>
      %broadcast_in_dim3A_436 = vector.shape_cast %reduce_sum3A_435 : vector<512xf32> to vector<512x1xf32>
      %dot_general3A = arith.constant dense<0.000000e+00> : vector<512x256xf32>
      %dot_general3A_437 = tpu.matmul %get3A_432, %get3A_1, %dot_general3A {dimension_numbers = #tpu.dot_dimension_numbers<[1], [0], [0], [1], [0, 0, 1, 1], [], []>, transpose_lhs_hint = false} : vector<512x13xf32>, vector<13x256xf32>, vector<512x256xf32> -> vector<512x256xf32>
      %add3A_438 = vector.broadcast %broadcast_in_dim3A_436 : vector<512x1xf32> to vector<512x256xf32>
      %add3A_439 = vector.broadcast %broadcast_in_dim3A : vector<1x256xf32> to vector<512x256xf32>
      %add3A_440 = arith.addf %add3A_438, %add3A_439 : vector<512x256xf32>
      %mul3A_441 = arith.constant 2.000000e+00 : f32
      %mul3A_442 = vector.broadcast %mul3A_441 : f32 to vector<512x256xf32>
      %mul3A_443 = arith.mulf %mul3A_442, %dot_general3A_437 : vector<512x256xf32>
      %sub3A_444 = arith.subf %add3A_440, %mul3A_443 : vector<512x256xf32>
      %get3A_445 = arith.index_cast %multiple_of3A : i32 to index
      %get3A_446 = arith.constant 0 : index
      %get3A_447 = vector.load %arg3[%get3A_445, %get3A_446] : memref<8192x1xi32, #tpu.memory_space<vmem>>, vector<512x1xi32>
      %iota3A = tpu.iota {dimensions = array<i32: 0>} : vector<512x256xi32>
      %add3A_448 = vector.broadcast %multiple_of3A : i32 to vector<512x256xi32>
      %add3A_449 = arith.addi %add3A_448, %iota3A : vector<512x256xi32>
      %iota3A_450 = tpu.iota {dimensions = array<i32: 1>} : vector<512x256xi32>
      %add3A_451 = vector.broadcast %mul3A_7 : i32 to vector<512x256xi32>
      %add3A_452 = arith.addi %add3A_451, %iota3A_450 : vector<512x256xi32>
      %ne3A_453 = vector.broadcast %get3A_447 : vector<512x1xi32> to vector<512x256xi32>
      %ne3A_454 = vector.broadcast %get3A_5 : vector<1x256xi32> to vector<512x256xi32>
      %ne3A_455 = arith.cmpi ne, %ne3A_453, %ne3A_454 : vector<512x256xi32>
      %jit3A_456 = arith.constant 3.000000e+38 : f32
      %broadcast_in_dim3A_457 = vector.broadcast %jit3A_456 : f32 to vector<512x256xf32>
      %select_n3A_458 = arith.select %ne3A_455, %broadcast_in_dim3A_457, %sub3A_444 : vector<512x256xi1>, vector<512x256xf32>
      %eq3A = arith.cmpi eq, %add3A_449, %add3A_452 : vector<512x256xi32>
      %jit3A_459 = arith.constant 3.000000e+38 : f32
      %broadcast_in_dim3A_460 = vector.broadcast %jit3A_459 : f32 to vector<512x256xf32>
      %select_n3A_461 = arith.select %eq3A, %broadcast_in_dim3A_460, %select_n3A_458 : vector<512x256xi1>, vector<512x256xf32>
      %swap3A_462 = arith.index_cast %multiple_of3A : i32 to index
      %swap3A_463 = arith.constant 0 : index
      %swap3A_464 = vector.load %arg6[%swap3A_462, %swap3A_463] : memref<8192x256xf32, #tpu.memory_space<vmem>>, vector<512x256xf32>
      tpu.vector_store %arg6[%swap3A_462, %swap3A_463], %select_n3A_461 {strides = array<i32>} : memref<8192x256xf32, #tpu.memory_space<vmem>>, vector<512x256xf32>,
      %while3A_465 = arith.constant 0 : i32
      scf.yield %while3A_465 : i32
    }
    %broadcast_in_dim3A_85 = arith.constant -1 : i32
    %broadcast_in_dim3A_86 = vector.broadcast %broadcast_in_dim3A_85 : i32 to vector<1x256xi32>
    %broadcast_in_dim3A_87 = arith.constant 0x7F800000 : f32
    %broadcast_in_dim3A_88 = vector.broadcast %broadcast_in_dim3A_87 : f32 to vector<1x256xf32>
    %broadcast_in_dim3A_89 = arith.constant 8192 : i32
    %broadcast_in_dim3A_90 = vector.broadcast %broadcast_in_dim3A_89 : i32 to vector<1x256xi32>
    %while3A_91 = arith.subi %select_n3A_74, %select_n3A : i32
    %while3A_92 = arith.addi %select_n3A, %while3A_91 : i32
    %while3A_93 = arith.constant 1 : i32
    %while3A_94 = arith.divsi %while3A_91, %while3A_93 : i32
    %while3A_95 = arith.muli %while3A_94, %while3A_93 : i32
    %while3A_96 = arith.addi %select_n3A, %while3A_95 : i32
    %while3A_97 = arith.constant 1 : i32
    %while3A_98:2 = scf.for %while3A_426 = %select_n3A to %while3A_96 step %while3A_97 iter_args(%while3A_427 = %broadcast_in_dim3A_88, %while3A_428 = %broadcast_in_dim3A_90) -> (vector<1x256xf32>, vector<1x256xi32>)  : i32 {
      %mul3A_429 = arith.constant 512 : i32
      %mul3A_430 = arith.muli %while3A_426, %mul3A_429 : i32
      %multiple_of3A = tpu.assume_multiple %mul3A_430, 512 : i32
      %get3A_431 = arith.index_cast %multiple_of3A : i32 to index
      %get3A_432 = arith.constant 0 : index
      %get3A_433 = vector.load %arg6[%get3A_431, %get3A_432] : memref<8192x256xf32, #tpu.memory_space<vmem>>, vector<512x256xf32>
      %iota3A = tpu.iota {dimensions = array<i32: 0>} : vector<512x256xi32>
      %add3A_434 = vector.broadcast %multiple_of3A : i32 to vector<512x256xi32>
      %add3A_435 = arith.addi %add3A_434, %iota3A : vector<512x256xi32>
      %eq3A = vector.broadcast %broadcast_in_dim3A_86 : vector<1x256xi32> to vector<512x256xi32>
      %eq3A_436 = arith.cmpi eq, %add3A_435, %eq3A : vector<512x256xi32>
      %jit3A_437 = arith.constant 0x7F800000 : f32
      %broadcast_in_dim3A_438 = vector.broadcast %jit3A_437 : f32 to vector<512x256xf32>
      %select_n3A_439 = arith.select %eq3A_436, %broadcast_in_dim3A_438, %get3A_433 : vector<512x256xi1>, vector<512x256xf32>
      %swap3A_440 = arith.index_cast %multiple_of3A : i32 to index
      %swap3A_441 = arith.constant 0 : index
      %swap3A_442 = vector.load %arg6[%swap3A_440, %swap3A_441] : memref<8192x256xf32, #tpu.memory_space<vmem>>, vector<512x256xf32>
      tpu.vector_store %arg6[%swap3A_440, %swap3A_441], %select_n3A_439 {strides = array<i32>} : memref<8192x256xf32, #tpu.memory_space<vmem>>, vector<512x256xf32>,
      %reduce_min3A_443 = arith.constant dense<0x7F800000> : vector<256xf32>
      %reduce_min3A_444 = vector.multi_reduction <minimumf>, %select_n3A_439, %reduce_min3A_443 [0] : vector<512x256xf32> to vector<256xf32>
      %broadcast_in_dim3A_445 = vector.shape_cast %reduce_min3A_444 : vector<256xf32> to vector<1x256xf32>
      %eq3A_446 = vector.broadcast %broadcast_in_dim3A_445 : vector<1x256xf32> to vector<512x256xf32>
      %eq3A_447 = arith.cmpf oeq, %select_n3A_439, %eq3A_446 : vector<512x256xf32>
      %jit3A_448 = arith.constant 8192 : i32
      %broadcast_in_dim3A_449 = vector.broadcast %jit3A_448 : i32 to vector<512x256xi32>
      %select_n3A_450 = arith.select %eq3A_447, %add3A_435, %broadcast_in_dim3A_449 : vector<512x256xi1>, vector<512x256xi32>
      %reduce_min3A_451 = arith.constant dense<2147483647> : vector<256xi32>
      %reduce_min3A_452 = vector.multi_reduction <minsi>, %select_n3A_450, %reduce_min3A_451 [0] : vector<512x256xi32> to vector<256xi32>
      %broadcast_in_dim3A_453 = vector.shape_cast %reduce_min3A_452 : vector<256xi32> to vector<1x256xi32>
      %lt3A_454 = arith.cmpf olt, %broadcast_in_dim3A_445, %while3A_427 : vector<1x256xf32>
      %eq3A_455 = arith.cmpf oeq, %broadcast_in_dim3A_445, %while3A_427 : vector<1x256xf32>
      %lt3A_456 = arith.cmpi slt, %broadcast_in_dim3A_453, %while3A_428 : vector<1x256xi32>
      %and3A_457 = arith.andi %eq3A_455, %lt3A_456 : vector<1x256xi1>
      %or3A = arith.ori %lt3A_454, %and3A_457 : vector<1x256xi1>
      %select_n3A_458 = arith.select %or3A, %broadcast_in_dim3A_445, %while3A_427 : vector<1x256xi1>, vector<1x256xf32>
      %select_n3A_459 = arith.select %or3A, %broadcast_in_dim3A_453, %while3A_428 : vector<1x256xi1>, vector<1x256xi32>
      scf.yield %select_n3A_458, %select_n3A_459 : vector<1x256xf32>, vector<1x256xi32>
    }
    %while3A_99 = arith.constant 1 : i32
    %while3A_100:2 = scf.for %while3A_426 = %while3A_96 to %while3A_92 step %while3A_99 iter_args(%while3A_427 = %while3A_98#0, %while3A_428 = %while3A_98#1) -> (vector<1x256xf32>, vector<1x256xi32>)  : i32 {
      %mul3A_429 = arith.constant 512 : i32
      %mul3A_430 = arith.muli %while3A_426, %mul3A_429 : i32
      %multiple_of3A = tpu.assume_multiple %mul3A_430, 512 : i32
      %get3A_431 = arith.index_cast %multiple_of3A : i32 to index
      %get3A_432 = arith.constant 0 : index
      %get3A_433 = vector.load %arg6[%get3A_431, %get3A_432] : memref<8192x256xf32, #tpu.memory_space<vmem>>, vector<512x256xf32>
      %iota3A = tpu.iota {dimensions = array<i32: 0>} : vector<512x256xi32>
      %add3A_434 = vector.broadcast %multiple_of3A : i32 to vector<512x256xi32>
      %add3A_435 = arith.addi %add3A_434, %iota3A : vector<512x256xi32>
      %eq3A = vector.broadcast %broadcast_in_dim3A_86 : vector<1x256xi32> to vector<512x256xi32>
      %eq3A_436 = arith.cmpi eq, %add3A_435, %eq3A : vector<512x256xi32>
      %jit3A_437 = arith.constant 0x7F800000 : f32
      %broadcast_in_dim3A_438 = vector.broadcast %jit3A_437 : f32 to vector<512x256xf32>
      %select_n3A_439 = arith.select %eq3A_436, %broadcast_in_dim3A_438, %get3A_433 : vector<512x256xi1>, vector<512x256xf32>
      %swap3A_440 = arith.index_cast %multiple_of3A : i32 to index
      %swap3A_441 = arith.constant 0 : index
      %swap3A_442 = vector.load %arg6[%swap3A_440, %swap3A_441] : memref<8192x256xf32, #tpu.memory_space<vmem>>, vector<512x256xf32>
      tpu.vector_store %arg6[%swap3A_440, %swap3A_441], %select_n3A_439 {strides = array<i32>} : memref<8192x256xf32, #tpu.memory_space<vmem>>, vector<512x256xf32>,
      %reduce_min3A_443 = arith.constant dense<0x7F800000> : vector<256xf32>
      %reduce_min3A_444 = vector.multi_reduction <minimumf>, %select_n3A_439, %reduce_min3A_443 [0] : vector<512x256xf32> to vector<256xf32>
      %broadcast_in_dim3A_445 = vector.shape_cast %reduce_min3A_444 : vector<256xf32> to vector<1x256xf32>
      %eq3A_446 = vector.broadcast %broadcast_in_dim3A_445 : vector<1x256xf32> to vector<512x256xf32>
      %eq3A_447 = arith.cmpf oeq, %select_n3A_439, %eq3A_446 : vector<512x256xf32>
      %jit3A_448 = arith.constant 8192 : i32
      %broadcast_in_dim3A_449 = vector.broadcast %jit3A_448 : i32 to vector<512x256xi32>
      %select_n3A_450 = arith.select %eq3A_447, %add3A_435, %broadcast_in_dim3A_449 : vector<512x256xi1>, vector<512x256xi32>
      %reduce_min3A_451 = arith.constant dense<2147483647> : vector<256xi32>
      %reduce_min3A_452 = vector.multi_reduction <minsi>, %select_n3A_450, %reduce_min3A_451 [0] : vector<512x256xi32> to vector<256xi32>
      %broadcast_in_dim3A_453 = vector.shape_cast %reduce_min3A_452 : vector<256xi32> to vector<1x256xi32>
      %lt3A_454 = arith.cmpf olt, %broadcast_in_dim3A_445, %while3A_427 : vector<1x256xf32>
      %eq3A_455 = arith.cmpf oeq, %broadcast_in_dim3A_445, %while3A_427 : vector<1x256xf32>
      %lt3A_456 = arith.cmpi slt, %broadcast_in_dim3A_453, %while3A_428 : vector<1x256xi32>
      %and3A_457 = arith.andi %eq3A_455, %lt3A_456 : vector<1x256xi1>
      %or3A = arith.ori %lt3A_454, %and3A_457 : vector<1x256xi1>
      %select_n3A_458 = arith.select %or3A, %broadcast_in_dim3A_445, %while3A_427 : vector<1x256xi1>, vector<1x256xf32>
      %select_n3A_459 = arith.select %or3A, %broadcast_in_dim3A_453, %while3A_428 : vector<1x256xi1>, vector<1x256xi32>
      scf.yield %select_n3A_458, %select_n3A_459 : vector<1x256xf32>, vector<1x256xi32>
    }
    %swap3A = arith.constant 0 : index
    %swap3A_101 = arith.constant 0 : index
    %swap3A_102 = vector.load %arg5[%swap3A, %swap3A_101] : memref<24x256xi32, #tpu.memory_space<vmem>>, vector<1x256xi32>
    tpu.vector_store %arg5[%swap3A, %swap3A_101], %while3A_100#1 {strides = array<i32>} : memref<24x256xi32, #tpu.memory_space<vmem>>, vector<1x256xi32>,
    %broadcast_in_dim3A_103 = arith.constant 0x7F800000 : f32
    %broadcast_in_dim3A_104 = vector.broadcast %broadcast_in_dim3A_103 : f32 to vector<1x256xf32>
    %broadcast_in_dim3A_105 = arith.constant 8192 : i32
    %broadcast_in_dim3A_106 = vector.broadcast %broadcast_in_dim3A_105 : i32 to vector<1x256xi32>
    %while3A_107 = arith.subi %select_n3A_74, %select_n3A : i32
    %while3A_108 = arith.addi %select_n3A, %while3A_107 : i32
    %while3A_109 = arith.constant 1 : i32
    %while3A_110 = arith.divsi %while3A_107, %while3A_109 : i32
    %while3A_111 = arith.muli %while3A_110, %while3A_109 : i32
    %while3A_112 = arith.addi %select_n3A, %while3A_111 : i32
    %while3A_113 = arith.constant 1 : i32
    %while3A_114:2 = scf.for %while3A_426 = %select_n3A to %while3A_112 step %while3A_113 iter_args(%while3A_427 = %broadcast_in_dim3A_104, %while3A_428 = %broadcast_in_dim3A_106) -> (vector<1x256xf32>, vector<1x256xi32>)  : i32 {
      %mul3A_429 = arith.constant 512 : i32
      %mul3A_430 = arith.muli %while3A_426, %mul3A_429 : i32
      %multiple_of3A = tpu.assume_multiple %mul3A_430, 512 : i32
      %get3A_431 = arith.index_cast %multiple_of3A : i32 to index
      %get3A_432 = arith.constant 0 : index
      %get3A_433 = vector.load %arg6[%get3A_431, %get3A_432] : memref<8192x256xf32, #tpu.memory_space<vmem>>, vector<512x256xf32>
      %iota3A = tpu.iota {dimensions = array<i32: 0>} : vector<512x256xi32>
      %add3A_434 = vector.broadcast %multiple_of3A : i32 to vector<512x256xi32>
      %add3A_435 = arith.addi %add3A_434, %iota3A : vector<512x256xi32>
      %eq3A = vector.broadcast %while3A_100#1 : vector<1x256xi32> to vector<512x256xi32>
      %eq3A_436 = arith.cmpi eq, %add3A_435, %eq3A : vector<512x256xi32>
      %jit3A_437 = arith.constant 0x7F800000 : f32
      %broadcast_in_dim3A_438 = vector.broadcast %jit3A_437 : f32 to vector<512x256xf32>
      %select_n3A_439 = arith.select %eq3A_436, %broadcast_in_dim3A_438, %get3A_433 : vector<512x256xi1>, vector<512x256xf32>
      %swap3A_440 = arith.index_cast %multiple_of3A : i32 to index
      %swap3A_441 = arith.constant 0 : index
      %swap3A_442 = vector.load %arg6[%swap3A_440, %swap3A_441] : memref<8192x256xf32, #tpu.memory_space<vmem>>, vector<512x256xf32>
      tpu.vector_store %arg6[%swap3A_440, %swap3A_441], %select_n3A_439 {strides = array<i32>} : memref<8192x256xf32, #tpu.memory_space<vmem>>, vector<512x256xf32>,
      %reduce_min3A_443 = arith.constant dense<0x7F800000> : vector<256xf32>
      %reduce_min3A_444 = vector.multi_reduction <minimumf>, %select_n3A_439, %reduce_min3A_443 [0] : vector<512x256xf32> to vector<256xf32>
      %broadcast_in_dim3A_445 = vector.shape_cast %reduce_min3A_444 : vector<256xf32> to vector<1x256xf32>
      %eq3A_446 = vector.broadcast %broadcast_in_dim3A_445 : vector<1x256xf32> to vector<512x256xf32>
      %eq3A_447 = arith.cmpf oeq, %select_n3A_439, %eq3A_446 : vector<512x256xf32>
      %jit3A_448 = arith.constant 8192 : i32
      %broadcast_in_dim3A_449 = vector.broadcast %jit3A_448 : i32 to vector<512x256xi32>
      %select_n3A_450 = arith.select %eq3A_447, %add3A_435, %broadcast_in_dim3A_449 : vector<512x256xi1>, vector<512x256xi32>
      %reduce_min3A_451 = arith.constant dense<2147483647> : vector<256xi32>
      %reduce_min3A_452 = vector.multi_reduction <minsi>, %select_n3A_450, %reduce_min3A_451 [0] : vector<512x256xi32> to vector<256xi32>
      %broadcast_in_dim3A_453 = vector.shape_cast %reduce_min3A_452 : vector<256xi32> to vector<1x256xi32>
      %lt3A_454 = arith.cmpf olt, %broadcast_in_dim3A_445, %while3A_427 : vector<1x256xf32>
      %eq3A_455 = arith.cmpf oeq, %broadcast_in_dim3A_445, %while3A_427 : vector<1x256xf32>
      %lt3A_456 = arith.cmpi slt, %broadcast_in_dim3A_453, %while3A_428 : vector<1x256xi32>
      %and3A_457 = arith.andi %eq3A_455, %lt3A_456 : vector<1x256xi1>
      %or3A = arith.ori %lt3A_454, %and3A_457 : vector<1x256xi1>
      %select_n3A_458 = arith.select %or3A, %broadcast_in_dim3A_445, %while3A_427 : vector<1x256xi1>, vector<1x256xf32>
      %select_n3A_459 = arith.select %or3A, %broadcast_in_dim3A_453, %while3A_428 : vector<1x256xi1>, vector<1x256xi32>
      scf.yield %select_n3A_458, %select_n3A_459 : vector<1x256xf32>, vector<1x256xi32>
    }
    %while3A_115 = arith.constant 1 : i32
    %while3A_116:2 = scf.for %while3A_426 = %while3A_112 to %while3A_108 step %while3A_115 iter_args(%while3A_427 = %while3A_114#0, %while3A_428 = %while3A_114#1) -> (vector<1x256xf32>, vector<1x256xi32>)  : i32 {
      %mul3A_429 = arith.constant 512 : i32
      %mul3A_430 = arith.muli %while3A_426, %mul3A_429 : i32
      %multiple_of3A = tpu.assume_multiple %mul3A_430, 512 : i32
      %get3A_431 = arith.index_cast %multiple_of3A : i32 to index
      %get3A_432 = arith.constant 0 : index
      %get3A_433 = vector.load %arg6[%get3A_431, %get3A_432] : memref<8192x256xf32, #tpu.memory_space<vmem>>, vector<512x256xf32>
      %iota3A = tpu.iota {dimensions = array<i32: 0>} : vector<512x256xi32>
      %add3A_434 = vector.broadcast %multiple_of3A : i32 to vector<512x256xi32>
      %add3A_435 = arith.addi %add3A_434, %iota3A : vector<512x256xi32>
      %eq3A = vector.broadcast %while3A_100#1 : vector<1x256xi32> to vector<512x256xi32>
      %eq3A_436 = arith.cmpi eq, %add3A_435, %eq3A : vector<512x256xi32>
      %jit3A_437 = arith.constant 0x7F800000 : f32
      %broadcast_in_dim3A_438 = vector.broadcast %jit3A_437 : f32 to vector<512x256xf32>
      %select_n3A_439 = arith.select %eq3A_436, %broadcast_in_dim3A_438, %get3A_433 : vector<512x256xi1>, vector<512x256xf32>
      %swap3A_440 = arith.index_cast %multiple_of3A : i32 to index
      %swap3A_441 = arith.constant 0 : index
      %swap3A_442 = vector.load %arg6[%swap3A_440, %swap3A_441] : memref<8192x256xf32, #tpu.memory_space<vmem>>, vector<512x256xf32>
      tpu.vector_store %arg6[%swap3A_440, %swap3A_441], %select_n3A_439 {strides = array<i32>} : memref<8192x256xf32, #tpu.memory_space<vmem>>, vector<512x256xf32>,
      %reduce_min3A_443 = arith.constant dense<0x7F800000> : vector<256xf32>
      %reduce_min3A_444 = vector.multi_reduction <minimumf>, %select_n3A_439, %reduce_min3A_443 [0] : vector<512x256xf32> to vector<256xf32>
      %broadcast_in_dim3A_445 = vector.shape_cast %reduce_min3A_444 : vector<256xf32> to vector<1x256xf32>
      %eq3A_446 = vector.broadcast %broadcast_in_dim3A_445 : vector<1x256xf32> to vector<512x256xf32>
      %eq3A_447 = arith.cmpf oeq, %select_n3A_439, %eq3A_446 : vector<512x256xf32>
      %jit3A_448 = arith.constant 8192 : i32
      %broadcast_in_dim3A_449 = vector.broadcast %jit3A_448 : i32 to vector<512x256xi32>
      %select_n3A_450 = arith.select %eq3A_447, %add3A_435, %broadcast_in_dim3A_449 : vector<512x256xi1>, vector<512x256xi32>
      %reduce_min3A_451 = arith.constant dense<2147483647> : vector<256xi32>
      %reduce_min3A_452 = vector.multi_reduction <minsi>, %select_n3A_450, %reduce_min3A_451 [0] : vector<512x256xi32> to vector<256xi32>
      %broadcast_in_dim3A_453 = vector.shape_cast %reduce_min3A_452 : vector<256xi32> to vector<1x256xi32>
      %lt3A_454 = arith.cmpf olt, %broadcast_in_dim3A_445, %while3A_427 : vector<1x256xf32>
      %eq3A_455 = arith.cmpf oeq, %broadcast_in_dim3A_445, %while3A_427 : vector<1x256xf32>
      %lt3A_456 = arith.cmpi slt, %broadcast_in_dim3A_453, %while3A_428 : vector<1x256xi32>
      %and3A_457 = arith.andi %eq3A_455, %lt3A_456 : vector<1x256xi1>
      %or3A = arith.ori %lt3A_454, %and3A_457 : vector<1x256xi1>
      %select_n3A_458 = arith.select %or3A, %broadcast_in_dim3A_445, %while3A_427 : vector<1x256xi1>, vector<1x256xf32>
      %select_n3A_459 = arith.select %or3A, %broadcast_in_dim3A_453, %while3A_428 : vector<1x256xi1>, vector<1x256xi32>
      scf.yield %select_n3A_458, %select_n3A_459 : vector<1x256xf32>, vector<1x256xi32>
    }
    %swap3A_117 = arith.constant 1 : index
    %swap3A_118 = arith.constant 0 : index
    %swap3A_119 = vector.load %arg5[%swap3A_117, %swap3A_118] : memref<24x256xi32, #tpu.memory_space<vmem>>, vector<1x256xi32>
    tpu.vector_store %arg5[%swap3A_117, %swap3A_118], %while3A_116#1 {strides = array<i32>} : memref<24x256xi32, #tpu.memory_space<vmem>>, vector<1x256xi32>,
    %broadcast_in_dim3A_120 = arith.constant 0x7F800000 : f32
    %broadcast_in_dim3A_121 = vector.broadcast %broadcast_in_dim3A_120 : f32 to vector<1x256xf32>
    %broadcast_in_dim3A_122 = arith.constant 8192 : i32
    %broadcast_in_dim3A_123 = vector.broadcast %broadcast_in_dim3A_122 : i32 to vector<1x256xi32>
    %while3A_124 = arith.subi %select_n3A_74, %select_n3A : i32
    %while3A_125 = arith.addi %select_n3A, %while3A_124 : i32
    %while3A_126 = arith.constant 1 : i32
    %while3A_127 = arith.divsi %while3A_124, %while3A_126 : i32
    %while3A_128 = arith.muli %while3A_127, %while3A_126 : i32
    %while3A_129 = arith.addi %select_n3A, %while3A_128 : i32
    %while3A_130 = arith.constant 1 : i32
    %while3A_131:2 = scf.for %while3A_426 = %select_n3A to %while3A_129 step %while3A_130 iter_args(%while3A_427 = %broadcast_in_dim3A_121, %while3A_428 = %broadcast_in_dim3A_123) -> (vector<1x256xf32>, vector<1x256xi32>)  : i32 {
      %mul3A_429 = arith.constant 512 : i32
      %mul3A_430 = arith.muli %while3A_426, %mul3A_429 : i32
      %multiple_of3A = tpu.assume_multiple %mul3A_430, 512 : i32
      %get3A_431 = arith.index_cast %multiple_of3A : i32 to index
      %get3A_432 = arith.constant 0 : index
      %get3A_433 = vector.load %arg6[%get3A_431, %get3A_432] : memref<8192x256xf32, #tpu.memory_space<vmem>>, vector<512x256xf32>
      %iota3A = tpu.iota {dimensions = array<i32: 0>} : vector<512x256xi32>
      %add3A_434 = vector.broadcast %multiple_of3A : i32 to vector<512x256xi32>
      %add3A_435 = arith.addi %add3A_434, %iota3A : vector<512x256xi32>
      %eq3A = vector.broadcast %while3A_116#1 : vector<1x256xi32> to vector<512x256xi32>
      %eq3A_436 = arith.cmpi eq, %add3A_435, %eq3A : vector<512x256xi32>
      %jit3A_437 = arith.constant 0x7F800000 : f32
      %broadcast_in_dim3A_438 = vector.broadcast %jit3A_437 : f32 to vector<512x256xf32>
      %select_n3A_439 = arith.select %eq3A_436, %broadcast_in_dim3A_438, %get3A_433 : vector<512x256xi1>, vector<512x256xf32>
      %swap3A_440 = arith.index_cast %multiple_of3A : i32 to index
      %swap3A_441 = arith.constant 0 : index
      %swap3A_442 = vector.load %arg6[%swap3A_440, %swap3A_441] : memref<8192x256xf32, #tpu.memory_space<vmem>>, vector<512x256xf32>
      tpu.vector_store %arg6[%swap3A_440, %swap3A_441], %select_n3A_439 {strides = array<i32>} : memref<8192x256xf32, #tpu.memory_space<vmem>>, vector<512x256xf32>,
      %reduce_min3A_443 = arith.constant dense<0x7F800000> : vector<256xf32>
      %reduce_min3A_444 = vector.multi_reduction <minimumf>, %select_n3A_439, %reduce_min3A_443 [0] : vector<512x256xf32> to vector<256xf32>
      %broadcast_in_dim3A_445 = vector.shape_cast %reduce_min3A_444 : vector<256xf32> to vector<1x256xf32>
      %eq3A_446 = vector.broadcast %broadcast_in_dim3A_445 : vector<1x256xf32> to vector<512x256xf32>
      %eq3A_447 = arith.cmpf oeq, %select_n3A_439, %eq3A_446 : vector<512x256xf32>
      %jit3A_448 = arith.constant 8192 : i32
      %broadcast_in_dim3A_449 = vector.broadcast %jit3A_448 : i32 to vector<512x256xi32>
      %select_n3A_450 = arith.select %eq3A_447, %add3A_435, %broadcast_in_dim3A_449 : vector<512x256xi1>, vector<512x256xi32>
      %reduce_min3A_451 = arith.constant dense<2147483647> : vector<256xi32>
      %reduce_min3A_452 = vector.multi_reduction <minsi>, %select_n3A_450, %reduce_min3A_451 [0] : vector<512x256xi32> to vector<256xi32>
      %broadcast_in_dim3A_453 = vector.shape_cast %reduce_min3A_452 : vector<256xi32> to vector<1x256xi32>
      %lt3A_454 = arith.cmpf olt, %broadcast_in_dim3A_445, %while3A_427 : vector<1x256xf32>
      %eq3A_455 = arith.cmpf oeq, %broadcast_in_dim3A_445, %while3A_427 : vector<1x256xf32>
      %lt3A_456 = arith.cmpi slt, %broadcast_in_dim3A_453, %while3A_428 : vector<1x256xi32>
      %and3A_457 = arith.andi %eq3A_455, %lt3A_456 : vector<1x256xi1>
      %or3A = arith.ori %lt3A_454, %and3A_457 : vector<1x256xi1>
      %select_n3A_458 = arith.select %or3A, %broadcast_in_dim3A_445, %while3A_427 : vector<1x256xi1>, vector<1x256xf32>
      %select_n3A_459 = arith.select %or3A, %broadcast_in_dim3A_453, %while3A_428 : vector<1x256xi1>, vector<1x256xi32>
      scf.yield %select_n3A_458, %select_n3A_459 : vector<1x256xf32>, vector<1x256xi32>
    }
    %while3A_132 = arith.constant 1 : i32
    %while3A_133:2 = scf.for %while3A_426 = %while3A_129 to %while3A_125 step %while3A_132 iter_args(%while3A_427 = %while3A_131#0, %while3A_428 = %while3A_131#1) -> (vector<1x256xf32>, vector<1x256xi32>)  : i32 {
      %mul3A_429 = arith.constant 512 : i32
      %mul3A_430 = arith.muli %while3A_426, %mul3A_429 : i32
      %multiple_of3A = tpu.assume_multiple %mul3A_430, 512 : i32
      %get3A_431 = arith.index_cast %multiple_of3A : i32 to index
      %get3A_432 = arith.constant 0 : index
      %get3A_433 = vector.load %arg6[%get3A_431, %get3A_432] : memref<8192x256xf32, #tpu.memory_space<vmem>>, vector<512x256xf32>
      %iota3A = tpu.iota {dimensions = array<i32: 0>} : vector<512x256xi32>
      %add3A_434 = vector.broadcast %multiple_of3A : i32 to vector<512x256xi32>
      %add3A_435 = arith.addi %add3A_434, %iota3A : vector<512x256xi32>
      %eq3A = vector.broadcast %while3A_116#1 : vector<1x256xi32> to vector<512x256xi32>
      %eq3A_436 = arith.cmpi eq, %add3A_435, %eq3A : vector<512x256xi32>
      %jit3A_437 = arith.constant 0x7F800000 : f32
      %broadcast_in_dim3A_438 = vector.broadcast %jit3A_437 : f32 to vector<512x256xf32>
      %select_n3A_439 = arith.select %eq3A_436, %broadcast_in_dim3A_438, %get3A_433 : vector<512x256xi1>, vector<512x256xf32>
      %swap3A_440 = arith.index_cast %multiple_of3A : i32 to index
      %swap3A_441 = arith.constant 0 : index
      %swap3A_442 = vector.load %arg6[%swap3A_440, %swap3A_441] : memref<8192x256xf32, #tpu.memory_space<vmem>>, vector<512x256xf32>
      tpu.vector_store %arg6[%swap3A_440, %swap3A_441], %select_n3A_439 {strides = array<i32>} : memref<8192x256xf32, #tpu.memory_space<vmem>>, vector<512x256xf32>,
      %reduce_min3A_443 = arith.constant dense<0x7F800000> : vector<256xf32>
      %reduce_min3A_444 = vector.multi_reduction <minimumf>, %select_n3A_439, %reduce_min3A_443 [0] : vector<512x256xf32> to vector<256xf32>
      %broadcast_in_dim3A_445 = vector.shape_cast %reduce_min3A_444 : vector<256xf32> to vector<1x256xf32>
      %eq3A_446 = vector.broadcast %broadcast_in_dim3A_445 : vector<1x256xf32> to vector<512x256xf32>
      %eq3A_447 = arith.cmpf oeq, %select_n3A_439, %eq3A_446 : vector<512x256xf32>
      %jit3A_448 = arith.constant 8192 : i32
      %broadcast_in_dim3A_449 = vector.broadcast %jit3A_448 : i32 to vector<512x256xi32>
      %select_n3A_450 = arith.select %eq3A_447, %add3A_435, %broadcast_in_dim3A_449 : vector<512x256xi1>, vector<512x256xi32>
      %reduce_min3A_451 = arith.constant dense<2147483647> : vector<256xi32>
      %reduce_min3A_452 = vector.multi_reduction <minsi>, %select_n3A_450, %reduce_min3A_451 [0] : vector<512x256xi32> to vector<256xi32>
      %broadcast_in_dim3A_453 = vector.shape_cast %reduce_min3A_452 : vector<256xi32> to vector<1x256xi32>
      %lt3A_454 = arith.cmpf olt, %broadcast_in_dim3A_445, %while3A_427 : vector<1x256xf32>
      %eq3A_455 = arith.cmpf oeq, %broadcast_in_dim3A_445, %while3A_427 : vector<1x256xf32>
      %lt3A_456 = arith.cmpi slt, %broadcast_in_dim3A_453, %while3A_428 : vector<1x256xi32>
      %and3A_457 = arith.andi %eq3A_455, %lt3A_456 : vector<1x256xi1>
      %or3A = arith.ori %lt3A_454, %and3A_457 : vector<1x256xi1>
      %select_n3A_458 = arith.select %or3A, %broadcast_in_dim3A_445, %while3A_427 : vector<1x256xi1>, vector<1x256xf32>
      %select_n3A_459 = arith.select %or3A, %broadcast_in_dim3A_453, %while3A_428 : vector<1x256xi1>, vector<1x256xi32>
      scf.yield %select_n3A_458, %select_n3A_459 : vector<1x256xf32>, vector<1x256xi32>
    }
    %swap3A_134 = arith.constant 2 : index
    %swap3A_135 = arith.constant 0 : index
    %swap3A_136 = vector.load %arg5[%swap3A_134, %swap3A_135] : memref<24x256xi32, #tpu.memory_space<vmem>>, vector<1x256xi32>
    tpu.vector_store %arg5[%swap3A_134, %swap3A_135], %while3A_133#1 {strides = array<i32>} : memref<24x256xi32, #tpu.memory_space<vmem>>, vector<1x256xi32>,
    %broadcast_in_dim3A_137 = arith.constant 0x7F800000 : f32
    %broadcast_in_dim3A_138 = vector.broadcast %broadcast_in_dim3A_137 : f32 to vector<1x256xf32>
    %broadcast_in_dim3A_139 = arith.constant 8192 : i32
    %broadcast_in_dim3A_140 = vector.broadcast %broadcast_in_dim3A_139 : i32 to vector<1x256xi32>
    %while3A_141 = arith.subi %select_n3A_74, %select_n3A : i32
    %while3A_142 = arith.addi %select_n3A, %while3A_141 : i32
    %while3A_143 = arith.constant 1 : i32
    %while3A_144 = arith.divsi %while3A_141, %while3A_143 : i32
    %while3A_145 = arith.muli %while3A_144, %while3A_143 : i32
    %while3A_146 = arith.addi %select_n3A, %while3A_145 : i32
    %while3A_147 = arith.constant 1 : i32
    %while3A_148:2 = scf.for %while3A_426 = %select_n3A to %while3A_146 step %while3A_147 iter_args(%while3A_427 = %broadcast_in_dim3A_138, %while3A_428 = %broadcast_in_dim3A_140) -> (vector<1x256xf32>, vector<1x256xi32>)  : i32 {
      %mul3A_429 = arith.constant 512 : i32
      %mul3A_430 = arith.muli %while3A_426, %mul3A_429 : i32
      %multiple_of3A = tpu.assume_multiple %mul3A_430, 512 : i32
      %get3A_431 = arith.index_cast %multiple_of3A : i32 to index
      %get3A_432 = arith.constant 0 : index
      %get3A_433 = vector.load %arg6[%get3A_431, %get3A_432] : memref<8192x256xf32, #tpu.memory_space<vmem>>, vector<512x256xf32>
      %iota3A = tpu.iota {dimensions = array<i32: 0>} : vector<512x256xi32>
      %add3A_434 = vector.broadcast %multiple_of3A : i32 to vector<512x256xi32>
      %add3A_435 = arith.addi %add3A_434, %iota3A : vector<512x256xi32>
      %eq3A = vector.broadcast %while3A_133#1 : vector<1x256xi32> to vector<512x256xi32>
      %eq3A_436 = arith.cmpi eq, %add3A_435, %eq3A : vector<512x256xi32>
      %jit3A_437 = arith.constant 0x7F800000 : f32
      %broadcast_in_dim3A_438 = vector.broadcast %jit3A_437 : f32 to vector<512x256xf32>
      %select_n3A_439 = arith.select %eq3A_436, %broadcast_in_dim3A_438, %get3A_433 : vector<512x256xi1>, vector<512x256xf32>
      %swap3A_440 = arith.index_cast %multiple_of3A : i32 to index
      %swap3A_441 = arith.constant 0 : index
      %swap3A_442 = vector.load %arg6[%swap3A_440, %swap3A_441] : memref<8192x256xf32, #tpu.memory_space<vmem>>, vector<512x256xf32>
      tpu.vector_store %arg6[%swap3A_440, %swap3A_441], %select_n3A_439 {strides = array<i32>} : memref<8192x256xf32, #tpu.memory_space<vmem>>, vector<512x256xf32>,
      %reduce_min3A_443 = arith.constant dense<0x7F800000> : vector<256xf32>
      %reduce_min3A_444 = vector.multi_reduction <minimumf>, %select_n3A_439, %reduce_min3A_443 [0] : vector<512x256xf32> to vector<256xf32>
      %broadcast_in_dim3A_445 = vector.shape_cast %reduce_min3A_444 : vector<256xf32> to vector<1x256xf32>
      %eq3A_446 = vector.broadcast %broadcast_in_dim3A_445 : vector<1x256xf32> to vector<512x256xf32>
      %eq3A_447 = arith.cmpf oeq, %select_n3A_439, %eq3A_446 : vector<512x256xf32>
      %jit3A_448 = arith.constant 8192 : i32
      %broadcast_in_dim3A_449 = vector.broadcast %jit3A_448 : i32 to vector<512x256xi32>
      %select_n3A_450 = arith.select %eq3A_447, %add3A_435, %broadcast_in_dim3A_449 : vector<512x256xi1>, vector<512x256xi32>
      %reduce_min3A_451 = arith.constant dense<2147483647> : vector<256xi32>
      %reduce_min3A_452 = vector.multi_reduction <minsi>, %select_n3A_450, %reduce_min3A_451 [0] : vector<512x256xi32> to vector<256xi32>
      %broadcast_in_dim3A_453 = vector.shape_cast %reduce_min3A_452 : vector<256xi32> to vector<1x256xi32>
      %lt3A_454 = arith.cmpf olt, %broadcast_in_dim3A_445, %while3A_427 : vector<1x256xf32>
      %eq3A_455 = arith.cmpf oeq, %broadcast_in_dim3A_445, %while3A_427 : vector<1x256xf32>
      %lt3A_456 = arith.cmpi slt, %broadcast_in_dim3A_453, %while3A_428 : vector<1x256xi32>
      %and3A_457 = arith.andi %eq3A_455, %lt3A_456 : vector<1x256xi1>
      %or3A = arith.ori %lt3A_454, %and3A_457 : vector<1x256xi1>
      %select_n3A_458 = arith.select %or3A, %broadcast_in_dim3A_445, %while3A_427 : vector<1x256xi1>, vector<1x256xf32>
      %select_n3A_459 = arith.select %or3A, %broadcast_in_dim3A_453, %while3A_428 : vector<1x256xi1>, vector<1x256xi32>
      scf.yield %select_n3A_458, %select_n3A_459 : vector<1x256xf32>, vector<1x256xi32>
    }
    %while3A_149 = arith.constant 1 : i32
    %while3A_150:2 = scf.for %while3A_426 = %while3A_146 to %while3A_142 step %while3A_149 iter_args(%while3A_427 = %while3A_148#0, %while3A_428 = %while3A_148#1) -> (vector<1x256xf32>, vector<1x256xi32>)  : i32 {
      %mul3A_429 = arith.constant 512 : i32
      %mul3A_430 = arith.muli %while3A_426, %mul3A_429 : i32
      %multiple_of3A = tpu.assume_multiple %mul3A_430, 512 : i32
      %get3A_431 = arith.index_cast %multiple_of3A : i32 to index
      %get3A_432 = arith.constant 0 : index
      %get3A_433 = vector.load %arg6[%get3A_431, %get3A_432] : memref<8192x256xf32, #tpu.memory_space<vmem>>, vector<512x256xf32>
      %iota3A = tpu.iota {dimensions = array<i32: 0>} : vector<512x256xi32>
      %add3A_434 = vector.broadcast %multiple_of3A : i32 to vector<512x256xi32>
      %add3A_435 = arith.addi %add3A_434, %iota3A : vector<512x256xi32>
      %eq3A = vector.broadcast %while3A_133#1 : vector<1x256xi32> to vector<512x256xi32>
      %eq3A_436 = arith.cmpi eq, %add3A_435, %eq3A : vector<512x256xi32>
      %jit3A_437 = arith.constant 0x7F800000 : f32
      %broadcast_in_dim3A_438 = vector.broadcast %jit3A_437 : f32 to vector<512x256xf32>
      %select_n3A_439 = arith.select %eq3A_436, %broadcast_in_dim3A_438, %get3A_433 : vector<512x256xi1>, vector<512x256xf32>
      %swap3A_440 = arith.index_cast %multiple_of3A : i32 to index
      %swap3A_441 = arith.constant 0 : index
      %swap3A_442 = vector.load %arg6[%swap3A_440, %swap3A_441] : memref<8192x256xf32, #tpu.memory_space<vmem>>, vector<512x256xf32>
      tpu.vector_store %arg6[%swap3A_440, %swap3A_441], %select_n3A_439 {strides = array<i32>} : memref<8192x256xf32, #tpu.memory_space<vmem>>, vector<512x256xf32>,
      %reduce_min3A_443 = arith.constant dense<0x7F800000> : vector<256xf32>
      %reduce_min3A_444 = vector.multi_reduction <minimumf>, %select_n3A_439, %reduce_min3A_443 [0] : vector<512x256xf32> to vector<256xf32>
      %broadcast_in_dim3A_445 = vector.shape_cast %reduce_min3A_444 : vector<256xf32> to vector<1x256xf32>
      %eq3A_446 = vector.broadcast %broadcast_in_dim3A_445 : vector<1x256xf32> to vector<512x256xf32>
      %eq3A_447 = arith.cmpf oeq, %select_n3A_439, %eq3A_446 : vector<512x256xf32>
      %jit3A_448 = arith.constant 8192 : i32
      %broadcast_in_dim3A_449 = vector.broadcast %jit3A_448 : i32 to vector<512x256xi32>
      %select_n3A_450 = arith.select %eq3A_447, %add3A_435, %broadcast_in_dim3A_449 : vector<512x256xi1>, vector<512x256xi32>
      %reduce_min3A_451 = arith.constant dense<2147483647> : vector<256xi32>
      %reduce_min3A_452 = vector.multi_reduction <minsi>, %select_n3A_450, %reduce_min3A_451 [0] : vector<512x256xi32> to vector<256xi32>
      %broadcast_in_dim3A_453 = vector.shape_cast %reduce_min3A_452 : vector<256xi32> to vector<1x256xi32>
      %lt3A_454 = arith.cmpf olt, %broadcast_in_dim3A_445, %while3A_427 : vector<1x256xf32>
      %eq3A_455 = arith.cmpf oeq, %broadcast_in_dim3A_445, %while3A_427 : vector<1x256xf32>
      %lt3A_456 = arith.cmpi slt, %broadcast_in_dim3A_453, %while3A_428 : vector<1x256xi32>
      %and3A_457 = arith.andi %eq3A_455, %lt3A_456 : vector<1x256xi1>
      %or3A = arith.ori %lt3A_454, %and3A_457 : vector<1x256xi1>
      %select_n3A_458 = arith.select %or3A, %broadcast_in_dim3A_445, %while3A_427 : vector<1x256xi1>, vector<1x256xf32>
      %select_n3A_459 = arith.select %or3A, %broadcast_in_dim3A_453, %while3A_428 : vector<1x256xi1>, vector<1x256xi32>
      scf.yield %select_n3A_458, %select_n3A_459 : vector<1x256xf32>, vector<1x256xi32>
    }
    %swap3A_151 = arith.constant 3 : index
    %swap3A_152 = arith.constant 0 : index
    %swap3A_153 = vector.load %arg5[%swap3A_151, %swap3A_152] : memref<24x256xi32, #tpu.memory_space<vmem>>, vector<1x256xi32>
    tpu.vector_store %arg5[%swap3A_151, %swap3A_152], %while3A_150#1 {strides = array<i32>} : memref<24x256xi32, #tpu.memory_space<vmem>>, vector<1x256xi32>,
    %broadcast_in_dim3A_154 = arith.constant 0x7F800000 : f32
    %broadcast_in_dim3A_155 = vector.broadcast %broadcast_in_dim3A_154 : f32 to vector<1x256xf32>
    %broadcast_in_dim3A_156 = arith.constant 8192 : i32
    %broadcast_in_dim3A_157 = vector.broadcast %broadcast_in_dim3A_156 : i32 to vector<1x256xi32>
    %while3A_158 = arith.subi %select_n3A_74, %select_n3A : i32
    %while3A_159 = arith.addi %select_n3A, %while3A_158 : i32
    %while3A_160 = arith.constant 1 : i32
    %while3A_161 = arith.divsi %while3A_158, %while3A_160 : i32
    %while3A_162 = arith.muli %while3A_161, %while3A_160 : i32
    %while3A_163 = arith.addi %select_n3A, %while3A_162 : i32
    %while3A_164 = arith.constant 1 : i32
    %while3A_165:2 = scf.for %while3A_426 = %select_n3A to %while3A_163 step %while3A_164 iter_args(%while3A_427 = %broadcast_in_dim3A_155, %while3A_428 = %broadcast_in_dim3A_157) -> (vector<1x256xf32>, vector<1x256xi32>)  : i32 {
      %mul3A_429 = arith.constant 512 : i32
      %mul3A_430 = arith.muli %while3A_426, %mul3A_429 : i32
      %multiple_of3A = tpu.assume_multiple %mul3A_430, 512 : i32
      %get3A_431 = arith.index_cast %multiple_of3A : i32 to index
      %get3A_432 = arith.constant 0 : index
      %get3A_433 = vector.load %arg6[%get3A_431, %get3A_432] : memref<8192x256xf32, #tpu.memory_space<vmem>>, vector<512x256xf32>
      %iota3A = tpu.iota {dimensions = array<i32: 0>} : vector<512x256xi32>
      %add3A_434 = vector.broadcast %multiple_of3A : i32 to vector<512x256xi32>
      %add3A_435 = arith.addi %add3A_434, %iota3A : vector<512x256xi32>
      %eq3A = vector.broadcast %while3A_150#1 : vector<1x256xi32> to vector<512x256xi32>
      %eq3A_436 = arith.cmpi eq, %add3A_435, %eq3A : vector<512x256xi32>
      %jit3A_437 = arith.constant 0x7F800000 : f32
      %broadcast_in_dim3A_438 = vector.broadcast %jit3A_437 : f32 to vector<512x256xf32>
      %select_n3A_439 = arith.select %eq3A_436, %broadcast_in_dim3A_438, %get3A_433 : vector<512x256xi1>, vector<512x256xf32>
      %swap3A_440 = arith.index_cast %multiple_of3A : i32 to index
      %swap3A_441 = arith.constant 0 : index
      %swap3A_442 = vector.load %arg6[%swap3A_440, %swap3A_441] : memref<8192x256xf32, #tpu.memory_space<vmem>>, vector<512x256xf32>
      tpu.vector_store %arg6[%swap3A_440, %swap3A_441], %select_n3A_439 {strides = array<i32>} : memref<8192x256xf32, #tpu.memory_space<vmem>>, vector<512x256xf32>,
      %reduce_min3A_443 = arith.constant dense<0x7F800000> : vector<256xf32>
      %reduce_min3A_444 = vector.multi_reduction <minimumf>, %select_n3A_439, %reduce_min3A_443 [0] : vector<512x256xf32> to vector<256xf32>
      %broadcast_in_dim3A_445 = vector.shape_cast %reduce_min3A_444 : vector<256xf32> to vector<1x256xf32>
      %eq3A_446 = vector.broadcast %broadcast_in_dim3A_445 : vector<1x256xf32> to vector<512x256xf32>
      %eq3A_447 = arith.cmpf oeq, %select_n3A_439, %eq3A_446 : vector<512x256xf32>
      %jit3A_448 = arith.constant 8192 : i32
      %broadcast_in_dim3A_449 = vector.broadcast %jit3A_448 : i32 to vector<512x256xi32>
      %select_n3A_450 = arith.select %eq3A_447, %add3A_435, %broadcast_in_dim3A_449 : vector<512x256xi1>, vector<512x256xi32>
      %reduce_min3A_451 = arith.constant dense<2147483647> : vector<256xi32>
      %reduce_min3A_452 = vector.multi_reduction <minsi>, %select_n3A_450, %reduce_min3A_451 [0] : vector<512x256xi32> to vector<256xi32>
      %broadcast_in_dim3A_453 = vector.shape_cast %reduce_min3A_452 : vector<256xi32> to vector<1x256xi32>
      %lt3A_454 = arith.cmpf olt, %broadcast_in_dim3A_445, %while3A_427 : vector<1x256xf32>
      %eq3A_455 = arith.cmpf oeq, %broadcast_in_dim3A_445, %while3A_427 : vector<1x256xf32>
      %lt3A_456 = arith.cmpi slt, %broadcast_in_dim3A_453, %while3A_428 : vector<1x256xi32>
      %and3A_457 = arith.andi %eq3A_455, %lt3A_456 : vector<1x256xi1>
      %or3A = arith.ori %lt3A_454, %and3A_457 : vector<1x256xi1>
      %select_n3A_458 = arith.select %or3A, %broadcast_in_dim3A_445, %while3A_427 : vector<1x256xi1>, vector<1x256xf32>
      %select_n3A_459 = arith.select %or3A, %broadcast_in_dim3A_453, %while3A_428 : vector<1x256xi1>, vector<1x256xi32>
      scf.yield %select_n3A_458, %select_n3A_459 : vector<1x256xf32>, vector<1x256xi32>
    }
    %while3A_166 = arith.constant 1 : i32
    %while3A_167:2 = scf.for %while3A_426 = %while3A_163 to %while3A_159 step %while3A_166 iter_args(%while3A_427 = %while3A_165#0, %while3A_428 = %while3A_165#1) -> (vector<1x256xf32>, vector<1x256xi32>)  : i32 {
      %mul3A_429 = arith.constant 512 : i32
      %mul3A_430 = arith.muli %while3A_426, %mul3A_429 : i32
      %multiple_of3A = tpu.assume_multiple %mul3A_430, 512 : i32
      %get3A_431 = arith.index_cast %multiple_of3A : i32 to index
      %get3A_432 = arith.constant 0 : index
      %get3A_433 = vector.load %arg6[%get3A_431, %get3A_432] : memref<8192x256xf32, #tpu.memory_space<vmem>>, vector<512x256xf32>
      %iota3A = tpu.iota {dimensions = array<i32: 0>} : vector<512x256xi32>
      %add3A_434 = vector.broadcast %multiple_of3A : i32 to vector<512x256xi32>
      %add3A_435 = arith.addi %add3A_434, %iota3A : vector<512x256xi32>
      %eq3A = vector.broadcast %while3A_150#1 : vector<1x256xi32> to vector<512x256xi32>
      %eq3A_436 = arith.cmpi eq, %add3A_435, %eq3A : vector<512x256xi32>
      %jit3A_437 = arith.constant 0x7F800000 : f32
      %broadcast_in_dim3A_438 = vector.broadcast %jit3A_437 : f32 to vector<512x256xf32>
      %select_n3A_439 = arith.select %eq3A_436, %broadcast_in_dim3A_438, %get3A_433 : vector<512x256xi1>, vector<512x256xf32>
      %swap3A_440 = arith.index_cast %multiple_of3A : i32 to index
      %swap3A_441 = arith.constant 0 : index
      %swap3A_442 = vector.load %arg6[%swap3A_440, %swap3A_441] : memref<8192x256xf32, #tpu.memory_space<vmem>>, vector<512x256xf32>
      tpu.vector_store %arg6[%swap3A_440, %swap3A_441], %select_n3A_439 {strides = array<i32>} : memref<8192x256xf32, #tpu.memory_space<vmem>>, vector<512x256xf32>,
      %reduce_min3A_443 = arith.constant dense<0x7F800000> : vector<256xf32>
      %reduce_min3A_444 = vector.multi_reduction <minimumf>, %select_n3A_439, %reduce_min3A_443 [0] : vector<512x256xf32> to vector<256xf32>
      %broadcast_in_dim3A_445 = vector.shape_cast %reduce_min3A_444 : vector<256xf32> to vector<1x256xf32>
      %eq3A_446 = vector.broadcast %broadcast_in_dim3A_445 : vector<1x256xf32> to vector<512x256xf32>
      %eq3A_447 = arith.cmpf oeq, %select_n3A_439, %eq3A_446 : vector<512x256xf32>
      %jit3A_448 = arith.constant 8192 : i32
      %broadcast_in_dim3A_449 = vector.broadcast %jit3A_448 : i32 to vector<512x256xi32>
      %select_n3A_450 = arith.select %eq3A_447, %add3A_435, %broadcast_in_dim3A_449 : vector<512x256xi1>, vector<512x256xi32>
      %reduce_min3A_451 = arith.constant dense<2147483647> : vector<256xi32>
      %reduce_min3A_452 = vector.multi_reduction <minsi>, %select_n3A_450, %reduce_min3A_451 [0] : vector<512x256xi32> to vector<256xi32>
      %broadcast_in_dim3A_453 = vector.shape_cast %reduce_min3A_452 : vector<256xi32> to vector<1x256xi32>
      %lt3A_454 = arith.cmpf olt, %broadcast_in_dim3A_445, %while3A_427 : vector<1x256xf32>
      %eq3A_455 = arith.cmpf oeq, %broadcast_in_dim3A_445, %while3A_427 : vector<1x256xf32>
      %lt3A_456 = arith.cmpi slt, %broadcast_in_dim3A_453, %while3A_428 : vector<1x256xi32>
      %and3A_457 = arith.andi %eq3A_455, %lt3A_456 : vector<1x256xi1>
      %or3A = arith.ori %lt3A_454, %and3A_457 : vector<1x256xi1>
      %select_n3A_458 = arith.select %or3A, %broadcast_in_dim3A_445, %while3A_427 : vector<1x256xi1>, vector<1x256xf32>
      %select_n3A_459 = arith.select %or3A, %broadcast_in_dim3A_453, %while3A_428 : vector<1x256xi1>, vector<1x256xi32>
      scf.yield %select_n3A_458, %select_n3A_459 : vector<1x256xf32>, vector<1x256xi32>
    }
    %swap3A_168 = arith.constant 4 : index
    %swap3A_169 = arith.constant 0 : index
    %swap3A_170 = vector.load %arg5[%swap3A_168, %swap3A_169] : memref<24x256xi32, #tpu.memory_space<vmem>>, vector<1x256xi32>
    tpu.vector_store %arg5[%swap3A_168, %swap3A_169], %while3A_167#1 {strides = array<i32>} : memref<24x256xi32, #tpu.memory_space<vmem>>, vector<1x256xi32>,
    %broadcast_in_dim3A_171 = arith.constant 0x7F800000 : f32
    %broadcast_in_dim3A_172 = vector.broadcast %broadcast_in_dim3A_171 : f32 to vector<1x256xf32>
    %broadcast_in_dim3A_173 = arith.constant 8192 : i32
    %broadcast_in_dim3A_174 = vector.broadcast %broadcast_in_dim3A_173 : i32 to vector<1x256xi32>
    %while3A_175 = arith.subi %select_n3A_74, %select_n3A : i32
    %while3A_176 = arith.addi %select_n3A, %while3A_175 : i32
    %while3A_177 = arith.constant 1 : i32
    %while3A_178 = arith.divsi %while3A_175, %while3A_177 : i32
    %while3A_179 = arith.muli %while3A_178, %while3A_177 : i32
    %while3A_180 = arith.addi %select_n3A, %while3A_179 : i32
    %while3A_181 = arith.constant 1 : i32
    %while3A_182:2 = scf.for %while3A_426 = %select_n3A to %while3A_180 step %while3A_181 iter_args(%while3A_427 = %broadcast_in_dim3A_172, %while3A_428 = %broadcast_in_dim3A_174) -> (vector<1x256xf32>, vector<1x256xi32>)  : i32 {
      %mul3A_429 = arith.constant 512 : i32
      %mul3A_430 = arith.muli %while3A_426, %mul3A_429 : i32
      %multiple_of3A = tpu.assume_multiple %mul3A_430, 512 : i32
      %get3A_431 = arith.index_cast %multiple_of3A : i32 to index
      %get3A_432 = arith.constant 0 : index
      %get3A_433 = vector.load %arg6[%get3A_431, %get3A_432] : memref<8192x256xf32, #tpu.memory_space<vmem>>, vector<512x256xf32>
      %iota3A = tpu.iota {dimensions = array<i32: 0>} : vector<512x256xi32>
      %add3A_434 = vector.broadcast %multiple_of3A : i32 to vector<512x256xi32>
      %add3A_435 = arith.addi %add3A_434, %iota3A : vector<512x256xi32>
      %eq3A = vector.broadcast %while3A_167#1 : vector<1x256xi32> to vector<512x256xi32>
      %eq3A_436 = arith.cmpi eq, %add3A_435, %eq3A : vector<512x256xi32>
      %jit3A_437 = arith.constant 0x7F800000 : f32
      %broadcast_in_dim3A_438 = vector.broadcast %jit3A_437 : f32 to vector<512x256xf32>
      %select_n3A_439 = arith.select %eq3A_436, %broadcast_in_dim3A_438, %get3A_433 : vector<512x256xi1>, vector<512x256xf32>
      %swap3A_440 = arith.index_cast %multiple_of3A : i32 to index
      %swap3A_441 = arith.constant 0 : index
      %swap3A_442 = vector.load %arg6[%swap3A_440, %swap3A_441] : memref<8192x256xf32, #tpu.memory_space<vmem>>, vector<512x256xf32>
      tpu.vector_store %arg6[%swap3A_440, %swap3A_441], %select_n3A_439 {strides = array<i32>} : memref<8192x256xf32, #tpu.memory_space<vmem>>, vector<512x256xf32>,
      %reduce_min3A_443 = arith.constant dense<0x7F800000> : vector<256xf32>
      %reduce_min3A_444 = vector.multi_reduction <minimumf>, %select_n3A_439, %reduce_min3A_443 [0] : vector<512x256xf32> to vector<256xf32>
      %broadcast_in_dim3A_445 = vector.shape_cast %reduce_min3A_444 : vector<256xf32> to vector<1x256xf32>
      %eq3A_446 = vector.broadcast %broadcast_in_dim3A_445 : vector<1x256xf32> to vector<512x256xf32>
      %eq3A_447 = arith.cmpf oeq, %select_n3A_439, %eq3A_446 : vector<512x256xf32>
      %jit3A_448 = arith.constant 8192 : i32
      %broadcast_in_dim3A_449 = vector.broadcast %jit3A_448 : i32 to vector<512x256xi32>
      %select_n3A_450 = arith.select %eq3A_447, %add3A_435, %broadcast_in_dim3A_449 : vector<512x256xi1>, vector<512x256xi32>
      %reduce_min3A_451 = arith.constant dense<2147483647> : vector<256xi32>
      %reduce_min3A_452 = vector.multi_reduction <minsi>, %select_n3A_450, %reduce_min3A_451 [0] : vector<512x256xi32> to vector<256xi32>
      %broadcast_in_dim3A_453 = vector.shape_cast %reduce_min3A_452 : vector<256xi32> to vector<1x256xi32>
      %lt3A_454 = arith.cmpf olt, %broadcast_in_dim3A_445, %while3A_427 : vector<1x256xf32>
      %eq3A_455 = arith.cmpf oeq, %broadcast_in_dim3A_445, %while3A_427 : vector<1x256xf32>
      %lt3A_456 = arith.cmpi slt, %broadcast_in_dim3A_453, %while3A_428 : vector<1x256xi32>
      %and3A_457 = arith.andi %eq3A_455, %lt3A_456 : vector<1x256xi1>
      %or3A = arith.ori %lt3A_454, %and3A_457 : vector<1x256xi1>
      %select_n3A_458 = arith.select %or3A, %broadcast_in_dim3A_445, %while3A_427 : vector<1x256xi1>, vector<1x256xf32>
      %select_n3A_459 = arith.select %or3A, %broadcast_in_dim3A_453, %while3A_428 : vector<1x256xi1>, vector<1x256xi32>
      scf.yield %select_n3A_458, %select_n3A_459 : vector<1x256xf32>, vector<1x256xi32>
    }
    %while3A_183 = arith.constant 1 : i32
    %while3A_184:2 = scf.for %while3A_426 = %while3A_180 to %while3A_176 step %while3A_183 iter_args(%while3A_427 = %while3A_182#0, %while3A_428 = %while3A_182#1) -> (vector<1x256xf32>, vector<1x256xi32>)  : i32 {
      %mul3A_429 = arith.constant 512 : i32
      %mul3A_430 = arith.muli %while3A_426, %mul3A_429 : i32
      %multiple_of3A = tpu.assume_multiple %mul3A_430, 512 : i32
      %get3A_431 = arith.index_cast %multiple_of3A : i32 to index
      %get3A_432 = arith.constant 0 : index
      %get3A_433 = vector.load %arg6[%get3A_431, %get3A_432] : memref<8192x256xf32, #tpu.memory_space<vmem>>, vector<512x256xf32>
      %iota3A = tpu.iota {dimensions = array<i32: 0>} : vector<512x256xi32>
      %add3A_434 = vector.broadcast %multiple_of3A : i32 to vector<512x256xi32>
      %add3A_435 = arith.addi %add3A_434, %iota3A : vector<512x256xi32>
      %eq3A = vector.broadcast %while3A_167#1 : vector<1x256xi32> to vector<512x256xi32>
      %eq3A_436 = arith.cmpi eq, %add3A_435, %eq3A : vector<512x256xi32>
      %jit3A_437 = arith.constant 0x7F800000 : f32
      %broadcast_in_dim3A_438 = vector.broadcast %jit3A_437 : f32 to vector<512x256xf32>
      %select_n3A_439 = arith.select %eq3A_436, %broadcast_in_dim3A_438, %get3A_433 : vector<512x256xi1>, vector<512x256xf32>
      %swap3A_440 = arith.index_cast %multiple_of3A : i32 to index
      %swap3A_441 = arith.constant 0 : index
      %swap3A_442 = vector.load %arg6[%swap3A_440, %swap3A_441] : memref<8192x256xf32, #tpu.memory_space<vmem>>, vector<512x256xf32>
      tpu.vector_store %arg6[%swap3A_440, %swap3A_441], %select_n3A_439 {strides = array<i32>} : memref<8192x256xf32, #tpu.memory_space<vmem>>, vector<512x256xf32>,
      %reduce_min3A_443 = arith.constant dense<0x7F800000> : vector<256xf32>
      %reduce_min3A_444 = vector.multi_reduction <minimumf>, %select_n3A_439, %reduce_min3A_443 [0] : vector<512x256xf32> to vector<256xf32>
      %broadcast_in_dim3A_445 = vector.shape_cast %reduce_min3A_444 : vector<256xf32> to vector<1x256xf32>
      %eq3A_446 = vector.broadcast %broadcast_in_dim3A_445 : vector<1x256xf32> to vector<512x256xf32>
      %eq3A_447 = arith.cmpf oeq, %select_n3A_439, %eq3A_446 : vector<512x256xf32>
      %jit3A_448 = arith.constant 8192 : i32
      %broadcast_in_dim3A_449 = vector.broadcast %jit3A_448 : i32 to vector<512x256xi32>
      %select_n3A_450 = arith.select %eq3A_447, %add3A_435, %broadcast_in_dim3A_449 : vector<512x256xi1>, vector<512x256xi32>
      %reduce_min3A_451 = arith.constant dense<2147483647> : vector<256xi32>
      %reduce_min3A_452 = vector.multi_reduction <minsi>, %select_n3A_450, %reduce_min3A_451 [0] : vector<512x256xi32> to vector<256xi32>
      %broadcast_in_dim3A_453 = vector.shape_cast %reduce_min3A_452 : vector<256xi32> to vector<1x256xi32>
      %lt3A_454 = arith.cmpf olt, %broadcast_in_dim3A_445, %while3A_427 : vector<1x256xf32>
      %eq3A_455 = arith.cmpf oeq, %broadcast_in_dim3A_445, %while3A_427 : vector<1x256xf32>
      %lt3A_456 = arith.cmpi slt, %broadcast_in_dim3A_453, %while3A_428 : vector<1x256xi32>
      %and3A_457 = arith.andi %eq3A_455, %lt3A_456 : vector<1x256xi1>
      %or3A = arith.ori %lt3A_454, %and3A_457 : vector<1x256xi1>
      %select_n3A_458 = arith.select %or3A, %broadcast_in_dim3A_445, %while3A_427 : vector<1x256xi1>, vector<1x256xf32>
      %select_n3A_459 = arith.select %or3A, %broadcast_in_dim3A_453, %while3A_428 : vector<1x256xi1>, vector<1x256xi32>
      scf.yield %select_n3A_458, %select_n3A_459 : vector<1x256xf32>, vector<1x256xi32>
    }
    %swap3A_185 = arith.constant 5 : index
    %swap3A_186 = arith.constant 0 : index
    %swap3A_187 = vector.load %arg5[%swap3A_185, %swap3A_186] : memref<24x256xi32, #tpu.memory_space<vmem>>, vector<1x256xi32>
    tpu.vector_store %arg5[%swap3A_185, %swap3A_186], %while3A_184#1 {strides = array<i32>} : memref<24x256xi32, #tpu.memory_space<vmem>>, vector<1x256xi32>,
    %broadcast_in_dim3A_188 = arith.constant 0x7F800000 : f32
    %broadcast_in_dim3A_189 = vector.broadcast %broadcast_in_dim3A_188 : f32 to vector<1x256xf32>
    %broadcast_in_dim3A_190 = arith.constant 8192 : i32
    %broadcast_in_dim3A_191 = vector.broadcast %broadcast_in_dim3A_190 : i32 to vector<1x256xi32>
    %while3A_192 = arith.subi %select_n3A_74, %select_n3A : i32
    %while3A_193 = arith.addi %select_n3A, %while3A_192 : i32
    %while3A_194 = arith.constant 1 : i32
    %while3A_195 = arith.divsi %while3A_192, %while3A_194 : i32
    %while3A_196 = arith.muli %while3A_195, %while3A_194 : i32
    %while3A_197 = arith.addi %select_n3A, %while3A_196 : i32
    %while3A_198 = arith.constant 1 : i32
    %while3A_199:2 = scf.for %while3A_426 = %select_n3A to %while3A_197 step %while3A_198 iter_args(%while3A_427 = %broadcast_in_dim3A_189, %while3A_428 = %broadcast_in_dim3A_191) -> (vector<1x256xf32>, vector<1x256xi32>)  : i32 {
      %mul3A_429 = arith.constant 512 : i32
      %mul3A_430 = arith.muli %while3A_426, %mul3A_429 : i32
      %multiple_of3A = tpu.assume_multiple %mul3A_430, 512 : i32
      %get3A_431 = arith.index_cast %multiple_of3A : i32 to index
      %get3A_432 = arith.constant 0 : index
      %get3A_433 = vector.load %arg6[%get3A_431, %get3A_432] : memref<8192x256xf32, #tpu.memory_space<vmem>>, vector<512x256xf32>
      %iota3A = tpu.iota {dimensions = array<i32: 0>} : vector<512x256xi32>
      %add3A_434 = vector.broadcast %multiple_of3A : i32 to vector<512x256xi32>
      %add3A_435 = arith.addi %add3A_434, %iota3A : vector<512x256xi32>
      %eq3A = vector.broadcast %while3A_184#1 : vector<1x256xi32> to vector<512x256xi32>
      %eq3A_436 = arith.cmpi eq, %add3A_435, %eq3A : vector<512x256xi32>
      %jit3A_437 = arith.constant 0x7F800000 : f32
      %broadcast_in_dim3A_438 = vector.broadcast %jit3A_437 : f32 to vector<512x256xf32>
      %select_n3A_439 = arith.select %eq3A_436, %broadcast_in_dim3A_438, %get3A_433 : vector<512x256xi1>, vector<512x256xf32>
      %swap3A_440 = arith.index_cast %multiple_of3A : i32 to index
      %swap3A_441 = arith.constant 0 : index
      %swap3A_442 = vector.load %arg6[%swap3A_440, %swap3A_441] : memref<8192x256xf32, #tpu.memory_space<vmem>>, vector<512x256xf32>
      tpu.vector_store %arg6[%swap3A_440, %swap3A_441], %select_n3A_439 {strides = array<i32>} : memref<8192x256xf32, #tpu.memory_space<vmem>>, vector<512x256xf32>,
      %reduce_min3A_443 = arith.constant dense<0x7F800000> : vector<256xf32>
      %reduce_min3A_444 = vector.multi_reduction <minimumf>, %select_n3A_439, %reduce_min3A_443 [0] : vector<512x256xf32> to vector<256xf32>
      %broadcast_in_dim3A_445 = vector.shape_cast %reduce_min3A_444 : vector<256xf32> to vector<1x256xf32>
      %eq3A_446 = vector.broadcast %broadcast_in_dim3A_445 : vector<1x256xf32> to vector<512x256xf32>
      %eq3A_447 = arith.cmpf oeq, %select_n3A_439, %eq3A_446 : vector<512x256xf32>
      %jit3A_448 = arith.constant 8192 : i32
      %broadcast_in_dim3A_449 = vector.broadcast %jit3A_448 : i32 to vector<512x256xi32>
      %select_n3A_450 = arith.select %eq3A_447, %add3A_435, %broadcast_in_dim3A_449 : vector<512x256xi1>, vector<512x256xi32>
      %reduce_min3A_451 = arith.constant dense<2147483647> : vector<256xi32>
      %reduce_min3A_452 = vector.multi_reduction <minsi>, %select_n3A_450, %reduce_min3A_451 [0] : vector<512x256xi32> to vector<256xi32>
      %broadcast_in_dim3A_453 = vector.shape_cast %reduce_min3A_452 : vector<256xi32> to vector<1x256xi32>
      %lt3A_454 = arith.cmpf olt, %broadcast_in_dim3A_445, %while3A_427 : vector<1x256xf32>
      %eq3A_455 = arith.cmpf oeq, %broadcast_in_dim3A_445, %while3A_427 : vector<1x256xf32>
      %lt3A_456 = arith.cmpi slt, %broadcast_in_dim3A_453, %while3A_428 : vector<1x256xi32>
      %and3A_457 = arith.andi %eq3A_455, %lt3A_456 : vector<1x256xi1>
      %or3A = arith.ori %lt3A_454, %and3A_457 : vector<1x256xi1>
      %select_n3A_458 = arith.select %or3A, %broadcast_in_dim3A_445, %while3A_427 : vector<1x256xi1>, vector<1x256xf32>
      %select_n3A_459 = arith.select %or3A, %broadcast_in_dim3A_453, %while3A_428 : vector<1x256xi1>, vector<1x256xi32>
      scf.yield %select_n3A_458, %select_n3A_459 : vector<1x256xf32>, vector<1x256xi32>
    }
    %while3A_200 = arith.constant 1 : i32
    %while3A_201:2 = scf.for %while3A_426 = %while3A_197 to %while3A_193 step %while3A_200 iter_args(%while3A_427 = %while3A_199#0, %while3A_428 = %while3A_199#1) -> (vector<1x256xf32>, vector<1x256xi32>)  : i32 {
      %mul3A_429 = arith.constant 512 : i32
      %mul3A_430 = arith.muli %while3A_426, %mul3A_429 : i32
      %multiple_of3A = tpu.assume_multiple %mul3A_430, 512 : i32
      %get3A_431 = arith.index_cast %multiple_of3A : i32 to index
      %get3A_432 = arith.constant 0 : index
      %get3A_433 = vector.load %arg6[%get3A_431, %get3A_432] : memref<8192x256xf32, #tpu.memory_space<vmem>>, vector<512x256xf32>
      %iota3A = tpu.iota {dimensions = array<i32: 0>} : vector<512x256xi32>
      %add3A_434 = vector.broadcast %multiple_of3A : i32 to vector<512x256xi32>
      %add3A_435 = arith.addi %add3A_434, %iota3A : vector<512x256xi32>
      %eq3A = vector.broadcast %while3A_184#1 : vector<1x256xi32> to vector<512x256xi32>
      %eq3A_436 = arith.cmpi eq, %add3A_435, %eq3A : vector<512x256xi32>
      %jit3A_437 = arith.constant 0x7F800000 : f32
      %broadcast_in_dim3A_438 = vector.broadcast %jit3A_437 : f32 to vector<512x256xf32>
      %select_n3A_439 = arith.select %eq3A_436, %broadcast_in_dim3A_438, %get3A_433 : vector<512x256xi1>, vector<512x256xf32>
      %swap3A_440 = arith.index_cast %multiple_of3A : i32 to index
      %swap3A_441 = arith.constant 0 : index
      %swap3A_442 = vector.load %arg6[%swap3A_440, %swap3A_441] : memref<8192x256xf32, #tpu.memory_space<vmem>>, vector<512x256xf32>
      tpu.vector_store %arg6[%swap3A_440, %swap3A_441], %select_n3A_439 {strides = array<i32>} : memref<8192x256xf32, #tpu.memory_space<vmem>>, vector<512x256xf32>,
      %reduce_min3A_443 = arith.constant dense<0x7F800000> : vector<256xf32>
      %reduce_min3A_444 = vector.multi_reduction <minimumf>, %select_n3A_439, %reduce_min3A_443 [0] : vector<512x256xf32> to vector<256xf32>
      %broadcast_in_dim3A_445 = vector.shape_cast %reduce_min3A_444 : vector<256xf32> to vector<1x256xf32>
      %eq3A_446 = vector.broadcast %broadcast_in_dim3A_445 : vector<1x256xf32> to vector<512x256xf32>
      %eq3A_447 = arith.cmpf oeq, %select_n3A_439, %eq3A_446 : vector<512x256xf32>
      %jit3A_448 = arith.constant 8192 : i32
      %broadcast_in_dim3A_449 = vector.broadcast %jit3A_448 : i32 to vector<512x256xi32>
      %select_n3A_450 = arith.select %eq3A_447, %add3A_435, %broadcast_in_dim3A_449 : vector<512x256xi1>, vector<512x256xi32>
      %reduce_min3A_451 = arith.constant dense<2147483647> : vector<256xi32>
      %reduce_min3A_452 = vector.multi_reduction <minsi>, %select_n3A_450, %reduce_min3A_451 [0] : vector<512x256xi32> to vector<256xi32>
      %broadcast_in_dim3A_453 = vector.shape_cast %reduce_min3A_452 : vector<256xi32> to vector<1x256xi32>
      %lt3A_454 = arith.cmpf olt, %broadcast_in_dim3A_445, %while3A_427 : vector<1x256xf32>
      %eq3A_455 = arith.cmpf oeq, %broadcast_in_dim3A_445, %while3A_427 : vector<1x256xf32>
      %lt3A_456 = arith.cmpi slt, %broadcast_in_dim3A_453, %while3A_428 : vector<1x256xi32>
      %and3A_457 = arith.andi %eq3A_455, %lt3A_456 : vector<1x256xi1>
      %or3A = arith.ori %lt3A_454, %and3A_457 : vector<1x256xi1>
      %select_n3A_458 = arith.select %or3A, %broadcast_in_dim3A_445, %while3A_427 : vector<1x256xi1>, vector<1x256xf32>
      %select_n3A_459 = arith.select %or3A, %broadcast_in_dim3A_453, %while3A_428 : vector<1x256xi1>, vector<1x256xi32>
      scf.yield %select_n3A_458, %select_n3A_459 : vector<1x256xf32>, vector<1x256xi32>
    }
    %swap3A_202 = arith.constant 6 : index
    %swap3A_203 = arith.constant 0 : index
    %swap3A_204 = vector.load %arg5[%swap3A_202, %swap3A_203] : memref<24x256xi32, #tpu.memory_space<vmem>>, vector<1x256xi32>
    tpu.vector_store %arg5[%swap3A_202, %swap3A_203], %while3A_201#1 {strides = array<i32>} : memref<24x256xi32, #tpu.memory_space<vmem>>, vector<1x256xi32>,
    %broadcast_in_dim3A_205 = arith.constant 0x7F800000 : f32
    %broadcast_in_dim3A_206 = vector.broadcast %broadcast_in_dim3A_205 : f32 to vector<1x256xf32>
    %broadcast_in_dim3A_207 = arith.constant 8192 : i32
    %broadcast_in_dim3A_208 = vector.broadcast %broadcast_in_dim3A_207 : i32 to vector<1x256xi32>
    %while3A_209 = arith.subi %select_n3A_74, %select_n3A : i32
    %while3A_210 = arith.addi %select_n3A, %while3A_209 : i32
    %while3A_211 = arith.constant 1 : i32
    %while3A_212 = arith.divsi %while3A_209, %while3A_211 : i32
    %while3A_213 = arith.muli %while3A_212, %while3A_211 : i32
    %while3A_214 = arith.addi %select_n3A, %while3A_213 : i32
    %while3A_215 = arith.constant 1 : i32
    %while3A_216:2 = scf.for %while3A_426 = %select_n3A to %while3A_214 step %while3A_215 iter_args(%while3A_427 = %broadcast_in_dim3A_206, %while3A_428 = %broadcast_in_dim3A_208) -> (vector<1x256xf32>, vector<1x256xi32>)  : i32 {
      %mul3A_429 = arith.constant 512 : i32
      %mul3A_430 = arith.muli %while3A_426, %mul3A_429 : i32
      %multiple_of3A = tpu.assume_multiple %mul3A_430, 512 : i32
      %get3A_431 = arith.index_cast %multiple_of3A : i32 to index
      %get3A_432 = arith.constant 0 : index
      %get3A_433 = vector.load %arg6[%get3A_431, %get3A_432] : memref<8192x256xf32, #tpu.memory_space<vmem>>, vector<512x256xf32>
      %iota3A = tpu.iota {dimensions = array<i32: 0>} : vector<512x256xi32>
      %add3A_434 = vector.broadcast %multiple_of3A : i32 to vector<512x256xi32>
      %add3A_435 = arith.addi %add3A_434, %iota3A : vector<512x256xi32>
      %eq3A = vector.broadcast %while3A_201#1 : vector<1x256xi32> to vector<512x256xi32>
      %eq3A_436 = arith.cmpi eq, %add3A_435, %eq3A : vector<512x256xi32>
      %jit3A_437 = arith.constant 0x7F800000 : f32
      %broadcast_in_dim3A_438 = vector.broadcast %jit3A_437 : f32 to vector<512x256xf32>
      %select_n3A_439 = arith.select %eq3A_436, %broadcast_in_dim3A_438, %get3A_433 : vector<512x256xi1>, vector<512x256xf32>
      %swap3A_440 = arith.index_cast %multiple_of3A : i32 to index
      %swap3A_441 = arith.constant 0 : index
      %swap3A_442 = vector.load %arg6[%swap3A_440, %swap3A_441] : memref<8192x256xf32, #tpu.memory_space<vmem>>, vector<512x256xf32>
      tpu.vector_store %arg6[%swap3A_440, %swap3A_441], %select_n3A_439 {strides = array<i32>} : memref<8192x256xf32, #tpu.memory_space<vmem>>, vector<512x256xf32>,
      %reduce_min3A_443 = arith.constant dense<0x7F800000> : vector<256xf32>
      %reduce_min3A_444 = vector.multi_reduction <minimumf>, %select_n3A_439, %reduce_min3A_443 [0] : vector<512x256xf32> to vector<256xf32>
      %broadcast_in_dim3A_445 = vector.shape_cast %reduce_min3A_444 : vector<256xf32> to vector<1x256xf32>
      %eq3A_446 = vector.broadcast %broadcast_in_dim3A_445 : vector<1x256xf32> to vector<512x256xf32>
      %eq3A_447 = arith.cmpf oeq, %select_n3A_439, %eq3A_446 : vector<512x256xf32>
      %jit3A_448 = arith.constant 8192 : i32
      %broadcast_in_dim3A_449 = vector.broadcast %jit3A_448 : i32 to vector<512x256xi32>
      %select_n3A_450 = arith.select %eq3A_447, %add3A_435, %broadcast_in_dim3A_449 : vector<512x256xi1>, vector<512x256xi32>
      %reduce_min3A_451 = arith.constant dense<2147483647> : vector<256xi32>
      %reduce_min3A_452 = vector.multi_reduction <minsi>, %select_n3A_450, %reduce_min3A_451 [0] : vector<512x256xi32> to vector<256xi32>
      %broadcast_in_dim3A_453 = vector.shape_cast %reduce_min3A_452 : vector<256xi32> to vector<1x256xi32>
      %lt3A_454 = arith.cmpf olt, %broadcast_in_dim3A_445, %while3A_427 : vector<1x256xf32>
      %eq3A_455 = arith.cmpf oeq, %broadcast_in_dim3A_445, %while3A_427 : vector<1x256xf32>
      %lt3A_456 = arith.cmpi slt, %broadcast_in_dim3A_453, %while3A_428 : vector<1x256xi32>
      %and3A_457 = arith.andi %eq3A_455, %lt3A_456 : vector<1x256xi1>
      %or3A = arith.ori %lt3A_454, %and3A_457 : vector<1x256xi1>
      %select_n3A_458 = arith.select %or3A, %broadcast_in_dim3A_445, %while3A_427 : vector<1x256xi1>, vector<1x256xf32>
      %select_n3A_459 = arith.select %or3A, %broadcast_in_dim3A_453, %while3A_428 : vector<1x256xi1>, vector<1x256xi32>
      scf.yield %select_n3A_458, %select_n3A_459 : vector<1x256xf32>, vector<1x256xi32>
    }
    %while3A_217 = arith.constant 1 : i32
    %while3A_218:2 = scf.for %while3A_426 = %while3A_214 to %while3A_210 step %while3A_217 iter_args(%while3A_427 = %while3A_216#0, %while3A_428 = %while3A_216#1) -> (vector<1x256xf32>, vector<1x256xi32>)  : i32 {
      %mul3A_429 = arith.constant 512 : i32
      %mul3A_430 = arith.muli %while3A_426, %mul3A_429 : i32
      %multiple_of3A = tpu.assume_multiple %mul3A_430, 512 : i32
      %get3A_431 = arith.index_cast %multiple_of3A : i32 to index
      %get3A_432 = arith.constant 0 : index
      %get3A_433 = vector.load %arg6[%get3A_431, %get3A_432] : memref<8192x256xf32, #tpu.memory_space<vmem>>, vector<512x256xf32>
      %iota3A = tpu.iota {dimensions = array<i32: 0>} : vector<512x256xi32>
      %add3A_434 = vector.broadcast %multiple_of3A : i32 to vector<512x256xi32>
      %add3A_435 = arith.addi %add3A_434, %iota3A : vector<512x256xi32>
      %eq3A = vector.broadcast %while3A_201#1 : vector<1x256xi32> to vector<512x256xi32>
      %eq3A_436 = arith.cmpi eq, %add3A_435, %eq3A : vector<512x256xi32>
      %jit3A_437 = arith.constant 0x7F800000 : f32
      %broadcast_in_dim3A_438 = vector.broadcast %jit3A_437 : f32 to vector<512x256xf32>
      %select_n3A_439 = arith.select %eq3A_436, %broadcast_in_dim3A_438, %get3A_433 : vector<512x256xi1>, vector<512x256xf32>
      %swap3A_440 = arith.index_cast %multiple_of3A : i32 to index
      %swap3A_441 = arith.constant 0 : index
      %swap3A_442 = vector.load %arg6[%swap3A_440, %swap3A_441] : memref<8192x256xf32, #tpu.memory_space<vmem>>, vector<512x256xf32>
      tpu.vector_store %arg6[%swap3A_440, %swap3A_441], %select_n3A_439 {strides = array<i32>} : memref<8192x256xf32, #tpu.memory_space<vmem>>, vector<512x256xf32>,
      %reduce_min3A_443 = arith.constant dense<0x7F800000> : vector<256xf32>
      %reduce_min3A_444 = vector.multi_reduction <minimumf>, %select_n3A_439, %reduce_min3A_443 [0] : vector<512x256xf32> to vector<256xf32>
      %broadcast_in_dim3A_445 = vector.shape_cast %reduce_min3A_444 : vector<256xf32> to vector<1x256xf32>
      %eq3A_446 = vector.broadcast %broadcast_in_dim3A_445 : vector<1x256xf32> to vector<512x256xf32>
      %eq3A_447 = arith.cmpf oeq, %select_n3A_439, %eq3A_446 : vector<512x256xf32>
      %jit3A_448 = arith.constant 8192 : i32
      %broadcast_in_dim3A_449 = vector.broadcast %jit3A_448 : i32 to vector<512x256xi32>
      %select_n3A_450 = arith.select %eq3A_447, %add3A_435, %broadcast_in_dim3A_449 : vector<512x256xi1>, vector<512x256xi32>
      %reduce_min3A_451 = arith.constant dense<2147483647> : vector<256xi32>
      %reduce_min3A_452 = vector.multi_reduction <minsi>, %select_n3A_450, %reduce_min3A_451 [0] : vector<512x256xi32> to vector<256xi32>
      %broadcast_in_dim3A_453 = vector.shape_cast %reduce_min3A_452 : vector<256xi32> to vector<1x256xi32>
      %lt3A_454 = arith.cmpf olt, %broadcast_in_dim3A_445, %while3A_427 : vector<1x256xf32>
      %eq3A_455 = arith.cmpf oeq, %broadcast_in_dim3A_445, %while3A_427 : vector<1x256xf32>
      %lt3A_456 = arith.cmpi slt, %broadcast_in_dim3A_453, %while3A_428 : vector<1x256xi32>
      %and3A_457 = arith.andi %eq3A_455, %lt3A_456 : vector<1x256xi1>
      %or3A = arith.ori %lt3A_454, %and3A_457 : vector<1x256xi1>
      %select_n3A_458 = arith.select %or3A, %broadcast_in_dim3A_445, %while3A_427 : vector<1x256xi1>, vector<1x256xf32>
      %select_n3A_459 = arith.select %or3A, %broadcast_in_dim3A_453, %while3A_428 : vector<1x256xi1>, vector<1x256xi32>
      scf.yield %select_n3A_458, %select_n3A_459 : vector<1x256xf32>, vector<1x256xi32>
    }
    %swap3A_219 = arith.constant 7 : index
    %swap3A_220 = arith.constant 0 : index
    %swap3A_221 = vector.load %arg5[%swap3A_219, %swap3A_220] : memref<24x256xi32, #tpu.memory_space<vmem>>, vector<1x256xi32>
    tpu.vector_store %arg5[%swap3A_219, %swap3A_220], %while3A_218#1 {strides = array<i32>} : memref<24x256xi32, #tpu.memory_space<vmem>>, vector<1x256xi32>,
    %broadcast_in_dim3A_222 = arith.constant 0x7F800000 : f32
    %broadcast_in_dim3A_223 = vector.broadcast %broadcast_in_dim3A_222 : f32 to vector<1x256xf32>
    %broadcast_in_dim3A_224 = arith.constant 8192 : i32
    %broadcast_in_dim3A_225 = vector.broadcast %broadcast_in_dim3A_224 : i32 to vector<1x256xi32>
    %while3A_226 = arith.subi %select_n3A_74, %select_n3A : i32
    %while3A_227 = arith.addi %select_n3A, %while3A_226 : i32
    %while3A_228 = arith.constant 1 : i32
    %while3A_229 = arith.divsi %while3A_226, %while3A_228 : i32
    %while3A_230 = arith.muli %while3A_229, %while3A_228 : i32
    %while3A_231 = arith.addi %select_n3A, %while3A_230 : i32
    %while3A_232 = arith.constant 1 : i32
    %while3A_233:2 = scf.for %while3A_426 = %select_n3A to %while3A_231 step %while3A_232 iter_args(%while3A_427 = %broadcast_in_dim3A_223, %while3A_428 = %broadcast_in_dim3A_225) -> (vector<1x256xf32>, vector<1x256xi32>)  : i32 {
      %mul3A_429 = arith.constant 512 : i32
      %mul3A_430 = arith.muli %while3A_426, %mul3A_429 : i32
      %multiple_of3A = tpu.assume_multiple %mul3A_430, 512 : i32
      %get3A_431 = arith.index_cast %multiple_of3A : i32 to index
      %get3A_432 = arith.constant 0 : index
      %get3A_433 = vector.load %arg6[%get3A_431, %get3A_432] : memref<8192x256xf32, #tpu.memory_space<vmem>>, vector<512x256xf32>
      %iota3A = tpu.iota {dimensions = array<i32: 0>} : vector<512x256xi32>
      %add3A_434 = vector.broadcast %multiple_of3A : i32 to vector<512x256xi32>
      %add3A_435 = arith.addi %add3A_434, %iota3A : vector<512x256xi32>
      %eq3A = vector.broadcast %while3A_218#1 : vector<1x256xi32> to vector<512x256xi32>
      %eq3A_436 = arith.cmpi eq, %add3A_435, %eq3A : vector<512x256xi32>
      %jit3A_437 = arith.constant 0x7F800000 : f32
      %broadcast_in_dim3A_438 = vector.broadcast %jit3A_437 : f32 to vector<512x256xf32>
      %select_n3A_439 = arith.select %eq3A_436, %broadcast_in_dim3A_438, %get3A_433 : vector<512x256xi1>, vector<512x256xf32>
      %swap3A_440 = arith.index_cast %multiple_of3A : i32 to index
      %swap3A_441 = arith.constant 0 : index
      %swap3A_442 = vector.load %arg6[%swap3A_440, %swap3A_441] : memref<8192x256xf32, #tpu.memory_space<vmem>>, vector<512x256xf32>
      tpu.vector_store %arg6[%swap3A_440, %swap3A_441], %select_n3A_439 {strides = array<i32>} : memref<8192x256xf32, #tpu.memory_space<vmem>>, vector<512x256xf32>,
      %reduce_min3A_443 = arith.constant dense<0x7F800000> : vector<256xf32>
      %reduce_min3A_444 = vector.multi_reduction <minimumf>, %select_n3A_439, %reduce_min3A_443 [0] : vector<512x256xf32> to vector<256xf32>
      %broadcast_in_dim3A_445 = vector.shape_cast %reduce_min3A_444 : vector<256xf32> to vector<1x256xf32>
      %eq3A_446 = vector.broadcast %broadcast_in_dim3A_445 : vector<1x256xf32> to vector<512x256xf32>
      %eq3A_447 = arith.cmpf oeq, %select_n3A_439, %eq3A_446 : vector<512x256xf32>
      %jit3A_448 = arith.constant 8192 : i32
      %broadcast_in_dim3A_449 = vector.broadcast %jit3A_448 : i32 to vector<512x256xi32>
      %select_n3A_450 = arith.select %eq3A_447, %add3A_435, %broadcast_in_dim3A_449 : vector<512x256xi1>, vector<512x256xi32>
      %reduce_min3A_451 = arith.constant dense<2147483647> : vector<256xi32>
      %reduce_min3A_452 = vector.multi_reduction <minsi>, %select_n3A_450, %reduce_min3A_451 [0] : vector<512x256xi32> to vector<256xi32>
      %broadcast_in_dim3A_453 = vector.shape_cast %reduce_min3A_452 : vector<256xi32> to vector<1x256xi32>
      %lt3A_454 = arith.cmpf olt, %broadcast_in_dim3A_445, %while3A_427 : vector<1x256xf32>
      %eq3A_455 = arith.cmpf oeq, %broadcast_in_dim3A_445, %while3A_427 : vector<1x256xf32>
      %lt3A_456 = arith.cmpi slt, %broadcast_in_dim3A_453, %while3A_428 : vector<1x256xi32>
      %and3A_457 = arith.andi %eq3A_455, %lt3A_456 : vector<1x256xi1>
      %or3A = arith.ori %lt3A_454, %and3A_457 : vector<1x256xi1>
      %select_n3A_458 = arith.select %or3A, %broadcast_in_dim3A_445, %while3A_427 : vector<1x256xi1>, vector<1x256xf32>
      %select_n3A_459 = arith.select %or3A, %broadcast_in_dim3A_453, %while3A_428 : vector<1x256xi1>, vector<1x256xi32>
      scf.yield %select_n3A_458, %select_n3A_459 : vector<1x256xf32>, vector<1x256xi32>
    }
    %while3A_234 = arith.constant 1 : i32
    %while3A_235:2 = scf.for %while3A_426 = %while3A_231 to %while3A_227 step %while3A_234 iter_args(%while3A_427 = %while3A_233#0, %while3A_428 = %while3A_233#1) -> (vector<1x256xf32>, vector<1x256xi32>)  : i32 {
      %mul3A_429 = arith.constant 512 : i32
      %mul3A_430 = arith.muli %while3A_426, %mul3A_429 : i32
      %multiple_of3A = tpu.assume_multiple %mul3A_430, 512 : i32
      %get3A_431 = arith.index_cast %multiple_of3A : i32 to index
      %get3A_432 = arith.constant 0 : index
      %get3A_433 = vector.load %arg6[%get3A_431, %get3A_432] : memref<8192x256xf32, #tpu.memory_space<vmem>>, vector<512x256xf32>
      %iota3A = tpu.iota {dimensions = array<i32: 0>} : vector<512x256xi32>
      %add3A_434 = vector.broadcast %multiple_of3A : i32 to vector<512x256xi32>
      %add3A_435 = arith.addi %add3A_434, %iota3A : vector<512x256xi32>
      %eq3A = vector.broadcast %while3A_218#1 : vector<1x256xi32> to vector<512x256xi32>
      %eq3A_436 = arith.cmpi eq, %add3A_435, %eq3A : vector<512x256xi32>
      %jit3A_437 = arith.constant 0x7F800000 : f32
      %broadcast_in_dim3A_438 = vector.broadcast %jit3A_437 : f32 to vector<512x256xf32>
      %select_n3A_439 = arith.select %eq3A_436, %broadcast_in_dim3A_438, %get3A_433 : vector<512x256xi1>, vector<512x256xf32>
      %swap3A_440 = arith.index_cast %multiple_of3A : i32 to index
      %swap3A_441 = arith.constant 0 : index
      %swap3A_442 = vector.load %arg6[%swap3A_440, %swap3A_441] : memref<8192x256xf32, #tpu.memory_space<vmem>>, vector<512x256xf32>
      tpu.vector_store %arg6[%swap3A_440, %swap3A_441], %select_n3A_439 {strides = array<i32>} : memref<8192x256xf32, #tpu.memory_space<vmem>>, vector<512x256xf32>,
      %reduce_min3A_443 = arith.constant dense<0x7F800000> : vector<256xf32>
      %reduce_min3A_444 = vector.multi_reduction <minimumf>, %select_n3A_439, %reduce_min3A_443 [0] : vector<512x256xf32> to vector<256xf32>
      %broadcast_in_dim3A_445 = vector.shape_cast %reduce_min3A_444 : vector<256xf32> to vector<1x256xf32>
      %eq3A_446 = vector.broadcast %broadcast_in_dim3A_445 : vector<1x256xf32> to vector<512x256xf32>
      %eq3A_447 = arith.cmpf oeq, %select_n3A_439, %eq3A_446 : vector<512x256xf32>
      %jit3A_448 = arith.constant 8192 : i32
      %broadcast_in_dim3A_449 = vector.broadcast %jit3A_448 : i32 to vector<512x256xi32>
      %select_n3A_450 = arith.select %eq3A_447, %add3A_435, %broadcast_in_dim3A_449 : vector<512x256xi1>, vector<512x256xi32>
      %reduce_min3A_451 = arith.constant dense<2147483647> : vector<256xi32>
      %reduce_min3A_452 = vector.multi_reduction <minsi>, %select_n3A_450, %reduce_min3A_451 [0] : vector<512x256xi32> to vector<256xi32>
      %broadcast_in_dim3A_453 = vector.shape_cast %reduce_min3A_452 : vector<256xi32> to vector<1x256xi32>
      %lt3A_454 = arith.cmpf olt, %broadcast_in_dim3A_445, %while3A_427 : vector<1x256xf32>
      %eq3A_455 = arith.cmpf oeq, %broadcast_in_dim3A_445, %while3A_427 : vector<1x256xf32>
      %lt3A_456 = arith.cmpi slt, %broadcast_in_dim3A_453, %while3A_428 : vector<1x256xi32>
      %and3A_457 = arith.andi %eq3A_455, %lt3A_456 : vector<1x256xi1>
      %or3A = arith.ori %lt3A_454, %and3A_457 : vector<1x256xi1>
      %select_n3A_458 = arith.select %or3A, %broadcast_in_dim3A_445, %while3A_427 : vector<1x256xi1>, vector<1x256xf32>
      %select_n3A_459 = arith.select %or3A, %broadcast_in_dim3A_453, %while3A_428 : vector<1x256xi1>, vector<1x256xi32>
      scf.yield %select_n3A_458, %select_n3A_459 : vector<1x256xf32>, vector<1x256xi32>
    }
    %swap3A_236 = arith.constant 8 : index
    %swap3A_237 = arith.constant 0 : index
    %swap3A_238 = vector.load %arg5[%swap3A_236, %swap3A_237] : memref<24x256xi32, #tpu.memory_space<vmem>>, vector<1x256xi32>
    tpu.vector_store %arg5[%swap3A_236, %swap3A_237], %while3A_235#1 {strides = array<i32>} : memref<24x256xi32, #tpu.memory_space<vmem>>, vector<1x256xi32>,
    %broadcast_in_dim3A_239 = arith.constant 0x7F800000 : f32
    %broadcast_in_dim3A_240 = vector.broadcast %broadcast_in_dim3A_239 : f32 to vector<1x256xf32>
    %broadcast_in_dim3A_241 = arith.constant 8192 : i32
    %broadcast_in_dim3A_242 = vector.broadcast %broadcast_in_dim3A_241 : i32 to vector<1x256xi32>
    %while3A_243 = arith.subi %select_n3A_74, %select_n3A : i32
    %while3A_244 = arith.addi %select_n3A, %while3A_243 : i32
    %while3A_245 = arith.constant 1 : i32
    %while3A_246 = arith.divsi %while3A_243, %while3A_245 : i32
    %while3A_247 = arith.muli %while3A_246, %while3A_245 : i32
    %while3A_248 = arith.addi %select_n3A, %while3A_247 : i32
    %while3A_249 = arith.constant 1 : i32
    %while3A_250:2 = scf.for %while3A_426 = %select_n3A to %while3A_248 step %while3A_249 iter_args(%while3A_427 = %broadcast_in_dim3A_240, %while3A_428 = %broadcast_in_dim3A_242) -> (vector<1x256xf32>, vector<1x256xi32>)  : i32 {
      %mul3A_429 = arith.constant 512 : i32
      %mul3A_430 = arith.muli %while3A_426, %mul3A_429 : i32
      %multiple_of3A = tpu.assume_multiple %mul3A_430, 512 : i32
      %get3A_431 = arith.index_cast %multiple_of3A : i32 to index
      %get3A_432 = arith.constant 0 : index
      %get3A_433 = vector.load %arg6[%get3A_431, %get3A_432] : memref<8192x256xf32, #tpu.memory_space<vmem>>, vector<512x256xf32>
      %iota3A = tpu.iota {dimensions = array<i32: 0>} : vector<512x256xi32>
      %add3A_434 = vector.broadcast %multiple_of3A : i32 to vector<512x256xi32>
      %add3A_435 = arith.addi %add3A_434, %iota3A : vector<512x256xi32>
      %eq3A = vector.broadcast %while3A_235#1 : vector<1x256xi32> to vector<512x256xi32>
      %eq3A_436 = arith.cmpi eq, %add3A_435, %eq3A : vector<512x256xi32>
      %jit3A_437 = arith.constant 0x7F800000 : f32
      %broadcast_in_dim3A_438 = vector.broadcast %jit3A_437 : f32 to vector<512x256xf32>
      %select_n3A_439 = arith.select %eq3A_436, %broadcast_in_dim3A_438, %get3A_433 : vector<512x256xi1>, vector<512x256xf32>
      %swap3A_440 = arith.index_cast %multiple_of3A : i32 to index
      %swap3A_441 = arith.constant 0 : index
      %swap3A_442 = vector.load %arg6[%swap3A_440, %swap3A_441] : memref<8192x256xf32, #tpu.memory_space<vmem>>, vector<512x256xf32>
      tpu.vector_store %arg6[%swap3A_440, %swap3A_441], %select_n3A_439 {strides = array<i32>} : memref<8192x256xf32, #tpu.memory_space<vmem>>, vector<512x256xf32>,
      %reduce_min3A_443 = arith.constant dense<0x7F800000> : vector<256xf32>
      %reduce_min3A_444 = vector.multi_reduction <minimumf>, %select_n3A_439, %reduce_min3A_443 [0] : vector<512x256xf32> to vector<256xf32>
      %broadcast_in_dim3A_445 = vector.shape_cast %reduce_min3A_444 : vector<256xf32> to vector<1x256xf32>
      %eq3A_446 = vector.broadcast %broadcast_in_dim3A_445 : vector<1x256xf32> to vector<512x256xf32>
      %eq3A_447 = arith.cmpf oeq, %select_n3A_439, %eq3A_446 : vector<512x256xf32>
      %jit3A_448 = arith.constant 8192 : i32
      %broadcast_in_dim3A_449 = vector.broadcast %jit3A_448 : i32 to vector<512x256xi32>
      %select_n3A_450 = arith.select %eq3A_447, %add3A_435, %broadcast_in_dim3A_449 : vector<512x256xi1>, vector<512x256xi32>
      %reduce_min3A_451 = arith.constant dense<2147483647> : vector<256xi32>
      %reduce_min3A_452 = vector.multi_reduction <minsi>, %select_n3A_450, %reduce_min3A_451 [0] : vector<512x256xi32> to vector<256xi32>
      %broadcast_in_dim3A_453 = vector.shape_cast %reduce_min3A_452 : vector<256xi32> to vector<1x256xi32>
      %lt3A_454 = arith.cmpf olt, %broadcast_in_dim3A_445, %while3A_427 : vector<1x256xf32>
      %eq3A_455 = arith.cmpf oeq, %broadcast_in_dim3A_445, %while3A_427 : vector<1x256xf32>
      %lt3A_456 = arith.cmpi slt, %broadcast_in_dim3A_453, %while3A_428 : vector<1x256xi32>
      %and3A_457 = arith.andi %eq3A_455, %lt3A_456 : vector<1x256xi1>
      %or3A = arith.ori %lt3A_454, %and3A_457 : vector<1x256xi1>
      %select_n3A_458 = arith.select %or3A, %broadcast_in_dim3A_445, %while3A_427 : vector<1x256xi1>, vector<1x256xf32>
      %select_n3A_459 = arith.select %or3A, %broadcast_in_dim3A_453, %while3A_428 : vector<1x256xi1>, vector<1x256xi32>
      scf.yield %select_n3A_458, %select_n3A_459 : vector<1x256xf32>, vector<1x256xi32>
    }
    %while3A_251 = arith.constant 1 : i32
    %while3A_252:2 = scf.for %while3A_426 = %while3A_248 to %while3A_244 step %while3A_251 iter_args(%while3A_427 = %while3A_250#0, %while3A_428 = %while3A_250#1) -> (vector<1x256xf32>, vector<1x256xi32>)  : i32 {
      %mul3A_429 = arith.constant 512 : i32
      %mul3A_430 = arith.muli %while3A_426, %mul3A_429 : i32
      %multiple_of3A = tpu.assume_multiple %mul3A_430, 512 : i32
      %get3A_431 = arith.index_cast %multiple_of3A : i32 to index
      %get3A_432 = arith.constant 0 : index
      %get3A_433 = vector.load %arg6[%get3A_431, %get3A_432] : memref<8192x256xf32, #tpu.memory_space<vmem>>, vector<512x256xf32>
      %iota3A = tpu.iota {dimensions = array<i32: 0>} : vector<512x256xi32>
      %add3A_434 = vector.broadcast %multiple_of3A : i32 to vector<512x256xi32>
      %add3A_435 = arith.addi %add3A_434, %iota3A : vector<512x256xi32>
      %eq3A = vector.broadcast %while3A_235#1 : vector<1x256xi32> to vector<512x256xi32>
      %eq3A_436 = arith.cmpi eq, %add3A_435, %eq3A : vector<512x256xi32>
      %jit3A_437 = arith.constant 0x7F800000 : f32
      %broadcast_in_dim3A_438 = vector.broadcast %jit3A_437 : f32 to vector<512x256xf32>
      %select_n3A_439 = arith.select %eq3A_436, %broadcast_in_dim3A_438, %get3A_433 : vector<512x256xi1>, vector<512x256xf32>
      %swap3A_440 = arith.index_cast %multiple_of3A : i32 to index
      %swap3A_441 = arith.constant 0 : index
      %swap3A_442 = vector.load %arg6[%swap3A_440, %swap3A_441] : memref<8192x256xf32, #tpu.memory_space<vmem>>, vector<512x256xf32>
      tpu.vector_store %arg6[%swap3A_440, %swap3A_441], %select_n3A_439 {strides = array<i32>} : memref<8192x256xf32, #tpu.memory_space<vmem>>, vector<512x256xf32>,
      %reduce_min3A_443 = arith.constant dense<0x7F800000> : vector<256xf32>
      %reduce_min3A_444 = vector.multi_reduction <minimumf>, %select_n3A_439, %reduce_min3A_443 [0] : vector<512x256xf32> to vector<256xf32>
      %broadcast_in_dim3A_445 = vector.shape_cast %reduce_min3A_444 : vector<256xf32> to vector<1x256xf32>
      %eq3A_446 = vector.broadcast %broadcast_in_dim3A_445 : vector<1x256xf32> to vector<512x256xf32>
      %eq3A_447 = arith.cmpf oeq, %select_n3A_439, %eq3A_446 : vector<512x256xf32>
      %jit3A_448 = arith.constant 8192 : i32
      %broadcast_in_dim3A_449 = vector.broadcast %jit3A_448 : i32 to vector<512x256xi32>
      %select_n3A_450 = arith.select %eq3A_447, %add3A_435, %broadcast_in_dim3A_449 : vector<512x256xi1>, vector<512x256xi32>
      %reduce_min3A_451 = arith.constant dense<2147483647> : vector<256xi32>
      %reduce_min3A_452 = vector.multi_reduction <minsi>, %select_n3A_450, %reduce_min3A_451 [0] : vector<512x256xi32> to vector<256xi32>
      %broadcast_in_dim3A_453 = vector.shape_cast %reduce_min3A_452 : vector<256xi32> to vector<1x256xi32>
      %lt3A_454 = arith.cmpf olt, %broadcast_in_dim3A_445, %while3A_427 : vector<1x256xf32>
      %eq3A_455 = arith.cmpf oeq, %broadcast_in_dim3A_445, %while3A_427 : vector<1x256xf32>
      %lt3A_456 = arith.cmpi slt, %broadcast_in_dim3A_453, %while3A_428 : vector<1x256xi32>
      %and3A_457 = arith.andi %eq3A_455, %lt3A_456 : vector<1x256xi1>
      %or3A = arith.ori %lt3A_454, %and3A_457 : vector<1x256xi1>
      %select_n3A_458 = arith.select %or3A, %broadcast_in_dim3A_445, %while3A_427 : vector<1x256xi1>, vector<1x256xf32>
      %select_n3A_459 = arith.select %or3A, %broadcast_in_dim3A_453, %while3A_428 : vector<1x256xi1>, vector<1x256xi32>
      scf.yield %select_n3A_458, %select_n3A_459 : vector<1x256xf32>, vector<1x256xi32>
    }
    %swap3A_253 = arith.constant 9 : index
    %swap3A_254 = arith.constant 0 : index
    %swap3A_255 = vector.load %arg5[%swap3A_253, %swap3A_254] : memref<24x256xi32, #tpu.memory_space<vmem>>, vector<1x256xi32>
    tpu.vector_store %arg5[%swap3A_253, %swap3A_254], %while3A_252#1 {strides = array<i32>} : memref<24x256xi32, #tpu.memory_space<vmem>>, vector<1x256xi32>,
    %broadcast_in_dim3A_256 = arith.constant 0x7F800000 : f32
    %broadcast_in_dim3A_257 = vector.broadcast %broadcast_in_dim3A_256 : f32 to vector<1x256xf32>
    %broadcast_in_dim3A_258 = arith.constant 8192 : i32
    %broadcast_in_dim3A_259 = vector.broadcast %broadcast_in_dim3A_258 : i32 to vector<1x256xi32>
    %while3A_260 = arith.subi %select_n3A_74, %select_n3A : i32
    %while3A_261 = arith.addi %select_n3A, %while3A_260 : i32
    %while3A_262 = arith.constant 1 : i32
    %while3A_263 = arith.divsi %while3A_260, %while3A_262 : i32
    %while3A_264 = arith.muli %while3A_263, %while3A_262 : i32
    %while3A_265 = arith.addi %select_n3A, %while3A_264 : i32
    %while3A_266 = arith.constant 1 : i32
    %while3A_267:2 = scf.for %while3A_426 = %select_n3A to %while3A_265 step %while3A_266 iter_args(%while3A_427 = %broadcast_in_dim3A_257, %while3A_428 = %broadcast_in_dim3A_259) -> (vector<1x256xf32>, vector<1x256xi32>)  : i32 {
      %mul3A_429 = arith.constant 512 : i32
      %mul3A_430 = arith.muli %while3A_426, %mul3A_429 : i32
      %multiple_of3A = tpu.assume_multiple %mul3A_430, 512 : i32
      %get3A_431 = arith.index_cast %multiple_of3A : i32 to index
      %get3A_432 = arith.constant 0 : index
      %get3A_433 = vector.load %arg6[%get3A_431, %get3A_432] : memref<8192x256xf32, #tpu.memory_space<vmem>>, vector<512x256xf32>
      %iota3A = tpu.iota {dimensions = array<i32: 0>} : vector<512x256xi32>
      %add3A_434 = vector.broadcast %multiple_of3A : i32 to vector<512x256xi32>
      %add3A_435 = arith.addi %add3A_434, %iota3A : vector<512x256xi32>
      %eq3A = vector.broadcast %while3A_252#1 : vector<1x256xi32> to vector<512x256xi32>
      %eq3A_436 = arith.cmpi eq, %add3A_435, %eq3A : vector<512x256xi32>
      %jit3A_437 = arith.constant 0x7F800000 : f32
      %broadcast_in_dim3A_438 = vector.broadcast %jit3A_437 : f32 to vector<512x256xf32>
      %select_n3A_439 = arith.select %eq3A_436, %broadcast_in_dim3A_438, %get3A_433 : vector<512x256xi1>, vector<512x256xf32>
      %swap3A_440 = arith.index_cast %multiple_of3A : i32 to index
      %swap3A_441 = arith.constant 0 : index
      %swap3A_442 = vector.load %arg6[%swap3A_440, %swap3A_441] : memref<8192x256xf32, #tpu.memory_space<vmem>>, vector<512x256xf32>
      tpu.vector_store %arg6[%swap3A_440, %swap3A_441], %select_n3A_439 {strides = array<i32>} : memref<8192x256xf32, #tpu.memory_space<vmem>>, vector<512x256xf32>,
      %reduce_min3A_443 = arith.constant dense<0x7F800000> : vector<256xf32>
      %reduce_min3A_444 = vector.multi_reduction <minimumf>, %select_n3A_439, %reduce_min3A_443 [0] : vector<512x256xf32> to vector<256xf32>
      %broadcast_in_dim3A_445 = vector.shape_cast %reduce_min3A_444 : vector<256xf32> to vector<1x256xf32>
      %eq3A_446 = vector.broadcast %broadcast_in_dim3A_445 : vector<1x256xf32> to vector<512x256xf32>
      %eq3A_447 = arith.cmpf oeq, %select_n3A_439, %eq3A_446 : vector<512x256xf32>
      %jit3A_448 = arith.constant 8192 : i32
      %broadcast_in_dim3A_449 = vector.broadcast %jit3A_448 : i32 to vector<512x256xi32>
      %select_n3A_450 = arith.select %eq3A_447, %add3A_435, %broadcast_in_dim3A_449 : vector<512x256xi1>, vector<512x256xi32>
      %reduce_min3A_451 = arith.constant dense<2147483647> : vector<256xi32>
      %reduce_min3A_452 = vector.multi_reduction <minsi>, %select_n3A_450, %reduce_min3A_451 [0] : vector<512x256xi32> to vector<256xi32>
      %broadcast_in_dim3A_453 = vector.shape_cast %reduce_min3A_452 : vector<256xi32> to vector<1x256xi32>
      %lt3A_454 = arith.cmpf olt, %broadcast_in_dim3A_445, %while3A_427 : vector<1x256xf32>
      %eq3A_455 = arith.cmpf oeq, %broadcast_in_dim3A_445, %while3A_427 : vector<1x256xf32>
      %lt3A_456 = arith.cmpi slt, %broadcast_in_dim3A_453, %while3A_428 : vector<1x256xi32>
      %and3A_457 = arith.andi %eq3A_455, %lt3A_456 : vector<1x256xi1>
      %or3A = arith.ori %lt3A_454, %and3A_457 : vector<1x256xi1>
      %select_n3A_458 = arith.select %or3A, %broadcast_in_dim3A_445, %while3A_427 : vector<1x256xi1>, vector<1x256xf32>
      %select_n3A_459 = arith.select %or3A, %broadcast_in_dim3A_453, %while3A_428 : vector<1x256xi1>, vector<1x256xi32>
      scf.yield %select_n3A_458, %select_n3A_459 : vector<1x256xf32>, vector<1x256xi32>
    }
    %while3A_268 = arith.constant 1 : i32
    %while3A_269:2 = scf.for %while3A_426 = %while3A_265 to %while3A_261 step %while3A_268 iter_args(%while3A_427 = %while3A_267#0, %while3A_428 = %while3A_267#1) -> (vector<1x256xf32>, vector<1x256xi32>)  : i32 {
      %mul3A_429 = arith.constant 512 : i32
      %mul3A_430 = arith.muli %while3A_426, %mul3A_429 : i32
      %multiple_of3A = tpu.assume_multiple %mul3A_430, 512 : i32
      %get3A_431 = arith.index_cast %multiple_of3A : i32 to index
      %get3A_432 = arith.constant 0 : index
      %get3A_433 = vector.load %arg6[%get3A_431, %get3A_432] : memref<8192x256xf32, #tpu.memory_space<vmem>>, vector<512x256xf32>
      %iota3A = tpu.iota {dimensions = array<i32: 0>} : vector<512x256xi32>
      %add3A_434 = vector.broadcast %multiple_of3A : i32 to vector<512x256xi32>
      %add3A_435 = arith.addi %add3A_434, %iota3A : vector<512x256xi32>
      %eq3A = vector.broadcast %while3A_252#1 : vector<1x256xi32> to vector<512x256xi32>
      %eq3A_436 = arith.cmpi eq, %add3A_435, %eq3A : vector<512x256xi32>
      %jit3A_437 = arith.constant 0x7F800000 : f32
      %broadcast_in_dim3A_438 = vector.broadcast %jit3A_437 : f32 to vector<512x256xf32>
      %select_n3A_439 = arith.select %eq3A_436, %broadcast_in_dim3A_438, %get3A_433 : vector<512x256xi1>, vector<512x256xf32>
      %swap3A_440 = arith.index_cast %multiple_of3A : i32 to index
      %swap3A_441 = arith.constant 0 : index
      %swap3A_442 = vector.load %arg6[%swap3A_440, %swap3A_441] : memref<8192x256xf32, #tpu.memory_space<vmem>>, vector<512x256xf32>
      tpu.vector_store %arg6[%swap3A_440, %swap3A_441], %select_n3A_439 {strides = array<i32>} : memref<8192x256xf32, #tpu.memory_space<vmem>>, vector<512x256xf32>,
      %reduce_min3A_443 = arith.constant dense<0x7F800000> : vector<256xf32>
      %reduce_min3A_444 = vector.multi_reduction <minimumf>, %select_n3A_439, %reduce_min3A_443 [0] : vector<512x256xf32> to vector<256xf32>
      %broadcast_in_dim3A_445 = vector.shape_cast %reduce_min3A_444 : vector<256xf32> to vector<1x256xf32>
      %eq3A_446 = vector.broadcast %broadcast_in_dim3A_445 : vector<1x256xf32> to vector<512x256xf32>
      %eq3A_447 = arith.cmpf oeq, %select_n3A_439, %eq3A_446 : vector<512x256xf32>
      %jit3A_448 = arith.constant 8192 : i32
      %broadcast_in_dim3A_449 = vector.broadcast %jit3A_448 : i32 to vector<512x256xi32>
      %select_n3A_450 = arith.select %eq3A_447, %add3A_435, %broadcast_in_dim3A_449 : vector<512x256xi1>, vector<512x256xi32>
      %reduce_min3A_451 = arith.constant dense<2147483647> : vector<256xi32>
      %reduce_min3A_452 = vector.multi_reduction <minsi>, %select_n3A_450, %reduce_min3A_451 [0] : vector<512x256xi32> to vector<256xi32>
      %broadcast_in_dim3A_453 = vector.shape_cast %reduce_min3A_452 : vector<256xi32> to vector<1x256xi32>
      %lt3A_454 = arith.cmpf olt, %broadcast_in_dim3A_445, %while3A_427 : vector<1x256xf32>
      %eq3A_455 = arith.cmpf oeq, %broadcast_in_dim3A_445, %while3A_427 : vector<1x256xf32>
      %lt3A_456 = arith.cmpi slt, %broadcast_in_dim3A_453, %while3A_428 : vector<1x256xi32>
      %and3A_457 = arith.andi %eq3A_455, %lt3A_456 : vector<1x256xi1>
      %or3A = arith.ori %lt3A_454, %and3A_457 : vector<1x256xi1>
      %select_n3A_458 = arith.select %or3A, %broadcast_in_dim3A_445, %while3A_427 : vector<1x256xi1>, vector<1x256xf32>
      %select_n3A_459 = arith.select %or3A, %broadcast_in_dim3A_453, %while3A_428 : vector<1x256xi1>, vector<1x256xi32>
      scf.yield %select_n3A_458, %select_n3A_459 : vector<1x256xf32>, vector<1x256xi32>
    }
    %swap3A_270 = arith.constant 10 : index
    %swap3A_271 = arith.constant 0 : index
    %swap3A_272 = vector.load %arg5[%swap3A_270, %swap3A_271] : memref<24x256xi32, #tpu.memory_space<vmem>>, vector<1x256xi32>
    tpu.vector_store %arg5[%swap3A_270, %swap3A_271], %while3A_269#1 {strides = array<i32>} : memref<24x256xi32, #tpu.memory_space<vmem>>, vector<1x256xi32>,
    %broadcast_in_dim3A_273 = arith.constant 0x7F800000 : f32
    %broadcast_in_dim3A_274 = vector.broadcast %broadcast_in_dim3A_273 : f32 to vector<1x256xf32>
    %broadcast_in_dim3A_275 = arith.constant 8192 : i32
    %broadcast_in_dim3A_276 = vector.broadcast %broadcast_in_dim3A_275 : i32 to vector<1x256xi32>
    %while3A_277 = arith.subi %select_n3A_74, %select_n3A : i32
    %while3A_278 = arith.addi %select_n3A, %while3A_277 : i32
    %while3A_279 = arith.constant 1 : i32
    %while3A_280 = arith.divsi %while3A_277, %while3A_279 : i32
    %while3A_281 = arith.muli %while3A_280, %while3A_279 : i32
    %while3A_282 = arith.addi %select_n3A, %while3A_281 : i32
    %while3A_283 = arith.constant 1 : i32
    %while3A_284:2 = scf.for %while3A_426 = %select_n3A to %while3A_282 step %while3A_283 iter_args(%while3A_427 = %broadcast_in_dim3A_274, %while3A_428 = %broadcast_in_dim3A_276) -> (vector<1x256xf32>, vector<1x256xi32>)  : i32 {
      %mul3A_429 = arith.constant 512 : i32
      %mul3A_430 = arith.muli %while3A_426, %mul3A_429 : i32
      %multiple_of3A = tpu.assume_multiple %mul3A_430, 512 : i32
      %get3A_431 = arith.index_cast %multiple_of3A : i32 to index
      %get3A_432 = arith.constant 0 : index
      %get3A_433 = vector.load %arg6[%get3A_431, %get3A_432] : memref<8192x256xf32, #tpu.memory_space<vmem>>, vector<512x256xf32>
      %iota3A = tpu.iota {dimensions = array<i32: 0>} : vector<512x256xi32>
      %add3A_434 = vector.broadcast %multiple_of3A : i32 to vector<512x256xi32>
      %add3A_435 = arith.addi %add3A_434, %iota3A : vector<512x256xi32>
      %eq3A = vector.broadcast %while3A_269#1 : vector<1x256xi32> to vector<512x256xi32>
      %eq3A_436 = arith.cmpi eq, %add3A_435, %eq3A : vector<512x256xi32>
      %jit3A_437 = arith.constant 0x7F800000 : f32
      %broadcast_in_dim3A_438 = vector.broadcast %jit3A_437 : f32 to vector<512x256xf32>
      %select_n3A_439 = arith.select %eq3A_436, %broadcast_in_dim3A_438, %get3A_433 : vector<512x256xi1>, vector<512x256xf32>
      %swap3A_440 = arith.index_cast %multiple_of3A : i32 to index
      %swap3A_441 = arith.constant 0 : index
      %swap3A_442 = vector.load %arg6[%swap3A_440, %swap3A_441] : memref<8192x256xf32, #tpu.memory_space<vmem>>, vector<512x256xf32>
      tpu.vector_store %arg6[%swap3A_440, %swap3A_441], %select_n3A_439 {strides = array<i32>} : memref<8192x256xf32, #tpu.memory_space<vmem>>, vector<512x256xf32>,
      %reduce_min3A_443 = arith.constant dense<0x7F800000> : vector<256xf32>
      %reduce_min3A_444 = vector.multi_reduction <minimumf>, %select_n3A_439, %reduce_min3A_443 [0] : vector<512x256xf32> to vector<256xf32>
      %broadcast_in_dim3A_445 = vector.shape_cast %reduce_min3A_444 : vector<256xf32> to vector<1x256xf32>
      %eq3A_446 = vector.broadcast %broadcast_in_dim3A_445 : vector<1x256xf32> to vector<512x256xf32>
      %eq3A_447 = arith.cmpf oeq, %select_n3A_439, %eq3A_446 : vector<512x256xf32>
      %jit3A_448 = arith.constant 8192 : i32
      %broadcast_in_dim3A_449 = vector.broadcast %jit3A_448 : i32 to vector<512x256xi32>
      %select_n3A_450 = arith.select %eq3A_447, %add3A_435, %broadcast_in_dim3A_449 : vector<512x256xi1>, vector<512x256xi32>
      %reduce_min3A_451 = arith.constant dense<2147483647> : vector<256xi32>
      %reduce_min3A_452 = vector.multi_reduction <minsi>, %select_n3A_450, %reduce_min3A_451 [0] : vector<512x256xi32> to vector<256xi32>
      %broadcast_in_dim3A_453 = vector.shape_cast %reduce_min3A_452 : vector<256xi32> to vector<1x256xi32>
      %lt3A_454 = arith.cmpf olt, %broadcast_in_dim3A_445, %while3A_427 : vector<1x256xf32>
      %eq3A_455 = arith.cmpf oeq, %broadcast_in_dim3A_445, %while3A_427 : vector<1x256xf32>
      %lt3A_456 = arith.cmpi slt, %broadcast_in_dim3A_453, %while3A_428 : vector<1x256xi32>
      %and3A_457 = arith.andi %eq3A_455, %lt3A_456 : vector<1x256xi1>
      %or3A = arith.ori %lt3A_454, %and3A_457 : vector<1x256xi1>
      %select_n3A_458 = arith.select %or3A, %broadcast_in_dim3A_445, %while3A_427 : vector<1x256xi1>, vector<1x256xf32>
      %select_n3A_459 = arith.select %or3A, %broadcast_in_dim3A_453, %while3A_428 : vector<1x256xi1>, vector<1x256xi32>
      scf.yield %select_n3A_458, %select_n3A_459 : vector<1x256xf32>, vector<1x256xi32>
    }
    %while3A_285 = arith.constant 1 : i32
    %while3A_286:2 = scf.for %while3A_426 = %while3A_282 to %while3A_278 step %while3A_285 iter_args(%while3A_427 = %while3A_284#0, %while3A_428 = %while3A_284#1) -> (vector<1x256xf32>, vector<1x256xi32>)  : i32 {
      %mul3A_429 = arith.constant 512 : i32
      %mul3A_430 = arith.muli %while3A_426, %mul3A_429 : i32
      %multiple_of3A = tpu.assume_multiple %mul3A_430, 512 : i32
      %get3A_431 = arith.index_cast %multiple_of3A : i32 to index
      %get3A_432 = arith.constant 0 : index
      %get3A_433 = vector.load %arg6[%get3A_431, %get3A_432] : memref<8192x256xf32, #tpu.memory_space<vmem>>, vector<512x256xf32>
      %iota3A = tpu.iota {dimensions = array<i32: 0>} : vector<512x256xi32>
      %add3A_434 = vector.broadcast %multiple_of3A : i32 to vector<512x256xi32>
      %add3A_435 = arith.addi %add3A_434, %iota3A : vector<512x256xi32>
      %eq3A = vector.broadcast %while3A_269#1 : vector<1x256xi32> to vector<512x256xi32>
      %eq3A_436 = arith.cmpi eq, %add3A_435, %eq3A : vector<512x256xi32>
      %jit3A_437 = arith.constant 0x7F800000 : f32
      %broadcast_in_dim3A_438 = vector.broadcast %jit3A_437 : f32 to vector<512x256xf32>
      %select_n3A_439 = arith.select %eq3A_436, %broadcast_in_dim3A_438, %get3A_433 : vector<512x256xi1>, vector<512x256xf32>
      %swap3A_440 = arith.index_cast %multiple_of3A : i32 to index
      %swap3A_441 = arith.constant 0 : index
      %swap3A_442 = vector.load %arg6[%swap3A_440, %swap3A_441] : memref<8192x256xf32, #tpu.memory_space<vmem>>, vector<512x256xf32>
      tpu.vector_store %arg6[%swap3A_440, %swap3A_441], %select_n3A_439 {strides = array<i32>} : memref<8192x256xf32, #tpu.memory_space<vmem>>, vector<512x256xf32>,
      %reduce_min3A_443 = arith.constant dense<0x7F800000> : vector<256xf32>
      %reduce_min3A_444 = vector.multi_reduction <minimumf>, %select_n3A_439, %reduce_min3A_443 [0] : vector<512x256xf32> to vector<256xf32>
      %broadcast_in_dim3A_445 = vector.shape_cast %reduce_min3A_444 : vector<256xf32> to vector<1x256xf32>
      %eq3A_446 = vector.broadcast %broadcast_in_dim3A_445 : vector<1x256xf32> to vector<512x256xf32>
      %eq3A_447 = arith.cmpf oeq, %select_n3A_439, %eq3A_446 : vector<512x256xf32>
      %jit3A_448 = arith.constant 8192 : i32
      %broadcast_in_dim3A_449 = vector.broadcast %jit3A_448 : i32 to vector<512x256xi32>
      %select_n3A_450 = arith.select %eq3A_447, %add3A_435, %broadcast_in_dim3A_449 : vector<512x256xi1>, vector<512x256xi32>
      %reduce_min3A_451 = arith.constant dense<2147483647> : vector<256xi32>
      %reduce_min3A_452 = vector.multi_reduction <minsi>, %select_n3A_450, %reduce_min3A_451 [0] : vector<512x256xi32> to vector<256xi32>
      %broadcast_in_dim3A_453 = vector.shape_cast %reduce_min3A_452 : vector<256xi32> to vector<1x256xi32>
      %lt3A_454 = arith.cmpf olt, %broadcast_in_dim3A_445, %while3A_427 : vector<1x256xf32>
      %eq3A_455 = arith.cmpf oeq, %broadcast_in_dim3A_445, %while3A_427 : vector<1x256xf32>
      %lt3A_456 = arith.cmpi slt, %broadcast_in_dim3A_453, %while3A_428 : vector<1x256xi32>
      %and3A_457 = arith.andi %eq3A_455, %lt3A_456 : vector<1x256xi1>
      %or3A = arith.ori %lt3A_454, %and3A_457 : vector<1x256xi1>
      %select_n3A_458 = arith.select %or3A, %broadcast_in_dim3A_445, %while3A_427 : vector<1x256xi1>, vector<1x256xf32>
      %select_n3A_459 = arith.select %or3A, %broadcast_in_dim3A_453, %while3A_428 : vector<1x256xi1>, vector<1x256xi32>
      scf.yield %select_n3A_458, %select_n3A_459 : vector<1x256xf32>, vector<1x256xi32>
    }
    %swap3A_287 = arith.constant 11 : index
    %swap3A_288 = arith.constant 0 : index
    %swap3A_289 = vector.load %arg5[%swap3A_287, %swap3A_288] : memref<24x256xi32, #tpu.memory_space<vmem>>, vector<1x256xi32>
    tpu.vector_store %arg5[%swap3A_287, %swap3A_288], %while3A_286#1 {strides = array<i32>} : memref<24x256xi32, #tpu.memory_space<vmem>>, vector<1x256xi32>,
    %broadcast_in_dim3A_290 = arith.constant 0x7F800000 : f32
    %broadcast_in_dim3A_291 = vector.broadcast %broadcast_in_dim3A_290 : f32 to vector<1x256xf32>
    %broadcast_in_dim3A_292 = arith.constant 8192 : i32
    %broadcast_in_dim3A_293 = vector.broadcast %broadcast_in_dim3A_292 : i32 to vector<1x256xi32>
    %while3A_294 = arith.subi %select_n3A_74, %select_n3A : i32
    %while3A_295 = arith.addi %select_n3A, %while3A_294 : i32
    %while3A_296 = arith.constant 1 : i32
    %while3A_297 = arith.divsi %while3A_294, %while3A_296 : i32
    %while3A_298 = arith.muli %while3A_297, %while3A_296 : i32
    %while3A_299 = arith.addi %select_n3A, %while3A_298 : i32
    %while3A_300 = arith.constant 1 : i32
    %while3A_301:2 = scf.for %while3A_426 = %select_n3A to %while3A_299 step %while3A_300 iter_args(%while3A_427 = %broadcast_in_dim3A_291, %while3A_428 = %broadcast_in_dim3A_293) -> (vector<1x256xf32>, vector<1x256xi32>)  : i32 {
      %mul3A_429 = arith.constant 512 : i32
      %mul3A_430 = arith.muli %while3A_426, %mul3A_429 : i32
      %multiple_of3A = tpu.assume_multiple %mul3A_430, 512 : i32
      %get3A_431 = arith.index_cast %multiple_of3A : i32 to index
      %get3A_432 = arith.constant 0 : index
      %get3A_433 = vector.load %arg6[%get3A_431, %get3A_432] : memref<8192x256xf32, #tpu.memory_space<vmem>>, vector<512x256xf32>
      %iota3A = tpu.iota {dimensions = array<i32: 0>} : vector<512x256xi32>
      %add3A_434 = vector.broadcast %multiple_of3A : i32 to vector<512x256xi32>
      %add3A_435 = arith.addi %add3A_434, %iota3A : vector<512x256xi32>
      %eq3A = vector.broadcast %while3A_286#1 : vector<1x256xi32> to vector<512x256xi32>
      %eq3A_436 = arith.cmpi eq, %add3A_435, %eq3A : vector<512x256xi32>
      %jit3A_437 = arith.constant 0x7F800000 : f32
      %broadcast_in_dim3A_438 = vector.broadcast %jit3A_437 : f32 to vector<512x256xf32>
      %select_n3A_439 = arith.select %eq3A_436, %broadcast_in_dim3A_438, %get3A_433 : vector<512x256xi1>, vector<512x256xf32>
      %swap3A_440 = arith.index_cast %multiple_of3A : i32 to index
      %swap3A_441 = arith.constant 0 : index
      %swap3A_442 = vector.load %arg6[%swap3A_440, %swap3A_441] : memref<8192x256xf32, #tpu.memory_space<vmem>>, vector<512x256xf32>
      tpu.vector_store %arg6[%swap3A_440, %swap3A_441], %select_n3A_439 {strides = array<i32>} : memref<8192x256xf32, #tpu.memory_space<vmem>>, vector<512x256xf32>,
      %reduce_min3A_443 = arith.constant dense<0x7F800000> : vector<256xf32>
      %reduce_min3A_444 = vector.multi_reduction <minimumf>, %select_n3A_439, %reduce_min3A_443 [0] : vector<512x256xf32> to vector<256xf32>
      %broadcast_in_dim3A_445 = vector.shape_cast %reduce_min3A_444 : vector<256xf32> to vector<1x256xf32>
      %eq3A_446 = vector.broadcast %broadcast_in_dim3A_445 : vector<1x256xf32> to vector<512x256xf32>
      %eq3A_447 = arith.cmpf oeq, %select_n3A_439, %eq3A_446 : vector<512x256xf32>
      %jit3A_448 = arith.constant 8192 : i32
      %broadcast_in_dim3A_449 = vector.broadcast %jit3A_448 : i32 to vector<512x256xi32>
      %select_n3A_450 = arith.select %eq3A_447, %add3A_435, %broadcast_in_dim3A_449 : vector<512x256xi1>, vector<512x256xi32>
      %reduce_min3A_451 = arith.constant dense<2147483647> : vector<256xi32>
      %reduce_min3A_452 = vector.multi_reduction <minsi>, %select_n3A_450, %reduce_min3A_451 [0] : vector<512x256xi32> to vector<256xi32>
      %broadcast_in_dim3A_453 = vector.shape_cast %reduce_min3A_452 : vector<256xi32> to vector<1x256xi32>
      %lt3A_454 = arith.cmpf olt, %broadcast_in_dim3A_445, %while3A_427 : vector<1x256xf32>
      %eq3A_455 = arith.cmpf oeq, %broadcast_in_dim3A_445, %while3A_427 : vector<1x256xf32>
      %lt3A_456 = arith.cmpi slt, %broadcast_in_dim3A_453, %while3A_428 : vector<1x256xi32>
      %and3A_457 = arith.andi %eq3A_455, %lt3A_456 : vector<1x256xi1>
      %or3A = arith.ori %lt3A_454, %and3A_457 : vector<1x256xi1>
      %select_n3A_458 = arith.select %or3A, %broadcast_in_dim3A_445, %while3A_427 : vector<1x256xi1>, vector<1x256xf32>
      %select_n3A_459 = arith.select %or3A, %broadcast_in_dim3A_453, %while3A_428 : vector<1x256xi1>, vector<1x256xi32>
      scf.yield %select_n3A_458, %select_n3A_459 : vector<1x256xf32>, vector<1x256xi32>
    }
    %while3A_302 = arith.constant 1 : i32
    %while3A_303:2 = scf.for %while3A_426 = %while3A_299 to %while3A_295 step %while3A_302 iter_args(%while3A_427 = %while3A_301#0, %while3A_428 = %while3A_301#1) -> (vector<1x256xf32>, vector<1x256xi32>)  : i32 {
      %mul3A_429 = arith.constant 512 : i32
      %mul3A_430 = arith.muli %while3A_426, %mul3A_429 : i32
      %multiple_of3A = tpu.assume_multiple %mul3A_430, 512 : i32
      %get3A_431 = arith.index_cast %multiple_of3A : i32 to index
      %get3A_432 = arith.constant 0 : index
      %get3A_433 = vector.load %arg6[%get3A_431, %get3A_432] : memref<8192x256xf32, #tpu.memory_space<vmem>>, vector<512x256xf32>
      %iota3A = tpu.iota {dimensions = array<i32: 0>} : vector<512x256xi32>
      %add3A_434 = vector.broadcast %multiple_of3A : i32 to vector<512x256xi32>
      %add3A_435 = arith.addi %add3A_434, %iota3A : vector<512x256xi32>
      %eq3A = vector.broadcast %while3A_286#1 : vector<1x256xi32> to vector<512x256xi32>
      %eq3A_436 = arith.cmpi eq, %add3A_435, %eq3A : vector<512x256xi32>
      %jit3A_437 = arith.constant 0x7F800000 : f32
      %broadcast_in_dim3A_438 = vector.broadcast %jit3A_437 : f32 to vector<512x256xf32>
      %select_n3A_439 = arith.select %eq3A_436, %broadcast_in_dim3A_438, %get3A_433 : vector<512x256xi1>, vector<512x256xf32>
      %swap3A_440 = arith.index_cast %multiple_of3A : i32 to index
      %swap3A_441 = arith.constant 0 : index
      %swap3A_442 = vector.load %arg6[%swap3A_440, %swap3A_441] : memref<8192x256xf32, #tpu.memory_space<vmem>>, vector<512x256xf32>
      tpu.vector_store %arg6[%swap3A_440, %swap3A_441], %select_n3A_439 {strides = array<i32>} : memref<8192x256xf32, #tpu.memory_space<vmem>>, vector<512x256xf32>,
      %reduce_min3A_443 = arith.constant dense<0x7F800000> : vector<256xf32>
      %reduce_min3A_444 = vector.multi_reduction <minimumf>, %select_n3A_439, %reduce_min3A_443 [0] : vector<512x256xf32> to vector<256xf32>
      %broadcast_in_dim3A_445 = vector.shape_cast %reduce_min3A_444 : vector<256xf32> to vector<1x256xf32>
      %eq3A_446 = vector.broadcast %broadcast_in_dim3A_445 : vector<1x256xf32> to vector<512x256xf32>
      %eq3A_447 = arith.cmpf oeq, %select_n3A_439, %eq3A_446 : vector<512x256xf32>
      %jit3A_448 = arith.constant 8192 : i32
      %broadcast_in_dim3A_449 = vector.broadcast %jit3A_448 : i32 to vector<512x256xi32>
      %select_n3A_450 = arith.select %eq3A_447, %add3A_435, %broadcast_in_dim3A_449 : vector<512x256xi1>, vector<512x256xi32>
      %reduce_min3A_451 = arith.constant dense<2147483647> : vector<256xi32>
      %reduce_min3A_452 = vector.multi_reduction <minsi>, %select_n3A_450, %reduce_min3A_451 [0] : vector<512x256xi32> to vector<256xi32>
      %broadcast_in_dim3A_453 = vector.shape_cast %reduce_min3A_452 : vector<256xi32> to vector<1x256xi32>
      %lt3A_454 = arith.cmpf olt, %broadcast_in_dim3A_445, %while3A_427 : vector<1x256xf32>
      %eq3A_455 = arith.cmpf oeq, %broadcast_in_dim3A_445, %while3A_427 : vector<1x256xf32>
      %lt3A_456 = arith.cmpi slt, %broadcast_in_dim3A_453, %while3A_428 : vector<1x256xi32>
      %and3A_457 = arith.andi %eq3A_455, %lt3A_456 : vector<1x256xi1>
      %or3A = arith.ori %lt3A_454, %and3A_457 : vector<1x256xi1>
      %select_n3A_458 = arith.select %or3A, %broadcast_in_dim3A_445, %while3A_427 : vector<1x256xi1>, vector<1x256xf32>
      %select_n3A_459 = arith.select %or3A, %broadcast_in_dim3A_453, %while3A_428 : vector<1x256xi1>, vector<1x256xi32>
      scf.yield %select_n3A_458, %select_n3A_459 : vector<1x256xf32>, vector<1x256xi32>
    }
    %swap3A_304 = arith.constant 12 : index
    %swap3A_305 = arith.constant 0 : index
    %swap3A_306 = vector.load %arg5[%swap3A_304, %swap3A_305] : memref<24x256xi32, #tpu.memory_space<vmem>>, vector<1x256xi32>
    tpu.vector_store %arg5[%swap3A_304, %swap3A_305], %while3A_303#1 {strides = array<i32>} : memref<24x256xi32, #tpu.memory_space<vmem>>, vector<1x256xi32>,
    %broadcast_in_dim3A_307 = arith.constant 0x7F800000 : f32
    %broadcast_in_dim3A_308 = vector.broadcast %broadcast_in_dim3A_307 : f32 to vector<1x256xf32>
    %broadcast_in_dim3A_309 = arith.constant 8192 : i32
    %broadcast_in_dim3A_310 = vector.broadcast %broadcast_in_dim3A_309 : i32 to vector<1x256xi32>
    %while3A_311 = arith.subi %select_n3A_74, %select_n3A : i32
    %while3A_312 = arith.addi %select_n3A, %while3A_311 : i32
    %while3A_313 = arith.constant 1 : i32
    %while3A_314 = arith.divsi %while3A_311, %while3A_313 : i32
    %while3A_315 = arith.muli %while3A_314, %while3A_313 : i32
    %while3A_316 = arith.addi %select_n3A, %while3A_315 : i32
    %while3A_317 = arith.constant 1 : i32
    %while3A_318:2 = scf.for %while3A_426 = %select_n3A to %while3A_316 step %while3A_317 iter_args(%while3A_427 = %broadcast_in_dim3A_308, %while3A_428 = %broadcast_in_dim3A_310) -> (vector<1x256xf32>, vector<1x256xi32>)  : i32 {
      %mul3A_429 = arith.constant 512 : i32
      %mul3A_430 = arith.muli %while3A_426, %mul3A_429 : i32
      %multiple_of3A = tpu.assume_multiple %mul3A_430, 512 : i32
      %get3A_431 = arith.index_cast %multiple_of3A : i32 to index
      %get3A_432 = arith.constant 0 : index
      %get3A_433 = vector.load %arg6[%get3A_431, %get3A_432] : memref<8192x256xf32, #tpu.memory_space<vmem>>, vector<512x256xf32>
      %iota3A = tpu.iota {dimensions = array<i32: 0>} : vector<512x256xi32>
      %add3A_434 = vector.broadcast %multiple_of3A : i32 to vector<512x256xi32>
      %add3A_435 = arith.addi %add3A_434, %iota3A : vector<512x256xi32>
      %eq3A = vector.broadcast %while3A_303#1 : vector<1x256xi32> to vector<512x256xi32>
      %eq3A_436 = arith.cmpi eq, %add3A_435, %eq3A : vector<512x256xi32>
      %jit3A_437 = arith.constant 0x7F800000 : f32
      %broadcast_in_dim3A_438 = vector.broadcast %jit3A_437 : f32 to vector<512x256xf32>
      %select_n3A_439 = arith.select %eq3A_436, %broadcast_in_dim3A_438, %get3A_433 : vector<512x256xi1>, vector<512x256xf32>
      %swap3A_440 = arith.index_cast %multiple_of3A : i32 to index
      %swap3A_441 = arith.constant 0 : index
      %swap3A_442 = vector.load %arg6[%swap3A_440, %swap3A_441] : memref<8192x256xf32, #tpu.memory_space<vmem>>, vector<512x256xf32>
      tpu.vector_store %arg6[%swap3A_440, %swap3A_441], %select_n3A_439 {strides = array<i32>} : memref<8192x256xf32, #tpu.memory_space<vmem>>, vector<512x256xf32>,
      %reduce_min3A_443 = arith.constant dense<0x7F800000> : vector<256xf32>
      %reduce_min3A_444 = vector.multi_reduction <minimumf>, %select_n3A_439, %reduce_min3A_443 [0] : vector<512x256xf32> to vector<256xf32>
      %broadcast_in_dim3A_445 = vector.shape_cast %reduce_min3A_444 : vector<256xf32> to vector<1x256xf32>
      %eq3A_446 = vector.broadcast %broadcast_in_dim3A_445 : vector<1x256xf32> to vector<512x256xf32>
      %eq3A_447 = arith.cmpf oeq, %select_n3A_439, %eq3A_446 : vector<512x256xf32>
      %jit3A_448 = arith.constant 8192 : i32
      %broadcast_in_dim3A_449 = vector.broadcast %jit3A_448 : i32 to vector<512x256xi32>
      %select_n3A_450 = arith.select %eq3A_447, %add3A_435, %broadcast_in_dim3A_449 : vector<512x256xi1>, vector<512x256xi32>
      %reduce_min3A_451 = arith.constant dense<2147483647> : vector<256xi32>
      %reduce_min3A_452 = vector.multi_reduction <minsi>, %select_n3A_450, %reduce_min3A_451 [0] : vector<512x256xi32> to vector<256xi32>
      %broadcast_in_dim3A_453 = vector.shape_cast %reduce_min3A_452 : vector<256xi32> to vector<1x256xi32>
      %lt3A_454 = arith.cmpf olt, %broadcast_in_dim3A_445, %while3A_427 : vector<1x256xf32>
      %eq3A_455 = arith.cmpf oeq, %broadcast_in_dim3A_445, %while3A_427 : vector<1x256xf32>
      %lt3A_456 = arith.cmpi slt, %broadcast_in_dim3A_453, %while3A_428 : vector<1x256xi32>
      %and3A_457 = arith.andi %eq3A_455, %lt3A_456 : vector<1x256xi1>
      %or3A = arith.ori %lt3A_454, %and3A_457 : vector<1x256xi1>
      %select_n3A_458 = arith.select %or3A, %broadcast_in_dim3A_445, %while3A_427 : vector<1x256xi1>, vector<1x256xf32>
      %select_n3A_459 = arith.select %or3A, %broadcast_in_dim3A_453, %while3A_428 : vector<1x256xi1>, vector<1x256xi32>
      scf.yield %select_n3A_458, %select_n3A_459 : vector<1x256xf32>, vector<1x256xi32>
    }
    %while3A_319 = arith.constant 1 : i32
    %while3A_320:2 = scf.for %while3A_426 = %while3A_316 to %while3A_312 step %while3A_319 iter_args(%while3A_427 = %while3A_318#0, %while3A_428 = %while3A_318#1) -> (vector<1x256xf32>, vector<1x256xi32>)  : i32 {
      %mul3A_429 = arith.constant 512 : i32
      %mul3A_430 = arith.muli %while3A_426, %mul3A_429 : i32
      %multiple_of3A = tpu.assume_multiple %mul3A_430, 512 : i32
      %get3A_431 = arith.index_cast %multiple_of3A : i32 to index
      %get3A_432 = arith.constant 0 : index
      %get3A_433 = vector.load %arg6[%get3A_431, %get3A_432] : memref<8192x256xf32, #tpu.memory_space<vmem>>, vector<512x256xf32>
      %iota3A = tpu.iota {dimensions = array<i32: 0>} : vector<512x256xi32>
      %add3A_434 = vector.broadcast %multiple_of3A : i32 to vector<512x256xi32>
      %add3A_435 = arith.addi %add3A_434, %iota3A : vector<512x256xi32>
      %eq3A = vector.broadcast %while3A_303#1 : vector<1x256xi32> to vector<512x256xi32>
      %eq3A_436 = arith.cmpi eq, %add3A_435, %eq3A : vector<512x256xi32>
      %jit3A_437 = arith.constant 0x7F800000 : f32
      %broadcast_in_dim3A_438 = vector.broadcast %jit3A_437 : f32 to vector<512x256xf32>
      %select_n3A_439 = arith.select %eq3A_436, %broadcast_in_dim3A_438, %get3A_433 : vector<512x256xi1>, vector<512x256xf32>
      %swap3A_440 = arith.index_cast %multiple_of3A : i32 to index
      %swap3A_441 = arith.constant 0 : index
      %swap3A_442 = vector.load %arg6[%swap3A_440, %swap3A_441] : memref<8192x256xf32, #tpu.memory_space<vmem>>, vector<512x256xf32>
      tpu.vector_store %arg6[%swap3A_440, %swap3A_441], %select_n3A_439 {strides = array<i32>} : memref<8192x256xf32, #tpu.memory_space<vmem>>, vector<512x256xf32>,
      %reduce_min3A_443 = arith.constant dense<0x7F800000> : vector<256xf32>
      %reduce_min3A_444 = vector.multi_reduction <minimumf>, %select_n3A_439, %reduce_min3A_443 [0] : vector<512x256xf32> to vector<256xf32>
      %broadcast_in_dim3A_445 = vector.shape_cast %reduce_min3A_444 : vector<256xf32> to vector<1x256xf32>
      %eq3A_446 = vector.broadcast %broadcast_in_dim3A_445 : vector<1x256xf32> to vector<512x256xf32>
      %eq3A_447 = arith.cmpf oeq, %select_n3A_439, %eq3A_446 : vector<512x256xf32>
      %jit3A_448 = arith.constant 8192 : i32
      %broadcast_in_dim3A_449 = vector.broadcast %jit3A_448 : i32 to vector<512x256xi32>
      %select_n3A_450 = arith.select %eq3A_447, %add3A_435, %broadcast_in_dim3A_449 : vector<512x256xi1>, vector<512x256xi32>
      %reduce_min3A_451 = arith.constant dense<2147483647> : vector<256xi32>
      %reduce_min3A_452 = vector.multi_reduction <minsi>, %select_n3A_450, %reduce_min3A_451 [0] : vector<512x256xi32> to vector<256xi32>
      %broadcast_in_dim3A_453 = vector.shape_cast %reduce_min3A_452 : vector<256xi32> to vector<1x256xi32>
      %lt3A_454 = arith.cmpf olt, %broadcast_in_dim3A_445, %while3A_427 : vector<1x256xf32>
      %eq3A_455 = arith.cmpf oeq, %broadcast_in_dim3A_445, %while3A_427 : vector<1x256xf32>
      %lt3A_456 = arith.cmpi slt, %broadcast_in_dim3A_453, %while3A_428 : vector<1x256xi32>
      %and3A_457 = arith.andi %eq3A_455, %lt3A_456 : vector<1x256xi1>
      %or3A = arith.ori %lt3A_454, %and3A_457 : vector<1x256xi1>
      %select_n3A_458 = arith.select %or3A, %broadcast_in_dim3A_445, %while3A_427 : vector<1x256xi1>, vector<1x256xf32>
      %select_n3A_459 = arith.select %or3A, %broadcast_in_dim3A_453, %while3A_428 : vector<1x256xi1>, vector<1x256xi32>
      scf.yield %select_n3A_458, %select_n3A_459 : vector<1x256xf32>, vector<1x256xi32>
    }
    %swap3A_321 = arith.constant 13 : index
    %swap3A_322 = arith.constant 0 : index
    %swap3A_323 = vector.load %arg5[%swap3A_321, %swap3A_322] : memref<24x256xi32, #tpu.memory_space<vmem>>, vector<1x256xi32>
    tpu.vector_store %arg5[%swap3A_321, %swap3A_322], %while3A_320#1 {strides = array<i32>} : memref<24x256xi32, #tpu.memory_space<vmem>>, vector<1x256xi32>,
    %broadcast_in_dim3A_324 = arith.constant 0x7F800000 : f32
    %broadcast_in_dim3A_325 = vector.broadcast %broadcast_in_dim3A_324 : f32 to vector<1x256xf32>
    %broadcast_in_dim3A_326 = arith.constant 8192 : i32
    %broadcast_in_dim3A_327 = vector.broadcast %broadcast_in_dim3A_326 : i32 to vector<1x256xi32>
    %while3A_328 = arith.subi %select_n3A_74, %select_n3A : i32
    %while3A_329 = arith.addi %select_n3A, %while3A_328 : i32
    %while3A_330 = arith.constant 1 : i32
    %while3A_331 = arith.divsi %while3A_328, %while3A_330 : i32
    %while3A_332 = arith.muli %while3A_331, %while3A_330 : i32
    %while3A_333 = arith.addi %select_n3A, %while3A_332 : i32
    %while3A_334 = arith.constant 1 : i32
    %while3A_335:2 = scf.for %while3A_426 = %select_n3A to %while3A_333 step %while3A_334 iter_args(%while3A_427 = %broadcast_in_dim3A_325, %while3A_428 = %broadcast_in_dim3A_327) -> (vector<1x256xf32>, vector<1x256xi32>)  : i32 {
      %mul3A_429 = arith.constant 512 : i32
      %mul3A_430 = arith.muli %while3A_426, %mul3A_429 : i32
      %multiple_of3A = tpu.assume_multiple %mul3A_430, 512 : i32
      %get3A_431 = arith.index_cast %multiple_of3A : i32 to index
      %get3A_432 = arith.constant 0 : index
      %get3A_433 = vector.load %arg6[%get3A_431, %get3A_432] : memref<8192x256xf32, #tpu.memory_space<vmem>>, vector<512x256xf32>
      %iota3A = tpu.iota {dimensions = array<i32: 0>} : vector<512x256xi32>
      %add3A_434 = vector.broadcast %multiple_of3A : i32 to vector<512x256xi32>
      %add3A_435 = arith.addi %add3A_434, %iota3A : vector<512x256xi32>
      %eq3A = vector.broadcast %while3A_320#1 : vector<1x256xi32> to vector<512x256xi32>
      %eq3A_436 = arith.cmpi eq, %add3A_435, %eq3A : vector<512x256xi32>
      %jit3A_437 = arith.constant 0x7F800000 : f32
      %broadcast_in_dim3A_438 = vector.broadcast %jit3A_437 : f32 to vector<512x256xf32>
      %select_n3A_439 = arith.select %eq3A_436, %broadcast_in_dim3A_438, %get3A_433 : vector<512x256xi1>, vector<512x256xf32>
      %swap3A_440 = arith.index_cast %multiple_of3A : i32 to index
      %swap3A_441 = arith.constant 0 : index
      %swap3A_442 = vector.load %arg6[%swap3A_440, %swap3A_441] : memref<8192x256xf32, #tpu.memory_space<vmem>>, vector<512x256xf32>
      tpu.vector_store %arg6[%swap3A_440, %swap3A_441], %select_n3A_439 {strides = array<i32>} : memref<8192x256xf32, #tpu.memory_space<vmem>>, vector<512x256xf32>,
      %reduce_min3A_443 = arith.constant dense<0x7F800000> : vector<256xf32>
      %reduce_min3A_444 = vector.multi_reduction <minimumf>, %select_n3A_439, %reduce_min3A_443 [0] : vector<512x256xf32> to vector<256xf32>
      %broadcast_in_dim3A_445 = vector.shape_cast %reduce_min3A_444 : vector<256xf32> to vector<1x256xf32>
      %eq3A_446 = vector.broadcast %broadcast_in_dim3A_445 : vector<1x256xf32> to vector<512x256xf32>
      %eq3A_447 = arith.cmpf oeq, %select_n3A_439, %eq3A_446 : vector<512x256xf32>
      %jit3A_448 = arith.constant 8192 : i32
      %broadcast_in_dim3A_449 = vector.broadcast %jit3A_448 : i32 to vector<512x256xi32>
      %select_n3A_450 = arith.select %eq3A_447, %add3A_435, %broadcast_in_dim3A_449 : vector<512x256xi1>, vector<512x256xi32>
      %reduce_min3A_451 = arith.constant dense<2147483647> : vector<256xi32>
      %reduce_min3A_452 = vector.multi_reduction <minsi>, %select_n3A_450, %reduce_min3A_451 [0] : vector<512x256xi32> to vector<256xi32>
      %broadcast_in_dim3A_453 = vector.shape_cast %reduce_min3A_452 : vector<256xi32> to vector<1x256xi32>
      %lt3A_454 = arith.cmpf olt, %broadcast_in_dim3A_445, %while3A_427 : vector<1x256xf32>
      %eq3A_455 = arith.cmpf oeq, %broadcast_in_dim3A_445, %while3A_427 : vector<1x256xf32>
      %lt3A_456 = arith.cmpi slt, %broadcast_in_dim3A_453, %while3A_428 : vector<1x256xi32>
      %and3A_457 = arith.andi %eq3A_455, %lt3A_456 : vector<1x256xi1>
      %or3A = arith.ori %lt3A_454, %and3A_457 : vector<1x256xi1>
      %select_n3A_458 = arith.select %or3A, %broadcast_in_dim3A_445, %while3A_427 : vector<1x256xi1>, vector<1x256xf32>
      %select_n3A_459 = arith.select %or3A, %broadcast_in_dim3A_453, %while3A_428 : vector<1x256xi1>, vector<1x256xi32>
      scf.yield %select_n3A_458, %select_n3A_459 : vector<1x256xf32>, vector<1x256xi32>
    }
    %while3A_336 = arith.constant 1 : i32
    %while3A_337:2 = scf.for %while3A_426 = %while3A_333 to %while3A_329 step %while3A_336 iter_args(%while3A_427 = %while3A_335#0, %while3A_428 = %while3A_335#1) -> (vector<1x256xf32>, vector<1x256xi32>)  : i32 {
      %mul3A_429 = arith.constant 512 : i32
      %mul3A_430 = arith.muli %while3A_426, %mul3A_429 : i32
      %multiple_of3A = tpu.assume_multiple %mul3A_430, 512 : i32
      %get3A_431 = arith.index_cast %multiple_of3A : i32 to index
      %get3A_432 = arith.constant 0 : index
      %get3A_433 = vector.load %arg6[%get3A_431, %get3A_432] : memref<8192x256xf32, #tpu.memory_space<vmem>>, vector<512x256xf32>
      %iota3A = tpu.iota {dimensions = array<i32: 0>} : vector<512x256xi32>
      %add3A_434 = vector.broadcast %multiple_of3A : i32 to vector<512x256xi32>
      %add3A_435 = arith.addi %add3A_434, %iota3A : vector<512x256xi32>
      %eq3A = vector.broadcast %while3A_320#1 : vector<1x256xi32> to vector<512x256xi32>
      %eq3A_436 = arith.cmpi eq, %add3A_435, %eq3A : vector<512x256xi32>
      %jit3A_437 = arith.constant 0x7F800000 : f32
      %broadcast_in_dim3A_438 = vector.broadcast %jit3A_437 : f32 to vector<512x256xf32>
      %select_n3A_439 = arith.select %eq3A_436, %broadcast_in_dim3A_438, %get3A_433 : vector<512x256xi1>, vector<512x256xf32>
      %swap3A_440 = arith.index_cast %multiple_of3A : i32 to index
      %swap3A_441 = arith.constant 0 : index
      %swap3A_442 = vector.load %arg6[%swap3A_440, %swap3A_441] : memref<8192x256xf32, #tpu.memory_space<vmem>>, vector<512x256xf32>
      tpu.vector_store %arg6[%swap3A_440, %swap3A_441], %select_n3A_439 {strides = array<i32>} : memref<8192x256xf32, #tpu.memory_space<vmem>>, vector<512x256xf32>,
      %reduce_min3A_443 = arith.constant dense<0x7F800000> : vector<256xf32>
      %reduce_min3A_444 = vector.multi_reduction <minimumf>, %select_n3A_439, %reduce_min3A_443 [0] : vector<512x256xf32> to vector<256xf32>
      %broadcast_in_dim3A_445 = vector.shape_cast %reduce_min3A_444 : vector<256xf32> to vector<1x256xf32>
      %eq3A_446 = vector.broadcast %broadcast_in_dim3A_445 : vector<1x256xf32> to vector<512x256xf32>
      %eq3A_447 = arith.cmpf oeq, %select_n3A_439, %eq3A_446 : vector<512x256xf32>
      %jit3A_448 = arith.constant 8192 : i32
      %broadcast_in_dim3A_449 = vector.broadcast %jit3A_448 : i32 to vector<512x256xi32>
      %select_n3A_450 = arith.select %eq3A_447, %add3A_435, %broadcast_in_dim3A_449 : vector<512x256xi1>, vector<512x256xi32>
      %reduce_min3A_451 = arith.constant dense<2147483647> : vector<256xi32>
      %reduce_min3A_452 = vector.multi_reduction <minsi>, %select_n3A_450, %reduce_min3A_451 [0] : vector<512x256xi32> to vector<256xi32>
      %broadcast_in_dim3A_453 = vector.shape_cast %reduce_min3A_452 : vector<256xi32> to vector<1x256xi32>
      %lt3A_454 = arith.cmpf olt, %broadcast_in_dim3A_445, %while3A_427 : vector<1x256xf32>
      %eq3A_455 = arith.cmpf oeq, %broadcast_in_dim3A_445, %while3A_427 : vector<1x256xf32>
      %lt3A_456 = arith.cmpi slt, %broadcast_in_dim3A_453, %while3A_428 : vector<1x256xi32>
      %and3A_457 = arith.andi %eq3A_455, %lt3A_456 : vector<1x256xi1>
      %or3A = arith.ori %lt3A_454, %and3A_457 : vector<1x256xi1>
      %select_n3A_458 = arith.select %or3A, %broadcast_in_dim3A_445, %while3A_427 : vector<1x256xi1>, vector<1x256xf32>
      %select_n3A_459 = arith.select %or3A, %broadcast_in_dim3A_453, %while3A_428 : vector<1x256xi1>, vector<1x256xi32>
      scf.yield %select_n3A_458, %select_n3A_459 : vector<1x256xf32>, vector<1x256xi32>
    }
    %swap3A_338 = arith.constant 14 : index
    %swap3A_339 = arith.constant 0 : index
    %swap3A_340 = vector.load %arg5[%swap3A_338, %swap3A_339] : memref<24x256xi32, #tpu.memory_space<vmem>>, vector<1x256xi32>
    tpu.vector_store %arg5[%swap3A_338, %swap3A_339], %while3A_337#1 {strides = array<i32>} : memref<24x256xi32, #tpu.memory_space<vmem>>, vector<1x256xi32>,
    %broadcast_in_dim3A_341 = arith.constant 0x7F800000 : f32
    %broadcast_in_dim3A_342 = vector.broadcast %broadcast_in_dim3A_341 : f32 to vector<1x256xf32>
    %broadcast_in_dim3A_343 = arith.constant 8192 : i32
    %broadcast_in_dim3A_344 = vector.broadcast %broadcast_in_dim3A_343 : i32 to vector<1x256xi32>
    %while3A_345 = arith.subi %select_n3A_74, %select_n3A : i32
    %while3A_346 = arith.addi %select_n3A, %while3A_345 : i32
    %while3A_347 = arith.constant 1 : i32
    %while3A_348 = arith.divsi %while3A_345, %while3A_347 : i32
    %while3A_349 = arith.muli %while3A_348, %while3A_347 : i32
    %while3A_350 = arith.addi %select_n3A, %while3A_349 : i32
    %while3A_351 = arith.constant 1 : i32
    %while3A_352:2 = scf.for %while3A_426 = %select_n3A to %while3A_350 step %while3A_351 iter_args(%while3A_427 = %broadcast_in_dim3A_342, %while3A_428 = %broadcast_in_dim3A_344) -> (vector<1x256xf32>, vector<1x256xi32>)  : i32 {
      %mul3A_429 = arith.constant 512 : i32
      %mul3A_430 = arith.muli %while3A_426, %mul3A_429 : i32
      %multiple_of3A = tpu.assume_multiple %mul3A_430, 512 : i32
      %get3A_431 = arith.index_cast %multiple_of3A : i32 to index
      %get3A_432 = arith.constant 0 : index
      %get3A_433 = vector.load %arg6[%get3A_431, %get3A_432] : memref<8192x256xf32, #tpu.memory_space<vmem>>, vector<512x256xf32>
      %iota3A = tpu.iota {dimensions = array<i32: 0>} : vector<512x256xi32>
      %add3A_434 = vector.broadcast %multiple_of3A : i32 to vector<512x256xi32>
      %add3A_435 = arith.addi %add3A_434, %iota3A : vector<512x256xi32>
      %eq3A = vector.broadcast %while3A_337#1 : vector<1x256xi32> to vector<512x256xi32>
      %eq3A_436 = arith.cmpi eq, %add3A_435, %eq3A : vector<512x256xi32>
      %jit3A_437 = arith.constant 0x7F800000 : f32
      %broadcast_in_dim3A_438 = vector.broadcast %jit3A_437 : f32 to vector<512x256xf32>
      %select_n3A_439 = arith.select %eq3A_436, %broadcast_in_dim3A_438, %get3A_433 : vector<512x256xi1>, vector<512x256xf32>
      %swap3A_440 = arith.index_cast %multiple_of3A : i32 to index
      %swap3A_441 = arith.constant 0 : index
      %swap3A_442 = vector.load %arg6[%swap3A_440, %swap3A_441] : memref<8192x256xf32, #tpu.memory_space<vmem>>, vector<512x256xf32>
      tpu.vector_store %arg6[%swap3A_440, %swap3A_441], %select_n3A_439 {strides = array<i32>} : memref<8192x256xf32, #tpu.memory_space<vmem>>, vector<512x256xf32>,
      %reduce_min3A_443 = arith.constant dense<0x7F800000> : vector<256xf32>
      %reduce_min3A_444 = vector.multi_reduction <minimumf>, %select_n3A_439, %reduce_min3A_443 [0] : vector<512x256xf32> to vector<256xf32>
      %broadcast_in_dim3A_445 = vector.shape_cast %reduce_min3A_444 : vector<256xf32> to vector<1x256xf32>
      %eq3A_446 = vector.broadcast %broadcast_in_dim3A_445 : vector<1x256xf32> to vector<512x256xf32>
      %eq3A_447 = arith.cmpf oeq, %select_n3A_439, %eq3A_446 : vector<512x256xf32>
      %jit3A_448 = arith.constant 8192 : i32
      %broadcast_in_dim3A_449 = vector.broadcast %jit3A_448 : i32 to vector<512x256xi32>
      %select_n3A_450 = arith.select %eq3A_447, %add3A_435, %broadcast_in_dim3A_449 : vector<512x256xi1>, vector<512x256xi32>
      %reduce_min3A_451 = arith.constant dense<2147483647> : vector<256xi32>
      %reduce_min3A_452 = vector.multi_reduction <minsi>, %select_n3A_450, %reduce_min3A_451 [0] : vector<512x256xi32> to vector<256xi32>
      %broadcast_in_dim3A_453 = vector.shape_cast %reduce_min3A_452 : vector<256xi32> to vector<1x256xi32>
      %lt3A_454 = arith.cmpf olt, %broadcast_in_dim3A_445, %while3A_427 : vector<1x256xf32>
      %eq3A_455 = arith.cmpf oeq, %broadcast_in_dim3A_445, %while3A_427 : vector<1x256xf32>
      %lt3A_456 = arith.cmpi slt, %broadcast_in_dim3A_453, %while3A_428 : vector<1x256xi32>
      %and3A_457 = arith.andi %eq3A_455, %lt3A_456 : vector<1x256xi1>
      %or3A = arith.ori %lt3A_454, %and3A_457 : vector<1x256xi1>
      %select_n3A_458 = arith.select %or3A, %broadcast_in_dim3A_445, %while3A_427 : vector<1x256xi1>, vector<1x256xf32>
      %select_n3A_459 = arith.select %or3A, %broadcast_in_dim3A_453, %while3A_428 : vector<1x256xi1>, vector<1x256xi32>
      scf.yield %select_n3A_458, %select_n3A_459 : vector<1x256xf32>, vector<1x256xi32>
    }
    %while3A_353 = arith.constant 1 : i32
    %while3A_354:2 = scf.for %while3A_426 = %while3A_350 to %while3A_346 step %while3A_353 iter_args(%while3A_427 = %while3A_352#0, %while3A_428 = %while3A_352#1) -> (vector<1x256xf32>, vector<1x256xi32>)  : i32 {
      %mul3A_429 = arith.constant 512 : i32
      %mul3A_430 = arith.muli %while3A_426, %mul3A_429 : i32
      %multiple_of3A = tpu.assume_multiple %mul3A_430, 512 : i32
      %get3A_431 = arith.index_cast %multiple_of3A : i32 to index
      %get3A_432 = arith.constant 0 : index
      %get3A_433 = vector.load %arg6[%get3A_431, %get3A_432] : memref<8192x256xf32, #tpu.memory_space<vmem>>, vector<512x256xf32>
      %iota3A = tpu.iota {dimensions = array<i32: 0>} : vector<512x256xi32>
      %add3A_434 = vector.broadcast %multiple_of3A : i32 to vector<512x256xi32>
      %add3A_435 = arith.addi %add3A_434, %iota3A : vector<512x256xi32>
      %eq3A = vector.broadcast %while3A_337#1 : vector<1x256xi32> to vector<512x256xi32>
      %eq3A_436 = arith.cmpi eq, %add3A_435, %eq3A : vector<512x256xi32>
      %jit3A_437 = arith.constant 0x7F800000 : f32
      %broadcast_in_dim3A_438 = vector.broadcast %jit3A_437 : f32 to vector<512x256xf32>
      %select_n3A_439 = arith.select %eq3A_436, %broadcast_in_dim3A_438, %get3A_433 : vector<512x256xi1>, vector<512x256xf32>
      %swap3A_440 = arith.index_cast %multiple_of3A : i32 to index
      %swap3A_441 = arith.constant 0 : index
      %swap3A_442 = vector.load %arg6[%swap3A_440, %swap3A_441] : memref<8192x256xf32, #tpu.memory_space<vmem>>, vector<512x256xf32>
      tpu.vector_store %arg6[%swap3A_440, %swap3A_441], %select_n3A_439 {strides = array<i32>} : memref<8192x256xf32, #tpu.memory_space<vmem>>, vector<512x256xf32>,
      %reduce_min3A_443 = arith.constant dense<0x7F800000> : vector<256xf32>
      %reduce_min3A_444 = vector.multi_reduction <minimumf>, %select_n3A_439, %reduce_min3A_443 [0] : vector<512x256xf32> to vector<256xf32>
      %broadcast_in_dim3A_445 = vector.shape_cast %reduce_min3A_444 : vector<256xf32> to vector<1x256xf32>
      %eq3A_446 = vector.broadcast %broadcast_in_dim3A_445 : vector<1x256xf32> to vector<512x256xf32>
      %eq3A_447 = arith.cmpf oeq, %select_n3A_439, %eq3A_446 : vector<512x256xf32>
      %jit3A_448 = arith.constant 8192 : i32
      %broadcast_in_dim3A_449 = vector.broadcast %jit3A_448 : i32 to vector<512x256xi32>
      %select_n3A_450 = arith.select %eq3A_447, %add3A_435, %broadcast_in_dim3A_449 : vector<512x256xi1>, vector<512x256xi32>
      %reduce_min3A_451 = arith.constant dense<2147483647> : vector<256xi32>
      %reduce_min3A_452 = vector.multi_reduction <minsi>, %select_n3A_450, %reduce_min3A_451 [0] : vector<512x256xi32> to vector<256xi32>
      %broadcast_in_dim3A_453 = vector.shape_cast %reduce_min3A_452 : vector<256xi32> to vector<1x256xi32>
      %lt3A_454 = arith.cmpf olt, %broadcast_in_dim3A_445, %while3A_427 : vector<1x256xf32>
      %eq3A_455 = arith.cmpf oeq, %broadcast_in_dim3A_445, %while3A_427 : vector<1x256xf32>
      %lt3A_456 = arith.cmpi slt, %broadcast_in_dim3A_453, %while3A_428 : vector<1x256xi32>
      %and3A_457 = arith.andi %eq3A_455, %lt3A_456 : vector<1x256xi1>
      %or3A = arith.ori %lt3A_454, %and3A_457 : vector<1x256xi1>
      %select_n3A_458 = arith.select %or3A, %broadcast_in_dim3A_445, %while3A_427 : vector<1x256xi1>, vector<1x256xf32>
      %select_n3A_459 = arith.select %or3A, %broadcast_in_dim3A_453, %while3A_428 : vector<1x256xi1>, vector<1x256xi32>
      scf.yield %select_n3A_458, %select_n3A_459 : vector<1x256xf32>, vector<1x256xi32>
    }
    %swap3A_355 = arith.constant 15 : index
    %swap3A_356 = arith.constant 0 : index
    %swap3A_357 = vector.load %arg5[%swap3A_355, %swap3A_356] : memref<24x256xi32, #tpu.memory_space<vmem>>, vector<1x256xi32>
    tpu.vector_store %arg5[%swap3A_355, %swap3A_356], %while3A_354#1 {strides = array<i32>} : memref<24x256xi32, #tpu.memory_space<vmem>>, vector<1x256xi32>,
    %broadcast_in_dim3A_358 = arith.constant 0x7F800000 : f32
    %broadcast_in_dim3A_359 = vector.broadcast %broadcast_in_dim3A_358 : f32 to vector<1x256xf32>
    %broadcast_in_dim3A_360 = arith.constant 8192 : i32
    %broadcast_in_dim3A_361 = vector.broadcast %broadcast_in_dim3A_360 : i32 to vector<1x256xi32>
    %while3A_362 = arith.subi %select_n3A_74, %select_n3A : i32
    %while3A_363 = arith.addi %select_n3A, %while3A_362 : i32
    %while3A_364 = arith.constant 1 : i32
    %while3A_365 = arith.divsi %while3A_362, %while3A_364 : i32
    %while3A_366 = arith.muli %while3A_365, %while3A_364 : i32
    %while3A_367 = arith.addi %select_n3A, %while3A_366 : i32
    %while3A_368 = arith.constant 1 : i32
    %while3A_369:2 = scf.for %while3A_426 = %select_n3A to %while3A_367 step %while3A_368 iter_args(%while3A_427 = %broadcast_in_dim3A_359, %while3A_428 = %broadcast_in_dim3A_361) -> (vector<1x256xf32>, vector<1x256xi32>)  : i32 {
      %mul3A_429 = arith.constant 512 : i32
      %mul3A_430 = arith.muli %while3A_426, %mul3A_429 : i32
      %multiple_of3A = tpu.assume_multiple %mul3A_430, 512 : i32
      %get3A_431 = arith.index_cast %multiple_of3A : i32 to index
      %get3A_432 = arith.constant 0 : index
      %get3A_433 = vector.load %arg6[%get3A_431, %get3A_432] : memref<8192x256xf32, #tpu.memory_space<vmem>>, vector<512x256xf32>
      %iota3A = tpu.iota {dimensions = array<i32: 0>} : vector<512x256xi32>
      %add3A_434 = vector.broadcast %multiple_of3A : i32 to vector<512x256xi32>
      %add3A_435 = arith.addi %add3A_434, %iota3A : vector<512x256xi32>
      %eq3A = vector.broadcast %while3A_354#1 : vector<1x256xi32> to vector<512x256xi32>
      %eq3A_436 = arith.cmpi eq, %add3A_435, %eq3A : vector<512x256xi32>
      %jit3A_437 = arith.constant 0x7F800000 : f32
      %broadcast_in_dim3A_438 = vector.broadcast %jit3A_437 : f32 to vector<512x256xf32>
      %select_n3A_439 = arith.select %eq3A_436, %broadcast_in_dim3A_438, %get3A_433 : vector<512x256xi1>, vector<512x256xf32>
      %swap3A_440 = arith.index_cast %multiple_of3A : i32 to index
      %swap3A_441 = arith.constant 0 : index
      %swap3A_442 = vector.load %arg6[%swap3A_440, %swap3A_441] : memref<8192x256xf32, #tpu.memory_space<vmem>>, vector<512x256xf32>
      tpu.vector_store %arg6[%swap3A_440, %swap3A_441], %select_n3A_439 {strides = array<i32>} : memref<8192x256xf32, #tpu.memory_space<vmem>>, vector<512x256xf32>,
      %reduce_min3A_443 = arith.constant dense<0x7F800000> : vector<256xf32>
      %reduce_min3A_444 = vector.multi_reduction <minimumf>, %select_n3A_439, %reduce_min3A_443 [0] : vector<512x256xf32> to vector<256xf32>
      %broadcast_in_dim3A_445 = vector.shape_cast %reduce_min3A_444 : vector<256xf32> to vector<1x256xf32>
      %eq3A_446 = vector.broadcast %broadcast_in_dim3A_445 : vector<1x256xf32> to vector<512x256xf32>
      %eq3A_447 = arith.cmpf oeq, %select_n3A_439, %eq3A_446 : vector<512x256xf32>
      %jit3A_448 = arith.constant 8192 : i32
      %broadcast_in_dim3A_449 = vector.broadcast %jit3A_448 : i32 to vector<512x256xi32>
      %select_n3A_450 = arith.select %eq3A_447, %add3A_435, %broadcast_in_dim3A_449 : vector<512x256xi1>, vector<512x256xi32>
      %reduce_min3A_451 = arith.constant dense<2147483647> : vector<256xi32>
      %reduce_min3A_452 = vector.multi_reduction <minsi>, %select_n3A_450, %reduce_min3A_451 [0] : vector<512x256xi32> to vector<256xi32>
      %broadcast_in_dim3A_453 = vector.shape_cast %reduce_min3A_452 : vector<256xi32> to vector<1x256xi32>
      %lt3A_454 = arith.cmpf olt, %broadcast_in_dim3A_445, %while3A_427 : vector<1x256xf32>
      %eq3A_455 = arith.cmpf oeq, %broadcast_in_dim3A_445, %while3A_427 : vector<1x256xf32>
      %lt3A_456 = arith.cmpi slt, %broadcast_in_dim3A_453, %while3A_428 : vector<1x256xi32>
      %and3A_457 = arith.andi %eq3A_455, %lt3A_456 : vector<1x256xi1>
      %or3A = arith.ori %lt3A_454, %and3A_457 : vector<1x256xi1>
      %select_n3A_458 = arith.select %or3A, %broadcast_in_dim3A_445, %while3A_427 : vector<1x256xi1>, vector<1x256xf32>
      %select_n3A_459 = arith.select %or3A, %broadcast_in_dim3A_453, %while3A_428 : vector<1x256xi1>, vector<1x256xi32>
      scf.yield %select_n3A_458, %select_n3A_459 : vector<1x256xf32>, vector<1x256xi32>
    }
    %while3A_370 = arith.constant 1 : i32
    %while3A_371:2 = scf.for %while3A_426 = %while3A_367 to %while3A_363 step %while3A_370 iter_args(%while3A_427 = %while3A_369#0, %while3A_428 = %while3A_369#1) -> (vector<1x256xf32>, vector<1x256xi32>)  : i32 {
      %mul3A_429 = arith.constant 512 : i32
      %mul3A_430 = arith.muli %while3A_426, %mul3A_429 : i32
      %multiple_of3A = tpu.assume_multiple %mul3A_430, 512 : i32
      %get3A_431 = arith.index_cast %multiple_of3A : i32 to index
      %get3A_432 = arith.constant 0 : index
      %get3A_433 = vector.load %arg6[%get3A_431, %get3A_432] : memref<8192x256xf32, #tpu.memory_space<vmem>>, vector<512x256xf32>
      %iota3A = tpu.iota {dimensions = array<i32: 0>} : vector<512x256xi32>
      %add3A_434 = vector.broadcast %multiple_of3A : i32 to vector<512x256xi32>
      %add3A_435 = arith.addi %add3A_434, %iota3A : vector<512x256xi32>
      %eq3A = vector.broadcast %while3A_354#1 : vector<1x256xi32> to vector<512x256xi32>
      %eq3A_436 = arith.cmpi eq, %add3A_435, %eq3A : vector<512x256xi32>
      %jit3A_437 = arith.constant 0x7F800000 : f32
      %broadcast_in_dim3A_438 = vector.broadcast %jit3A_437 : f32 to vector<512x256xf32>
      %select_n3A_439 = arith.select %eq3A_436, %broadcast_in_dim3A_438, %get3A_433 : vector<512x256xi1>, vector<512x256xf32>
      %swap3A_440 = arith.index_cast %multiple_of3A : i32 to index
      %swap3A_441 = arith.constant 0 : index
      %swap3A_442 = vector.load %arg6[%swap3A_440, %swap3A_441] : memref<8192x256xf32, #tpu.memory_space<vmem>>, vector<512x256xf32>
      tpu.vector_store %arg6[%swap3A_440, %swap3A_441], %select_n3A_439 {strides = array<i32>} : memref<8192x256xf32, #tpu.memory_space<vmem>>, vector<512x256xf32>,
      %reduce_min3A_443 = arith.constant dense<0x7F800000> : vector<256xf32>
      %reduce_min3A_444 = vector.multi_reduction <minimumf>, %select_n3A_439, %reduce_min3A_443 [0] : vector<512x256xf32> to vector<256xf32>
      %broadcast_in_dim3A_445 = vector.shape_cast %reduce_min3A_444 : vector<256xf32> to vector<1x256xf32>
      %eq3A_446 = vector.broadcast %broadcast_in_dim3A_445 : vector<1x256xf32> to vector<512x256xf32>
      %eq3A_447 = arith.cmpf oeq, %select_n3A_439, %eq3A_446 : vector<512x256xf32>
      %jit3A_448 = arith.constant 8192 : i32
      %broadcast_in_dim3A_449 = vector.broadcast %jit3A_448 : i32 to vector<512x256xi32>
      %select_n3A_450 = arith.select %eq3A_447, %add3A_435, %broadcast_in_dim3A_449 : vector<512x256xi1>, vector<512x256xi32>
      %reduce_min3A_451 = arith.constant dense<2147483647> : vector<256xi32>
      %reduce_min3A_452 = vector.multi_reduction <minsi>, %select_n3A_450, %reduce_min3A_451 [0] : vector<512x256xi32> to vector<256xi32>
      %broadcast_in_dim3A_453 = vector.shape_cast %reduce_min3A_452 : vector<256xi32> to vector<1x256xi32>
      %lt3A_454 = arith.cmpf olt, %broadcast_in_dim3A_445, %while3A_427 : vector<1x256xf32>
      %eq3A_455 = arith.cmpf oeq, %broadcast_in_dim3A_445, %while3A_427 : vector<1x256xf32>
      %lt3A_456 = arith.cmpi slt, %broadcast_in_dim3A_453, %while3A_428 : vector<1x256xi32>
      %and3A_457 = arith.andi %eq3A_455, %lt3A_456 : vector<1x256xi1>
      %or3A = arith.ori %lt3A_454, %and3A_457 : vector<1x256xi1>
      %select_n3A_458 = arith.select %or3A, %broadcast_in_dim3A_445, %while3A_427 : vector<1x256xi1>, vector<1x256xf32>
      %select_n3A_459 = arith.select %or3A, %broadcast_in_dim3A_453, %while3A_428 : vector<1x256xi1>, vector<1x256xi32>
      scf.yield %select_n3A_458, %select_n3A_459 : vector<1x256xf32>, vector<1x256xi32>
    }
    %swap3A_372 = arith.constant 16 : index
    %swap3A_373 = arith.constant 0 : index
    %swap3A_374 = vector.load %arg5[%swap3A_372, %swap3A_373] : memref<24x256xi32, #tpu.memory_space<vmem>>, vector<1x256xi32>
    tpu.vector_store %arg5[%swap3A_372, %swap3A_373], %while3A_371#1 {strides = array<i32>} : memref<24x256xi32, #tpu.memory_space<vmem>>, vector<1x256xi32>,
    %broadcast_in_dim3A_375 = arith.constant 0x7F800000 : f32
    %broadcast_in_dim3A_376 = vector.broadcast %broadcast_in_dim3A_375 : f32 to vector<1x256xf32>
    %broadcast_in_dim3A_377 = arith.constant 8192 : i32
    %broadcast_in_dim3A_378 = vector.broadcast %broadcast_in_dim3A_377 : i32 to vector<1x256xi32>
    %while3A_379 = arith.subi %select_n3A_74, %select_n3A : i32
    %while3A_380 = arith.addi %select_n3A, %while3A_379 : i32
    %while3A_381 = arith.constant 1 : i32
    %while3A_382 = arith.divsi %while3A_379, %while3A_381 : i32
    %while3A_383 = arith.muli %while3A_382, %while3A_381 : i32
    %while3A_384 = arith.addi %select_n3A, %while3A_383 : i32
    %while3A_385 = arith.constant 1 : i32
    %while3A_386:2 = scf.for %while3A_426 = %select_n3A to %while3A_384 step %while3A_385 iter_args(%while3A_427 = %broadcast_in_dim3A_376, %while3A_428 = %broadcast_in_dim3A_378) -> (vector<1x256xf32>, vector<1x256xi32>)  : i32 {
      %mul3A_429 = arith.constant 512 : i32
      %mul3A_430 = arith.muli %while3A_426, %mul3A_429 : i32
      %multiple_of3A = tpu.assume_multiple %mul3A_430, 512 : i32
      %get3A_431 = arith.index_cast %multiple_of3A : i32 to index
      %get3A_432 = arith.constant 0 : index
      %get3A_433 = vector.load %arg6[%get3A_431, %get3A_432] : memref<8192x256xf32, #tpu.memory_space<vmem>>, vector<512x256xf32>
      %iota3A = tpu.iota {dimensions = array<i32: 0>} : vector<512x256xi32>
      %add3A_434 = vector.broadcast %multiple_of3A : i32 to vector<512x256xi32>
      %add3A_435 = arith.addi %add3A_434, %iota3A : vector<512x256xi32>
      %eq3A = vector.broadcast %while3A_371#1 : vector<1x256xi32> to vector<512x256xi32>
      %eq3A_436 = arith.cmpi eq, %add3A_435, %eq3A : vector<512x256xi32>
      %jit3A_437 = arith.constant 0x7F800000 : f32
      %broadcast_in_dim3A_438 = vector.broadcast %jit3A_437 : f32 to vector<512x256xf32>
      %select_n3A_439 = arith.select %eq3A_436, %broadcast_in_dim3A_438, %get3A_433 : vector<512x256xi1>, vector<512x256xf32>
      %swap3A_440 = arith.index_cast %multiple_of3A : i32 to index
      %swap3A_441 = arith.constant 0 : index
      %swap3A_442 = vector.load %arg6[%swap3A_440, %swap3A_441] : memref<8192x256xf32, #tpu.memory_space<vmem>>, vector<512x256xf32>
      tpu.vector_store %arg6[%swap3A_440, %swap3A_441], %select_n3A_439 {strides = array<i32>} : memref<8192x256xf32, #tpu.memory_space<vmem>>, vector<512x256xf32>,
      %reduce_min3A_443 = arith.constant dense<0x7F800000> : vector<256xf32>
      %reduce_min3A_444 = vector.multi_reduction <minimumf>, %select_n3A_439, %reduce_min3A_443 [0] : vector<512x256xf32> to vector<256xf32>
      %broadcast_in_dim3A_445 = vector.shape_cast %reduce_min3A_444 : vector<256xf32> to vector<1x256xf32>
      %eq3A_446 = vector.broadcast %broadcast_in_dim3A_445 : vector<1x256xf32> to vector<512x256xf32>
      %eq3A_447 = arith.cmpf oeq, %select_n3A_439, %eq3A_446 : vector<512x256xf32>
      %jit3A_448 = arith.constant 8192 : i32
      %broadcast_in_dim3A_449 = vector.broadcast %jit3A_448 : i32 to vector<512x256xi32>
      %select_n3A_450 = arith.select %eq3A_447, %add3A_435, %broadcast_in_dim3A_449 : vector<512x256xi1>, vector<512x256xi32>
      %reduce_min3A_451 = arith.constant dense<2147483647> : vector<256xi32>
      %reduce_min3A_452 = vector.multi_reduction <minsi>, %select_n3A_450, %reduce_min3A_451 [0] : vector<512x256xi32> to vector<256xi32>
      %broadcast_in_dim3A_453 = vector.shape_cast %reduce_min3A_452 : vector<256xi32> to vector<1x256xi32>
      %lt3A_454 = arith.cmpf olt, %broadcast_in_dim3A_445, %while3A_427 : vector<1x256xf32>
      %eq3A_455 = arith.cmpf oeq, %broadcast_in_dim3A_445, %while3A_427 : vector<1x256xf32>
      %lt3A_456 = arith.cmpi slt, %broadcast_in_dim3A_453, %while3A_428 : vector<1x256xi32>
      %and3A_457 = arith.andi %eq3A_455, %lt3A_456 : vector<1x256xi1>
      %or3A = arith.ori %lt3A_454, %and3A_457 : vector<1x256xi1>
      %select_n3A_458 = arith.select %or3A, %broadcast_in_dim3A_445, %while3A_427 : vector<1x256xi1>, vector<1x256xf32>
      %select_n3A_459 = arith.select %or3A, %broadcast_in_dim3A_453, %while3A_428 : vector<1x256xi1>, vector<1x256xi32>
      scf.yield %select_n3A_458, %select_n3A_459 : vector<1x256xf32>, vector<1x256xi32>
    }
    %while3A_387 = arith.constant 1 : i32
    %while3A_388:2 = scf.for %while3A_426 = %while3A_384 to %while3A_380 step %while3A_387 iter_args(%while3A_427 = %while3A_386#0, %while3A_428 = %while3A_386#1) -> (vector<1x256xf32>, vector<1x256xi32>)  : i32 {
      %mul3A_429 = arith.constant 512 : i32
      %mul3A_430 = arith.muli %while3A_426, %mul3A_429 : i32
      %multiple_of3A = tpu.assume_multiple %mul3A_430, 512 : i32
      %get3A_431 = arith.index_cast %multiple_of3A : i32 to index
      %get3A_432 = arith.constant 0 : index
      %get3A_433 = vector.load %arg6[%get3A_431, %get3A_432] : memref<8192x256xf32, #tpu.memory_space<vmem>>, vector<512x256xf32>
      %iota3A = tpu.iota {dimensions = array<i32: 0>} : vector<512x256xi32>
      %add3A_434 = vector.broadcast %multiple_of3A : i32 to vector<512x256xi32>
      %add3A_435 = arith.addi %add3A_434, %iota3A : vector<512x256xi32>
      %eq3A = vector.broadcast %while3A_371#1 : vector<1x256xi32> to vector<512x256xi32>
      %eq3A_436 = arith.cmpi eq, %add3A_435, %eq3A : vector<512x256xi32>
      %jit3A_437 = arith.constant 0x7F800000 : f32
      %broadcast_in_dim3A_438 = vector.broadcast %jit3A_437 : f32 to vector<512x256xf32>
      %select_n3A_439 = arith.select %eq3A_436, %broadcast_in_dim3A_438, %get3A_433 : vector<512x256xi1>, vector<512x256xf32>
      %swap3A_440 = arith.index_cast %multiple_of3A : i32 to index
      %swap3A_441 = arith.constant 0 : index
      %swap3A_442 = vector.load %arg6[%swap3A_440, %swap3A_441] : memref<8192x256xf32, #tpu.memory_space<vmem>>, vector<512x256xf32>
      tpu.vector_store %arg6[%swap3A_440, %swap3A_441], %select_n3A_439 {strides = array<i32>} : memref<8192x256xf32, #tpu.memory_space<vmem>>, vector<512x256xf32>,
      %reduce_min3A_443 = arith.constant dense<0x7F800000> : vector<256xf32>
      %reduce_min3A_444 = vector.multi_reduction <minimumf>, %select_n3A_439, %reduce_min3A_443 [0] : vector<512x256xf32> to vector<256xf32>
      %broadcast_in_dim3A_445 = vector.shape_cast %reduce_min3A_444 : vector<256xf32> to vector<1x256xf32>
      %eq3A_446 = vector.broadcast %broadcast_in_dim3A_445 : vector<1x256xf32> to vector<512x256xf32>
      %eq3A_447 = arith.cmpf oeq, %select_n3A_439, %eq3A_446 : vector<512x256xf32>
      %jit3A_448 = arith.constant 8192 : i32
      %broadcast_in_dim3A_449 = vector.broadcast %jit3A_448 : i32 to vector<512x256xi32>
      %select_n3A_450 = arith.select %eq3A_447, %add3A_435, %broadcast_in_dim3A_449 : vector<512x256xi1>, vector<512x256xi32>
      %reduce_min3A_451 = arith.constant dense<2147483647> : vector<256xi32>
      %reduce_min3A_452 = vector.multi_reduction <minsi>, %select_n3A_450, %reduce_min3A_451 [0] : vector<512x256xi32> to vector<256xi32>
      %broadcast_in_dim3A_453 = vector.shape_cast %reduce_min3A_452 : vector<256xi32> to vector<1x256xi32>
      %lt3A_454 = arith.cmpf olt, %broadcast_in_dim3A_445, %while3A_427 : vector<1x256xf32>
      %eq3A_455 = arith.cmpf oeq, %broadcast_in_dim3A_445, %while3A_427 : vector<1x256xf32>
      %lt3A_456 = arith.cmpi slt, %broadcast_in_dim3A_453, %while3A_428 : vector<1x256xi32>
      %and3A_457 = arith.andi %eq3A_455, %lt3A_456 : vector<1x256xi1>
      %or3A = arith.ori %lt3A_454, %and3A_457 : vector<1x256xi1>
      %select_n3A_458 = arith.select %or3A, %broadcast_in_dim3A_445, %while3A_427 : vector<1x256xi1>, vector<1x256xf32>
      %select_n3A_459 = arith.select %or3A, %broadcast_in_dim3A_453, %while3A_428 : vector<1x256xi1>, vector<1x256xi32>
      scf.yield %select_n3A_458, %select_n3A_459 : vector<1x256xf32>, vector<1x256xi32>
    }
    %swap3A_389 = arith.constant 17 : index
    %swap3A_390 = arith.constant 0 : index
    %swap3A_391 = vector.load %arg5[%swap3A_389, %swap3A_390] : memref<24x256xi32, #tpu.memory_space<vmem>>, vector<1x256xi32>
    tpu.vector_store %arg5[%swap3A_389, %swap3A_390], %while3A_388#1 {strides = array<i32>} : memref<24x256xi32, #tpu.memory_space<vmem>>, vector<1x256xi32>,
    %broadcast_in_dim3A_392 = arith.constant 0x7F800000 : f32
    %broadcast_in_dim3A_393 = vector.broadcast %broadcast_in_dim3A_392 : f32 to vector<1x256xf32>
    %broadcast_in_dim3A_394 = arith.constant 8192 : i32
    %broadcast_in_dim3A_395 = vector.broadcast %broadcast_in_dim3A_394 : i32 to vector<1x256xi32>
    %while3A_396 = arith.subi %select_n3A_74, %select_n3A : i32
    %while3A_397 = arith.addi %select_n3A, %while3A_396 : i32
    %while3A_398 = arith.constant 1 : i32
    %while3A_399 = arith.divsi %while3A_396, %while3A_398 : i32
    %while3A_400 = arith.muli %while3A_399, %while3A_398 : i32
    %while3A_401 = arith.addi %select_n3A, %while3A_400 : i32
    %while3A_402 = arith.constant 1 : i32
    %while3A_403:2 = scf.for %while3A_426 = %select_n3A to %while3A_401 step %while3A_402 iter_args(%while3A_427 = %broadcast_in_dim3A_393, %while3A_428 = %broadcast_in_dim3A_395) -> (vector<1x256xf32>, vector<1x256xi32>)  : i32 {
      %mul3A_429 = arith.constant 512 : i32
      %mul3A_430 = arith.muli %while3A_426, %mul3A_429 : i32
      %multiple_of3A = tpu.assume_multiple %mul3A_430, 512 : i32
      %get3A_431 = arith.index_cast %multiple_of3A : i32 to index
      %get3A_432 = arith.constant 0 : index
      %get3A_433 = vector.load %arg6[%get3A_431, %get3A_432] : memref<8192x256xf32, #tpu.memory_space<vmem>>, vector<512x256xf32>
      %iota3A = tpu.iota {dimensions = array<i32: 0>} : vector<512x256xi32>
      %add3A_434 = vector.broadcast %multiple_of3A : i32 to vector<512x256xi32>
      %add3A_435 = arith.addi %add3A_434, %iota3A : vector<512x256xi32>
      %eq3A = vector.broadcast %while3A_388#1 : vector<1x256xi32> to vector<512x256xi32>
      %eq3A_436 = arith.cmpi eq, %add3A_435, %eq3A : vector<512x256xi32>
      %jit3A_437 = arith.constant 0x7F800000 : f32
      %broadcast_in_dim3A_438 = vector.broadcast %jit3A_437 : f32 to vector<512x256xf32>
      %select_n3A_439 = arith.select %eq3A_436, %broadcast_in_dim3A_438, %get3A_433 : vector<512x256xi1>, vector<512x256xf32>
      %swap3A_440 = arith.index_cast %multiple_of3A : i32 to index
      %swap3A_441 = arith.constant 0 : index
      %swap3A_442 = vector.load %arg6[%swap3A_440, %swap3A_441] : memref<8192x256xf32, #tpu.memory_space<vmem>>, vector<512x256xf32>
      tpu.vector_store %arg6[%swap3A_440, %swap3A_441], %select_n3A_439 {strides = array<i32>} : memref<8192x256xf32, #tpu.memory_space<vmem>>, vector<512x256xf32>,
      %reduce_min3A_443 = arith.constant dense<0x7F800000> : vector<256xf32>
      %reduce_min3A_444 = vector.multi_reduction <minimumf>, %select_n3A_439, %reduce_min3A_443 [0] : vector<512x256xf32> to vector<256xf32>
      %broadcast_in_dim3A_445 = vector.shape_cast %reduce_min3A_444 : vector<256xf32> to vector<1x256xf32>
      %eq3A_446 = vector.broadcast %broadcast_in_dim3A_445 : vector<1x256xf32> to vector<512x256xf32>
      %eq3A_447 = arith.cmpf oeq, %select_n3A_439, %eq3A_446 : vector<512x256xf32>
      %jit3A_448 = arith.constant 8192 : i32
      %broadcast_in_dim3A_449 = vector.broadcast %jit3A_448 : i32 to vector<512x256xi32>
      %select_n3A_450 = arith.select %eq3A_447, %add3A_435, %broadcast_in_dim3A_449 : vector<512x256xi1>, vector<512x256xi32>
      %reduce_min3A_451 = arith.constant dense<2147483647> : vector<256xi32>
      %reduce_min3A_452 = vector.multi_reduction <minsi>, %select_n3A_450, %reduce_min3A_451 [0] : vector<512x256xi32> to vector<256xi32>
      %broadcast_in_dim3A_453 = vector.shape_cast %reduce_min3A_452 : vector<256xi32> to vector<1x256xi32>
      %lt3A_454 = arith.cmpf olt, %broadcast_in_dim3A_445, %while3A_427 : vector<1x256xf32>
      %eq3A_455 = arith.cmpf oeq, %broadcast_in_dim3A_445, %while3A_427 : vector<1x256xf32>
      %lt3A_456 = arith.cmpi slt, %broadcast_in_dim3A_453, %while3A_428 : vector<1x256xi32>
      %and3A_457 = arith.andi %eq3A_455, %lt3A_456 : vector<1x256xi1>
      %or3A = arith.ori %lt3A_454, %and3A_457 : vector<1x256xi1>
      %select_n3A_458 = arith.select %or3A, %broadcast_in_dim3A_445, %while3A_427 : vector<1x256xi1>, vector<1x256xf32>
      %select_n3A_459 = arith.select %or3A, %broadcast_in_dim3A_453, %while3A_428 : vector<1x256xi1>, vector<1x256xi32>
      scf.yield %select_n3A_458, %select_n3A_459 : vector<1x256xf32>, vector<1x256xi32>
    }
    %while3A_404 = arith.constant 1 : i32
    %while3A_405:2 = scf.for %while3A_426 = %while3A_401 to %while3A_397 step %while3A_404 iter_args(%while3A_427 = %while3A_403#0, %while3A_428 = %while3A_403#1) -> (vector<1x256xf32>, vector<1x256xi32>)  : i32 {
      %mul3A_429 = arith.constant 512 : i32
      %mul3A_430 = arith.muli %while3A_426, %mul3A_429 : i32
      %multiple_of3A = tpu.assume_multiple %mul3A_430, 512 : i32
      %get3A_431 = arith.index_cast %multiple_of3A : i32 to index
      %get3A_432 = arith.constant 0 : index
      %get3A_433 = vector.load %arg6[%get3A_431, %get3A_432] : memref<8192x256xf32, #tpu.memory_space<vmem>>, vector<512x256xf32>
      %iota3A = tpu.iota {dimensions = array<i32: 0>} : vector<512x256xi32>
      %add3A_434 = vector.broadcast %multiple_of3A : i32 to vector<512x256xi32>
      %add3A_435 = arith.addi %add3A_434, %iota3A : vector<512x256xi32>
      %eq3A = vector.broadcast %while3A_388#1 : vector<1x256xi32> to vector<512x256xi32>
      %eq3A_436 = arith.cmpi eq, %add3A_435, %eq3A : vector<512x256xi32>
      %jit3A_437 = arith.constant 0x7F800000 : f32
      %broadcast_in_dim3A_438 = vector.broadcast %jit3A_437 : f32 to vector<512x256xf32>
      %select_n3A_439 = arith.select %eq3A_436, %broadcast_in_dim3A_438, %get3A_433 : vector<512x256xi1>, vector<512x256xf32>
      %swap3A_440 = arith.index_cast %multiple_of3A : i32 to index
      %swap3A_441 = arith.constant 0 : index
      %swap3A_442 = vector.load %arg6[%swap3A_440, %swap3A_441] : memref<8192x256xf32, #tpu.memory_space<vmem>>, vector<512x256xf32>
      tpu.vector_store %arg6[%swap3A_440, %swap3A_441], %select_n3A_439 {strides = array<i32>} : memref<8192x256xf32, #tpu.memory_space<vmem>>, vector<512x256xf32>,
      %reduce_min3A_443 = arith.constant dense<0x7F800000> : vector<256xf32>
      %reduce_min3A_444 = vector.multi_reduction <minimumf>, %select_n3A_439, %reduce_min3A_443 [0] : vector<512x256xf32> to vector<256xf32>
      %broadcast_in_dim3A_445 = vector.shape_cast %reduce_min3A_444 : vector<256xf32> to vector<1x256xf32>
      %eq3A_446 = vector.broadcast %broadcast_in_dim3A_445 : vector<1x256xf32> to vector<512x256xf32>
      %eq3A_447 = arith.cmpf oeq, %select_n3A_439, %eq3A_446 : vector<512x256xf32>
      %jit3A_448 = arith.constant 8192 : i32
      %broadcast_in_dim3A_449 = vector.broadcast %jit3A_448 : i32 to vector<512x256xi32>
      %select_n3A_450 = arith.select %eq3A_447, %add3A_435, %broadcast_in_dim3A_449 : vector<512x256xi1>, vector<512x256xi32>
      %reduce_min3A_451 = arith.constant dense<2147483647> : vector<256xi32>
      %reduce_min3A_452 = vector.multi_reduction <minsi>, %select_n3A_450, %reduce_min3A_451 [0] : vector<512x256xi32> to vector<256xi32>
      %broadcast_in_dim3A_453 = vector.shape_cast %reduce_min3A_452 : vector<256xi32> to vector<1x256xi32>
      %lt3A_454 = arith.cmpf olt, %broadcast_in_dim3A_445, %while3A_427 : vector<1x256xf32>
      %eq3A_455 = arith.cmpf oeq, %broadcast_in_dim3A_445, %while3A_427 : vector<1x256xf32>
      %lt3A_456 = arith.cmpi slt, %broadcast_in_dim3A_453, %while3A_428 : vector<1x256xi32>
      %and3A_457 = arith.andi %eq3A_455, %lt3A_456 : vector<1x256xi1>
      %or3A = arith.ori %lt3A_454, %and3A_457 : vector<1x256xi1>
      %select_n3A_458 = arith.select %or3A, %broadcast_in_dim3A_445, %while3A_427 : vector<1x256xi1>, vector<1x256xf32>
      %select_n3A_459 = arith.select %or3A, %broadcast_in_dim3A_453, %while3A_428 : vector<1x256xi1>, vector<1x256xi32>
      scf.yield %select_n3A_458, %select_n3A_459 : vector<1x256xf32>, vector<1x256xi32>
    }
    %swap3A_406 = arith.constant 18 : index
    %swap3A_407 = arith.constant 0 : index
    %swap3A_408 = vector.load %arg5[%swap3A_406, %swap3A_407] : memref<24x256xi32, #tpu.memory_space<vmem>>, vector<1x256xi32>
    tpu.vector_store %arg5[%swap3A_406, %swap3A_407], %while3A_405#1 {strides = array<i32>} : memref<24x256xi32, #tpu.memory_space<vmem>>, vector<1x256xi32>,
    %broadcast_in_dim3A_409 = arith.constant 0x7F800000 : f32
    %broadcast_in_dim3A_410 = vector.broadcast %broadcast_in_dim3A_409 : f32 to vector<1x256xf32>
    %broadcast_in_dim3A_411 = arith.constant 8192 : i32
    %broadcast_in_dim3A_412 = vector.broadcast %broadcast_in_dim3A_411 : i32 to vector<1x256xi32>
    %while3A_413 = arith.subi %select_n3A_74, %select_n3A : i32
    %while3A_414 = arith.addi %select_n3A, %while3A_413 : i32
    %while3A_415 = arith.constant 1 : i32
    %while3A_416 = arith.divsi %while3A_413, %while3A_415 : i32
    %while3A_417 = arith.muli %while3A_416, %while3A_415 : i32
    %while3A_418 = arith.addi %select_n3A, %while3A_417 : i32
    %while3A_419 = arith.constant 1 : i32
    %while3A_420:2 = scf.for %while3A_426 = %select_n3A to %while3A_418 step %while3A_419 iter_args(%while3A_427 = %broadcast_in_dim3A_410, %while3A_428 = %broadcast_in_dim3A_412) -> (vector<1x256xf32>, vector<1x256xi32>)  : i32 {
      %mul3A_429 = arith.constant 512 : i32
      %mul3A_430 = arith.muli %while3A_426, %mul3A_429 : i32
      %multiple_of3A = tpu.assume_multiple %mul3A_430, 512 : i32
      %get3A_431 = arith.index_cast %multiple_of3A : i32 to index
      %get3A_432 = arith.constant 0 : index
      %get3A_433 = vector.load %arg6[%get3A_431, %get3A_432] : memref<8192x256xf32, #tpu.memory_space<vmem>>, vector<512x256xf32>
      %iota3A = tpu.iota {dimensions = array<i32: 0>} : vector<512x256xi32>
      %add3A_434 = vector.broadcast %multiple_of3A : i32 to vector<512x256xi32>
      %add3A_435 = arith.addi %add3A_434, %iota3A : vector<512x256xi32>
      %eq3A = vector.broadcast %while3A_405#1 : vector<1x256xi32> to vector<512x256xi32>
      %eq3A_436 = arith.cmpi eq, %add3A_435, %eq3A : vector<512x256xi32>
      %jit3A_437 = arith.constant 0x7F800000 : f32
      %broadcast_in_dim3A_438 = vector.broadcast %jit3A_437 : f32 to vector<512x256xf32>
      %select_n3A_439 = arith.select %eq3A_436, %broadcast_in_dim3A_438, %get3A_433 : vector<512x256xi1>, vector<512x256xf32>
      %swap3A_440 = arith.index_cast %multiple_of3A : i32 to index
      %swap3A_441 = arith.constant 0 : index
      %swap3A_442 = vector.load %arg6[%swap3A_440, %swap3A_441] : memref<8192x256xf32, #tpu.memory_space<vmem>>, vector<512x256xf32>
      tpu.vector_store %arg6[%swap3A_440, %swap3A_441], %select_n3A_439 {strides = array<i32>} : memref<8192x256xf32, #tpu.memory_space<vmem>>, vector<512x256xf32>,
      %reduce_min3A_443 = arith.constant dense<0x7F800000> : vector<256xf32>
      %reduce_min3A_444 = vector.multi_reduction <minimumf>, %select_n3A_439, %reduce_min3A_443 [0] : vector<512x256xf32> to vector<256xf32>
      %broadcast_in_dim3A_445 = vector.shape_cast %reduce_min3A_444 : vector<256xf32> to vector<1x256xf32>
      %eq3A_446 = vector.broadcast %broadcast_in_dim3A_445 : vector<1x256xf32> to vector<512x256xf32>
      %eq3A_447 = arith.cmpf oeq, %select_n3A_439, %eq3A_446 : vector<512x256xf32>
      %jit3A_448 = arith.constant 8192 : i32
      %broadcast_in_dim3A_449 = vector.broadcast %jit3A_448 : i32 to vector<512x256xi32>
      %select_n3A_450 = arith.select %eq3A_447, %add3A_435, %broadcast_in_dim3A_449 : vector<512x256xi1>, vector<512x256xi32>
      %reduce_min3A_451 = arith.constant dense<2147483647> : vector<256xi32>
      %reduce_min3A_452 = vector.multi_reduction <minsi>, %select_n3A_450, %reduce_min3A_451 [0] : vector<512x256xi32> to vector<256xi32>
      %broadcast_in_dim3A_453 = vector.shape_cast %reduce_min3A_452 : vector<256xi32> to vector<1x256xi32>
      %lt3A_454 = arith.cmpf olt, %broadcast_in_dim3A_445, %while3A_427 : vector<1x256xf32>
      %eq3A_455 = arith.cmpf oeq, %broadcast_in_dim3A_445, %while3A_427 : vector<1x256xf32>
      %lt3A_456 = arith.cmpi slt, %broadcast_in_dim3A_453, %while3A_428 : vector<1x256xi32>
      %and3A_457 = arith.andi %eq3A_455, %lt3A_456 : vector<1x256xi1>
      %or3A = arith.ori %lt3A_454, %and3A_457 : vector<1x256xi1>
      %select_n3A_458 = arith.select %or3A, %broadcast_in_dim3A_445, %while3A_427 : vector<1x256xi1>, vector<1x256xf32>
      %select_n3A_459 = arith.select %or3A, %broadcast_in_dim3A_453, %while3A_428 : vector<1x256xi1>, vector<1x256xi32>
      scf.yield %select_n3A_458, %select_n3A_459 : vector<1x256xf32>, vector<1x256xi32>
    }
    %while3A_421 = arith.constant 1 : i32
    %while3A_422:2 = scf.for %while3A_426 = %while3A_418 to %while3A_414 step %while3A_421 iter_args(%while3A_427 = %while3A_420#0, %while3A_428 = %while3A_420#1) -> (vector<1x256xf32>, vector<1x256xi32>)  : i32 {
      %mul3A_429 = arith.constant 512 : i32
      %mul3A_430 = arith.muli %while3A_426, %mul3A_429 : i32
      %multiple_of3A = tpu.assume_multiple %mul3A_430, 512 : i32
      %get3A_431 = arith.index_cast %multiple_of3A : i32 to index
      %get3A_432 = arith.constant 0 : index
      %get3A_433 = vector.load %arg6[%get3A_431, %get3A_432] : memref<8192x256xf32, #tpu.memory_space<vmem>>, vector<512x256xf32>
      %iota3A = tpu.iota {dimensions = array<i32: 0>} : vector<512x256xi32>
      %add3A_434 = vector.broadcast %multiple_of3A : i32 to vector<512x256xi32>
      %add3A_435 = arith.addi %add3A_434, %iota3A : vector<512x256xi32>
      %eq3A = vector.broadcast %while3A_405#1 : vector<1x256xi32> to vector<512x256xi32>
      %eq3A_436 = arith.cmpi eq, %add3A_435, %eq3A : vector<512x256xi32>
      %jit3A_437 = arith.constant 0x7F800000 : f32
      %broadcast_in_dim3A_438 = vector.broadcast %jit3A_437 : f32 to vector<512x256xf32>
      %select_n3A_439 = arith.select %eq3A_436, %broadcast_in_dim3A_438, %get3A_433 : vector<512x256xi1>, vector<512x256xf32>
      %swap3A_440 = arith.index_cast %multiple_of3A : i32 to index
      %swap3A_441 = arith.constant 0 : index
      %swap3A_442 = vector.load %arg6[%swap3A_440, %swap3A_441] : memref<8192x256xf32, #tpu.memory_space<vmem>>, vector<512x256xf32>
      tpu.vector_store %arg6[%swap3A_440, %swap3A_441], %select_n3A_439 {strides = array<i32>} : memref<8192x256xf32, #tpu.memory_space<vmem>>, vector<512x256xf32>,
      %reduce_min3A_443 = arith.constant dense<0x7F800000> : vector<256xf32>
      %reduce_min3A_444 = vector.multi_reduction <minimumf>, %select_n3A_439, %reduce_min3A_443 [0] : vector<512x256xf32> to vector<256xf32>
      %broadcast_in_dim3A_445 = vector.shape_cast %reduce_min3A_444 : vector<256xf32> to vector<1x256xf32>
      %eq3A_446 = vector.broadcast %broadcast_in_dim3A_445 : vector<1x256xf32> to vector<512x256xf32>
      %eq3A_447 = arith.cmpf oeq, %select_n3A_439, %eq3A_446 : vector<512x256xf32>
      %jit3A_448 = arith.constant 8192 : i32
      %broadcast_in_dim3A_449 = vector.broadcast %jit3A_448 : i32 to vector<512x256xi32>
      %select_n3A_450 = arith.select %eq3A_447, %add3A_435, %broadcast_in_dim3A_449 : vector<512x256xi1>, vector<512x256xi32>
      %reduce_min3A_451 = arith.constant dense<2147483647> : vector<256xi32>
      %reduce_min3A_452 = vector.multi_reduction <minsi>, %select_n3A_450, %reduce_min3A_451 [0] : vector<512x256xi32> to vector<256xi32>
      %broadcast_in_dim3A_453 = vector.shape_cast %reduce_min3A_452 : vector<256xi32> to vector<1x256xi32>
      %lt3A_454 = arith.cmpf olt, %broadcast_in_dim3A_445, %while3A_427 : vector<1x256xf32>
      %eq3A_455 = arith.cmpf oeq, %broadcast_in_dim3A_445, %while3A_427 : vector<1x256xf32>
      %lt3A_456 = arith.cmpi slt, %broadcast_in_dim3A_453, %while3A_428 : vector<1x256xi32>
      %and3A_457 = arith.andi %eq3A_455, %lt3A_456 : vector<1x256xi1>
      %or3A = arith.ori %lt3A_454, %and3A_457 : vector<1x256xi1>
      %select_n3A_458 = arith.select %or3A, %broadcast_in_dim3A_445, %while3A_427 : vector<1x256xi1>, vector<1x256xf32>
      %select_n3A_459 = arith.select %or3A, %broadcast_in_dim3A_453, %while3A_428 : vector<1x256xi1>, vector<1x256xi32>
      scf.yield %select_n3A_458, %select_n3A_459 : vector<1x256xf32>, vector<1x256xi32>
    }
    %swap3A_423 = arith.constant 19 : index
    %swap3A_424 = arith.constant 0 : index
    %swap3A_425 = vector.load %arg5[%swap3A_423, %swap3A_424] : memref<24x256xi32, #tpu.memory_space<vmem>>, vector<1x256xi32>
    tpu.vector_store %arg5[%swap3A_423, %swap3A_424], %while3A_422#1 {strides = array<i32>} : memref<24x256xi32, #tpu.memory_space<vmem>>, vector<1x256xi32>,
    return
  }
  func.func @transform_0(%arg0: i32) -> (i32, i32) {
    %c0_i32 = arith.constant 0 : i32
    %c0_i32_0 = arith.constant 0 : i32
    %c0_i32_1 = arith.constant 0 : i32
    return %c0_i32, %c0_i32_0 : i32, i32
  }
  func.func @transform_1(%arg0: i32) -> (i32, i32) {
    %c0_i32 = arith.constant 0 : i32
    %c0_i32_0 = arith.constant 0 : i32
    return %c0_i32, %arg0 : i32, i32
  }
  func.func @transform_2(%arg0: i32) -> (i32, i32) {
    %c0_i32 = arith.constant 0 : i32
    %c0_i32_0 = arith.constant 0 : i32
    %c0_i32_1 = arith.constant 0 : i32
    return %c0_i32, %c0_i32_0 : i32, i32
  }
  func.func @transform_3(%arg0: i32) -> (i32, i32) {
    %c0_i32 = arith.constant 0 : i32
    %c0_i32_0 = arith.constant 0 : i32
    return %c0_i32, %arg0 : i32, i32
  }
  func.func @transform_4(%arg0: i32) -> (i32, i32) {
    %c0_i32 = arith.constant 0 : i32
    %c0_i32_0 = arith.constant 0 : i32
    return %c0_i32, %arg0 : i32, i32
  }
}

module attributes {stable_mosaic.version = 14 : i64} {
  func.func @_prep_body(%arg0: i32, %arg1: memref<512x13xf32, #tpu.memory_space<vmem>>, %arg2: memref<26x64xf32, #tpu.memory_space<vmem>>, %arg3: memref<1x64xf32, #tpu.memory_space<vmem>>, %arg4: memref<512x64xf32, #tpu.memory_space<vmem>>, %arg5: memref<512x128xf32, #tpu.memory_space<vmem>>) attributes {dimension_semantics = [#tpu.dimension_semantics<arbitrary>], iteration_bounds = array<i64: 16>, scalar_prefetch = 0 : i64, scratch_operands = 0 : i64, tpu.core_type = #tpu.core_type<tc>, window_params = [{transform_indices = @transform_0, window_bounds = array<i64: 512, 13>}, {pipeline_mode = #tpu.pipeline_mode<synchronous>, transform_indices = @transform_1, window_bounds = array<i64: 26, 64>}, {pipeline_mode = #tpu.pipeline_mode<synchronous>, transform_indices = @transform_2, window_bounds = array<i64: 1, 64>}, {transform_indices = @transform_3, window_bounds = array<i64: 512, 64>}, {transform_indices = @transform_4, window_bounds = array<i64: 512, 128>}]} {
    %get3A = arith.constant 0 : index
    %get3A_0 = arith.constant 0 : index
    %get3A_1 = vector.load %arg1[%get3A, %get3A_0] : memref<512x13xf32, #tpu.memory_space<vmem>>, vector<512x13xf32>
    %get3A_2 = arith.constant 0 : index
    %get3A_3 = arith.constant 0 : index
    %get3A_4 = vector.load %arg2[%get3A_2, %get3A_3] : memref<26x64xf32, #tpu.memory_space<vmem>>, vector<13x64xf32>
    %convert_element_type3A = arith.truncf %get3A_1 : vector<512x13xf32> to vector<512x13xbf16>
    %convert_element_type3A_5 = arith.truncf %get3A_4 : vector<13x64xf32> to vector<13x64xbf16>
    %dot_general3A = arith.constant dense<0.000000e+00> : vector<512x64xf32>
    %dot_general3A_6 = tpu.matmul %convert_element_type3A, %convert_element_type3A_5, %dot_general3A {dimension_numbers = #tpu.dot_dimension_numbers<[1], [0], [0], [1], [0, 0, 1, 1], [], []>, transpose_lhs_hint = false} : vector<512x13xbf16>, vector<13x64xbf16>, vector<512x64xf32> -> vector<512x64xf32>
    %get3A_7 = arith.constant 0 : index
    %get3A_8 = arith.constant 0 : index
    %get3A_9 = vector.load %arg3[%get3A_7, %get3A_8] : memref<1x64xf32, #tpu.memory_space<vmem>>, vector<1x64xf32>
    %add3A = vector.broadcast %get3A_9 : vector<1x64xf32> to vector<512x64xf32>
    %add3A_10 = arith.addf %dot_general3A_6, %add3A : vector<512x64xf32>
    %swap3A = arith.constant 0 : index
    %swap3A_11 = arith.constant 0 : index
    %swap3A_12 = vector.load %arg4[%swap3A, %swap3A_11] : memref<512x64xf32, #tpu.memory_space<vmem>>, vector<512x64xf32>
    tpu.vector_store %arg4[%swap3A, %swap3A_11], %add3A_10 {strides = array<i32>} : memref<512x64xf32, #tpu.memory_space<vmem>>, vector<512x64xf32>,
    %swap3A_13 = arith.constant 0 : index
    %swap3A_14 = arith.constant 0 : index
    %swap3A_15 = vector.load %arg5[%swap3A_13, %swap3A_14] : memref<512x128xf32, #tpu.memory_space<vmem>>, vector<512x13xf32>
    tpu.vector_store %arg5[%swap3A_13, %swap3A_14], %get3A_1 {strides = array<i32>} : memref<512x128xf32, #tpu.memory_space<vmem>>, vector<512x13xf32>,
    return
  }
  func.func @transform_0(%arg0: i32) -> (i32, i32) {
    %c0_i32 = arith.constant 0 : i32
    %c0_i32_0 = arith.constant 0 : i32
    return %arg0, %c0_i32 : i32, i32
  }
  func.func @transform_1(%arg0: i32) -> (i32, i32) {
    %c0_i32 = arith.constant 0 : i32
    %c0_i32_0 = arith.constant 0 : i32
    %c0_i32_1 = arith.constant 0 : i32
    return %c0_i32, %c0_i32_0 : i32, i32
  }
  func.func @transform_2(%arg0: i32) -> (i32, i32) {
    %c0_i32 = arith.constant 0 : i32
    %c0_i32_0 = arith.constant 0 : i32
    %c0_i32_1 = arith.constant 0 : i32
    return %c0_i32, %c0_i32_0 : i32, i32
  }
  func.func @transform_3(%arg0: i32) -> (i32, i32) {
    %c0_i32 = arith.constant 0 : i32
    %c0_i32_0 = arith.constant 0 : i32
    return %arg0, %c0_i32 : i32, i32
  }
  func.func @transform_4(%arg0: i32) -> (i32, i32) {
    %c0_i32 = arith.constant 0 : i32
    %c0_i32_0 = arith.constant 0 : i32
    return %arg0, %c0_i32 : i32, i32
  }
}

module attributes {stable_mosaic.version = 14 : i64} {
  func.func @_stats1_body(%arg0: i32, %arg1: i32, %arg2: memref<512x128xf32, #tpu.memory_space<vmem>>, %arg3: memref<512x13xf32, #tpu.memory_space<vmem>>, %arg4: memref<512x64xf32, #tpu.memory_space<vmem>>, %arg5: memref<13x64xf32, #tpu.memory_space<vmem>>, %arg6: memref<8x64xf32, #tpu.memory_space<vmem>>) attributes {dimension_semantics = [#tpu.dimension_semantics<arbitrary>, #tpu.dimension_semantics<arbitrary>], iteration_bounds = array<i64: 20, 16>, scalar_prefetch = 0 : i64, scratch_operands = 0 : i64, tpu.core_type = #tpu.core_type<tc>, window_params = [{transform_indices = @transform_0, window_bounds = array<i64: 512, 128>}, {transform_indices = @transform_1, window_bounds = array<i64: 512, 13>}, {transform_indices = @transform_2, window_bounds = array<i64: 512, 64>}, {pipeline_mode = #tpu.pipeline_mode<synchronous>, transform_indices = @transform_3, window_bounds = array<i64: 13, 64>}, {pipeline_mode = #tpu.pipeline_mode<synchronous>, transform_indices = @transform_4, window_bounds = array<i64: 8, 64>}]} {
    %get3A = arith.constant 0 : index
    %get3A_0 = arith.constant 0 : index
    %get3A_1 = vector.load %arg2[%get3A, %get3A_0] : memref<512x128xf32, #tpu.memory_space<vmem>>, vector<512x13xf32>
    %get3A_2 = arith.constant 0 : index
    %get3A_3 = arith.constant 0 : index
    %get3A_4 = vector.load %arg3[%get3A_2, %get3A_3] : memref<512x13xf32, #tpu.memory_space<vmem>>, vector<512x13xf32>
    %sub3A = arith.subf %get3A_1, %get3A_4 : vector<512x13xf32>
    %get3A_5 = arith.constant 0 : index
    %get3A_6 = arith.constant 0 : index
    %get3A_7 = vector.load %arg4[%get3A_5, %get3A_6] : memref<512x64xf32, #tpu.memory_space<vmem>>, vector<512x64xf32>
    %get3A_8 = arith.constant 0 : index
    %get3A_9 = arith.constant 0 : index
    %get3A_10 = vector.load %arg5[%get3A_8, %get3A_9] : memref<13x64xf32, #tpu.memory_space<vmem>>, vector<13x64xf32>
    %convert_element_type3A = arith.truncf %sub3A : vector<512x13xf32> to vector<512x13xbf16>
    %convert_element_type3A_11 = arith.truncf %get3A_10 : vector<13x64xf32> to vector<13x64xbf16>
    %dot_general3A = arith.constant dense<0.000000e+00> : vector<512x64xf32>
    %dot_general3A_12 = tpu.matmul %convert_element_type3A, %convert_element_type3A_11, %dot_general3A {dimension_numbers = #tpu.dot_dimension_numbers<[1], [0], [0], [1], [0, 0, 1, 1], [], []>, transpose_lhs_hint = false} : vector<512x13xbf16>, vector<13x64xbf16>, vector<512x64xf32> -> vector<512x64xf32>
    %add3A = arith.addf %get3A_7, %dot_general3A_12 : vector<512x64xf32>
    %reduce_sum3A = arith.constant dense<0.000000e+00> : vector<64xf32>
    %reduce_sum3A_13 = vector.multi_reduction <add>, %add3A, %reduce_sum3A [0] : vector<512x64xf32> to vector<64xf32>
    %broadcast_in_dim3A = vector.shape_cast %reduce_sum3A_13 : vector<64xf32> to vector<1x64xf32>
    %mul3A = arith.mulf %add3A, %add3A : vector<512x64xf32>
    %reduce_sum3A_14 = arith.constant dense<0.000000e+00> : vector<64xf32>
    %reduce_sum3A_15 = vector.multi_reduction <add>, %mul3A, %reduce_sum3A_14 [0] : vector<512x64xf32> to vector<64xf32>
    %broadcast_in_dim3A_16 = vector.shape_cast %reduce_sum3A_15 : vector<64xf32> to vector<1x64xf32>
    %broadcast_in_dim3A_17 = arith.constant 0.000000e+00 : f32
    %broadcast_in_dim3A_18 = vector.broadcast %broadcast_in_dim3A_17 : f32 to vector<6x64xf32>
    %concatenate3A = tpu.concatenate %broadcast_in_dim3A, %broadcast_in_dim3A_16, %broadcast_in_dim3A_18 in 0 : vector<1x64xf32>, vector<1x64xf32>, vector<6x64xf32> -> vector<8x64xf32>
    %eq3A = arith.constant 0 : i32
    %eq3A_19 = arith.cmpi eq, %arg0, %eq3A : i32
    %eq3A_20 = arith.constant 0 : i32
    %eq3A_21 = arith.cmpi eq, %arg1, %eq3A_20 : i32
    %and3A = arith.andi %eq3A_19, %eq3A_21 : i1
    %convert_element_type3A_22 = arith.extui %and3A : i1 to i32
    %cond3A = arith.constant 0 : i32
    %cond3A_23 = arith.cmpi ne, %convert_element_type3A_22, %cond3A : i32
    scf.if %cond3A_23 {
      %swap3A = arith.constant 0 : index
      %swap3A_33 = arith.constant 0 : index
      %swap3A_34 = vector.load %arg6[%swap3A, %swap3A_33] : memref<8x64xf32, #tpu.memory_space<vmem>>, vector<8x64xf32>
      tpu.vector_store %arg6[%swap3A, %swap3A_33], %concatenate3A {strides = array<i32>} : memref<8x64xf32, #tpu.memory_space<vmem>>, vector<8x64xf32>,
    } else {
    }
    %eq3A_24 = arith.constant 0 : i32
    %eq3A_25 = arith.cmpi eq, %arg0, %eq3A_24 : i32
    %eq3A_26 = arith.constant 0 : i32
    %eq3A_27 = arith.cmpi eq, %arg1, %eq3A_26 : i32
    %and3A_28 = arith.andi %eq3A_25, %eq3A_27 : i1
    %not3A = arith.constant true
    %not3A_29 = arith.xori %and3A_28, %not3A : i1
    %convert_element_type3A_30 = arith.extui %not3A_29 : i1 to i32
    %cond3A_31 = arith.constant 0 : i32
    %cond3A_32 = arith.cmpi ne, %convert_element_type3A_30, %cond3A_31 : i32
    scf.if %cond3A_32 {
      %get3A_33 = arith.constant 0 : index
      %get3A_34 = arith.constant 0 : index
      %get3A_35 = vector.load %arg6[%get3A_33, %get3A_34] : memref<8x64xf32, #tpu.memory_space<vmem>>, vector<8x64xf32>
      %add3A_36 = arith.addf %get3A_35, %concatenate3A : vector<8x64xf32>
      %swap3A = arith.constant 0 : index
      %swap3A_37 = arith.constant 0 : index
      %swap3A_38 = vector.load %arg6[%swap3A, %swap3A_37] : memref<8x64xf32, #tpu.memory_space<vmem>>, vector<8x64xf32>
      tpu.vector_store %arg6[%swap3A, %swap3A_37], %add3A_36 {strides = array<i32>} : memref<8x64xf32, #tpu.memory_space<vmem>>, vector<8x64xf32>,
    } else {
    }
    return
  }
  func.func @transform_0(%arg0: i32, %arg1: i32) -> (i32, i32) {
    %mul3A = arith.constant 16 : i32
    %mul3A_0 = arith.muli %arg0, %mul3A : i32
    %add3A = arith.addi %mul3A_0, %arg1 : i32
    %c0_i32 = arith.constant 0 : i32
    %c0_i32_1 = arith.constant 0 : i32
    return %add3A, %c0_i32 : i32, i32
  }
  func.func @transform_1(%arg0: i32, %arg1: i32) -> (i32, i32) {
    %c0_i32 = arith.constant 0 : i32
    %c0_i32_0 = arith.constant 0 : i32
    return %arg1, %c0_i32 : i32, i32
  }
  func.func @transform_2(%arg0: i32, %arg1: i32) -> (i32, i32) {
    %c0_i32 = arith.constant 0 : i32
    %c0_i32_0 = arith.constant 0 : i32
    return %arg1, %c0_i32 : i32, i32
  }
  func.func @transform_3(%arg0: i32, %arg1: i32) -> (i32, i32) {
    %c0_i32 = arith.constant 0 : i32
    %c0_i32_0 = arith.constant 0 : i32
    %c0_i32_1 = arith.constant 0 : i32
    return %c0_i32, %c0_i32_0 : i32, i32
  }
  func.func @transform_4(%arg0: i32, %arg1: i32) -> (i32, i32) {
    %c0_i32 = arith.constant 0 : i32
    %c0_i32_0 = arith.constant 0 : i32
    %c0_i32_1 = arith.constant 0 : i32
    return %c0_i32, %c0_i32_0 : i32, i32
  }
}

module attributes {stable_mosaic.version = 14 : i64} {
  func.func @_convout_body(%arg0: i32, %arg1: i32, %arg2: memref<512x128xf32, #tpu.memory_space<vmem>>, %arg3: memref<512x13xf32, #tpu.memory_space<vmem>>, %arg4: memref<512x64xf32, #tpu.memory_space<vmem>>, %arg5: memref<13x64xf32, #tpu.memory_space<vmem>>, %arg6: memref<8x64xf32, #tpu.memory_space<vmem>>, %arg7: memref<1x64xf32, #tpu.memory_space<vmem>>, %arg8: memref<1x64xf32, #tpu.memory_space<vmem>>, %arg9: memref<64x64xf32, #tpu.memory_space<vmem>>, %arg10: memref<1x64xf32, #tpu.memory_space<vmem>>, %arg11: memref<512x64xf32, #tpu.memory_space<vmem>>, %arg12: memref<8x64xf32, #tpu.memory_space<vmem>>) attributes {dimension_semantics = [#tpu.dimension_semantics<arbitrary>, #tpu.dimension_semantics<arbitrary>], iteration_bounds = array<i64: 16, 20>, scalar_prefetch = 0 : i64, scratch_operands = 0 : i64, tpu.core_type = #tpu.core_type<tc>, window_params = [{transform_indices = @transform_0, window_bounds = array<i64: 512, 128>}, {transform_indices = @transform_1, window_bounds = array<i64: 512, 13>}, {transform_indices = @transform_2, window_bounds = array<i64: 512, 64>}, {pipeline_mode = #tpu.pipeline_mode<synchronous>, transform_indices = @transform_3, window_bounds = array<i64: 13, 64>}, {pipeline_mode = #tpu.pipeline_mode<synchronous>, transform_indices = @transform_4, window_bounds = array<i64: 8, 64>}, {pipeline_mode = #tpu.pipeline_mode<synchronous>, transform_indices = @transform_5, window_bounds = array<i64: 1, 64>}, {pipeline_mode = #tpu.pipeline_mode<synchronous>, transform_indices = @transform_6, window_bounds = array<i64: 1, 64>}, {pipeline_mode = #tpu.pipeline_mode<synchronous>, transform_indices = @transform_7, window_bounds = array<i64: 64, 64>}, {pipeline_mode = #tpu.pipeline_mode<synchronous>, transform_indices = @transform_8, window_bounds = array<i64: 1, 64>}, {transform_indices = @transform_9, window_bounds = array<i64: 512, 64>}, {pipeline_mode = #tpu.pipeline_mode<synchronous>, transform_indices = @transform_10, window_bounds = array<i64: 8, 64>}]} {
    %get3A = arith.constant 0 : index
    %get3A_0 = arith.constant 0 : index
    %get3A_1 = vector.load %arg6[%get3A, %get3A_0] : memref<8x64xf32, #tpu.memory_space<vmem>>, vector<8x64xf32>
    %get3A_2 = arith.constant 0 : index
    %get3A_3 = arith.constant 0 : index
    %get3A_4 = vector.load %arg7[%get3A_2, %get3A_3] : memref<1x64xf32, #tpu.memory_space<vmem>>, vector<1x64xf32>
    %get3A_5 = arith.constant 0 : index
    %get3A_6 = arith.constant 0 : index
    %get3A_7 = vector.load %arg8[%get3A_5, %get3A_6] : memref<1x64xf32, #tpu.memory_space<vmem>>, vector<1x64xf32>
    %slice3A = vector.extract_strided_slice %get3A_1 {offsets = [0, 0], sizes = [1, 64], strides = [1, 1]} : vector<8x64xf32> to vector<1x64xf32>
    %div3A = arith.constant 1.638400e+05 : f32
    %div3A_8 = vector.broadcast %div3A : f32 to vector<1x64xf32>
    %div3A_9 = arith.divf %slice3A, %div3A_8 : vector<1x64xf32>
    %slice3A_10 = vector.extract_strided_slice %get3A_1 {offsets = [1, 0], sizes = [1, 64], strides = [1, 1]} : vector<8x64xf32> to vector<1x64xf32>
    %div3A_11 = arith.constant 1.638400e+05 : f32
    %div3A_12 = vector.broadcast %div3A_11 : f32 to vector<1x64xf32>
    %div3A_13 = arith.divf %slice3A_10, %div3A_12 : vector<1x64xf32>
    %mul3A = arith.mulf %div3A_9, %div3A_9 : vector<1x64xf32>
    %sub3A = arith.subf %div3A_13, %mul3A : vector<1x64xf32>
    %add3A = arith.constant 9.99999974E-6 : f32
    %add3A_14 = vector.broadcast %add3A : f32 to vector<1x64xf32>
    %add3A_15 = arith.addf %sub3A, %add3A_14 : vector<1x64xf32>
    %rsqrt3A = math.rsqrt %add3A_15 : vector<1x64xf32>
    %mul3A_16 = arith.mulf %get3A_4, %rsqrt3A : vector<1x64xf32>
    %mul3A_17 = arith.mulf %mul3A_16, %div3A_9 : vector<1x64xf32>
    %sub3A_18 = arith.subf %get3A_7, %mul3A_17 : vector<1x64xf32>
    %get3A_19 = arith.constant 0 : index
    %get3A_20 = arith.constant 0 : index
    %get3A_21 = vector.load %arg2[%get3A_19, %get3A_20] : memref<512x128xf32, #tpu.memory_space<vmem>>, vector<512x13xf32>
    %get3A_22 = arith.constant 0 : index
    %get3A_23 = arith.constant 0 : index
    %get3A_24 = vector.load %arg3[%get3A_22, %get3A_23] : memref<512x13xf32, #tpu.memory_space<vmem>>, vector<512x13xf32>
    %sub3A_25 = arith.subf %get3A_21, %get3A_24 : vector<512x13xf32>
    %get3A_26 = arith.constant 0 : index
    %get3A_27 = arith.constant 0 : index
    %get3A_28 = vector.load %arg4[%get3A_26, %get3A_27] : memref<512x64xf32, #tpu.memory_space<vmem>>, vector<512x64xf32>
    %get3A_29 = arith.constant 0 : index
    %get3A_30 = arith.constant 0 : index
    %get3A_31 = vector.load %arg5[%get3A_29, %get3A_30] : memref<13x64xf32, #tpu.memory_space<vmem>>, vector<13x64xf32>
    %convert_element_type3A = arith.truncf %sub3A_25 : vector<512x13xf32> to vector<512x13xbf16>
    %convert_element_type3A_32 = arith.truncf %get3A_31 : vector<13x64xf32> to vector<13x64xbf16>
    %dot_general3A = arith.constant dense<0.000000e+00> : vector<512x64xf32>
    %dot_general3A_33 = tpu.matmul %convert_element_type3A, %convert_element_type3A_32, %dot_general3A {dimension_numbers = #tpu.dot_dimension_numbers<[1], [0], [0], [1], [0, 0, 1, 1], [], []>, transpose_lhs_hint = false} : vector<512x13xbf16>, vector<13x64xbf16>, vector<512x64xf32> -> vector<512x64xf32>
    %add3A_34 = arith.addf %get3A_28, %dot_general3A_33 : vector<512x64xf32>
    %mul3A_35 = vector.broadcast %mul3A_16 : vector<1x64xf32> to vector<512x64xf32>
    %mul3A_36 = arith.mulf %mul3A_35, %add3A_34 : vector<512x64xf32>
    %add3A_37 = vector.broadcast %sub3A_18 : vector<1x64xf32> to vector<512x64xf32>
    %add3A_38 = arith.addf %mul3A_36, %add3A_37 : vector<512x64xf32>
    %ge3A = arith.constant 0.000000e+00 : f32
    %ge3A_39 = vector.broadcast %ge3A : f32 to vector<512x64xf32>
    %ge3A_40 = arith.cmpf oge, %add3A_38, %ge3A_39 : vector<512x64xf32>
    %mul3A_41 = arith.constant 2.000000e-01 : f32
    %mul3A_42 = vector.broadcast %mul3A_41 : f32 to vector<512x64xf32>
    %mul3A_43 = arith.mulf %mul3A_42, %add3A_38 : vector<512x64xf32>
    %select_n3A = arith.select %ge3A_40, %add3A_38, %mul3A_43 : vector<512x64xi1>, vector<512x64xf32>
    %get3A_44 = arith.constant 0 : index
    %get3A_45 = arith.constant 0 : index
    %get3A_46 = vector.load %arg9[%get3A_44, %get3A_45] : memref<64x64xf32, #tpu.memory_space<vmem>>, vector<64x64xf32>
    %convert_element_type3A_47 = arith.truncf %select_n3A : vector<512x64xf32> to vector<512x64xbf16>
    %convert_element_type3A_48 = arith.truncf %get3A_46 : vector<64x64xf32> to vector<64x64xbf16>
    %dot_general3A_49 = arith.constant dense<0.000000e+00> : vector<512x64xf32>
    %dot_general3A_50 = tpu.matmul %convert_element_type3A_47, %convert_element_type3A_48, %dot_general3A_49 {dimension_numbers = #tpu.dot_dimension_numbers<[1], [0], [0], [1], [0, 0, 1, 1], [], []>, transpose_lhs_hint = false} : vector<512x64xbf16>, vector<64x64xbf16>, vector<512x64xf32> -> vector<512x64xf32>
    %get3A_51 = arith.constant 0 : index
    %get3A_52 = arith.constant 0 : index
    %get3A_53 = vector.load %arg10[%get3A_51, %get3A_52] : memref<1x64xf32, #tpu.memory_space<vmem>>, vector<1x64xf32>
    %add3A_54 = vector.broadcast %get3A_53 : vector<1x64xf32> to vector<512x64xf32>
    %add3A_55 = arith.addf %dot_general3A_50, %add3A_54 : vector<512x64xf32>
    %reduce_sum3A = arith.constant dense<0.000000e+00> : vector<64xf32>
    %reduce_sum3A_56 = vector.multi_reduction <add>, %add3A_55, %reduce_sum3A [0] : vector<512x64xf32> to vector<64xf32>
    %broadcast_in_dim3A = vector.shape_cast %reduce_sum3A_56 : vector<64xf32> to vector<1x64xf32>
    %mul3A_57 = arith.mulf %add3A_55, %add3A_55 : vector<512x64xf32>
    %reduce_sum3A_58 = arith.constant dense<0.000000e+00> : vector<64xf32>
    %reduce_sum3A_59 = vector.multi_reduction <add>, %mul3A_57, %reduce_sum3A_58 [0] : vector<512x64xf32> to vector<64xf32>
    %broadcast_in_dim3A_60 = vector.shape_cast %reduce_sum3A_59 : vector<64xf32> to vector<1x64xf32>
    %broadcast_in_dim3A_61 = arith.constant 0.000000e+00 : f32
    %broadcast_in_dim3A_62 = vector.broadcast %broadcast_in_dim3A_61 : f32 to vector<6x64xf32>
    %concatenate3A = tpu.concatenate %broadcast_in_dim3A, %broadcast_in_dim3A_60, %broadcast_in_dim3A_62 in 0 : vector<1x64xf32>, vector<1x64xf32>, vector<6x64xf32> -> vector<8x64xf32>
    %eq3A = arith.constant 0 : i32
    %eq3A_63 = arith.cmpi eq, %arg1, %eq3A : i32
    %eq3A_64 = arith.constant 0 : i32
    %eq3A_65 = arith.cmpi eq, %arg0, %eq3A_64 : i32
    %and3A = arith.andi %eq3A_63, %eq3A_65 : i1
    %convert_element_type3A_66 = arith.extui %and3A : i1 to i32
    %cond3A = arith.constant 0 : i32
    %cond3A_67 = arith.cmpi ne, %convert_element_type3A_66, %cond3A : i32
    scf.if %cond3A_67 {
      %swap3A = arith.constant 0 : index
      %swap3A_86 = arith.constant 0 : index
      %swap3A_87 = vector.load %arg12[%swap3A, %swap3A_86] : memref<8x64xf32, #tpu.memory_space<vmem>>, vector<8x64xf32>
      tpu.vector_store %arg12[%swap3A, %swap3A_86], %concatenate3A {strides = array<i32>} : memref<8x64xf32, #tpu.memory_space<vmem>>, vector<8x64xf32>,
    } else {
    }
    %eq3A_68 = arith.constant 0 : i32
    %eq3A_69 = arith.cmpi eq, %arg1, %eq3A_68 : i32
    %eq3A_70 = arith.constant 0 : i32
    %eq3A_71 = arith.cmpi eq, %arg0, %eq3A_70 : i32
    %and3A_72 = arith.andi %eq3A_69, %eq3A_71 : i1
    %not3A = arith.constant true
    %not3A_73 = arith.xori %and3A_72, %not3A : i1
    %convert_element_type3A_74 = arith.extui %not3A_73 : i1 to i32
    %cond3A_75 = arith.constant 0 : i32
    %cond3A_76 = arith.cmpi ne, %convert_element_type3A_74, %cond3A_75 : i32
    scf.if %cond3A_76 {
      %get3A_86 = arith.constant 0 : index
      %get3A_87 = arith.constant 0 : index
      %get3A_88 = vector.load %arg12[%get3A_86, %get3A_87] : memref<8x64xf32, #tpu.memory_space<vmem>>, vector<8x64xf32>
      %add3A_89 = arith.addf %get3A_88, %concatenate3A : vector<8x64xf32>
      %swap3A = arith.constant 0 : index
      %swap3A_90 = arith.constant 0 : index
      %swap3A_91 = vector.load %arg12[%swap3A, %swap3A_90] : memref<8x64xf32, #tpu.memory_space<vmem>>, vector<8x64xf32>
      tpu.vector_store %arg12[%swap3A, %swap3A_90], %add3A_89 {strides = array<i32>} : memref<8x64xf32, #tpu.memory_space<vmem>>, vector<8x64xf32>,
    } else {
    }
    %eq3A_77 = arith.constant 0 : i32
    %eq3A_78 = arith.cmpi eq, %arg1, %eq3A_77 : i32
    %convert_element_type3A_79 = arith.extui %eq3A_78 : i1 to i32
    %cond3A_80 = arith.constant 0 : i32
    %cond3A_81 = arith.cmpi ne, %convert_element_type3A_79, %cond3A_80 : i32
    scf.if %cond3A_81 {
      %swap3A = arith.constant 0 : index
      %swap3A_86 = arith.constant 0 : index
      %swap3A_87 = vector.load %arg11[%swap3A, %swap3A_86] : memref<512x64xf32, #tpu.memory_space<vmem>>, vector<512x64xf32>
      tpu.vector_store %arg11[%swap3A, %swap3A_86], %add3A_55 {strides = array<i32>} : memref<512x64xf32, #tpu.memory_space<vmem>>, vector<512x64xf32>,
    } else {
    }
    %gt3A = arith.constant 0 : i32
    %gt3A_82 = arith.cmpi sgt, %arg1, %gt3A : i32
    %convert_element_type3A_83 = arith.extui %gt3A_82 : i1 to i32
    %cond3A_84 = arith.constant 0 : i32
    %cond3A_85 = arith.cmpi ne, %convert_element_type3A_83, %cond3A_84 : i32
    scf.if %cond3A_85 {
      %get3A_86 = arith.constant 0 : index
      %get3A_87 = arith.constant 0 : index
      %get3A_88 = vector.load %arg11[%get3A_86, %get3A_87] : memref<512x64xf32, #tpu.memory_space<vmem>>, vector<512x64xf32>
      %max3A = arith.maximumf %get3A_88, %add3A_55 : vector<512x64xf32>
      %swap3A = arith.constant 0 : index
      %swap3A_89 = arith.constant 0 : index
      %swap3A_90 = vector.load %arg11[%swap3A, %swap3A_89] : memref<512x64xf32, #tpu.memory_space<vmem>>, vector<512x64xf32>
      tpu.vector_store %arg11[%swap3A, %swap3A_89], %max3A {strides = array<i32>} : memref<512x64xf32, #tpu.memory_space<vmem>>, vector<512x64xf32>,
    } else {
    }
    return
  }
  func.func @transform_0(%arg0: i32, %arg1: i32) -> (i32, i32) {
    %mul3A = arith.constant 16 : i32
    %mul3A_0 = arith.muli %arg1, %mul3A : i32
    %add3A = arith.addi %mul3A_0, %arg0 : i32
    %c0_i32 = arith.constant 0 : i32
    %c0_i32_1 = arith.constant 0 : i32
    return %add3A, %c0_i32 : i32, i32
  }
  func.func @transform_1(%arg0: i32, %arg1: i32) -> (i32, i32) {
    %c0_i32 = arith.constant 0 : i32
    %c0_i32_0 = arith.constant 0 : i32
    return %arg0, %c0_i32 : i32, i32
  }
  func.func @transform_2(%arg0: i32, %arg1: i32) -> (i32, i32) {
    %c0_i32 = arith.constant 0 : i32
    %c0_i32_0 = arith.constant 0 : i32
    return %arg0, %c0_i32 : i32, i32
  }
  func.func @transform_3(%arg0: i32, %arg1: i32) -> (i32, i32) {
    %c0_i32 = arith.constant 0 : i32
    %c0_i32_0 = arith.constant 0 : i32
    %c0_i32_1 = arith.constant 0 : i32
    return %c0_i32, %c0_i32_0 : i32, i32
  }
  func.func @transform_4(%arg0: i32, %arg1: i32) -> (i32, i32) {
    %c0_i32 = arith.constant 0 : i32
    %c0_i32_0 = arith.constant 0 : i32
    %c0_i32_1 = arith.constant 0 : i32
    return %c0_i32, %c0_i32_0 : i32, i32
  }
  func.func @transform_5(%arg0: i32, %arg1: i32) -> (i32, i32) {
    %c0_i32 = arith.constant 0 : i32
    %c0_i32_0 = arith.constant 0 : i32
    %c0_i32_1 = arith.constant 0 : i32
    return %c0_i32, %c0_i32_0 : i32, i32
  }
  func.func @transform_6(%arg0: i32, %arg1: i32) -> (i32, i32) {
    %c0_i32 = arith.constant 0 : i32
    %c0_i32_0 = arith.constant 0 : i32
    %c0_i32_1 = arith.constant 0 : i32
    return %c0_i32, %c0_i32_0 : i32, i32
  }
  func.func @transform_7(%arg0: i32, %arg1: i32) -> (i32, i32) {
    %c0_i32 = arith.constant 0 : i32
    %c0_i32_0 = arith.constant 0 : i32
    %c0_i32_1 = arith.constant 0 : i32
    return %c0_i32, %c0_i32_0 : i32, i32
  }
  func.func @transform_8(%arg0: i32, %arg1: i32) -> (i32, i32) {
    %c0_i32 = arith.constant 0 : i32
    %c0_i32_0 = arith.constant 0 : i32
    %c0_i32_1 = arith.constant 0 : i32
    return %c0_i32, %c0_i32_0 : i32, i32
  }
  func.func @transform_9(%arg0: i32, %arg1: i32) -> (i32, i32) {
    %c0_i32 = arith.constant 0 : i32
    %c0_i32_0 = arith.constant 0 : i32
    return %arg0, %c0_i32 : i32, i32
  }
  func.func @transform_10(%arg0: i32, %arg1: i32) -> (i32, i32) {
    %c0_i32 = arith.constant 0 : i32
    %c0_i32_0 = arith.constant 0 : i32
    %c0_i32_1 = arith.constant 0 : i32
    return %c0_i32, %c0_i32_0 : i32, i32
  }
}

module attributes {stable_mosaic.version = 14 : i64} {
  func.func @_prep_affine_body(%arg0: i32, %arg1: memref<512x64xf32, #tpu.memory_space<vmem>>, %arg2: memref<8x64xf32, #tpu.memory_space<vmem>>, %arg3: memref<1x64xf32, #tpu.memory_space<vmem>>, %arg4: memref<1x64xf32, #tpu.memory_space<vmem>>, %arg5: memref<128x64xf32, #tpu.memory_space<vmem>>, %arg6: memref<1x64xf32, #tpu.memory_space<vmem>>, %arg7: memref<512x64xf32, #tpu.memory_space<vmem>>, %arg8: memref<512x64xf32, #tpu.memory_space<vmem>>, %arg9: memref<512x128xf32, #tpu.memory_space<vmem>>) attributes {dimension_semantics = [#tpu.dimension_semantics<arbitrary>], iteration_bounds = array<i64: 16>, scalar_prefetch = 0 : i64, scratch_operands = 0 : i64, tpu.core_type = #tpu.core_type<tc>, window_params = [{transform_indices = @transform_0, window_bounds = array<i64: 512, 64>}, {pipeline_mode = #tpu.pipeline_mode<synchronous>, transform_indices = @transform_1, window_bounds = array<i64: 8, 64>}, {pipeline_mode = #tpu.pipeline_mode<synchronous>, transform_indices = @transform_2, window_bounds = array<i64: 1, 64>}, {pipeline_mode = #tpu.pipeline_mode<synchronous>, transform_indices = @transform_3, window_bounds = array<i64: 1, 64>}, {pipeline_mode = #tpu.pipeline_mode<synchronous>, transform_indices = @transform_4, window_bounds = array<i64: 128, 64>}, {pipeline_mode = #tpu.pipeline_mode<synchronous>, transform_indices = @transform_5, window_bounds = array<i64: 1, 64>}, {transform_indices = @transform_6, window_bounds = array<i64: 512, 64>}, {transform_indices = @transform_7, window_bounds = array<i64: 512, 64>}, {transform_indices = @transform_8, window_bounds = array<i64: 512, 128>}]} {
    %get3A = arith.constant 0 : index
    %get3A_0 = arith.constant 0 : index
    %get3A_1 = vector.load %arg2[%get3A, %get3A_0] : memref<8x64xf32, #tpu.memory_space<vmem>>, vector<8x64xf32>
    %get3A_2 = arith.constant 0 : index
    %get3A_3 = arith.constant 0 : index
    %get3A_4 = vector.load %arg3[%get3A_2, %get3A_3] : memref<1x64xf32, #tpu.memory_space<vmem>>, vector<1x64xf32>
    %get3A_5 = arith.constant 0 : index
    %get3A_6 = arith.constant 0 : index
    %get3A_7 = vector.load %arg4[%get3A_5, %get3A_6] : memref<1x64xf32, #tpu.memory_space<vmem>>, vector<1x64xf32>
    %slice3A = vector.extract_strided_slice %get3A_1 {offsets = [0, 0], sizes = [1, 64], strides = [1, 1]} : vector<8x64xf32> to vector<1x64xf32>
    %div3A = arith.constant 1.638400e+05 : f32
    %div3A_8 = vector.broadcast %div3A : f32 to vector<1x64xf32>
    %div3A_9 = arith.divf %slice3A, %div3A_8 : vector<1x64xf32>
    %slice3A_10 = vector.extract_strided_slice %get3A_1 {offsets = [1, 0], sizes = [1, 64], strides = [1, 1]} : vector<8x64xf32> to vector<1x64xf32>
    %div3A_11 = arith.constant 1.638400e+05 : f32
    %div3A_12 = vector.broadcast %div3A_11 : f32 to vector<1x64xf32>
    %div3A_13 = arith.divf %slice3A_10, %div3A_12 : vector<1x64xf32>
    %mul3A = arith.mulf %div3A_9, %div3A_9 : vector<1x64xf32>
    %sub3A = arith.subf %div3A_13, %mul3A : vector<1x64xf32>
    %add3A = arith.constant 9.99999974E-6 : f32
    %add3A_14 = vector.broadcast %add3A : f32 to vector<1x64xf32>
    %add3A_15 = arith.addf %sub3A, %add3A_14 : vector<1x64xf32>
    %rsqrt3A = math.rsqrt %add3A_15 : vector<1x64xf32>
    %mul3A_16 = arith.mulf %get3A_4, %rsqrt3A : vector<1x64xf32>
    %mul3A_17 = arith.mulf %mul3A_16, %div3A_9 : vector<1x64xf32>
    %sub3A_18 = arith.subf %get3A_7, %mul3A_17 : vector<1x64xf32>
    %get3A_19 = arith.constant 0 : index
    %get3A_20 = arith.constant 0 : index
    %get3A_21 = vector.load %arg1[%get3A_19, %get3A_20] : memref<512x64xf32, #tpu.memory_space<vmem>>, vector<512x64xf32>
    %mul3A_22 = vector.broadcast %mul3A_16 : vector<1x64xf32> to vector<512x64xf32>
    %mul3A_23 = arith.mulf %mul3A_22, %get3A_21 : vector<512x64xf32>
    %add3A_24 = vector.broadcast %sub3A_18 : vector<1x64xf32> to vector<512x64xf32>
    %add3A_25 = arith.addf %mul3A_23, %add3A_24 : vector<512x64xf32>
    %ge3A = arith.constant 0.000000e+00 : f32
    %ge3A_26 = vector.broadcast %ge3A : f32 to vector<512x64xf32>
    %ge3A_27 = arith.cmpf oge, %add3A_25, %ge3A_26 : vector<512x64xf32>
    %mul3A_28 = arith.constant 2.000000e-01 : f32
    %mul3A_29 = vector.broadcast %mul3A_28 : f32 to vector<512x64xf32>
    %mul3A_30 = arith.mulf %mul3A_29, %add3A_25 : vector<512x64xf32>
    %select_n3A = arith.select %ge3A_27, %add3A_25, %mul3A_30 : vector<512x64xi1>, vector<512x64xf32>
    %swap3A = arith.constant 0 : index
    %swap3A_31 = arith.constant 0 : index
    %swap3A_32 = vector.load %arg7[%swap3A, %swap3A_31] : memref<512x64xf32, #tpu.memory_space<vmem>>, vector<512x64xf32>
    tpu.vector_store %arg7[%swap3A, %swap3A_31], %select_n3A {strides = array<i32>} : memref<512x64xf32, #tpu.memory_space<vmem>>, vector<512x64xf32>,
    %get3A_33 = arith.constant 0 : index
    %get3A_34 = arith.constant 0 : index
    %get3A_35 = vector.load %arg5[%get3A_33, %get3A_34] : memref<128x64xf32, #tpu.memory_space<vmem>>, vector<64x64xf32>
    %convert_element_type3A = arith.truncf %select_n3A : vector<512x64xf32> to vector<512x64xbf16>
    %convert_element_type3A_36 = arith.truncf %get3A_35 : vector<64x64xf32> to vector<64x64xbf16>
    %dot_general3A = arith.constant dense<0.000000e+00> : vector<512x64xf32>
    %dot_general3A_37 = tpu.matmul %convert_element_type3A, %convert_element_type3A_36, %dot_general3A {dimension_numbers = #tpu.dot_dimension_numbers<[1], [0], [0], [1], [0, 0, 1, 1], [], []>, transpose_lhs_hint = false} : vector<512x64xbf16>, vector<64x64xbf16>, vector<512x64xf32> -> vector<512x64xf32>
    %get3A_38 = arith.constant 0 : index
    %get3A_39 = arith.constant 0 : index
    %get3A_40 = vector.load %arg6[%get3A_38, %get3A_39] : memref<1x64xf32, #tpu.memory_space<vmem>>, vector<1x64xf32>
    %add3A_41 = vector.broadcast %get3A_40 : vector<1x64xf32> to vector<512x64xf32>
    %add3A_42 = arith.addf %dot_general3A_37, %add3A_41 : vector<512x64xf32>
    %swap3A_43 = arith.constant 0 : index
    %swap3A_44 = arith.constant 0 : index
    %swap3A_45 = vector.load %arg8[%swap3A_43, %swap3A_44] : memref<512x64xf32, #tpu.memory_space<vmem>>, vector<512x64xf32>
    tpu.vector_store %arg8[%swap3A_43, %swap3A_44], %add3A_42 {strides = array<i32>} : memref<512x64xf32, #tpu.memory_space<vmem>>, vector<512x64xf32>,
    %swap3A_46 = arith.constant 0 : index
    %swap3A_47 = arith.constant 0 : index
    %swap3A_48 = vector.load %arg9[%swap3A_46, %swap3A_47] : memref<512x128xf32, #tpu.memory_space<vmem>>, vector<512x64xf32>
    tpu.vector_store %arg9[%swap3A_46, %swap3A_47], %select_n3A {strides = array<i32>} : memref<512x128xf32, #tpu.memory_space<vmem>>, vector<512x64xf32>,
    return
  }
  func.func @transform_0(%arg0: i32) -> (i32, i32) {
    %c0_i32 = arith.constant 0 : i32
    %c0_i32_0 = arith.constant 0 : i32
    return %arg0, %c0_i32 : i32, i32
  }
  func.func @transform_1(%arg0: i32) -> (i32, i32) {
    %c0_i32 = arith.constant 0 : i32
    %c0_i32_0 = arith.constant 0 : i32
    %c0_i32_1 = arith.constant 0 : i32
    return %c0_i32, %c0_i32_0 : i32, i32
  }
  func.func @transform_2(%arg0: i32) -> (i32, i32) {
    %c0_i32 = arith.constant 0 : i32
    %c0_i32_0 = arith.constant 0 : i32
    %c0_i32_1 = arith.constant 0 : i32
    return %c0_i32, %c0_i32_0 : i32, i32
  }
  func.func @transform_3(%arg0: i32) -> (i32, i32) {
    %c0_i32 = arith.constant 0 : i32
    %c0_i32_0 = arith.constant 0 : i32
    %c0_i32_1 = arith.constant 0 : i32
    return %c0_i32, %c0_i32_0 : i32, i32
  }
  func.func @transform_4(%arg0: i32) -> (i32, i32) {
    %c0_i32 = arith.constant 0 : i32
    %c0_i32_0 = arith.constant 0 : i32
    %c0_i32_1 = arith.constant 0 : i32
    return %c0_i32, %c0_i32_0 : i32, i32
  }
  func.func @transform_5(%arg0: i32) -> (i32, i32) {
    %c0_i32 = arith.constant 0 : i32
    %c0_i32_0 = arith.constant 0 : i32
    %c0_i32_1 = arith.constant 0 : i32
    return %c0_i32, %c0_i32_0 : i32, i32
  }
  func.func @transform_6(%arg0: i32) -> (i32, i32) {
    %c0_i32 = arith.constant 0 : i32
    %c0_i32_0 = arith.constant 0 : i32
    return %arg0, %c0_i32 : i32, i32
  }
  func.func @transform_7(%arg0: i32) -> (i32, i32) {
    %c0_i32 = arith.constant 0 : i32
    %c0_i32_0 = arith.constant 0 : i32
    return %arg0, %c0_i32 : i32, i32
  }
  func.func @transform_8(%arg0: i32) -> (i32, i32) {
    %c0_i32 = arith.constant 0 : i32
    %c0_i32_0 = arith.constant 0 : i32
    return %arg0, %c0_i32 : i32, i32
  }
}

module attributes {stable_mosaic.version = 14 : i64} {
  func.func @_stats1_body(%arg0: i32, %arg1: i32, %arg2: memref<512x128xf32, #tpu.memory_space<vmem>>, %arg3: memref<512x64xf32, #tpu.memory_space<vmem>>, %arg4: memref<512x64xf32, #tpu.memory_space<vmem>>, %arg5: memref<64x64xf32, #tpu.memory_space<vmem>>, %arg6: memref<8x64xf32, #tpu.memory_space<vmem>>) attributes {dimension_semantics = [#tpu.dimension_semantics<arbitrary>, #tpu.dimension_semantics<arbitrary>], iteration_bounds = array<i64: 20, 16>, scalar_prefetch = 0 : i64, scratch_operands = 0 : i64, tpu.core_type = #tpu.core_type<tc>, window_params = [{transform_indices = @transform_0, window_bounds = array<i64: 512, 128>}, {transform_indices = @transform_1, window_bounds = array<i64: 512, 64>}, {transform_indices = @transform_2, window_bounds = array<i64: 512, 64>}, {pipeline_mode = #tpu.pipeline_mode<synchronous>, transform_indices = @transform_3, window_bounds = array<i64: 64, 64>}, {pipeline_mode = #tpu.pipeline_mode<synchronous>, transform_indices = @transform_4, window_bounds = array<i64: 8, 64>}]} {
    %get3A = arith.constant 0 : index
    %get3A_0 = arith.constant 0 : index
    %get3A_1 = vector.load %arg2[%get3A, %get3A_0] : memref<512x128xf32, #tpu.memory_space<vmem>>, vector<512x64xf32>
    %get3A_2 = arith.constant 0 : index
    %get3A_3 = arith.constant 0 : index
    %get3A_4 = vector.load %arg3[%get3A_2, %get3A_3] : memref<512x64xf32, #tpu.memory_space<vmem>>, vector<512x64xf32>
    %sub3A = arith.subf %get3A_1, %get3A_4 : vector<512x64xf32>
    %get3A_5 = arith.constant 0 : index
    %get3A_6 = arith.constant 0 : index
    %get3A_7 = vector.load %arg4[%get3A_5, %get3A_6] : memref<512x64xf32, #tpu.memory_space<vmem>>, vector<512x64xf32>
    %get3A_8 = arith.constant 0 : index
    %get3A_9 = arith.constant 0 : index
    %get3A_10 = vector.load %arg5[%get3A_8, %get3A_9] : memref<64x64xf32, #tpu.memory_space<vmem>>, vector<64x64xf32>
    %convert_element_type3A = arith.truncf %sub3A : vector<512x64xf32> to vector<512x64xbf16>
    %convert_element_type3A_11 = arith.truncf %get3A_10 : vector<64x64xf32> to vector<64x64xbf16>
    %dot_general3A = arith.constant dense<0.000000e+00> : vector<512x64xf32>
    %dot_general3A_12 = tpu.matmul %convert_element_type3A, %convert_element_type3A_11, %dot_general3A {dimension_numbers = #tpu.dot_dimension_numbers<[1], [0], [0], [1], [0, 0, 1, 1], [], []>, transpose_lhs_hint = false} : vector<512x64xbf16>, vector<64x64xbf16>, vector<512x64xf32> -> vector<512x64xf32>
    %add3A = arith.addf %get3A_7, %dot_general3A_12 : vector<512x64xf32>
    %reduce_sum3A = arith.constant dense<0.000000e+00> : vector<64xf32>
    %reduce_sum3A_13 = vector.multi_reduction <add>, %add3A, %reduce_sum3A [0] : vector<512x64xf32> to vector<64xf32>
    %broadcast_in_dim3A = vector.shape_cast %reduce_sum3A_13 : vector<64xf32> to vector<1x64xf32>
    %mul3A = arith.mulf %add3A, %add3A : vector<512x64xf32>
    %reduce_sum3A_14 = arith.constant dense<0.000000e+00> : vector<64xf32>
    %reduce_sum3A_15 = vector.multi_reduction <add>, %mul3A, %reduce_sum3A_14 [0] : vector<512x64xf32> to vector<64xf32>
    %broadcast_in_dim3A_16 = vector.shape_cast %reduce_sum3A_15 : vector<64xf32> to vector<1x64xf32>
    %broadcast_in_dim3A_17 = arith.constant 0.000000e+00 : f32
    %broadcast_in_dim3A_18 = vector.broadcast %broadcast_in_dim3A_17 : f32 to vector<6x64xf32>
    %concatenate3A = tpu.concatenate %broadcast_in_dim3A, %broadcast_in_dim3A_16, %broadcast_in_dim3A_18 in 0 : vector<1x64xf32>, vector<1x64xf32>, vector<6x64xf32> -> vector<8x64xf32>
    %eq3A = arith.constant 0 : i32
    %eq3A_19 = arith.cmpi eq, %arg0, %eq3A : i32
    %eq3A_20 = arith.constant 0 : i32
    %eq3A_21 = arith.cmpi eq, %arg1, %eq3A_20 : i32
    %and3A = arith.andi %eq3A_19, %eq3A_21 : i1
    %convert_element_type3A_22 = arith.extui %and3A : i1 to i32
    %cond3A = arith.constant 0 : i32
    %cond3A_23 = arith.cmpi ne, %convert_element_type3A_22, %cond3A : i32
    scf.if %cond3A_23 {
      %swap3A = arith.constant 0 : index
      %swap3A_33 = arith.constant 0 : index
      %swap3A_34 = vector.load %arg6[%swap3A, %swap3A_33] : memref<8x64xf32, #tpu.memory_space<vmem>>, vector<8x64xf32>
      tpu.vector_store %arg6[%swap3A, %swap3A_33], %concatenate3A {strides = array<i32>} : memref<8x64xf32, #tpu.memory_space<vmem>>, vector<8x64xf32>,
    } else {
    }
    %eq3A_24 = arith.constant 0 : i32
    %eq3A_25 = arith.cmpi eq, %arg0, %eq3A_24 : i32
    %eq3A_26 = arith.constant 0 : i32
    %eq3A_27 = arith.cmpi eq, %arg1, %eq3A_26 : i32
    %and3A_28 = arith.andi %eq3A_25, %eq3A_27 : i1
    %not3A = arith.constant true
    %not3A_29 = arith.xori %and3A_28, %not3A : i1
    %convert_element_type3A_30 = arith.extui %not3A_29 : i1 to i32
    %cond3A_31 = arith.constant 0 : i32
    %cond3A_32 = arith.cmpi ne, %convert_element_type3A_30, %cond3A_31 : i32
    scf.if %cond3A_32 {
      %get3A_33 = arith.constant 0 : index
      %get3A_34 = arith.constant 0 : index
      %get3A_35 = vector.load %arg6[%get3A_33, %get3A_34] : memref<8x64xf32, #tpu.memory_space<vmem>>, vector<8x64xf32>
      %add3A_36 = arith.addf %get3A_35, %concatenate3A : vector<8x64xf32>
      %swap3A = arith.constant 0 : index
      %swap3A_37 = arith.constant 0 : index
      %swap3A_38 = vector.load %arg6[%swap3A, %swap3A_37] : memref<8x64xf32, #tpu.memory_space<vmem>>, vector<8x64xf32>
      tpu.vector_store %arg6[%swap3A, %swap3A_37], %add3A_36 {strides = array<i32>} : memref<8x64xf32, #tpu.memory_space<vmem>>, vector<8x64xf32>,
    } else {
    }
    return
  }
  func.func @transform_0(%arg0: i32, %arg1: i32) -> (i32, i32) {
    %mul3A = arith.constant 16 : i32
    %mul3A_0 = arith.muli %arg0, %mul3A : i32
    %add3A = arith.addi %mul3A_0, %arg1 : i32
    %c0_i32 = arith.constant 0 : i32
    %c0_i32_1 = arith.constant 0 : i32
    return %add3A, %c0_i32 : i32, i32
  }
  func.func @transform_1(%arg0: i32, %arg1: i32) -> (i32, i32) {
    %c0_i32 = arith.constant 0 : i32
    %c0_i32_0 = arith.constant 0 : i32
    return %arg1, %c0_i32 : i32, i32
  }
  func.func @transform_2(%arg0: i32, %arg1: i32) -> (i32, i32) {
    %c0_i32 = arith.constant 0 : i32
    %c0_i32_0 = arith.constant 0 : i32
    return %arg1, %c0_i32 : i32, i32
  }
  func.func @transform_3(%arg0: i32, %arg1: i32) -> (i32, i32) {
    %c0_i32 = arith.constant 0 : i32
    %c0_i32_0 = arith.constant 0 : i32
    %c0_i32_1 = arith.constant 0 : i32
    return %c0_i32, %c0_i32_0 : i32, i32
  }
  func.func @transform_4(%arg0: i32, %arg1: i32) -> (i32, i32) {
    %c0_i32 = arith.constant 0 : i32
    %c0_i32_0 = arith.constant 0 : i32
    %c0_i32_1 = arith.constant 0 : i32
    return %c0_i32, %c0_i32_0 : i32, i32
  }
}

module attributes {stable_mosaic.version = 14 : i64} {
  func.func @_convout_body(%arg0: i32, %arg1: i32, %arg2: memref<512x128xf32, #tpu.memory_space<vmem>>, %arg3: memref<512x64xf32, #tpu.memory_space<vmem>>, %arg4: memref<512x64xf32, #tpu.memory_space<vmem>>, %arg5: memref<64x64xf32, #tpu.memory_space<vmem>>, %arg6: memref<8x64xf32, #tpu.memory_space<vmem>>, %arg7: memref<1x64xf32, #tpu.memory_space<vmem>>, %arg8: memref<1x64xf32, #tpu.memory_space<vmem>>, %arg9: memref<64x64xf32, #tpu.memory_space<vmem>>, %arg10: memref<1x64xf32, #tpu.memory_space<vmem>>, %arg11: memref<512x64xf32, #tpu.memory_space<vmem>>, %arg12: memref<8x64xf32, #tpu.memory_space<vmem>>) attributes {dimension_semantics = [#tpu.dimension_semantics<arbitrary>, #tpu.dimension_semantics<arbitrary>], iteration_bounds = array<i64: 16, 20>, scalar_prefetch = 0 : i64, scratch_operands = 0 : i64, tpu.core_type = #tpu.core_type<tc>, window_params = [{transform_indices = @transform_0, window_bounds = array<i64: 512, 128>}, {transform_indices = @transform_1, window_bounds = array<i64: 512, 64>}, {transform_indices = @transform_2, window_bounds = array<i64: 512, 64>}, {pipeline_mode = #tpu.pipeline_mode<synchronous>, transform_indices = @transform_3, window_bounds = array<i64: 64, 64>}, {pipeline_mode = #tpu.pipeline_mode<synchronous>, transform_indices = @transform_4, window_bounds = array<i64: 8, 64>}, {pipeline_mode = #tpu.pipeline_mode<synchronous>, transform_indices = @transform_5, window_bounds = array<i64: 1, 64>}, {pipeline_mode = #tpu.pipeline_mode<synchronous>, transform_indices = @transform_6, window_bounds = array<i64: 1, 64>}, {pipeline_mode = #tpu.pipeline_mode<synchronous>, transform_indices = @transform_7, window_bounds = array<i64: 64, 64>}, {pipeline_mode = #tpu.pipeline_mode<synchronous>, transform_indices = @transform_8, window_bounds = array<i64: 1, 64>}, {transform_indices = @transform_9, window_bounds = array<i64: 512, 64>}, {pipeline_mode = #tpu.pipeline_mode<synchronous>, transform_indices = @transform_10, window_bounds = array<i64: 8, 64>}]} {
    %get3A = arith.constant 0 : index
    %get3A_0 = arith.constant 0 : index
    %get3A_1 = vector.load %arg6[%get3A, %get3A_0] : memref<8x64xf32, #tpu.memory_space<vmem>>, vector<8x64xf32>
    %get3A_2 = arith.constant 0 : index
    %get3A_3 = arith.constant 0 : index
    %get3A_4 = vector.load %arg7[%get3A_2, %get3A_3] : memref<1x64xf32, #tpu.memory_space<vmem>>, vector<1x64xf32>
    %get3A_5 = arith.constant 0 : index
    %get3A_6 = arith.constant 0 : index
    %get3A_7 = vector.load %arg8[%get3A_5, %get3A_6] : memref<1x64xf32, #tpu.memory_space<vmem>>, vector<1x64xf32>
    %slice3A = vector.extract_strided_slice %get3A_1 {offsets = [0, 0], sizes = [1, 64], strides = [1, 1]} : vector<8x64xf32> to vector<1x64xf32>
    %div3A = arith.constant 1.638400e+05 : f32
    %div3A_8 = vector.broadcast %div3A : f32 to vector<1x64xf32>
    %div3A_9 = arith.divf %slice3A, %div3A_8 : vector<1x64xf32>
    %slice3A_10 = vector.extract_strided_slice %get3A_1 {offsets = [1, 0], sizes = [1, 64], strides = [1, 1]} : vector<8x64xf32> to vector<1x64xf32>
    %div3A_11 = arith.constant 1.638400e+05 : f32
    %div3A_12 = vector.broadcast %div3A_11 : f32 to vector<1x64xf32>
    %div3A_13 = arith.divf %slice3A_10, %div3A_12 : vector<1x64xf32>
    %mul3A = arith.mulf %div3A_9, %div3A_9 : vector<1x64xf32>
    %sub3A = arith.subf %div3A_13, %mul3A : vector<1x64xf32>
    %add3A = arith.constant 9.99999974E-6 : f32
    %add3A_14 = vector.broadcast %add3A : f32 to vector<1x64xf32>
    %add3A_15 = arith.addf %sub3A, %add3A_14 : vector<1x64xf32>
    %rsqrt3A = math.rsqrt %add3A_15 : vector<1x64xf32>
    %mul3A_16 = arith.mulf %get3A_4, %rsqrt3A : vector<1x64xf32>
    %mul3A_17 = arith.mulf %mul3A_16, %div3A_9 : vector<1x64xf32>
    %sub3A_18 = arith.subf %get3A_7, %mul3A_17 : vector<1x64xf32>
    %get3A_19 = arith.constant 0 : index
    %get3A_20 = arith.constant 0 : index
    %get3A_21 = vector.load %arg2[%get3A_19, %get3A_20] : memref<512x128xf32, #tpu.memory_space<vmem>>, vector<512x64xf32>
    %get3A_22 = arith.constant 0 : index
    %get3A_23 = arith.constant 0 : index
    %get3A_24 = vector.load %arg3[%get3A_22, %get3A_23] : memref<512x64xf32, #tpu.memory_space<vmem>>, vector<512x64xf32>
    %sub3A_25 = arith.subf %get3A_21, %get3A_24 : vector<512x64xf32>
    %get3A_26 = arith.constant 0 : index
    %get3A_27 = arith.constant 0 : index
    %get3A_28 = vector.load %arg4[%get3A_26, %get3A_27] : memref<512x64xf32, #tpu.memory_space<vmem>>, vector<512x64xf32>
    %get3A_29 = arith.constant 0 : index
    %get3A_30 = arith.constant 0 : index
    %get3A_31 = vector.load %arg5[%get3A_29, %get3A_30] : memref<64x64xf32, #tpu.memory_space<vmem>>, vector<64x64xf32>
    %convert_element_type3A = arith.truncf %sub3A_25 : vector<512x64xf32> to vector<512x64xbf16>
    %convert_element_type3A_32 = arith.truncf %get3A_31 : vector<64x64xf32> to vector<64x64xbf16>
    %dot_general3A = arith.constant dense<0.000000e+00> : vector<512x64xf32>
    %dot_general3A_33 = tpu.matmul %convert_element_type3A, %convert_element_type3A_32, %dot_general3A {dimension_numbers = #tpu.dot_dimension_numbers<[1], [0], [0], [1], [0, 0, 1, 1], [], []>, transpose_lhs_hint = false} : vector<512x64xbf16>, vector<64x64xbf16>, vector<512x64xf32> -> vector<512x64xf32>
    %add3A_34 = arith.addf %get3A_28, %dot_general3A_33 : vector<512x64xf32>
    %mul3A_35 = vector.broadcast %mul3A_16 : vector<1x64xf32> to vector<512x64xf32>
    %mul3A_36 = arith.mulf %mul3A_35, %add3A_34 : vector<512x64xf32>
    %add3A_37 = vector.broadcast %sub3A_18 : vector<1x64xf32> to vector<512x64xf32>
    %add3A_38 = arith.addf %mul3A_36, %add3A_37 : vector<512x64xf32>
    %ge3A = arith.constant 0.000000e+00 : f32
    %ge3A_39 = vector.broadcast %ge3A : f32 to vector<512x64xf32>
    %ge3A_40 = arith.cmpf oge, %add3A_38, %ge3A_39 : vector<512x64xf32>
    %mul3A_41 = arith.constant 2.000000e-01 : f32
    %mul3A_42 = vector.broadcast %mul3A_41 : f32 to vector<512x64xf32>
    %mul3A_43 = arith.mulf %mul3A_42, %add3A_38 : vector<512x64xf32>
    %select_n3A = arith.select %ge3A_40, %add3A_38, %mul3A_43 : vector<512x64xi1>, vector<512x64xf32>
    %get3A_44 = arith.constant 0 : index
    %get3A_45 = arith.constant 0 : index
    %get3A_46 = vector.load %arg9[%get3A_44, %get3A_45] : memref<64x64xf32, #tpu.memory_space<vmem>>, vector<64x64xf32>
    %convert_element_type3A_47 = arith.truncf %select_n3A : vector<512x64xf32> to vector<512x64xbf16>
    %convert_element_type3A_48 = arith.truncf %get3A_46 : vector<64x64xf32> to vector<64x64xbf16>
    %dot_general3A_49 = arith.constant dense<0.000000e+00> : vector<512x64xf32>
    %dot_general3A_50 = tpu.matmul %convert_element_type3A_47, %convert_element_type3A_48, %dot_general3A_49 {dimension_numbers = #tpu.dot_dimension_numbers<[1], [0], [0], [1], [0, 0, 1, 1], [], []>, transpose_lhs_hint = false} : vector<512x64xbf16>, vector<64x64xbf16>, vector<512x64xf32> -> vector<512x64xf32>
    %get3A_51 = arith.constant 0 : index
    %get3A_52 = arith.constant 0 : index
    %get3A_53 = vector.load %arg10[%get3A_51, %get3A_52] : memref<1x64xf32, #tpu.memory_space<vmem>>, vector<1x64xf32>
    %add3A_54 = vector.broadcast %get3A_53 : vector<1x64xf32> to vector<512x64xf32>
    %add3A_55 = arith.addf %dot_general3A_50, %add3A_54 : vector<512x64xf32>
    %reduce_sum3A = arith.constant dense<0.000000e+00> : vector<64xf32>
    %reduce_sum3A_56 = vector.multi_reduction <add>, %add3A_55, %reduce_sum3A [0] : vector<512x64xf32> to vector<64xf32>
    %broadcast_in_dim3A = vector.shape_cast %reduce_sum3A_56 : vector<64xf32> to vector<1x64xf32>
    %mul3A_57 = arith.mulf %add3A_55, %add3A_55 : vector<512x64xf32>
    %reduce_sum3A_58 = arith.constant dense<0.000000e+00> : vector<64xf32>
    %reduce_sum3A_59 = vector.multi_reduction <add>, %mul3A_57, %reduce_sum3A_58 [0] : vector<512x64xf32> to vector<64xf32>
    %broadcast_in_dim3A_60 = vector.shape_cast %reduce_sum3A_59 : vector<64xf32> to vector<1x64xf32>
    %broadcast_in_dim3A_61 = arith.constant 0.000000e+00 : f32
    %broadcast_in_dim3A_62 = vector.broadcast %broadcast_in_dim3A_61 : f32 to vector<6x64xf32>
    %concatenate3A = tpu.concatenate %broadcast_in_dim3A, %broadcast_in_dim3A_60, %broadcast_in_dim3A_62 in 0 : vector<1x64xf32>, vector<1x64xf32>, vector<6x64xf32> -> vector<8x64xf32>
    %eq3A = arith.constant 0 : i32
    %eq3A_63 = arith.cmpi eq, %arg1, %eq3A : i32
    %eq3A_64 = arith.constant 0 : i32
    %eq3A_65 = arith.cmpi eq, %arg0, %eq3A_64 : i32
    %and3A = arith.andi %eq3A_63, %eq3A_65 : i1
    %convert_element_type3A_66 = arith.extui %and3A : i1 to i32
    %cond3A = arith.constant 0 : i32
    %cond3A_67 = arith.cmpi ne, %convert_element_type3A_66, %cond3A : i32
    scf.if %cond3A_67 {
      %swap3A = arith.constant 0 : index
      %swap3A_86 = arith.constant 0 : index
      %swap3A_87 = vector.load %arg12[%swap3A, %swap3A_86] : memref<8x64xf32, #tpu.memory_space<vmem>>, vector<8x64xf32>
      tpu.vector_store %arg12[%swap3A, %swap3A_86], %concatenate3A {strides = array<i32>} : memref<8x64xf32, #tpu.memory_space<vmem>>, vector<8x64xf32>,
    } else {
    }
    %eq3A_68 = arith.constant 0 : i32
    %eq3A_69 = arith.cmpi eq, %arg1, %eq3A_68 : i32
    %eq3A_70 = arith.constant 0 : i32
    %eq3A_71 = arith.cmpi eq, %arg0, %eq3A_70 : i32
    %and3A_72 = arith.andi %eq3A_69, %eq3A_71 : i1
    %not3A = arith.constant true
    %not3A_73 = arith.xori %and3A_72, %not3A : i1
    %convert_element_type3A_74 = arith.extui %not3A_73 : i1 to i32
    %cond3A_75 = arith.constant 0 : i32
    %cond3A_76 = arith.cmpi ne, %convert_element_type3A_74, %cond3A_75 : i32
    scf.if %cond3A_76 {
      %get3A_86 = arith.constant 0 : index
      %get3A_87 = arith.constant 0 : index
      %get3A_88 = vector.load %arg12[%get3A_86, %get3A_87] : memref<8x64xf32, #tpu.memory_space<vmem>>, vector<8x64xf32>
      %add3A_89 = arith.addf %get3A_88, %concatenate3A : vector<8x64xf32>
      %swap3A = arith.constant 0 : index
      %swap3A_90 = arith.constant 0 : index
      %swap3A_91 = vector.load %arg12[%swap3A, %swap3A_90] : memref<8x64xf32, #tpu.memory_space<vmem>>, vector<8x64xf32>
      tpu.vector_store %arg12[%swap3A, %swap3A_90], %add3A_89 {strides = array<i32>} : memref<8x64xf32, #tpu.memory_space<vmem>>, vector<8x64xf32>,
    } else {
    }
    %eq3A_77 = arith.constant 0 : i32
    %eq3A_78 = arith.cmpi eq, %arg1, %eq3A_77 : i32
    %convert_element_type3A_79 = arith.extui %eq3A_78 : i1 to i32
    %cond3A_80 = arith.constant 0 : i32
    %cond3A_81 = arith.cmpi ne, %convert_element_type3A_79, %cond3A_80 : i32
    scf.if %cond3A_81 {
      %swap3A = arith.constant 0 : index
      %swap3A_86 = arith.constant 0 : index
      %swap3A_87 = vector.load %arg11[%swap3A, %swap3A_86] : memref<512x64xf32, #tpu.memory_space<vmem>>, vector<512x64xf32>
      tpu.vector_store %arg11[%swap3A, %swap3A_86], %add3A_55 {strides = array<i32>} : memref<512x64xf32, #tpu.memory_space<vmem>>, vector<512x64xf32>,
    } else {
    }
    %gt3A = arith.constant 0 : i32
    %gt3A_82 = arith.cmpi sgt, %arg1, %gt3A : i32
    %convert_element_type3A_83 = arith.extui %gt3A_82 : i1 to i32
    %cond3A_84 = arith.constant 0 : i32
    %cond3A_85 = arith.cmpi ne, %convert_element_type3A_83, %cond3A_84 : i32
    scf.if %cond3A_85 {
      %get3A_86 = arith.constant 0 : index
      %get3A_87 = arith.constant 0 : index
      %get3A_88 = vector.load %arg11[%get3A_86, %get3A_87] : memref<512x64xf32, #tpu.memory_space<vmem>>, vector<512x64xf32>
      %max3A = arith.maximumf %get3A_88, %add3A_55 : vector<512x64xf32>
      %swap3A = arith.constant 0 : index
      %swap3A_89 = arith.constant 0 : index
      %swap3A_90 = vector.load %arg11[%swap3A, %swap3A_89] : memref<512x64xf32, #tpu.memory_space<vmem>>, vector<512x64xf32>
      tpu.vector_store %arg11[%swap3A, %swap3A_89], %max3A {strides = array<i32>} : memref<512x64xf32, #tpu.memory_space<vmem>>, vector<512x64xf32>,
    } else {
    }
    return
  }
  func.func @transform_0(%arg0: i32, %arg1: i32) -> (i32, i32) {
    %mul3A = arith.constant 16 : i32
    %mul3A_0 = arith.muli %arg1, %mul3A : i32
    %add3A = arith.addi %mul3A_0, %arg0 : i32
    %c0_i32 = arith.constant 0 : i32
    %c0_i32_1 = arith.constant 0 : i32
    return %add3A, %c0_i32 : i32, i32
  }
  func.func @transform_1(%arg0: i32, %arg1: i32) -> (i32, i32) {
    %c0_i32 = arith.constant 0 : i32
    %c0_i32_0 = arith.constant 0 : i32
    return %arg0, %c0_i32 : i32, i32
  }
  func.func @transform_2(%arg0: i32, %arg1: i32) -> (i32, i32) {
    %c0_i32 = arith.constant 0 : i32
    %c0_i32_0 = arith.constant 0 : i32
    return %arg0, %c0_i32 : i32, i32
  }
  func.func @transform_3(%arg0: i32, %arg1: i32) -> (i32, i32) {
    %c0_i32 = arith.constant 0 : i32
    %c0_i32_0 = arith.constant 0 : i32
    %c0_i32_1 = arith.constant 0 : i32
    return %c0_i32, %c0_i32_0 : i32, i32
  }
  func.func @transform_4(%arg0: i32, %arg1: i32) -> (i32, i32) {
    %c0_i32 = arith.constant 0 : i32
    %c0_i32_0 = arith.constant 0 : i32
    %c0_i32_1 = arith.constant 0 : i32
    return %c0_i32, %c0_i32_0 : i32, i32
  }
  func.func @transform_5(%arg0: i32, %arg1: i32) -> (i32, i32) {
    %c0_i32 = arith.constant 0 : i32
    %c0_i32_0 = arith.constant 0 : i32
    %c0_i32_1 = arith.constant 0 : i32
    return %c0_i32, %c0_i32_0 : i32, i32
  }
  func.func @transform_6(%arg0: i32, %arg1: i32) -> (i32, i32) {
    %c0_i32 = arith.constant 0 : i32
    %c0_i32_0 = arith.constant 0 : i32
    %c0_i32_1 = arith.constant 0 : i32
    return %c0_i32, %c0_i32_0 : i32, i32
  }
  func.func @transform_7(%arg0: i32, %arg1: i32) -> (i32, i32) {
    %c0_i32 = arith.constant 0 : i32
    %c0_i32_0 = arith.constant 0 : i32
    %c0_i32_1 = arith.constant 0 : i32
    return %c0_i32, %c0_i32_0 : i32, i32
  }
  func.func @transform_8(%arg0: i32, %arg1: i32) -> (i32, i32) {
    %c0_i32 = arith.constant 0 : i32
    %c0_i32_0 = arith.constant 0 : i32
    %c0_i32_1 = arith.constant 0 : i32
    return %c0_i32, %c0_i32_0 : i32, i32
  }
  func.func @transform_9(%arg0: i32, %arg1: i32) -> (i32, i32) {
    %c0_i32 = arith.constant 0 : i32
    %c0_i32_0 = arith.constant 0 : i32
    return %arg0, %c0_i32 : i32, i32
  }
  func.func @transform_10(%arg0: i32, %arg1: i32) -> (i32, i32) {
    %c0_i32 = arith.constant 0 : i32
    %c0_i32_0 = arith.constant 0 : i32
    %c0_i32_1 = arith.constant 0 : i32
    return %c0_i32, %c0_i32_0 : i32, i32
  }
}

module attributes {stable_mosaic.version = 14 : i64} {
  func.func @_prep_affine_body(%arg0: i32, %arg1: memref<512x64xf32, #tpu.memory_space<vmem>>, %arg2: memref<8x64xf32, #tpu.memory_space<vmem>>, %arg3: memref<1x64xf32, #tpu.memory_space<vmem>>, %arg4: memref<1x64xf32, #tpu.memory_space<vmem>>, %arg5: memref<128x128xf32, #tpu.memory_space<vmem>>, %arg6: memref<1x128xf32, #tpu.memory_space<vmem>>, %arg7: memref<512x64xf32, #tpu.memory_space<vmem>>, %arg8: memref<512x128xf32, #tpu.memory_space<vmem>>, %arg9: memref<512x128xf32, #tpu.memory_space<vmem>>) attributes {dimension_semantics = [#tpu.dimension_semantics<arbitrary>], iteration_bounds = array<i64: 16>, scalar_prefetch = 0 : i64, scratch_operands = 0 : i64, tpu.core_type = #tpu.core_type<tc>, window_params = [{transform_indices = @transform_0, window_bounds = array<i64: 512, 64>}, {pipeline_mode = #tpu.pipeline_mode<synchronous>, transform_indices = @transform_1, window_bounds = array<i64: 8, 64>}, {pipeline_mode = #tpu.pipeline_mode<synchronous>, transform_indices = @transform_2, window_bounds = array<i64: 1, 64>}, {pipeline_mode = #tpu.pipeline_mode<synchronous>, transform_indices = @transform_3, window_bounds = array<i64: 1, 64>}, {pipeline_mode = #tpu.pipeline_mode<synchronous>, transform_indices = @transform_4, window_bounds = array<i64: 128, 128>}, {pipeline_mode = #tpu.pipeline_mode<synchronous>, transform_indices = @transform_5, window_bounds = array<i64: 1, 128>}, {transform_indices = @transform_6, window_bounds = array<i64: 512, 64>}, {transform_indices = @transform_7, window_bounds = array<i64: 512, 128>}, {transform_indices = @transform_8, window_bounds = array<i64: 512, 128>}]} {
    %get3A = arith.constant 0 : index
    %get3A_0 = arith.constant 0 : index
    %get3A_1 = vector.load %arg2[%get3A, %get3A_0] : memref<8x64xf32, #tpu.memory_space<vmem>>, vector<8x64xf32>
    %get3A_2 = arith.constant 0 : index
    %get3A_3 = arith.constant 0 : index
    %get3A_4 = vector.load %arg3[%get3A_2, %get3A_3] : memref<1x64xf32, #tpu.memory_space<vmem>>, vector<1x64xf32>
    %get3A_5 = arith.constant 0 : index
    %get3A_6 = arith.constant 0 : index
    %get3A_7 = vector.load %arg4[%get3A_5, %get3A_6] : memref<1x64xf32, #tpu.memory_space<vmem>>, vector<1x64xf32>
    %slice3A = vector.extract_strided_slice %get3A_1 {offsets = [0, 0], sizes = [1, 64], strides = [1, 1]} : vector<8x64xf32> to vector<1x64xf32>
    %div3A = arith.constant 1.638400e+05 : f32
    %div3A_8 = vector.broadcast %div3A : f32 to vector<1x64xf32>
    %div3A_9 = arith.divf %slice3A, %div3A_8 : vector<1x64xf32>
    %slice3A_10 = vector.extract_strided_slice %get3A_1 {offsets = [1, 0], sizes = [1, 64], strides = [1, 1]} : vector<8x64xf32> to vector<1x64xf32>
    %div3A_11 = arith.constant 1.638400e+05 : f32
    %div3A_12 = vector.broadcast %div3A_11 : f32 to vector<1x64xf32>
    %div3A_13 = arith.divf %slice3A_10, %div3A_12 : vector<1x64xf32>
    %mul3A = arith.mulf %div3A_9, %div3A_9 : vector<1x64xf32>
    %sub3A = arith.subf %div3A_13, %mul3A : vector<1x64xf32>
    %add3A = arith.constant 9.99999974E-6 : f32
    %add3A_14 = vector.broadcast %add3A : f32 to vector<1x64xf32>
    %add3A_15 = arith.addf %sub3A, %add3A_14 : vector<1x64xf32>
    %rsqrt3A = math.rsqrt %add3A_15 : vector<1x64xf32>
    %mul3A_16 = arith.mulf %get3A_4, %rsqrt3A : vector<1x64xf32>
    %mul3A_17 = arith.mulf %mul3A_16, %div3A_9 : vector<1x64xf32>
    %sub3A_18 = arith.subf %get3A_7, %mul3A_17 : vector<1x64xf32>
    %get3A_19 = arith.constant 0 : index
    %get3A_20 = arith.constant 0 : index
    %get3A_21 = vector.load %arg1[%get3A_19, %get3A_20] : memref<512x64xf32, #tpu.memory_space<vmem>>, vector<512x64xf32>
    %mul3A_22 = vector.broadcast %mul3A_16 : vector<1x64xf32> to vector<512x64xf32>
    %mul3A_23 = arith.mulf %mul3A_22, %get3A_21 : vector<512x64xf32>
    %add3A_24 = vector.broadcast %sub3A_18 : vector<1x64xf32> to vector<512x64xf32>
    %add3A_25 = arith.addf %mul3A_23, %add3A_24 : vector<512x64xf32>
    %ge3A = arith.constant 0.000000e+00 : f32
    %ge3A_26 = vector.broadcast %ge3A : f32 to vector<512x64xf32>
    %ge3A_27 = arith.cmpf oge, %add3A_25, %ge3A_26 : vector<512x64xf32>
    %mul3A_28 = arith.constant 2.000000e-01 : f32
    %mul3A_29 = vector.broadcast %mul3A_28 : f32 to vector<512x64xf32>
    %mul3A_30 = arith.mulf %mul3A_29, %add3A_25 : vector<512x64xf32>
    %select_n3A = arith.select %ge3A_27, %add3A_25, %mul3A_30 : vector<512x64xi1>, vector<512x64xf32>
    %swap3A = arith.constant 0 : index
    %swap3A_31 = arith.constant 0 : index
    %swap3A_32 = vector.load %arg7[%swap3A, %swap3A_31] : memref<512x64xf32, #tpu.memory_space<vmem>>, vector<512x64xf32>
    tpu.vector_store %arg7[%swap3A, %swap3A_31], %select_n3A {strides = array<i32>} : memref<512x64xf32, #tpu.memory_space<vmem>>, vector<512x64xf32>,
    %get3A_33 = arith.constant 0 : index
    %get3A_34 = arith.constant 0 : index
    %get3A_35 = vector.load %arg5[%get3A_33, %get3A_34] : memref<128x128xf32, #tpu.memory_space<vmem>>, vector<64x128xf32>
    %convert_element_type3A = arith.truncf %select_n3A : vector<512x64xf32> to vector<512x64xbf16>
    %convert_element_type3A_36 = arith.truncf %get3A_35 : vector<64x128xf32> to vector<64x128xbf16>
    %dot_general3A = arith.constant dense<0.000000e+00> : vector<512x128xf32>
    %dot_general3A_37 = tpu.matmul %convert_element_type3A, %convert_element_type3A_36, %dot_general3A {dimension_numbers = #tpu.dot_dimension_numbers<[1], [0], [0], [1], [0, 0, 1, 1], [], []>, transpose_lhs_hint = false} : vector<512x64xbf16>, vector<64x128xbf16>, vector<512x128xf32> -> vector<512x128xf32>
    %get3A_38 = arith.constant 0 : index
    %get3A_39 = arith.constant 0 : index
    %get3A_40 = vector.load %arg6[%get3A_38, %get3A_39] : memref<1x128xf32, #tpu.memory_space<vmem>>, vector<1x128xf32>
    %add3A_41 = vector.broadcast %get3A_40 : vector<1x128xf32> to vector<512x128xf32>
    %add3A_42 = arith.addf %dot_general3A_37, %add3A_41 : vector<512x128xf32>
    %swap3A_43 = arith.constant 0 : index
    %swap3A_44 = arith.constant 0 : index
    %swap3A_45 = vector.load %arg8[%swap3A_43, %swap3A_44] : memref<512x128xf32, #tpu.memory_space<vmem>>, vector<512x128xf32>
    tpu.vector_store %arg8[%swap3A_43, %swap3A_44], %add3A_42 {strides = array<i32>} : memref<512x128xf32, #tpu.memory_space<vmem>>, vector<512x128xf32>,
    %swap3A_46 = arith.constant 0 : index
    %swap3A_47 = arith.constant 0 : index
    %swap3A_48 = vector.load %arg9[%swap3A_46, %swap3A_47] : memref<512x128xf32, #tpu.memory_space<vmem>>, vector<512x64xf32>
    tpu.vector_store %arg9[%swap3A_46, %swap3A_47], %select_n3A {strides = array<i32>} : memref<512x128xf32, #tpu.memory_space<vmem>>, vector<512x64xf32>,
    return
  }
  func.func @transform_0(%arg0: i32) -> (i32, i32) {
    %c0_i32 = arith.constant 0 : i32
    %c0_i32_0 = arith.constant 0 : i32
    return %arg0, %c0_i32 : i32, i32
  }
  func.func @transform_1(%arg0: i32) -> (i32, i32) {
    %c0_i32 = arith.constant 0 : i32
    %c0_i32_0 = arith.constant 0 : i32
    %c0_i32_1 = arith.constant 0 : i32
    return %c0_i32, %c0_i32_0 : i32, i32
  }
  func.func @transform_2(%arg0: i32) -> (i32, i32) {
    %c0_i32 = arith.constant 0 : i32
    %c0_i32_0 = arith.constant 0 : i32
    %c0_i32_1 = arith.constant 0 : i32
    return %c0_i32, %c0_i32_0 : i32, i32
  }
  func.func @transform_3(%arg0: i32) -> (i32, i32) {
    %c0_i32 = arith.constant 0 : i32
    %c0_i32_0 = arith.constant 0 : i32
    %c0_i32_1 = arith.constant 0 : i32
    return %c0_i32, %c0_i32_0 : i32, i32
  }
  func.func @transform_4(%arg0: i32) -> (i32, i32) {
    %c0_i32 = arith.constant 0 : i32
    %c0_i32_0 = arith.constant 0 : i32
    %c0_i32_1 = arith.constant 0 : i32
    return %c0_i32, %c0_i32_0 : i32, i32
  }
  func.func @transform_5(%arg0: i32) -> (i32, i32) {
    %c0_i32 = arith.constant 0 : i32
    %c0_i32_0 = arith.constant 0 : i32
    %c0_i32_1 = arith.constant 0 : i32
    return %c0_i32, %c0_i32_0 : i32, i32
  }
  func.func @transform_6(%arg0: i32) -> (i32, i32) {
    %c0_i32 = arith.constant 0 : i32
    %c0_i32_0 = arith.constant 0 : i32
    return %arg0, %c0_i32 : i32, i32
  }
  func.func @transform_7(%arg0: i32) -> (i32, i32) {
    %c0_i32 = arith.constant 0 : i32
    %c0_i32_0 = arith.constant 0 : i32
    return %arg0, %c0_i32 : i32, i32
  }
  func.func @transform_8(%arg0: i32) -> (i32, i32) {
    %c0_i32 = arith.constant 0 : i32
    %c0_i32_0 = arith.constant 0 : i32
    return %arg0, %c0_i32 : i32, i32
  }
}

module attributes {stable_mosaic.version = 14 : i64} {
  func.func @_stats1_body(%arg0: i32, %arg1: i32, %arg2: memref<512x128xf32, #tpu.memory_space<vmem>>, %arg3: memref<512x64xf32, #tpu.memory_space<vmem>>, %arg4: memref<512x128xf32, #tpu.memory_space<vmem>>, %arg5: memref<64x128xf32, #tpu.memory_space<vmem>>, %arg6: memref<8x128xf32, #tpu.memory_space<vmem>>) attributes {dimension_semantics = [#tpu.dimension_semantics<arbitrary>, #tpu.dimension_semantics<arbitrary>], iteration_bounds = array<i64: 20, 16>, scalar_prefetch = 0 : i64, scratch_operands = 0 : i64, tpu.core_type = #tpu.core_type<tc>, window_params = [{transform_indices = @transform_0, window_bounds = array<i64: 512, 128>}, {transform_indices = @transform_1, window_bounds = array<i64: 512, 64>}, {transform_indices = @transform_2, window_bounds = array<i64: 512, 128>}, {pipeline_mode = #tpu.pipeline_mode<synchronous>, transform_indices = @transform_3, window_bounds = array<i64: 64, 128>}, {pipeline_mode = #tpu.pipeline_mode<synchronous>, transform_indices = @transform_4, window_bounds = array<i64: 8, 128>}]} {
    %get3A = arith.constant 0 : index
    %get3A_0 = arith.constant 0 : index
    %get3A_1 = vector.load %arg2[%get3A, %get3A_0] : memref<512x128xf32, #tpu.memory_space<vmem>>, vector<512x64xf32>
    %get3A_2 = arith.constant 0 : index
    %get3A_3 = arith.constant 0 : index
    %get3A_4 = vector.load %arg3[%get3A_2, %get3A_3] : memref<512x64xf32, #tpu.memory_space<vmem>>, vector<512x64xf32>
    %sub3A = arith.subf %get3A_1, %get3A_4 : vector<512x64xf32>
    %get3A_5 = arith.constant 0 : index
    %get3A_6 = arith.constant 0 : index
    %get3A_7 = vector.load %arg4[%get3A_5, %get3A_6] : memref<512x128xf32, #tpu.memory_space<vmem>>, vector<512x128xf32>
    %get3A_8 = arith.constant 0 : index
    %get3A_9 = arith.constant 0 : index
    %get3A_10 = vector.load %arg5[%get3A_8, %get3A_9] : memref<64x128xf32, #tpu.memory_space<vmem>>, vector<64x128xf32>
    %convert_element_type3A = arith.truncf %sub3A : vector<512x64xf32> to vector<512x64xbf16>
    %convert_element_type3A_11 = arith.truncf %get3A_10 : vector<64x128xf32> to vector<64x128xbf16>
    %dot_general3A = arith.constant dense<0.000000e+00> : vector<512x128xf32>
    %dot_general3A_12 = tpu.matmul %convert_element_type3A, %convert_element_type3A_11, %dot_general3A {dimension_numbers = #tpu.dot_dimension_numbers<[1], [0], [0], [1], [0, 0, 1, 1], [], []>, transpose_lhs_hint = false} : vector<512x64xbf16>, vector<64x128xbf16>, vector<512x128xf32> -> vector<512x128xf32>
    %add3A = arith.addf %get3A_7, %dot_general3A_12 : vector<512x128xf32>
    %reduce_sum3A = arith.constant dense<0.000000e+00> : vector<128xf32>
    %reduce_sum3A_13 = vector.multi_reduction <add>, %add3A, %reduce_sum3A [0] : vector<512x128xf32> to vector<128xf32>
    %broadcast_in_dim3A = vector.shape_cast %reduce_sum3A_13 : vector<128xf32> to vector<1x128xf32>
    %mul3A = arith.mulf %add3A, %add3A : vector<512x128xf32>
    %reduce_sum3A_14 = arith.constant dense<0.000000e+00> : vector<128xf32>
    %reduce_sum3A_15 = vector.multi_reduction <add>, %mul3A, %reduce_sum3A_14 [0] : vector<512x128xf32> to vector<128xf32>
    %broadcast_in_dim3A_16 = vector.shape_cast %reduce_sum3A_15 : vector<128xf32> to vector<1x128xf32>
    %broadcast_in_dim3A_17 = arith.constant 0.000000e+00 : f32
    %broadcast_in_dim3A_18 = vector.broadcast %broadcast_in_dim3A_17 : f32 to vector<6x128xf32>
    %concatenate3A = tpu.concatenate %broadcast_in_dim3A, %broadcast_in_dim3A_16, %broadcast_in_dim3A_18 in 0 : vector<1x128xf32>, vector<1x128xf32>, vector<6x128xf32> -> vector<8x128xf32>
    %eq3A = arith.constant 0 : i32
    %eq3A_19 = arith.cmpi eq, %arg0, %eq3A : i32
    %eq3A_20 = arith.constant 0 : i32
    %eq3A_21 = arith.cmpi eq, %arg1, %eq3A_20 : i32
    %and3A = arith.andi %eq3A_19, %eq3A_21 : i1
    %convert_element_type3A_22 = arith.extui %and3A : i1 to i32
    %cond3A = arith.constant 0 : i32
    %cond3A_23 = arith.cmpi ne, %convert_element_type3A_22, %cond3A : i32
    scf.if %cond3A_23 {
      %swap3A = arith.constant 0 : index
      %swap3A_33 = arith.constant 0 : index
      %swap3A_34 = vector.load %arg6[%swap3A, %swap3A_33] : memref<8x128xf32, #tpu.memory_space<vmem>>, vector<8x128xf32>
      tpu.vector_store %arg6[%swap3A, %swap3A_33], %concatenate3A {strides = array<i32>} : memref<8x128xf32, #tpu.memory_space<vmem>>, vector<8x128xf32>,
    } else {
    }
    %eq3A_24 = arith.constant 0 : i32
    %eq3A_25 = arith.cmpi eq, %arg0, %eq3A_24 : i32
    %eq3A_26 = arith.constant 0 : i32
    %eq3A_27 = arith.cmpi eq, %arg1, %eq3A_26 : i32
    %and3A_28 = arith.andi %eq3A_25, %eq3A_27 : i1
    %not3A = arith.constant true
    %not3A_29 = arith.xori %and3A_28, %not3A : i1
    %convert_element_type3A_30 = arith.extui %not3A_29 : i1 to i32
    %cond3A_31 = arith.constant 0 : i32
    %cond3A_32 = arith.cmpi ne, %convert_element_type3A_30, %cond3A_31 : i32
    scf.if %cond3A_32 {
      %get3A_33 = arith.constant 0 : index
      %get3A_34 = arith.constant 0 : index
      %get3A_35 = vector.load %arg6[%get3A_33, %get3A_34] : memref<8x128xf32, #tpu.memory_space<vmem>>, vector<8x128xf32>
      %add3A_36 = arith.addf %get3A_35, %concatenate3A : vector<8x128xf32>
      %swap3A = arith.constant 0 : index
      %swap3A_37 = arith.constant 0 : index
      %swap3A_38 = vector.load %arg6[%swap3A, %swap3A_37] : memref<8x128xf32, #tpu.memory_space<vmem>>, vector<8x128xf32>
      tpu.vector_store %arg6[%swap3A, %swap3A_37], %add3A_36 {strides = array<i32>} : memref<8x128xf32, #tpu.memory_space<vmem>>, vector<8x128xf32>,
    } else {
    }
    return
  }
  func.func @transform_0(%arg0: i32, %arg1: i32) -> (i32, i32) {
    %mul3A = arith.constant 16 : i32
    %mul3A_0 = arith.muli %arg0, %mul3A : i32
    %add3A = arith.addi %mul3A_0, %arg1 : i32
    %c0_i32 = arith.constant 0 : i32
    %c0_i32_1 = arith.constant 0 : i32
    return %add3A, %c0_i32 : i32, i32
  }
  func.func @transform_1(%arg0: i32, %arg1: i32) -> (i32, i32) {
    %c0_i32 = arith.constant 0 : i32
    %c0_i32_0 = arith.constant 0 : i32
    return %arg1, %c0_i32 : i32, i32
  }
  func.func @transform_2(%arg0: i32, %arg1: i32) -> (i32, i32) {
    %c0_i32 = arith.constant 0 : i32
    %c0_i32_0 = arith.constant 0 : i32
    return %arg1, %c0_i32 : i32, i32
  }
  func.func @transform_3(%arg0: i32, %arg1: i32) -> (i32, i32) {
    %c0_i32 = arith.constant 0 : i32
    %c0_i32_0 = arith.constant 0 : i32
    %c0_i32_1 = arith.constant 0 : i32
    return %c0_i32, %c0_i32_0 : i32, i32
  }
  func.func @transform_4(%arg0: i32, %arg1: i32) -> (i32, i32) {
    %c0_i32 = arith.constant 0 : i32
    %c0_i32_0 = arith.constant 0 : i32
    %c0_i32_1 = arith.constant 0 : i32
    return %c0_i32, %c0_i32_0 : i32, i32
  }
}

module attributes {stable_mosaic.version = 14 : i64} {
  func.func @_convout_body(%arg0: i32, %arg1: i32, %arg2: memref<512x128xf32, #tpu.memory_space<vmem>>, %arg3: memref<512x64xf32, #tpu.memory_space<vmem>>, %arg4: memref<512x128xf32, #tpu.memory_space<vmem>>, %arg5: memref<64x128xf32, #tpu.memory_space<vmem>>, %arg6: memref<8x128xf32, #tpu.memory_space<vmem>>, %arg7: memref<1x128xf32, #tpu.memory_space<vmem>>, %arg8: memref<1x128xf32, #tpu.memory_space<vmem>>, %arg9: memref<128x128xf32, #tpu.memory_space<vmem>>, %arg10: memref<1x128xf32, #tpu.memory_space<vmem>>, %arg11: memref<512x128xf32, #tpu.memory_space<vmem>>, %arg12: memref<8x128xf32, #tpu.memory_space<vmem>>) attributes {dimension_semantics = [#tpu.dimension_semantics<arbitrary>, #tpu.dimension_semantics<arbitrary>], iteration_bounds = array<i64: 16, 20>, scalar_prefetch = 0 : i64, scratch_operands = 0 : i64, tpu.core_type = #tpu.core_type<tc>, window_params = [{transform_indices = @transform_0, window_bounds = array<i64: 512, 128>}, {transform_indices = @transform_1, window_bounds = array<i64: 512, 64>}, {transform_indices = @transform_2, window_bounds = array<i64: 512, 128>}, {pipeline_mode = #tpu.pipeline_mode<synchronous>, transform_indices = @transform_3, window_bounds = array<i64: 64, 128>}, {pipeline_mode = #tpu.pipeline_mode<synchronous>, transform_indices = @transform_4, window_bounds = array<i64: 8, 128>}, {pipeline_mode = #tpu.pipeline_mode<synchronous>, transform_indices = @transform_5, window_bounds = array<i64: 1, 128>}, {pipeline_mode = #tpu.pipeline_mode<synchronous>, transform_indices = @transform_6, window_bounds = array<i64: 1, 128>}, {pipeline_mode = #tpu.pipeline_mode<synchronous>, transform_indices = @transform_7, window_bounds = array<i64: 128, 128>}, {pipeline_mode = #tpu.pipeline_mode<synchronous>, transform_indices = @transform_8, window_bounds = array<i64: 1, 128>}, {transform_indices = @transform_9, window_bounds = array<i64: 512, 128>}, {pipeline_mode = #tpu.pipeline_mode<synchronous>, transform_indices = @transform_10, window_bounds = array<i64: 8, 128>}]} {
    %get3A = arith.constant 0 : index
    %get3A_0 = arith.constant 0 : index
    %get3A_1 = vector.load %arg6[%get3A, %get3A_0] : memref<8x128xf32, #tpu.memory_space<vmem>>, vector<8x128xf32>
    %get3A_2 = arith.constant 0 : index
    %get3A_3 = arith.constant 0 : index
    %get3A_4 = vector.load %arg7[%get3A_2, %get3A_3] : memref<1x128xf32, #tpu.memory_space<vmem>>, vector<1x128xf32>
    %get3A_5 = arith.constant 0 : index
    %get3A_6 = arith.constant 0 : index
    %get3A_7 = vector.load %arg8[%get3A_5, %get3A_6] : memref<1x128xf32, #tpu.memory_space<vmem>>, vector<1x128xf32>
    %slice3A = vector.extract_strided_slice %get3A_1 {offsets = [0, 0], sizes = [1, 128], strides = [1, 1]} : vector<8x128xf32> to vector<1x128xf32>
    %div3A = arith.constant 1.638400e+05 : f32
    %div3A_8 = vector.broadcast %div3A : f32 to vector<1x128xf32>
    %div3A_9 = arith.divf %slice3A, %div3A_8 : vector<1x128xf32>
    %slice3A_10 = vector.extract_strided_slice %get3A_1 {offsets = [1, 0], sizes = [1, 128], strides = [1, 1]} : vector<8x128xf32> to vector<1x128xf32>
    %div3A_11 = arith.constant 1.638400e+05 : f32
    %div3A_12 = vector.broadcast %div3A_11 : f32 to vector<1x128xf32>
    %div3A_13 = arith.divf %slice3A_10, %div3A_12 : vector<1x128xf32>
    %mul3A = arith.mulf %div3A_9, %div3A_9 : vector<1x128xf32>
    %sub3A = arith.subf %div3A_13, %mul3A : vector<1x128xf32>
    %add3A = arith.constant 9.99999974E-6 : f32
    %add3A_14 = vector.broadcast %add3A : f32 to vector<1x128xf32>
    %add3A_15 = arith.addf %sub3A, %add3A_14 : vector<1x128xf32>
    %rsqrt3A = math.rsqrt %add3A_15 : vector<1x128xf32>
    %mul3A_16 = arith.mulf %get3A_4, %rsqrt3A : vector<1x128xf32>
    %mul3A_17 = arith.mulf %mul3A_16, %div3A_9 : vector<1x128xf32>
    %sub3A_18 = arith.subf %get3A_7, %mul3A_17 : vector<1x128xf32>
    %get3A_19 = arith.constant 0 : index
    %get3A_20 = arith.constant 0 : index
    %get3A_21 = vector.load %arg2[%get3A_19, %get3A_20] : memref<512x128xf32, #tpu.memory_space<vmem>>, vector<512x64xf32>
    %get3A_22 = arith.constant 0 : index
    %get3A_23 = arith.constant 0 : index
    %get3A_24 = vector.load %arg3[%get3A_22, %get3A_23] : memref<512x64xf32, #tpu.memory_space<vmem>>, vector<512x64xf32>
    %sub3A_25 = arith.subf %get3A_21, %get3A_24 : vector<512x64xf32>
    %get3A_26 = arith.constant 0 : index
    %get3A_27 = arith.constant 0 : index
    %get3A_28 = vector.load %arg4[%get3A_26, %get3A_27] : memref<512x128xf32, #tpu.memory_space<vmem>>, vector<512x128xf32>
    %get3A_29 = arith.constant 0 : index
    %get3A_30 = arith.constant 0 : index
    %get3A_31 = vector.load %arg5[%get3A_29, %get3A_30] : memref<64x128xf32, #tpu.memory_space<vmem>>, vector<64x128xf32>
    %convert_element_type3A = arith.truncf %sub3A_25 : vector<512x64xf32> to vector<512x64xbf16>
    %convert_element_type3A_32 = arith.truncf %get3A_31 : vector<64x128xf32> to vector<64x128xbf16>
    %dot_general3A = arith.constant dense<0.000000e+00> : vector<512x128xf32>
    %dot_general3A_33 = tpu.matmul %convert_element_type3A, %convert_element_type3A_32, %dot_general3A {dimension_numbers = #tpu.dot_dimension_numbers<[1], [0], [0], [1], [0, 0, 1, 1], [], []>, transpose_lhs_hint = false} : vector<512x64xbf16>, vector<64x128xbf16>, vector<512x128xf32> -> vector<512x128xf32>
    %add3A_34 = arith.addf %get3A_28, %dot_general3A_33 : vector<512x128xf32>
    %mul3A_35 = vector.broadcast %mul3A_16 : vector<1x128xf32> to vector<512x128xf32>
    %mul3A_36 = arith.mulf %mul3A_35, %add3A_34 : vector<512x128xf32>
    %add3A_37 = vector.broadcast %sub3A_18 : vector<1x128xf32> to vector<512x128xf32>
    %add3A_38 = arith.addf %mul3A_36, %add3A_37 : vector<512x128xf32>
    %ge3A = arith.constant 0.000000e+00 : f32
    %ge3A_39 = vector.broadcast %ge3A : f32 to vector<512x128xf32>
    %ge3A_40 = arith.cmpf oge, %add3A_38, %ge3A_39 : vector<512x128xf32>
    %mul3A_41 = arith.constant 2.000000e-01 : f32
    %mul3A_42 = vector.broadcast %mul3A_41 : f32 to vector<512x128xf32>
    %mul3A_43 = arith.mulf %mul3A_42, %add3A_38 : vector<512x128xf32>
    %select_n3A = arith.select %ge3A_40, %add3A_38, %mul3A_43 : vector<512x128xi1>, vector<512x128xf32>
    %get3A_44 = arith.constant 0 : index
    %get3A_45 = arith.constant 0 : index
    %get3A_46 = vector.load %arg9[%get3A_44, %get3A_45] : memref<128x128xf32, #tpu.memory_space<vmem>>, vector<128x128xf32>
    %convert_element_type3A_47 = arith.truncf %select_n3A : vector<512x128xf32> to vector<512x128xbf16>
    %convert_element_type3A_48 = arith.truncf %get3A_46 : vector<128x128xf32> to vector<128x128xbf16>
    %dot_general3A_49 = arith.constant dense<0.000000e+00> : vector<512x128xf32>
    %dot_general3A_50 = tpu.matmul %convert_element_type3A_47, %convert_element_type3A_48, %dot_general3A_49 {dimension_numbers = #tpu.dot_dimension_numbers<[1], [0], [0], [1], [0, 0, 1, 1], [], []>, transpose_lhs_hint = false} : vector<512x128xbf16>, vector<128x128xbf16>, vector<512x128xf32> -> vector<512x128xf32>
    %get3A_51 = arith.constant 0 : index
    %get3A_52 = arith.constant 0 : index
    %get3A_53 = vector.load %arg10[%get3A_51, %get3A_52] : memref<1x128xf32, #tpu.memory_space<vmem>>, vector<1x128xf32>
    %add3A_54 = vector.broadcast %get3A_53 : vector<1x128xf32> to vector<512x128xf32>
    %add3A_55 = arith.addf %dot_general3A_50, %add3A_54 : vector<512x128xf32>
    %reduce_sum3A = arith.constant dense<0.000000e+00> : vector<128xf32>
    %reduce_sum3A_56 = vector.multi_reduction <add>, %add3A_55, %reduce_sum3A [0] : vector<512x128xf32> to vector<128xf32>
    %broadcast_in_dim3A = vector.shape_cast %reduce_sum3A_56 : vector<128xf32> to vector<1x128xf32>
    %mul3A_57 = arith.mulf %add3A_55, %add3A_55 : vector<512x128xf32>
    %reduce_sum3A_58 = arith.constant dense<0.000000e+00> : vector<128xf32>
    %reduce_sum3A_59 = vector.multi_reduction <add>, %mul3A_57, %reduce_sum3A_58 [0] : vector<512x128xf32> to vector<128xf32>
    %broadcast_in_dim3A_60 = vector.shape_cast %reduce_sum3A_59 : vector<128xf32> to vector<1x128xf32>
    %broadcast_in_dim3A_61 = arith.constant 0.000000e+00 : f32
    %broadcast_in_dim3A_62 = vector.broadcast %broadcast_in_dim3A_61 : f32 to vector<6x128xf32>
    %concatenate3A = tpu.concatenate %broadcast_in_dim3A, %broadcast_in_dim3A_60, %broadcast_in_dim3A_62 in 0 : vector<1x128xf32>, vector<1x128xf32>, vector<6x128xf32> -> vector<8x128xf32>
    %eq3A = arith.constant 0 : i32
    %eq3A_63 = arith.cmpi eq, %arg1, %eq3A : i32
    %eq3A_64 = arith.constant 0 : i32
    %eq3A_65 = arith.cmpi eq, %arg0, %eq3A_64 : i32
    %and3A = arith.andi %eq3A_63, %eq3A_65 : i1
    %convert_element_type3A_66 = arith.extui %and3A : i1 to i32
    %cond3A = arith.constant 0 : i32
    %cond3A_67 = arith.cmpi ne, %convert_element_type3A_66, %cond3A : i32
    scf.if %cond3A_67 {
      %swap3A = arith.constant 0 : index
      %swap3A_86 = arith.constant 0 : index
      %swap3A_87 = vector.load %arg12[%swap3A, %swap3A_86] : memref<8x128xf32, #tpu.memory_space<vmem>>, vector<8x128xf32>
      tpu.vector_store %arg12[%swap3A, %swap3A_86], %concatenate3A {strides = array<i32>} : memref<8x128xf32, #tpu.memory_space<vmem>>, vector<8x128xf32>,
    } else {
    }
    %eq3A_68 = arith.constant 0 : i32
    %eq3A_69 = arith.cmpi eq, %arg1, %eq3A_68 : i32
    %eq3A_70 = arith.constant 0 : i32
    %eq3A_71 = arith.cmpi eq, %arg0, %eq3A_70 : i32
    %and3A_72 = arith.andi %eq3A_69, %eq3A_71 : i1
    %not3A = arith.constant true
    %not3A_73 = arith.xori %and3A_72, %not3A : i1
    %convert_element_type3A_74 = arith.extui %not3A_73 : i1 to i32
    %cond3A_75 = arith.constant 0 : i32
    %cond3A_76 = arith.cmpi ne, %convert_element_type3A_74, %cond3A_75 : i32
    scf.if %cond3A_76 {
      %get3A_86 = arith.constant 0 : index
      %get3A_87 = arith.constant 0 : index
      %get3A_88 = vector.load %arg12[%get3A_86, %get3A_87] : memref<8x128xf32, #tpu.memory_space<vmem>>, vector<8x128xf32>
      %add3A_89 = arith.addf %get3A_88, %concatenate3A : vector<8x128xf32>
      %swap3A = arith.constant 0 : index
      %swap3A_90 = arith.constant 0 : index
      %swap3A_91 = vector.load %arg12[%swap3A, %swap3A_90] : memref<8x128xf32, #tpu.memory_space<vmem>>, vector<8x128xf32>
      tpu.vector_store %arg12[%swap3A, %swap3A_90], %add3A_89 {strides = array<i32>} : memref<8x128xf32, #tpu.memory_space<vmem>>, vector<8x128xf32>,
    } else {
    }
    %eq3A_77 = arith.constant 0 : i32
    %eq3A_78 = arith.cmpi eq, %arg1, %eq3A_77 : i32
    %convert_element_type3A_79 = arith.extui %eq3A_78 : i1 to i32
    %cond3A_80 = arith.constant 0 : i32
    %cond3A_81 = arith.cmpi ne, %convert_element_type3A_79, %cond3A_80 : i32
    scf.if %cond3A_81 {
      %swap3A = arith.constant 0 : index
      %swap3A_86 = arith.constant 0 : index
      %swap3A_87 = vector.load %arg11[%swap3A, %swap3A_86] : memref<512x128xf32, #tpu.memory_space<vmem>>, vector<512x128xf32>
      tpu.vector_store %arg11[%swap3A, %swap3A_86], %add3A_55 {strides = array<i32>} : memref<512x128xf32, #tpu.memory_space<vmem>>, vector<512x128xf32>,
    } else {
    }
    %gt3A = arith.constant 0 : i32
    %gt3A_82 = arith.cmpi sgt, %arg1, %gt3A : i32
    %convert_element_type3A_83 = arith.extui %gt3A_82 : i1 to i32
    %cond3A_84 = arith.constant 0 : i32
    %cond3A_85 = arith.cmpi ne, %convert_element_type3A_83, %cond3A_84 : i32
    scf.if %cond3A_85 {
      %get3A_86 = arith.constant 0 : index
      %get3A_87 = arith.constant 0 : index
      %get3A_88 = vector.load %arg11[%get3A_86, %get3A_87] : memref<512x128xf32, #tpu.memory_space<vmem>>, vector<512x128xf32>
      %max3A = arith.maximumf %get3A_88, %add3A_55 : vector<512x128xf32>
      %swap3A = arith.constant 0 : index
      %swap3A_89 = arith.constant 0 : index
      %swap3A_90 = vector.load %arg11[%swap3A, %swap3A_89] : memref<512x128xf32, #tpu.memory_space<vmem>>, vector<512x128xf32>
      tpu.vector_store %arg11[%swap3A, %swap3A_89], %max3A {strides = array<i32>} : memref<512x128xf32, #tpu.memory_space<vmem>>, vector<512x128xf32>,
    } else {
    }
    return
  }
  func.func @transform_0(%arg0: i32, %arg1: i32) -> (i32, i32) {
    %mul3A = arith.constant 16 : i32
    %mul3A_0 = arith.muli %arg1, %mul3A : i32
    %add3A = arith.addi %mul3A_0, %arg0 : i32
    %c0_i32 = arith.constant 0 : i32
    %c0_i32_1 = arith.constant 0 : i32
    return %add3A, %c0_i32 : i32, i32
  }
  func.func @transform_1(%arg0: i32, %arg1: i32) -> (i32, i32) {
    %c0_i32 = arith.constant 0 : i32
    %c0_i32_0 = arith.constant 0 : i32
    return %arg0, %c0_i32 : i32, i32
  }
  func.func @transform_2(%arg0: i32, %arg1: i32) -> (i32, i32) {
    %c0_i32 = arith.constant 0 : i32
    %c0_i32_0 = arith.constant 0 : i32
    return %arg0, %c0_i32 : i32, i32
  }
  func.func @transform_3(%arg0: i32, %arg1: i32) -> (i32, i32) {
    %c0_i32 = arith.constant 0 : i32
    %c0_i32_0 = arith.constant 0 : i32
    %c0_i32_1 = arith.constant 0 : i32
    return %c0_i32, %c0_i32_0 : i32, i32
  }
  func.func @transform_4(%arg0: i32, %arg1: i32) -> (i32, i32) {
    %c0_i32 = arith.constant 0 : i32
    %c0_i32_0 = arith.constant 0 : i32
    %c0_i32_1 = arith.constant 0 : i32
    return %c0_i32, %c0_i32_0 : i32, i32
  }
  func.func @transform_5(%arg0: i32, %arg1: i32) -> (i32, i32) {
    %c0_i32 = arith.constant 0 : i32
    %c0_i32_0 = arith.constant 0 : i32
    %c0_i32_1 = arith.constant 0 : i32
    return %c0_i32, %c0_i32_0 : i32, i32
  }
  func.func @transform_6(%arg0: i32, %arg1: i32) -> (i32, i32) {
    %c0_i32 = arith.constant 0 : i32
    %c0_i32_0 = arith.constant 0 : i32
    %c0_i32_1 = arith.constant 0 : i32
    return %c0_i32, %c0_i32_0 : i32, i32
  }
  func.func @transform_7(%arg0: i32, %arg1: i32) -> (i32, i32) {
    %c0_i32 = arith.constant 0 : i32
    %c0_i32_0 = arith.constant 0 : i32
    %c0_i32_1 = arith.constant 0 : i32
    return %c0_i32, %c0_i32_0 : i32, i32
  }
  func.func @transform_8(%arg0: i32, %arg1: i32) -> (i32, i32) {
    %c0_i32 = arith.constant 0 : i32
    %c0_i32_0 = arith.constant 0 : i32
    %c0_i32_1 = arith.constant 0 : i32
    return %c0_i32, %c0_i32_0 : i32, i32
  }
  func.func @transform_9(%arg0: i32, %arg1: i32) -> (i32, i32) {
    %c0_i32 = arith.constant 0 : i32
    %c0_i32_0 = arith.constant 0 : i32
    return %arg0, %c0_i32 : i32, i32
  }
  func.func @transform_10(%arg0: i32, %arg1: i32) -> (i32, i32) {
    %c0_i32 = arith.constant 0 : i32
    %c0_i32_0 = arith.constant 0 : i32
    %c0_i32_1 = arith.constant 0 : i32
    return %c0_i32, %c0_i32_0 : i32, i32
  }
}

module attributes {stable_mosaic.version = 14 : i64} {
  func.func @_prep_affine_body(%arg0: i32, %arg1: memref<512x128xf32, #tpu.memory_space<vmem>>, %arg2: memref<8x128xf32, #tpu.memory_space<vmem>>, %arg3: memref<1x128xf32, #tpu.memory_space<vmem>>, %arg4: memref<1x128xf32, #tpu.memory_space<vmem>>, %arg5: memref<256x256xf32, #tpu.memory_space<vmem>>, %arg6: memref<1x256xf32, #tpu.memory_space<vmem>>, %arg7: memref<512x128xf32, #tpu.memory_space<vmem>>, %arg8: memref<512x256xf32, #tpu.memory_space<vmem>>, %arg9: memref<512x128xf32, #tpu.memory_space<vmem>>) attributes {dimension_semantics = [#tpu.dimension_semantics<arbitrary>], iteration_bounds = array<i64: 16>, scalar_prefetch = 0 : i64, scratch_operands = 0 : i64, tpu.core_type = #tpu.core_type<tc>, window_params = [{transform_indices = @transform_0, window_bounds = array<i64: 512, 128>}, {pipeline_mode = #tpu.pipeline_mode<synchronous>, transform_indices = @transform_1, window_bounds = array<i64: 8, 128>}, {pipeline_mode = #tpu.pipeline_mode<synchronous>, transform_indices = @transform_2, window_bounds = array<i64: 1, 128>}, {pipeline_mode = #tpu.pipeline_mode<synchronous>, transform_indices = @transform_3, window_bounds = array<i64: 1, 128>}, {pipeline_mode = #tpu.pipeline_mode<synchronous>, transform_indices = @transform_4, window_bounds = array<i64: 256, 256>}, {pipeline_mode = #tpu.pipeline_mode<synchronous>, transform_indices = @transform_5, window_bounds = array<i64: 1, 256>}, {transform_indices = @transform_6, window_bounds = array<i64: 512, 128>}, {transform_indices = @transform_7, window_bounds = array<i64: 512, 256>}, {transform_indices = @transform_8, window_bounds = array<i64: 512, 128>}]} {
    %get3A = arith.constant 0 : index
    %get3A_0 = arith.constant 0 : index
    %get3A_1 = vector.load %arg2[%get3A, %get3A_0] : memref<8x128xf32, #tpu.memory_space<vmem>>, vector<8x128xf32>
    %get3A_2 = arith.constant 0 : index
    %get3A_3 = arith.constant 0 : index
    %get3A_4 = vector.load %arg3[%get3A_2, %get3A_3] : memref<1x128xf32, #tpu.memory_space<vmem>>, vector<1x128xf32>
    %get3A_5 = arith.constant 0 : index
    %get3A_6 = arith.constant 0 : index
    %get3A_7 = vector.load %arg4[%get3A_5, %get3A_6] : memref<1x128xf32, #tpu.memory_space<vmem>>, vector<1x128xf32>
    %slice3A = vector.extract_strided_slice %get3A_1 {offsets = [0, 0], sizes = [1, 128], strides = [1, 1]} : vector<8x128xf32> to vector<1x128xf32>
    %div3A = arith.constant 1.638400e+05 : f32
    %div3A_8 = vector.broadcast %div3A : f32 to vector<1x128xf32>
    %div3A_9 = arith.divf %slice3A, %div3A_8 : vector<1x128xf32>
    %slice3A_10 = vector.extract_strided_slice %get3A_1 {offsets = [1, 0], sizes = [1, 128], strides = [1, 1]} : vector<8x128xf32> to vector<1x128xf32>
    %div3A_11 = arith.constant 1.638400e+05 : f32
    %div3A_12 = vector.broadcast %div3A_11 : f32 to vector<1x128xf32>
    %div3A_13 = arith.divf %slice3A_10, %div3A_12 : vector<1x128xf32>
    %mul3A = arith.mulf %div3A_9, %div3A_9 : vector<1x128xf32>
    %sub3A = arith.subf %div3A_13, %mul3A : vector<1x128xf32>
    %add3A = arith.constant 9.99999974E-6 : f32
    %add3A_14 = vector.broadcast %add3A : f32 to vector<1x128xf32>
    %add3A_15 = arith.addf %sub3A, %add3A_14 : vector<1x128xf32>
    %rsqrt3A = math.rsqrt %add3A_15 : vector<1x128xf32>
    %mul3A_16 = arith.mulf %get3A_4, %rsqrt3A : vector<1x128xf32>
    %mul3A_17 = arith.mulf %mul3A_16, %div3A_9 : vector<1x128xf32>
    %sub3A_18 = arith.subf %get3A_7, %mul3A_17 : vector<1x128xf32>
    %get3A_19 = arith.constant 0 : index
    %get3A_20 = arith.constant 0 : index
    %get3A_21 = vector.load %arg1[%get3A_19, %get3A_20] : memref<512x128xf32, #tpu.memory_space<vmem>>, vector<512x128xf32>
    %mul3A_22 = vector.broadcast %mul3A_16 : vector<1x128xf32> to vector<512x128xf32>
    %mul3A_23 = arith.mulf %mul3A_22, %get3A_21 : vector<512x128xf32>
    %add3A_24 = vector.broadcast %sub3A_18 : vector<1x128xf32> to vector<512x128xf32>
    %add3A_25 = arith.addf %mul3A_23, %add3A_24 : vector<512x128xf32>
    %ge3A = arith.constant 0.000000e+00 : f32
    %ge3A_26 = vector.broadcast %ge3A : f32 to vector<512x128xf32>
    %ge3A_27 = arith.cmpf oge, %add3A_25, %ge3A_26 : vector<512x128xf32>
    %mul3A_28 = arith.constant 2.000000e-01 : f32
    %mul3A_29 = vector.broadcast %mul3A_28 : f32 to vector<512x128xf32>
    %mul3A_30 = arith.mulf %mul3A_29, %add3A_25 : vector<512x128xf32>
    %select_n3A = arith.select %ge3A_27, %add3A_25, %mul3A_30 : vector<512x128xi1>, vector<512x128xf32>
    %swap3A = arith.constant 0 : index
    %swap3A_31 = arith.constant 0 : index
    %swap3A_32 = vector.load %arg7[%swap3A, %swap3A_31] : memref<512x128xf32, #tpu.memory_space<vmem>>, vector<512x128xf32>
    tpu.vector_store %arg7[%swap3A, %swap3A_31], %select_n3A {strides = array<i32>} : memref<512x128xf32, #tpu.memory_space<vmem>>, vector<512x128xf32>,
    %get3A_33 = arith.constant 0 : index
    %get3A_34 = arith.constant 0 : index
    %get3A_35 = vector.load %arg5[%get3A_33, %get3A_34] : memref<256x256xf32, #tpu.memory_space<vmem>>, vector<128x256xf32>
    %convert_element_type3A = arith.truncf %select_n3A : vector<512x128xf32> to vector<512x128xbf16>
    %convert_element_type3A_36 = arith.truncf %get3A_35 : vector<128x256xf32> to vector<128x256xbf16>
    %dot_general3A = arith.constant dense<0.000000e+00> : vector<512x256xf32>
    %dot_general3A_37 = tpu.matmul %convert_element_type3A, %convert_element_type3A_36, %dot_general3A {dimension_numbers = #tpu.dot_dimension_numbers<[1], [0], [0], [1], [0, 0, 1, 1], [], []>, transpose_lhs_hint = false} : vector<512x128xbf16>, vector<128x256xbf16>, vector<512x256xf32> -> vector<512x256xf32>
    %get3A_38 = arith.constant 0 : index
    %get3A_39 = arith.constant 0 : index
    %get3A_40 = vector.load %arg6[%get3A_38, %get3A_39] : memref<1x256xf32, #tpu.memory_space<vmem>>, vector<1x256xf32>
    %add3A_41 = vector.broadcast %get3A_40 : vector<1x256xf32> to vector<512x256xf32>
    %add3A_42 = arith.addf %dot_general3A_37, %add3A_41 : vector<512x256xf32>
    %swap3A_43 = arith.constant 0 : index
    %swap3A_44 = arith.constant 0 : index
    %swap3A_45 = vector.load %arg8[%swap3A_43, %swap3A_44] : memref<512x256xf32, #tpu.memory_space<vmem>>, vector<512x256xf32>
    tpu.vector_store %arg8[%swap3A_43, %swap3A_44], %add3A_42 {strides = array<i32>} : memref<512x256xf32, #tpu.memory_space<vmem>>, vector<512x256xf32>,
    %swap3A_46 = arith.constant 0 : index
    %swap3A_47 = arith.constant 0 : index
    %swap3A_48 = vector.load %arg9[%swap3A_46, %swap3A_47] : memref<512x128xf32, #tpu.memory_space<vmem>>, vector<512x128xf32>
    tpu.vector_store %arg9[%swap3A_46, %swap3A_47], %select_n3A {strides = array<i32>} : memref<512x128xf32, #tpu.memory_space<vmem>>, vector<512x128xf32>,
    return
  }
  func.func @transform_0(%arg0: i32) -> (i32, i32) {
    %c0_i32 = arith.constant 0 : i32
    %c0_i32_0 = arith.constant 0 : i32
    return %arg0, %c0_i32 : i32, i32
  }
  func.func @transform_1(%arg0: i32) -> (i32, i32) {
    %c0_i32 = arith.constant 0 : i32
    %c0_i32_0 = arith.constant 0 : i32
    %c0_i32_1 = arith.constant 0 : i32
    return %c0_i32, %c0_i32_0 : i32, i32
  }
  func.func @transform_2(%arg0: i32) -> (i32, i32) {
    %c0_i32 = arith.constant 0 : i32
    %c0_i32_0 = arith.constant 0 : i32
    %c0_i32_1 = arith.constant 0 : i32
    return %c0_i32, %c0_i32_0 : i32, i32
  }
  func.func @transform_3(%arg0: i32) -> (i32, i32) {
    %c0_i32 = arith.constant 0 : i32
    %c0_i32_0 = arith.constant 0 : i32
    %c0_i32_1 = arith.constant 0 : i32
    return %c0_i32, %c0_i32_0 : i32, i32
  }
  func.func @transform_4(%arg0: i32) -> (i32, i32) {
    %c0_i32 = arith.constant 0 : i32
    %c0_i32_0 = arith.constant 0 : i32
    %c0_i32_1 = arith.constant 0 : i32
    return %c0_i32, %c0_i32_0 : i32, i32
  }
  func.func @transform_5(%arg0: i32) -> (i32, i32) {
    %c0_i32 = arith.constant 0 : i32
    %c0_i32_0 = arith.constant 0 : i32
    %c0_i32_1 = arith.constant 0 : i32
    return %c0_i32, %c0_i32_0 : i32, i32
  }
  func.func @transform_6(%arg0: i32) -> (i32, i32) {
    %c0_i32 = arith.constant 0 : i32
    %c0_i32_0 = arith.constant 0 : i32
    return %arg0, %c0_i32 : i32, i32
  }
  func.func @transform_7(%arg0: i32) -> (i32, i32) {
    %c0_i32 = arith.constant 0 : i32
    %c0_i32_0 = arith.constant 0 : i32
    return %arg0, %c0_i32 : i32, i32
  }
  func.func @transform_8(%arg0: i32) -> (i32, i32) {
    %c0_i32 = arith.constant 0 : i32
    %c0_i32_0 = arith.constant 0 : i32
    return %arg0, %c0_i32 : i32, i32
  }
}

module attributes {stable_mosaic.version = 14 : i64} {
  func.func @_stats1_body(%arg0: i32, %arg1: i32, %arg2: memref<512x128xf32, #tpu.memory_space<vmem>>, %arg3: memref<512x128xf32, #tpu.memory_space<vmem>>, %arg4: memref<512x256xf32, #tpu.memory_space<vmem>>, %arg5: memref<128x256xf32, #tpu.memory_space<vmem>>, %arg6: memref<8x256xf32, #tpu.memory_space<vmem>>) attributes {dimension_semantics = [#tpu.dimension_semantics<arbitrary>, #tpu.dimension_semantics<arbitrary>], iteration_bounds = array<i64: 20, 16>, scalar_prefetch = 0 : i64, scratch_operands = 0 : i64, tpu.core_type = #tpu.core_type<tc>, window_params = [{transform_indices = @transform_0, window_bounds = array<i64: 512, 128>}, {transform_indices = @transform_1, window_bounds = array<i64: 512, 128>}, {transform_indices = @transform_2, window_bounds = array<i64: 512, 256>}, {pipeline_mode = #tpu.pipeline_mode<synchronous>, transform_indices = @transform_3, window_bounds = array<i64: 128, 256>}, {pipeline_mode = #tpu.pipeline_mode<synchronous>, transform_indices = @transform_4, window_bounds = array<i64: 8, 256>}]} {
    %get3A = arith.constant 0 : index
    %get3A_0 = arith.constant 0 : index
    %get3A_1 = vector.load %arg2[%get3A, %get3A_0] : memref<512x128xf32, #tpu.memory_space<vmem>>, vector<512x128xf32>
    %get3A_2 = arith.constant 0 : index
    %get3A_3 = arith.constant 0 : index
    %get3A_4 = vector.load %arg3[%get3A_2, %get3A_3] : memref<512x128xf32, #tpu.memory_space<vmem>>, vector<512x128xf32>
    %sub3A = arith.subf %get3A_1, %get3A_4 : vector<512x128xf32>
    %get3A_5 = arith.constant 0 : index
    %get3A_6 = arith.constant 0 : index
    %get3A_7 = vector.load %arg4[%get3A_5, %get3A_6] : memref<512x256xf32, #tpu.memory_space<vmem>>, vector<512x256xf32>
    %get3A_8 = arith.constant 0 : index
    %get3A_9 = arith.constant 0 : index
    %get3A_10 = vector.load %arg5[%get3A_8, %get3A_9] : memref<128x256xf32, #tpu.memory_space<vmem>>, vector<128x256xf32>
    %convert_element_type3A = arith.truncf %sub3A : vector<512x128xf32> to vector<512x128xbf16>
    %convert_element_type3A_11 = arith.truncf %get3A_10 : vector<128x256xf32> to vector<128x256xbf16>
    %dot_general3A = arith.constant dense<0.000000e+00> : vector<512x256xf32>
    %dot_general3A_12 = tpu.matmul %convert_element_type3A, %convert_element_type3A_11, %dot_general3A {dimension_numbers = #tpu.dot_dimension_numbers<[1], [0], [0], [1], [0, 0, 1, 1], [], []>, transpose_lhs_hint = false} : vector<512x128xbf16>, vector<128x256xbf16>, vector<512x256xf32> -> vector<512x256xf32>
    %add3A = arith.addf %get3A_7, %dot_general3A_12 : vector<512x256xf32>
    %reduce_sum3A = arith.constant dense<0.000000e+00> : vector<256xf32>
    %reduce_sum3A_13 = vector.multi_reduction <add>, %add3A, %reduce_sum3A [0] : vector<512x256xf32> to vector<256xf32>
    %broadcast_in_dim3A = vector.shape_cast %reduce_sum3A_13 : vector<256xf32> to vector<1x256xf32>
    %mul3A = arith.mulf %add3A, %add3A : vector<512x256xf32>
    %reduce_sum3A_14 = arith.constant dense<0.000000e+00> : vector<256xf32>
    %reduce_sum3A_15 = vector.multi_reduction <add>, %mul3A, %reduce_sum3A_14 [0] : vector<512x256xf32> to vector<256xf32>
    %broadcast_in_dim3A_16 = vector.shape_cast %reduce_sum3A_15 : vector<256xf32> to vector<1x256xf32>
    %broadcast_in_dim3A_17 = arith.constant 0.000000e+00 : f32
    %broadcast_in_dim3A_18 = vector.broadcast %broadcast_in_dim3A_17 : f32 to vector<6x256xf32>
    %concatenate3A = tpu.concatenate %broadcast_in_dim3A, %broadcast_in_dim3A_16, %broadcast_in_dim3A_18 in 0 : vector<1x256xf32>, vector<1x256xf32>, vector<6x256xf32> -> vector<8x256xf32>
    %eq3A = arith.constant 0 : i32
    %eq3A_19 = arith.cmpi eq, %arg0, %eq3A : i32
    %eq3A_20 = arith.constant 0 : i32
    %eq3A_21 = arith.cmpi eq, %arg1, %eq3A_20 : i32
    %and3A = arith.andi %eq3A_19, %eq3A_21 : i1
    %convert_element_type3A_22 = arith.extui %and3A : i1 to i32
    %cond3A = arith.constant 0 : i32
    %cond3A_23 = arith.cmpi ne, %convert_element_type3A_22, %cond3A : i32
    scf.if %cond3A_23 {
      %swap3A = arith.constant 0 : index
      %swap3A_33 = arith.constant 0 : index
      %swap3A_34 = vector.load %arg6[%swap3A, %swap3A_33] : memref<8x256xf32, #tpu.memory_space<vmem>>, vector<8x256xf32>
      tpu.vector_store %arg6[%swap3A, %swap3A_33], %concatenate3A {strides = array<i32>} : memref<8x256xf32, #tpu.memory_space<vmem>>, vector<8x256xf32>,
    } else {
    }
    %eq3A_24 = arith.constant 0 : i32
    %eq3A_25 = arith.cmpi eq, %arg0, %eq3A_24 : i32
    %eq3A_26 = arith.constant 0 : i32
    %eq3A_27 = arith.cmpi eq, %arg1, %eq3A_26 : i32
    %and3A_28 = arith.andi %eq3A_25, %eq3A_27 : i1
    %not3A = arith.constant true
    %not3A_29 = arith.xori %and3A_28, %not3A : i1
    %convert_element_type3A_30 = arith.extui %not3A_29 : i1 to i32
    %cond3A_31 = arith.constant 0 : i32
    %cond3A_32 = arith.cmpi ne, %convert_element_type3A_30, %cond3A_31 : i32
    scf.if %cond3A_32 {
      %get3A_33 = arith.constant 0 : index
      %get3A_34 = arith.constant 0 : index
      %get3A_35 = vector.load %arg6[%get3A_33, %get3A_34] : memref<8x256xf32, #tpu.memory_space<vmem>>, vector<8x256xf32>
      %add3A_36 = arith.addf %get3A_35, %concatenate3A : vector<8x256xf32>
      %swap3A = arith.constant 0 : index
      %swap3A_37 = arith.constant 0 : index
      %swap3A_38 = vector.load %arg6[%swap3A, %swap3A_37] : memref<8x256xf32, #tpu.memory_space<vmem>>, vector<8x256xf32>
      tpu.vector_store %arg6[%swap3A, %swap3A_37], %add3A_36 {strides = array<i32>} : memref<8x256xf32, #tpu.memory_space<vmem>>, vector<8x256xf32>,
    } else {
    }
    return
  }
  func.func @transform_0(%arg0: i32, %arg1: i32) -> (i32, i32) {
    %mul3A = arith.constant 16 : i32
    %mul3A_0 = arith.muli %arg0, %mul3A : i32
    %add3A = arith.addi %mul3A_0, %arg1 : i32
    %c0_i32 = arith.constant 0 : i32
    %c0_i32_1 = arith.constant 0 : i32
    return %add3A, %c0_i32 : i32, i32
  }
  func.func @transform_1(%arg0: i32, %arg1: i32) -> (i32, i32) {
    %c0_i32 = arith.constant 0 : i32
    %c0_i32_0 = arith.constant 0 : i32
    return %arg1, %c0_i32 : i32, i32
  }
  func.func @transform_2(%arg0: i32, %arg1: i32) -> (i32, i32) {
    %c0_i32 = arith.constant 0 : i32
    %c0_i32_0 = arith.constant 0 : i32
    return %arg1, %c0_i32 : i32, i32
  }
  func.func @transform_3(%arg0: i32, %arg1: i32) -> (i32, i32) {
    %c0_i32 = arith.constant 0 : i32
    %c0_i32_0 = arith.constant 0 : i32
    %c0_i32_1 = arith.constant 0 : i32
    return %c0_i32, %c0_i32_0 : i32, i32
  }
  func.func @transform_4(%arg0: i32, %arg1: i32) -> (i32, i32) {
    %c0_i32 = arith.constant 0 : i32
    %c0_i32_0 = arith.constant 0 : i32
    %c0_i32_1 = arith.constant 0 : i32
    return %c0_i32, %c0_i32_0 : i32, i32
  }
}

module attributes {stable_mosaic.version = 14 : i64} {
  func.func @_convout_body(%arg0: i32, %arg1: i32, %arg2: memref<512x128xf32, #tpu.memory_space<vmem>>, %arg3: memref<512x128xf32, #tpu.memory_space<vmem>>, %arg4: memref<512x256xf32, #tpu.memory_space<vmem>>, %arg5: memref<128x256xf32, #tpu.memory_space<vmem>>, %arg6: memref<8x256xf32, #tpu.memory_space<vmem>>, %arg7: memref<1x256xf32, #tpu.memory_space<vmem>>, %arg8: memref<1x256xf32, #tpu.memory_space<vmem>>, %arg9: memref<256x256xf32, #tpu.memory_space<vmem>>, %arg10: memref<1x256xf32, #tpu.memory_space<vmem>>, %arg11: memref<512x256xf32, #tpu.memory_space<vmem>>, %arg12: memref<8x256xf32, #tpu.memory_space<vmem>>) attributes {dimension_semantics = [#tpu.dimension_semantics<arbitrary>, #tpu.dimension_semantics<arbitrary>], iteration_bounds = array<i64: 16, 20>, scalar_prefetch = 0 : i64, scratch_operands = 0 : i64, tpu.core_type = #tpu.core_type<tc>, window_params = [{transform_indices = @transform_0, window_bounds = array<i64: 512, 128>}, {transform_indices = @transform_1, window_bounds = array<i64: 512, 128>}, {transform_indices = @transform_2, window_bounds = array<i64: 512, 256>}, {pipeline_mode = #tpu.pipeline_mode<synchronous>, transform_indices = @transform_3, window_bounds = array<i64: 128, 256>}, {pipeline_mode = #tpu.pipeline_mode<synchronous>, transform_indices = @transform_4, window_bounds = array<i64: 8, 256>}, {pipeline_mode = #tpu.pipeline_mode<synchronous>, transform_indices = @transform_5, window_bounds = array<i64: 1, 256>}, {pipeline_mode = #tpu.pipeline_mode<synchronous>, transform_indices = @transform_6, window_bounds = array<i64: 1, 256>}, {pipeline_mode = #tpu.pipeline_mode<synchronous>, transform_indices = @transform_7, window_bounds = array<i64: 256, 256>}, {pipeline_mode = #tpu.pipeline_mode<synchronous>, transform_indices = @transform_8, window_bounds = array<i64: 1, 256>}, {transform_indices = @transform_9, window_bounds = array<i64: 512, 256>}, {pipeline_mode = #tpu.pipeline_mode<synchronous>, transform_indices = @transform_10, window_bounds = array<i64: 8, 256>}]} {
    %get3A = arith.constant 0 : index
    %get3A_0 = arith.constant 0 : index
    %get3A_1 = vector.load %arg6[%get3A, %get3A_0] : memref<8x256xf32, #tpu.memory_space<vmem>>, vector<8x256xf32>
    %get3A_2 = arith.constant 0 : index
    %get3A_3 = arith.constant 0 : index
    %get3A_4 = vector.load %arg7[%get3A_2, %get3A_3] : memref<1x256xf32, #tpu.memory_space<vmem>>, vector<1x256xf32>
    %get3A_5 = arith.constant 0 : index
    %get3A_6 = arith.constant 0 : index
    %get3A_7 = vector.load %arg8[%get3A_5, %get3A_6] : memref<1x256xf32, #tpu.memory_space<vmem>>, vector<1x256xf32>
    %slice3A = vector.extract_strided_slice %get3A_1 {offsets = [0, 0], sizes = [1, 256], strides = [1, 1]} : vector<8x256xf32> to vector<1x256xf32>
    %div3A = arith.constant 1.638400e+05 : f32
    %div3A_8 = vector.broadcast %div3A : f32 to vector<1x256xf32>
    %div3A_9 = arith.divf %slice3A, %div3A_8 : vector<1x256xf32>
    %slice3A_10 = vector.extract_strided_slice %get3A_1 {offsets = [1, 0], sizes = [1, 256], strides = [1, 1]} : vector<8x256xf32> to vector<1x256xf32>
    %div3A_11 = arith.constant 1.638400e+05 : f32
    %div3A_12 = vector.broadcast %div3A_11 : f32 to vector<1x256xf32>
    %div3A_13 = arith.divf %slice3A_10, %div3A_12 : vector<1x256xf32>
    %mul3A = arith.mulf %div3A_9, %div3A_9 : vector<1x256xf32>
    %sub3A = arith.subf %div3A_13, %mul3A : vector<1x256xf32>
    %add3A = arith.constant 9.99999974E-6 : f32
    %add3A_14 = vector.broadcast %add3A : f32 to vector<1x256xf32>
    %add3A_15 = arith.addf %sub3A, %add3A_14 : vector<1x256xf32>
    %rsqrt3A = math.rsqrt %add3A_15 : vector<1x256xf32>
    %mul3A_16 = arith.mulf %get3A_4, %rsqrt3A : vector<1x256xf32>
    %mul3A_17 = arith.mulf %mul3A_16, %div3A_9 : vector<1x256xf32>
    %sub3A_18 = arith.subf %get3A_7, %mul3A_17 : vector<1x256xf32>
    %get3A_19 = arith.constant 0 : index
    %get3A_20 = arith.constant 0 : index
    %get3A_21 = vector.load %arg2[%get3A_19, %get3A_20] : memref<512x128xf32, #tpu.memory_space<vmem>>, vector<512x128xf32>
    %get3A_22 = arith.constant 0 : index
    %get3A_23 = arith.constant 0 : index
    %get3A_24 = vector.load %arg3[%get3A_22, %get3A_23] : memref<512x128xf32, #tpu.memory_space<vmem>>, vector<512x128xf32>
    %sub3A_25 = arith.subf %get3A_21, %get3A_24 : vector<512x128xf32>
    %get3A_26 = arith.constant 0 : index
    %get3A_27 = arith.constant 0 : index
    %get3A_28 = vector.load %arg4[%get3A_26, %get3A_27] : memref<512x256xf32, #tpu.memory_space<vmem>>, vector<512x256xf32>
    %get3A_29 = arith.constant 0 : index
    %get3A_30 = arith.constant 0 : index
    %get3A_31 = vector.load %arg5[%get3A_29, %get3A_30] : memref<128x256xf32, #tpu.memory_space<vmem>>, vector<128x256xf32>
    %convert_element_type3A = arith.truncf %sub3A_25 : vector<512x128xf32> to vector<512x128xbf16>
    %convert_element_type3A_32 = arith.truncf %get3A_31 : vector<128x256xf32> to vector<128x256xbf16>
    %dot_general3A = arith.constant dense<0.000000e+00> : vector<512x256xf32>
    %dot_general3A_33 = tpu.matmul %convert_element_type3A, %convert_element_type3A_32, %dot_general3A {dimension_numbers = #tpu.dot_dimension_numbers<[1], [0], [0], [1], [0, 0, 1, 1], [], []>, transpose_lhs_hint = false} : vector<512x128xbf16>, vector<128x256xbf16>, vector<512x256xf32> -> vector<512x256xf32>
    %add3A_34 = arith.addf %get3A_28, %dot_general3A_33 : vector<512x256xf32>
    %mul3A_35 = vector.broadcast %mul3A_16 : vector<1x256xf32> to vector<512x256xf32>
    %mul3A_36 = arith.mulf %mul3A_35, %add3A_34 : vector<512x256xf32>
    %add3A_37 = vector.broadcast %sub3A_18 : vector<1x256xf32> to vector<512x256xf32>
    %add3A_38 = arith.addf %mul3A_36, %add3A_37 : vector<512x256xf32>
    %ge3A = arith.constant 0.000000e+00 : f32
    %ge3A_39 = vector.broadcast %ge3A : f32 to vector<512x256xf32>
    %ge3A_40 = arith.cmpf oge, %add3A_38, %ge3A_39 : vector<512x256xf32>
    %mul3A_41 = arith.constant 2.000000e-01 : f32
    %mul3A_42 = vector.broadcast %mul3A_41 : f32 to vector<512x256xf32>
    %mul3A_43 = arith.mulf %mul3A_42, %add3A_38 : vector<512x256xf32>
    %select_n3A = arith.select %ge3A_40, %add3A_38, %mul3A_43 : vector<512x256xi1>, vector<512x256xf32>
    %get3A_44 = arith.constant 0 : index
    %get3A_45 = arith.constant 0 : index
    %get3A_46 = vector.load %arg9[%get3A_44, %get3A_45] : memref<256x256xf32, #tpu.memory_space<vmem>>, vector<256x256xf32>
    %convert_element_type3A_47 = arith.truncf %select_n3A : vector<512x256xf32> to vector<512x256xbf16>
    %convert_element_type3A_48 = arith.truncf %get3A_46 : vector<256x256xf32> to vector<256x256xbf16>
    %dot_general3A_49 = arith.constant dense<0.000000e+00> : vector<512x256xf32>
    %dot_general3A_50 = tpu.matmul %convert_element_type3A_47, %convert_element_type3A_48, %dot_general3A_49 {dimension_numbers = #tpu.dot_dimension_numbers<[1], [0], [0], [1], [0, 0, 1, 1], [], []>, transpose_lhs_hint = false} : vector<512x256xbf16>, vector<256x256xbf16>, vector<512x256xf32> -> vector<512x256xf32>
    %get3A_51 = arith.constant 0 : index
    %get3A_52 = arith.constant 0 : index
    %get3A_53 = vector.load %arg10[%get3A_51, %get3A_52] : memref<1x256xf32, #tpu.memory_space<vmem>>, vector<1x256xf32>
    %add3A_54 = vector.broadcast %get3A_53 : vector<1x256xf32> to vector<512x256xf32>
    %add3A_55 = arith.addf %dot_general3A_50, %add3A_54 : vector<512x256xf32>
    %reduce_sum3A = arith.constant dense<0.000000e+00> : vector<256xf32>
    %reduce_sum3A_56 = vector.multi_reduction <add>, %add3A_55, %reduce_sum3A [0] : vector<512x256xf32> to vector<256xf32>
    %broadcast_in_dim3A = vector.shape_cast %reduce_sum3A_56 : vector<256xf32> to vector<1x256xf32>
    %mul3A_57 = arith.mulf %add3A_55, %add3A_55 : vector<512x256xf32>
    %reduce_sum3A_58 = arith.constant dense<0.000000e+00> : vector<256xf32>
    %reduce_sum3A_59 = vector.multi_reduction <add>, %mul3A_57, %reduce_sum3A_58 [0] : vector<512x256xf32> to vector<256xf32>
    %broadcast_in_dim3A_60 = vector.shape_cast %reduce_sum3A_59 : vector<256xf32> to vector<1x256xf32>
    %broadcast_in_dim3A_61 = arith.constant 0.000000e+00 : f32
    %broadcast_in_dim3A_62 = vector.broadcast %broadcast_in_dim3A_61 : f32 to vector<6x256xf32>
    %concatenate3A = tpu.concatenate %broadcast_in_dim3A, %broadcast_in_dim3A_60, %broadcast_in_dim3A_62 in 0 : vector<1x256xf32>, vector<1x256xf32>, vector<6x256xf32> -> vector<8x256xf32>
    %eq3A = arith.constant 0 : i32
    %eq3A_63 = arith.cmpi eq, %arg1, %eq3A : i32
    %eq3A_64 = arith.constant 0 : i32
    %eq3A_65 = arith.cmpi eq, %arg0, %eq3A_64 : i32
    %and3A = arith.andi %eq3A_63, %eq3A_65 : i1
    %convert_element_type3A_66 = arith.extui %and3A : i1 to i32
    %cond3A = arith.constant 0 : i32
    %cond3A_67 = arith.cmpi ne, %convert_element_type3A_66, %cond3A : i32
    scf.if %cond3A_67 {
      %swap3A = arith.constant 0 : index
      %swap3A_86 = arith.constant 0 : index
      %swap3A_87 = vector.load %arg12[%swap3A, %swap3A_86] : memref<8x256xf32, #tpu.memory_space<vmem>>, vector<8x256xf32>
      tpu.vector_store %arg12[%swap3A, %swap3A_86], %concatenate3A {strides = array<i32>} : memref<8x256xf32, #tpu.memory_space<vmem>>, vector<8x256xf32>,
    } else {
    }
    %eq3A_68 = arith.constant 0 : i32
    %eq3A_69 = arith.cmpi eq, %arg1, %eq3A_68 : i32
    %eq3A_70 = arith.constant 0 : i32
    %eq3A_71 = arith.cmpi eq, %arg0, %eq3A_70 : i32
    %and3A_72 = arith.andi %eq3A_69, %eq3A_71 : i1
    %not3A = arith.constant true
    %not3A_73 = arith.xori %and3A_72, %not3A : i1
    %convert_element_type3A_74 = arith.extui %not3A_73 : i1 to i32
    %cond3A_75 = arith.constant 0 : i32
    %cond3A_76 = arith.cmpi ne, %convert_element_type3A_74, %cond3A_75 : i32
    scf.if %cond3A_76 {
      %get3A_86 = arith.constant 0 : index
      %get3A_87 = arith.constant 0 : index
      %get3A_88 = vector.load %arg12[%get3A_86, %get3A_87] : memref<8x256xf32, #tpu.memory_space<vmem>>, vector<8x256xf32>
      %add3A_89 = arith.addf %get3A_88, %concatenate3A : vector<8x256xf32>
      %swap3A = arith.constant 0 : index
      %swap3A_90 = arith.constant 0 : index
      %swap3A_91 = vector.load %arg12[%swap3A, %swap3A_90] : memref<8x256xf32, #tpu.memory_space<vmem>>, vector<8x256xf32>
      tpu.vector_store %arg12[%swap3A, %swap3A_90], %add3A_89 {strides = array<i32>} : memref<8x256xf32, #tpu.memory_space<vmem>>, vector<8x256xf32>,
    } else {
    }
    %eq3A_77 = arith.constant 0 : i32
    %eq3A_78 = arith.cmpi eq, %arg1, %eq3A_77 : i32
    %convert_element_type3A_79 = arith.extui %eq3A_78 : i1 to i32
    %cond3A_80 = arith.constant 0 : i32
    %cond3A_81 = arith.cmpi ne, %convert_element_type3A_79, %cond3A_80 : i32
    scf.if %cond3A_81 {
      %swap3A = arith.constant 0 : index
      %swap3A_86 = arith.constant 0 : index
      %swap3A_87 = vector.load %arg11[%swap3A, %swap3A_86] : memref<512x256xf32, #tpu.memory_space<vmem>>, vector<512x256xf32>
      tpu.vector_store %arg11[%swap3A, %swap3A_86], %add3A_55 {strides = array<i32>} : memref<512x256xf32, #tpu.memory_space<vmem>>, vector<512x256xf32>,
    } else {
    }
    %gt3A = arith.constant 0 : i32
    %gt3A_82 = arith.cmpi sgt, %arg1, %gt3A : i32
    %convert_element_type3A_83 = arith.extui %gt3A_82 : i1 to i32
    %cond3A_84 = arith.constant 0 : i32
    %cond3A_85 = arith.cmpi ne, %convert_element_type3A_83, %cond3A_84 : i32
    scf.if %cond3A_85 {
      %get3A_86 = arith.constant 0 : index
      %get3A_87 = arith.constant 0 : index
      %get3A_88 = vector.load %arg11[%get3A_86, %get3A_87] : memref<512x256xf32, #tpu.memory_space<vmem>>, vector<512x256xf32>
      %max3A = arith.maximumf %get3A_88, %add3A_55 : vector<512x256xf32>
      %swap3A = arith.constant 0 : index
      %swap3A_89 = arith.constant 0 : index
      %swap3A_90 = vector.load %arg11[%swap3A, %swap3A_89] : memref<512x256xf32, #tpu.memory_space<vmem>>, vector<512x256xf32>
      tpu.vector_store %arg11[%swap3A, %swap3A_89], %max3A {strides = array<i32>} : memref<512x256xf32, #tpu.memory_space<vmem>>, vector<512x256xf32>,
    } else {
    }
    return
  }
  func.func @transform_0(%arg0: i32, %arg1: i32) -> (i32, i32) {
    %mul3A = arith.constant 16 : i32
    %mul3A_0 = arith.muli %arg1, %mul3A : i32
    %add3A = arith.addi %mul3A_0, %arg0 : i32
    %c0_i32 = arith.constant 0 : i32
    %c0_i32_1 = arith.constant 0 : i32
    return %add3A, %c0_i32 : i32, i32
  }
  func.func @transform_1(%arg0: i32, %arg1: i32) -> (i32, i32) {
    %c0_i32 = arith.constant 0 : i32
    %c0_i32_0 = arith.constant 0 : i32
    return %arg0, %c0_i32 : i32, i32
  }
  func.func @transform_2(%arg0: i32, %arg1: i32) -> (i32, i32) {
    %c0_i32 = arith.constant 0 : i32
    %c0_i32_0 = arith.constant 0 : i32
    return %arg0, %c0_i32 : i32, i32
  }
  func.func @transform_3(%arg0: i32, %arg1: i32) -> (i32, i32) {
    %c0_i32 = arith.constant 0 : i32
    %c0_i32_0 = arith.constant 0 : i32
    %c0_i32_1 = arith.constant 0 : i32
    return %c0_i32, %c0_i32_0 : i32, i32
  }
  func.func @transform_4(%arg0: i32, %arg1: i32) -> (i32, i32) {
    %c0_i32 = arith.constant 0 : i32
    %c0_i32_0 = arith.constant 0 : i32
    %c0_i32_1 = arith.constant 0 : i32
    return %c0_i32, %c0_i32_0 : i32, i32
  }
  func.func @transform_5(%arg0: i32, %arg1: i32) -> (i32, i32) {
    %c0_i32 = arith.constant 0 : i32
    %c0_i32_0 = arith.constant 0 : i32
    %c0_i32_1 = arith.constant 0 : i32
    return %c0_i32, %c0_i32_0 : i32, i32
  }
  func.func @transform_6(%arg0: i32, %arg1: i32) -> (i32, i32) {
    %c0_i32 = arith.constant 0 : i32
    %c0_i32_0 = arith.constant 0 : i32
    %c0_i32_1 = arith.constant 0 : i32
    return %c0_i32, %c0_i32_0 : i32, i32
  }
  func.func @transform_7(%arg0: i32, %arg1: i32) -> (i32, i32) {
    %c0_i32 = arith.constant 0 : i32
    %c0_i32_0 = arith.constant 0 : i32
    %c0_i32_1 = arith.constant 0 : i32
    return %c0_i32, %c0_i32_0 : i32, i32
  }
  func.func @transform_8(%arg0: i32, %arg1: i32) -> (i32, i32) {
    %c0_i32 = arith.constant 0 : i32
    %c0_i32_0 = arith.constant 0 : i32
    %c0_i32_1 = arith.constant 0 : i32
    return %c0_i32, %c0_i32_0 : i32, i32
  }
  func.func @transform_9(%arg0: i32, %arg1: i32) -> (i32, i32) {
    %c0_i32 = arith.constant 0 : i32
    %c0_i32_0 = arith.constant 0 : i32
    return %arg0, %c0_i32 : i32, i32
  }
  func.func @transform_10(%arg0: i32, %arg1: i32) -> (i32, i32) {
    %c0_i32 = arith.constant 0 : i32
    %c0_i32_0 = arith.constant 0 : i32
    %c0_i32_1 = arith.constant 0 : i32
    return %c0_i32, %c0_i32_0 : i32, i32
  }
}

module attributes {stable_mosaic.version = 14 : i64} {
  func.func @_prep_affine_body(%arg0: i32, %arg1: memref<512x256xf32, #tpu.memory_space<vmem>>, %arg2: memref<8x256xf32, #tpu.memory_space<vmem>>, %arg3: memref<1x256xf32, #tpu.memory_space<vmem>>, %arg4: memref<1x256xf32, #tpu.memory_space<vmem>>, %arg5: memref<512x128xf32, #tpu.memory_space<vmem>>, %arg6: memref<1x128xf32, #tpu.memory_space<vmem>>, %arg7: memref<512x256xf32, #tpu.memory_space<vmem>>, %arg8: memref<512x128xf32, #tpu.memory_space<vmem>>, %arg9: memref<512x256xf32, #tpu.memory_space<vmem>>) attributes {dimension_semantics = [#tpu.dimension_semantics<arbitrary>], iteration_bounds = array<i64: 16>, scalar_prefetch = 0 : i64, scratch_operands = 0 : i64, tpu.core_type = #tpu.core_type<tc>, window_params = [{transform_indices = @transform_0, window_bounds = array<i64: 512, 256>}, {pipeline_mode = #tpu.pipeline_mode<synchronous>, transform_indices = @transform_1, window_bounds = array<i64: 8, 256>}, {pipeline_mode = #tpu.pipeline_mode<synchronous>, transform_indices = @transform_2, window_bounds = array<i64: 1, 256>}, {pipeline_mode = #tpu.pipeline_mode<synchronous>, transform_indices = @transform_3, window_bounds = array<i64: 1, 256>}, {pipeline_mode = #tpu.pipeline_mode<synchronous>, transform_indices = @transform_4, window_bounds = array<i64: 512, 128>}, {pipeline_mode = #tpu.pipeline_mode<synchronous>, transform_indices = @transform_5, window_bounds = array<i64: 1, 128>}, {transform_indices = @transform_6, window_bounds = array<i64: 512, 256>}, {transform_indices = @transform_7, window_bounds = array<i64: 512, 128>}, {transform_indices = @transform_8, window_bounds = array<i64: 512, 256>}]} {
    %get3A = arith.constant 0 : index
    %get3A_0 = arith.constant 0 : index
    %get3A_1 = vector.load %arg2[%get3A, %get3A_0] : memref<8x256xf32, #tpu.memory_space<vmem>>, vector<8x256xf32>
    %get3A_2 = arith.constant 0 : index
    %get3A_3 = arith.constant 0 : index
    %get3A_4 = vector.load %arg3[%get3A_2, %get3A_3] : memref<1x256xf32, #tpu.memory_space<vmem>>, vector<1x256xf32>
    %get3A_5 = arith.constant 0 : index
    %get3A_6 = arith.constant 0 : index
    %get3A_7 = vector.load %arg4[%get3A_5, %get3A_6] : memref<1x256xf32, #tpu.memory_space<vmem>>, vector<1x256xf32>
    %slice3A = vector.extract_strided_slice %get3A_1 {offsets = [0, 0], sizes = [1, 256], strides = [1, 1]} : vector<8x256xf32> to vector<1x256xf32>
    %div3A = arith.constant 1.638400e+05 : f32
    %div3A_8 = vector.broadcast %div3A : f32 to vector<1x256xf32>
    %div3A_9 = arith.divf %slice3A, %div3A_8 : vector<1x256xf32>
    %slice3A_10 = vector.extract_strided_slice %get3A_1 {offsets = [1, 0], sizes = [1, 256], strides = [1, 1]} : vector<8x256xf32> to vector<1x256xf32>
    %div3A_11 = arith.constant 1.638400e+05 : f32
    %div3A_12 = vector.broadcast %div3A_11 : f32 to vector<1x256xf32>
    %div3A_13 = arith.divf %slice3A_10, %div3A_12 : vector<1x256xf32>
    %mul3A = arith.mulf %div3A_9, %div3A_9 : vector<1x256xf32>
    %sub3A = arith.subf %div3A_13, %mul3A : vector<1x256xf32>
    %add3A = arith.constant 9.99999974E-6 : f32
    %add3A_14 = vector.broadcast %add3A : f32 to vector<1x256xf32>
    %add3A_15 = arith.addf %sub3A, %add3A_14 : vector<1x256xf32>
    %rsqrt3A = math.rsqrt %add3A_15 : vector<1x256xf32>
    %mul3A_16 = arith.mulf %get3A_4, %rsqrt3A : vector<1x256xf32>
    %mul3A_17 = arith.mulf %mul3A_16, %div3A_9 : vector<1x256xf32>
    %sub3A_18 = arith.subf %get3A_7, %mul3A_17 : vector<1x256xf32>
    %get3A_19 = arith.constant 0 : index
    %get3A_20 = arith.constant 0 : index
    %get3A_21 = vector.load %arg1[%get3A_19, %get3A_20] : memref<512x256xf32, #tpu.memory_space<vmem>>, vector<512x256xf32>
    %mul3A_22 = vector.broadcast %mul3A_16 : vector<1x256xf32> to vector<512x256xf32>
    %mul3A_23 = arith.mulf %mul3A_22, %get3A_21 : vector<512x256xf32>
    %add3A_24 = vector.broadcast %sub3A_18 : vector<1x256xf32> to vector<512x256xf32>
    %add3A_25 = arith.addf %mul3A_23, %add3A_24 : vector<512x256xf32>
    %ge3A = arith.constant 0.000000e+00 : f32
    %ge3A_26 = vector.broadcast %ge3A : f32 to vector<512x256xf32>
    %ge3A_27 = arith.cmpf oge, %add3A_25, %ge3A_26 : vector<512x256xf32>
    %mul3A_28 = arith.constant 2.000000e-01 : f32
    %mul3A_29 = vector.broadcast %mul3A_28 : f32 to vector<512x256xf32>
    %mul3A_30 = arith.mulf %mul3A_29, %add3A_25 : vector<512x256xf32>
    %select_n3A = arith.select %ge3A_27, %add3A_25, %mul3A_30 : vector<512x256xi1>, vector<512x256xf32>
    %swap3A = arith.constant 0 : index
    %swap3A_31 = arith.constant 0 : index
    %swap3A_32 = vector.load %arg7[%swap3A, %swap3A_31] : memref<512x256xf32, #tpu.memory_space<vmem>>, vector<512x256xf32>
    tpu.vector_store %arg7[%swap3A, %swap3A_31], %select_n3A {strides = array<i32>} : memref<512x256xf32, #tpu.memory_space<vmem>>, vector<512x256xf32>,
    %get3A_33 = arith.constant 0 : index
    %get3A_34 = arith.constant 0 : index
    %get3A_35 = vector.load %arg5[%get3A_33, %get3A_34] : memref<512x128xf32, #tpu.memory_space<vmem>>, vector<256x128xf32>
    %convert_element_type3A = arith.truncf %select_n3A : vector<512x256xf32> to vector<512x256xbf16>
    %convert_element_type3A_36 = arith.truncf %get3A_35 : vector<256x128xf32> to vector<256x128xbf16>
    %dot_general3A = arith.constant dense<0.000000e+00> : vector<512x128xf32>
    %dot_general3A_37 = tpu.matmul %convert_element_type3A, %convert_element_type3A_36, %dot_general3A {dimension_numbers = #tpu.dot_dimension_numbers<[1], [0], [0], [1], [0, 0, 1, 1], [], []>, transpose_lhs_hint = false} : vector<512x256xbf16>, vector<256x128xbf16>, vector<512x128xf32> -> vector<512x128xf32>
    %get3A_38 = arith.constant 0 : index
    %get3A_39 = arith.constant 0 : index
    %get3A_40 = vector.load %arg6[%get3A_38, %get3A_39] : memref<1x128xf32, #tpu.memory_space<vmem>>, vector<1x128xf32>
    %add3A_41 = vector.broadcast %get3A_40 : vector<1x128xf32> to vector<512x128xf32>
    %add3A_42 = arith.addf %dot_general3A_37, %add3A_41 : vector<512x128xf32>
    %swap3A_43 = arith.constant 0 : index
    %swap3A_44 = arith.constant 0 : index
    %swap3A_45 = vector.load %arg8[%swap3A_43, %swap3A_44] : memref<512x128xf32, #tpu.memory_space<vmem>>, vector<512x128xf32>
    tpu.vector_store %arg8[%swap3A_43, %swap3A_44], %add3A_42 {strides = array<i32>} : memref<512x128xf32, #tpu.memory_space<vmem>>, vector<512x128xf32>,
    %swap3A_46 = arith.constant 0 : index
    %swap3A_47 = arith.constant 0 : index
    %swap3A_48 = vector.load %arg9[%swap3A_46, %swap3A_47] : memref<512x256xf32, #tpu.memory_space<vmem>>, vector<512x256xf32>
    tpu.vector_store %arg9[%swap3A_46, %swap3A_47], %select_n3A {strides = array<i32>} : memref<512x256xf32, #tpu.memory_space<vmem>>, vector<512x256xf32>,
    return
  }
  func.func @transform_0(%arg0: i32) -> (i32, i32) {
    %c0_i32 = arith.constant 0 : i32
    %c0_i32_0 = arith.constant 0 : i32
    return %arg0, %c0_i32 : i32, i32
  }
  func.func @transform_1(%arg0: i32) -> (i32, i32) {
    %c0_i32 = arith.constant 0 : i32
    %c0_i32_0 = arith.constant 0 : i32
    %c0_i32_1 = arith.constant 0 : i32
    return %c0_i32, %c0_i32_0 : i32, i32
  }
  func.func @transform_2(%arg0: i32) -> (i32, i32) {
    %c0_i32 = arith.constant 0 : i32
    %c0_i32_0 = arith.constant 0 : i32
    %c0_i32_1 = arith.constant 0 : i32
    return %c0_i32, %c0_i32_0 : i32, i32
  }
  func.func @transform_3(%arg0: i32) -> (i32, i32) {
    %c0_i32 = arith.constant 0 : i32
    %c0_i32_0 = arith.constant 0 : i32
    %c0_i32_1 = arith.constant 0 : i32
    return %c0_i32, %c0_i32_0 : i32, i32
  }
  func.func @transform_4(%arg0: i32) -> (i32, i32) {
    %c0_i32 = arith.constant 0 : i32
    %c0_i32_0 = arith.constant 0 : i32
    %c0_i32_1 = arith.constant 0 : i32
    return %c0_i32, %c0_i32_0 : i32, i32
  }
  func.func @transform_5(%arg0: i32) -> (i32, i32) {
    %c0_i32 = arith.constant 0 : i32
    %c0_i32_0 = arith.constant 0 : i32
    %c0_i32_1 = arith.constant 0 : i32
    return %c0_i32, %c0_i32_0 : i32, i32
  }
  func.func @transform_6(%arg0: i32) -> (i32, i32) {
    %c0_i32 = arith.constant 0 : i32
    %c0_i32_0 = arith.constant 0 : i32
    return %arg0, %c0_i32 : i32, i32
  }
  func.func @transform_7(%arg0: i32) -> (i32, i32) {
    %c0_i32 = arith.constant 0 : i32
    %c0_i32_0 = arith.constant 0 : i32
    return %arg0, %c0_i32 : i32, i32
  }
  func.func @transform_8(%arg0: i32) -> (i32, i32) {
    %c0_i32 = arith.constant 0 : i32
    %c0_i32_0 = arith.constant 0 : i32
    return %arg0, %c0_i32 : i32, i32
  }
}

module attributes {stable_mosaic.version = 14 : i64} {
  func.func @_stats1_body(%arg0: i32, %arg1: i32, %arg2: memref<512x256xf32, #tpu.memory_space<vmem>>, %arg3: memref<512x256xf32, #tpu.memory_space<vmem>>, %arg4: memref<512x128xf32, #tpu.memory_space<vmem>>, %arg5: memref<256x128xf32, #tpu.memory_space<vmem>>, %arg6: memref<8x128xf32, #tpu.memory_space<vmem>>) attributes {dimension_semantics = [#tpu.dimension_semantics<arbitrary>, #tpu.dimension_semantics<arbitrary>], iteration_bounds = array<i64: 20, 16>, scalar_prefetch = 0 : i64, scratch_operands = 0 : i64, tpu.core_type = #tpu.core_type<tc>, window_params = [{transform_indices = @transform_0, window_bounds = array<i64: 512, 256>}, {transform_indices = @transform_1, window_bounds = array<i64: 512, 256>}, {transform_indices = @transform_2, window_bounds = array<i64: 512, 128>}, {pipeline_mode = #tpu.pipeline_mode<synchronous>, transform_indices = @transform_3, window_bounds = array<i64: 256, 128>}, {pipeline_mode = #tpu.pipeline_mode<synchronous>, transform_indices = @transform_4, window_bounds = array<i64: 8, 128>}]} {
    %get3A = arith.constant 0 : index
    %get3A_0 = arith.constant 0 : index
    %get3A_1 = vector.load %arg2[%get3A, %get3A_0] : memref<512x256xf32, #tpu.memory_space<vmem>>, vector<512x256xf32>
    %get3A_2 = arith.constant 0 : index
    %get3A_3 = arith.constant 0 : index
    %get3A_4 = vector.load %arg3[%get3A_2, %get3A_3] : memref<512x256xf32, #tpu.memory_space<vmem>>, vector<512x256xf32>
    %sub3A = arith.subf %get3A_1, %get3A_4 : vector<512x256xf32>
    %get3A_5 = arith.constant 0 : index
    %get3A_6 = arith.constant 0 : index
    %get3A_7 = vector.load %arg4[%get3A_5, %get3A_6] : memref<512x128xf32, #tpu.memory_space<vmem>>, vector<512x128xf32>
    %get3A_8 = arith.constant 0 : index
    %get3A_9 = arith.constant 0 : index
    %get3A_10 = vector.load %arg5[%get3A_8, %get3A_9] : memref<256x128xf32, #tpu.memory_space<vmem>>, vector<256x128xf32>
    %convert_element_type3A = arith.truncf %sub3A : vector<512x256xf32> to vector<512x256xbf16>
    %convert_element_type3A_11 = arith.truncf %get3A_10 : vector<256x128xf32> to vector<256x128xbf16>
    %dot_general3A = arith.constant dense<0.000000e+00> : vector<512x128xf32>
    %dot_general3A_12 = tpu.matmul %convert_element_type3A, %convert_element_type3A_11, %dot_general3A {dimension_numbers = #tpu.dot_dimension_numbers<[1], [0], [0], [1], [0, 0, 1, 1], [], []>, transpose_lhs_hint = false} : vector<512x256xbf16>, vector<256x128xbf16>, vector<512x128xf32> -> vector<512x128xf32>
    %add3A = arith.addf %get3A_7, %dot_general3A_12 : vector<512x128xf32>
    %reduce_sum3A = arith.constant dense<0.000000e+00> : vector<128xf32>
    %reduce_sum3A_13 = vector.multi_reduction <add>, %add3A, %reduce_sum3A [0] : vector<512x128xf32> to vector<128xf32>
    %broadcast_in_dim3A = vector.shape_cast %reduce_sum3A_13 : vector<128xf32> to vector<1x128xf32>
    %mul3A = arith.mulf %add3A, %add3A : vector<512x128xf32>
    %reduce_sum3A_14 = arith.constant dense<0.000000e+00> : vector<128xf32>
    %reduce_sum3A_15 = vector.multi_reduction <add>, %mul3A, %reduce_sum3A_14 [0] : vector<512x128xf32> to vector<128xf32>
    %broadcast_in_dim3A_16 = vector.shape_cast %reduce_sum3A_15 : vector<128xf32> to vector<1x128xf32>
    %broadcast_in_dim3A_17 = arith.constant 0.000000e+00 : f32
    %broadcast_in_dim3A_18 = vector.broadcast %broadcast_in_dim3A_17 : f32 to vector<6x128xf32>
    %concatenate3A = tpu.concatenate %broadcast_in_dim3A, %broadcast_in_dim3A_16, %broadcast_in_dim3A_18 in 0 : vector<1x128xf32>, vector<1x128xf32>, vector<6x128xf32> -> vector<8x128xf32>
    %eq3A = arith.constant 0 : i32
    %eq3A_19 = arith.cmpi eq, %arg0, %eq3A : i32
    %eq3A_20 = arith.constant 0 : i32
    %eq3A_21 = arith.cmpi eq, %arg1, %eq3A_20 : i32
    %and3A = arith.andi %eq3A_19, %eq3A_21 : i1
    %convert_element_type3A_22 = arith.extui %and3A : i1 to i32
    %cond3A = arith.constant 0 : i32
    %cond3A_23 = arith.cmpi ne, %convert_element_type3A_22, %cond3A : i32
    scf.if %cond3A_23 {
      %swap3A = arith.constant 0 : index
      %swap3A_33 = arith.constant 0 : index
      %swap3A_34 = vector.load %arg6[%swap3A, %swap3A_33] : memref<8x128xf32, #tpu.memory_space<vmem>>, vector<8x128xf32>
      tpu.vector_store %arg6[%swap3A, %swap3A_33], %concatenate3A {strides = array<i32>} : memref<8x128xf32, #tpu.memory_space<vmem>>, vector<8x128xf32>,
    } else {
    }
    %eq3A_24 = arith.constant 0 : i32
    %eq3A_25 = arith.cmpi eq, %arg0, %eq3A_24 : i32
    %eq3A_26 = arith.constant 0 : i32
    %eq3A_27 = arith.cmpi eq, %arg1, %eq3A_26 : i32
    %and3A_28 = arith.andi %eq3A_25, %eq3A_27 : i1
    %not3A = arith.constant true
    %not3A_29 = arith.xori %and3A_28, %not3A : i1
    %convert_element_type3A_30 = arith.extui %not3A_29 : i1 to i32
    %cond3A_31 = arith.constant 0 : i32
    %cond3A_32 = arith.cmpi ne, %convert_element_type3A_30, %cond3A_31 : i32
    scf.if %cond3A_32 {
      %get3A_33 = arith.constant 0 : index
      %get3A_34 = arith.constant 0 : index
      %get3A_35 = vector.load %arg6[%get3A_33, %get3A_34] : memref<8x128xf32, #tpu.memory_space<vmem>>, vector<8x128xf32>
      %add3A_36 = arith.addf %get3A_35, %concatenate3A : vector<8x128xf32>
      %swap3A = arith.constant 0 : index
      %swap3A_37 = arith.constant 0 : index
      %swap3A_38 = vector.load %arg6[%swap3A, %swap3A_37] : memref<8x128xf32, #tpu.memory_space<vmem>>, vector<8x128xf32>
      tpu.vector_store %arg6[%swap3A, %swap3A_37], %add3A_36 {strides = array<i32>} : memref<8x128xf32, #tpu.memory_space<vmem>>, vector<8x128xf32>,
    } else {
    }
    return
  }
  func.func @transform_0(%arg0: i32, %arg1: i32) -> (i32, i32) {
    %mul3A = arith.constant 16 : i32
    %mul3A_0 = arith.muli %arg0, %mul3A : i32
    %add3A = arith.addi %mul3A_0, %arg1 : i32
    %c0_i32 = arith.constant 0 : i32
    %c0_i32_1 = arith.constant 0 : i32
    return %add3A, %c0_i32 : i32, i32
  }
  func.func @transform_1(%arg0: i32, %arg1: i32) -> (i32, i32) {
    %c0_i32 = arith.constant 0 : i32
    %c0_i32_0 = arith.constant 0 : i32
    return %arg1, %c0_i32 : i32, i32
  }
  func.func @transform_2(%arg0: i32, %arg1: i32) -> (i32, i32) {
    %c0_i32 = arith.constant 0 : i32
    %c0_i32_0 = arith.constant 0 : i32
    return %arg1, %c0_i32 : i32, i32
  }
  func.func @transform_3(%arg0: i32, %arg1: i32) -> (i32, i32) {
    %c0_i32 = arith.constant 0 : i32
    %c0_i32_0 = arith.constant 0 : i32
    %c0_i32_1 = arith.constant 0 : i32
    return %c0_i32, %c0_i32_0 : i32, i32
  }
  func.func @transform_4(%arg0: i32, %arg1: i32) -> (i32, i32) {
    %c0_i32 = arith.constant 0 : i32
    %c0_i32_0 = arith.constant 0 : i32
    %c0_i32_1 = arith.constant 0 : i32
    return %c0_i32, %c0_i32_0 : i32, i32
  }
}

module attributes {stable_mosaic.version = 14 : i64} {
  func.func @_convout_body(%arg0: i32, %arg1: i32, %arg2: memref<512x256xf32, #tpu.memory_space<vmem>>, %arg3: memref<512x256xf32, #tpu.memory_space<vmem>>, %arg4: memref<512x128xf32, #tpu.memory_space<vmem>>, %arg5: memref<256x128xf32, #tpu.memory_space<vmem>>, %arg6: memref<8x128xf32, #tpu.memory_space<vmem>>, %arg7: memref<1x128xf32, #tpu.memory_space<vmem>>, %arg8: memref<1x128xf32, #tpu.memory_space<vmem>>, %arg9: memref<128x128xf32, #tpu.memory_space<vmem>>, %arg10: memref<1x128xf32, #tpu.memory_space<vmem>>, %arg11: memref<512x128xf32, #tpu.memory_space<vmem>>, %arg12: memref<8x128xf32, #tpu.memory_space<vmem>>) attributes {dimension_semantics = [#tpu.dimension_semantics<arbitrary>, #tpu.dimension_semantics<arbitrary>], iteration_bounds = array<i64: 16, 20>, scalar_prefetch = 0 : i64, scratch_operands = 0 : i64, tpu.core_type = #tpu.core_type<tc>, window_params = [{transform_indices = @transform_0, window_bounds = array<i64: 512, 256>}, {transform_indices = @transform_1, window_bounds = array<i64: 512, 256>}, {transform_indices = @transform_2, window_bounds = array<i64: 512, 128>}, {pipeline_mode = #tpu.pipeline_mode<synchronous>, transform_indices = @transform_3, window_bounds = array<i64: 256, 128>}, {pipeline_mode = #tpu.pipeline_mode<synchronous>, transform_indices = @transform_4, window_bounds = array<i64: 8, 128>}, {pipeline_mode = #tpu.pipeline_mode<synchronous>, transform_indices = @transform_5, window_bounds = array<i64: 1, 128>}, {pipeline_mode = #tpu.pipeline_mode<synchronous>, transform_indices = @transform_6, window_bounds = array<i64: 1, 128>}, {pipeline_mode = #tpu.pipeline_mode<synchronous>, transform_indices = @transform_7, window_bounds = array<i64: 128, 128>}, {pipeline_mode = #tpu.pipeline_mode<synchronous>, transform_indices = @transform_8, window_bounds = array<i64: 1, 128>}, {transform_indices = @transform_9, window_bounds = array<i64: 512, 128>}, {pipeline_mode = #tpu.pipeline_mode<synchronous>, transform_indices = @transform_10, window_bounds = array<i64: 8, 128>}]} {
    %get3A = arith.constant 0 : index
    %get3A_0 = arith.constant 0 : index
    %get3A_1 = vector.load %arg6[%get3A, %get3A_0] : memref<8x128xf32, #tpu.memory_space<vmem>>, vector<8x128xf32>
    %get3A_2 = arith.constant 0 : index
    %get3A_3 = arith.constant 0 : index
    %get3A_4 = vector.load %arg7[%get3A_2, %get3A_3] : memref<1x128xf32, #tpu.memory_space<vmem>>, vector<1x128xf32>
    %get3A_5 = arith.constant 0 : index
    %get3A_6 = arith.constant 0 : index
    %get3A_7 = vector.load %arg8[%get3A_5, %get3A_6] : memref<1x128xf32, #tpu.memory_space<vmem>>, vector<1x128xf32>
    %slice3A = vector.extract_strided_slice %get3A_1 {offsets = [0, 0], sizes = [1, 128], strides = [1, 1]} : vector<8x128xf32> to vector<1x128xf32>
    %div3A = arith.constant 1.638400e+05 : f32
    %div3A_8 = vector.broadcast %div3A : f32 to vector<1x128xf32>
    %div3A_9 = arith.divf %slice3A, %div3A_8 : vector<1x128xf32>
    %slice3A_10 = vector.extract_strided_slice %get3A_1 {offsets = [1, 0], sizes = [1, 128], strides = [1, 1]} : vector<8x128xf32> to vector<1x128xf32>
    %div3A_11 = arith.constant 1.638400e+05 : f32
    %div3A_12 = vector.broadcast %div3A_11 : f32 to vector<1x128xf32>
    %div3A_13 = arith.divf %slice3A_10, %div3A_12 : vector<1x128xf32>
    %mul3A = arith.mulf %div3A_9, %div3A_9 : vector<1x128xf32>
    %sub3A = arith.subf %div3A_13, %mul3A : vector<1x128xf32>
    %add3A = arith.constant 9.99999974E-6 : f32
    %add3A_14 = vector.broadcast %add3A : f32 to vector<1x128xf32>
    %add3A_15 = arith.addf %sub3A, %add3A_14 : vector<1x128xf32>
    %rsqrt3A = math.rsqrt %add3A_15 : vector<1x128xf32>
    %mul3A_16 = arith.mulf %get3A_4, %rsqrt3A : vector<1x128xf32>
    %mul3A_17 = arith.mulf %mul3A_16, %div3A_9 : vector<1x128xf32>
    %sub3A_18 = arith.subf %get3A_7, %mul3A_17 : vector<1x128xf32>
    %get3A_19 = arith.constant 0 : index
    %get3A_20 = arith.constant 0 : index
    %get3A_21 = vector.load %arg2[%get3A_19, %get3A_20] : memref<512x256xf32, #tpu.memory_space<vmem>>, vector<512x256xf32>
    %get3A_22 = arith.constant 0 : index
    %get3A_23 = arith.constant 0 : index
    %get3A_24 = vector.load %arg3[%get3A_22, %get3A_23] : memref<512x256xf32, #tpu.memory_space<vmem>>, vector<512x256xf32>
    %sub3A_25 = arith.subf %get3A_21, %get3A_24 : vector<512x256xf32>
    %get3A_26 = arith.constant 0 : index
    %get3A_27 = arith.constant 0 : index
    %get3A_28 = vector.load %arg4[%get3A_26, %get3A_27] : memref<512x128xf32, #tpu.memory_space<vmem>>, vector<512x128xf32>
    %get3A_29 = arith.constant 0 : index
    %get3A_30 = arith.constant 0 : index
    %get3A_31 = vector.load %arg5[%get3A_29, %get3A_30] : memref<256x128xf32, #tpu.memory_space<vmem>>, vector<256x128xf32>
    %convert_element_type3A = arith.truncf %sub3A_25 : vector<512x256xf32> to vector<512x256xbf16>
    %convert_element_type3A_32 = arith.truncf %get3A_31 : vector<256x128xf32> to vector<256x128xbf16>
    %dot_general3A = arith.constant dense<0.000000e+00> : vector<512x128xf32>
    %dot_general3A_33 = tpu.matmul %convert_element_type3A, %convert_element_type3A_32, %dot_general3A {dimension_numbers = #tpu.dot_dimension_numbers<[1], [0], [0], [1], [0, 0, 1, 1], [], []>, transpose_lhs_hint = false} : vector<512x256xbf16>, vector<256x128xbf16>, vector<512x128xf32> -> vector<512x128xf32>
    %add3A_34 = arith.addf %get3A_28, %dot_general3A_33 : vector<512x128xf32>
    %mul3A_35 = vector.broadcast %mul3A_16 : vector<1x128xf32> to vector<512x128xf32>
    %mul3A_36 = arith.mulf %mul3A_35, %add3A_34 : vector<512x128xf32>
    %add3A_37 = vector.broadcast %sub3A_18 : vector<1x128xf32> to vector<512x128xf32>
    %add3A_38 = arith.addf %mul3A_36, %add3A_37 : vector<512x128xf32>
    %ge3A = arith.constant 0.000000e+00 : f32
    %ge3A_39 = vector.broadcast %ge3A : f32 to vector<512x128xf32>
    %ge3A_40 = arith.cmpf oge, %add3A_38, %ge3A_39 : vector<512x128xf32>
    %mul3A_41 = arith.constant 2.000000e-01 : f32
    %mul3A_42 = vector.broadcast %mul3A_41 : f32 to vector<512x128xf32>
    %mul3A_43 = arith.mulf %mul3A_42, %add3A_38 : vector<512x128xf32>
    %select_n3A = arith.select %ge3A_40, %add3A_38, %mul3A_43 : vector<512x128xi1>, vector<512x128xf32>
    %get3A_44 = arith.constant 0 : index
    %get3A_45 = arith.constant 0 : index
    %get3A_46 = vector.load %arg9[%get3A_44, %get3A_45] : memref<128x128xf32, #tpu.memory_space<vmem>>, vector<128x128xf32>
    %convert_element_type3A_47 = arith.truncf %select_n3A : vector<512x128xf32> to vector<512x128xbf16>
    %convert_element_type3A_48 = arith.truncf %get3A_46 : vector<128x128xf32> to vector<128x128xbf16>
    %dot_general3A_49 = arith.constant dense<0.000000e+00> : vector<512x128xf32>
    %dot_general3A_50 = tpu.matmul %convert_element_type3A_47, %convert_element_type3A_48, %dot_general3A_49 {dimension_numbers = #tpu.dot_dimension_numbers<[1], [0], [0], [1], [0, 0, 1, 1], [], []>, transpose_lhs_hint = false} : vector<512x128xbf16>, vector<128x128xbf16>, vector<512x128xf32> -> vector<512x128xf32>
    %get3A_51 = arith.constant 0 : index
    %get3A_52 = arith.constant 0 : index
    %get3A_53 = vector.load %arg10[%get3A_51, %get3A_52] : memref<1x128xf32, #tpu.memory_space<vmem>>, vector<1x128xf32>
    %add3A_54 = vector.broadcast %get3A_53 : vector<1x128xf32> to vector<512x128xf32>
    %add3A_55 = arith.addf %dot_general3A_50, %add3A_54 : vector<512x128xf32>
    %reduce_sum3A = arith.constant dense<0.000000e+00> : vector<128xf32>
    %reduce_sum3A_56 = vector.multi_reduction <add>, %add3A_55, %reduce_sum3A [0] : vector<512x128xf32> to vector<128xf32>
    %broadcast_in_dim3A = vector.shape_cast %reduce_sum3A_56 : vector<128xf32> to vector<1x128xf32>
    %mul3A_57 = arith.mulf %add3A_55, %add3A_55 : vector<512x128xf32>
    %reduce_sum3A_58 = arith.constant dense<0.000000e+00> : vector<128xf32>
    %reduce_sum3A_59 = vector.multi_reduction <add>, %mul3A_57, %reduce_sum3A_58 [0] : vector<512x128xf32> to vector<128xf32>
    %broadcast_in_dim3A_60 = vector.shape_cast %reduce_sum3A_59 : vector<128xf32> to vector<1x128xf32>
    %broadcast_in_dim3A_61 = arith.constant 0.000000e+00 : f32
    %broadcast_in_dim3A_62 = vector.broadcast %broadcast_in_dim3A_61 : f32 to vector<6x128xf32>
    %concatenate3A = tpu.concatenate %broadcast_in_dim3A, %broadcast_in_dim3A_60, %broadcast_in_dim3A_62 in 0 : vector<1x128xf32>, vector<1x128xf32>, vector<6x128xf32> -> vector<8x128xf32>
    %eq3A = arith.constant 0 : i32
    %eq3A_63 = arith.cmpi eq, %arg1, %eq3A : i32
    %eq3A_64 = arith.constant 0 : i32
    %eq3A_65 = arith.cmpi eq, %arg0, %eq3A_64 : i32
    %and3A = arith.andi %eq3A_63, %eq3A_65 : i1
    %convert_element_type3A_66 = arith.extui %and3A : i1 to i32
    %cond3A = arith.constant 0 : i32
    %cond3A_67 = arith.cmpi ne, %convert_element_type3A_66, %cond3A : i32
    scf.if %cond3A_67 {
      %swap3A = arith.constant 0 : index
      %swap3A_86 = arith.constant 0 : index
      %swap3A_87 = vector.load %arg12[%swap3A, %swap3A_86] : memref<8x128xf32, #tpu.memory_space<vmem>>, vector<8x128xf32>
      tpu.vector_store %arg12[%swap3A, %swap3A_86], %concatenate3A {strides = array<i32>} : memref<8x128xf32, #tpu.memory_space<vmem>>, vector<8x128xf32>,
    } else {
    }
    %eq3A_68 = arith.constant 0 : i32
    %eq3A_69 = arith.cmpi eq, %arg1, %eq3A_68 : i32
    %eq3A_70 = arith.constant 0 : i32
    %eq3A_71 = arith.cmpi eq, %arg0, %eq3A_70 : i32
    %and3A_72 = arith.andi %eq3A_69, %eq3A_71 : i1
    %not3A = arith.constant true
    %not3A_73 = arith.xori %and3A_72, %not3A : i1
    %convert_element_type3A_74 = arith.extui %not3A_73 : i1 to i32
    %cond3A_75 = arith.constant 0 : i32
    %cond3A_76 = arith.cmpi ne, %convert_element_type3A_74, %cond3A_75 : i32
    scf.if %cond3A_76 {
      %get3A_86 = arith.constant 0 : index
      %get3A_87 = arith.constant 0 : index
      %get3A_88 = vector.load %arg12[%get3A_86, %get3A_87] : memref<8x128xf32, #tpu.memory_space<vmem>>, vector<8x128xf32>
      %add3A_89 = arith.addf %get3A_88, %concatenate3A : vector<8x128xf32>
      %swap3A = arith.constant 0 : index
      %swap3A_90 = arith.constant 0 : index
      %swap3A_91 = vector.load %arg12[%swap3A, %swap3A_90] : memref<8x128xf32, #tpu.memory_space<vmem>>, vector<8x128xf32>
      tpu.vector_store %arg12[%swap3A, %swap3A_90], %add3A_89 {strides = array<i32>} : memref<8x128xf32, #tpu.memory_space<vmem>>, vector<8x128xf32>,
    } else {
    }
    %eq3A_77 = arith.constant 0 : i32
    %eq3A_78 = arith.cmpi eq, %arg1, %eq3A_77 : i32
    %convert_element_type3A_79 = arith.extui %eq3A_78 : i1 to i32
    %cond3A_80 = arith.constant 0 : i32
    %cond3A_81 = arith.cmpi ne, %convert_element_type3A_79, %cond3A_80 : i32
    scf.if %cond3A_81 {
      %swap3A = arith.constant 0 : index
      %swap3A_86 = arith.constant 0 : index
      %swap3A_87 = vector.load %arg11[%swap3A, %swap3A_86] : memref<512x128xf32, #tpu.memory_space<vmem>>, vector<512x128xf32>
      tpu.vector_store %arg11[%swap3A, %swap3A_86], %add3A_55 {strides = array<i32>} : memref<512x128xf32, #tpu.memory_space<vmem>>, vector<512x128xf32>,
    } else {
    }
    %gt3A = arith.constant 0 : i32
    %gt3A_82 = arith.cmpi sgt, %arg1, %gt3A : i32
    %convert_element_type3A_83 = arith.extui %gt3A_82 : i1 to i32
    %cond3A_84 = arith.constant 0 : i32
    %cond3A_85 = arith.cmpi ne, %convert_element_type3A_83, %cond3A_84 : i32
    scf.if %cond3A_85 {
      %get3A_86 = arith.constant 0 : index
      %get3A_87 = arith.constant 0 : index
      %get3A_88 = vector.load %arg11[%get3A_86, %get3A_87] : memref<512x128xf32, #tpu.memory_space<vmem>>, vector<512x128xf32>
      %max3A = arith.maximumf %get3A_88, %add3A_55 : vector<512x128xf32>
      %swap3A = arith.constant 0 : index
      %swap3A_89 = arith.constant 0 : index
      %swap3A_90 = vector.load %arg11[%swap3A, %swap3A_89] : memref<512x128xf32, #tpu.memory_space<vmem>>, vector<512x128xf32>
      tpu.vector_store %arg11[%swap3A, %swap3A_89], %max3A {strides = array<i32>} : memref<512x128xf32, #tpu.memory_space<vmem>>, vector<512x128xf32>,
    } else {
    }
    return
  }
  func.func @transform_0(%arg0: i32, %arg1: i32) -> (i32, i32) {
    %mul3A = arith.constant 16 : i32
    %mul3A_0 = arith.muli %arg1, %mul3A : i32
    %add3A = arith.addi %mul3A_0, %arg0 : i32
    %c0_i32 = arith.constant 0 : i32
    %c0_i32_1 = arith.constant 0 : i32
    return %add3A, %c0_i32 : i32, i32
  }
  func.func @transform_1(%arg0: i32, %arg1: i32) -> (i32, i32) {
    %c0_i32 = arith.constant 0 : i32
    %c0_i32_0 = arith.constant 0 : i32
    return %arg0, %c0_i32 : i32, i32
  }
  func.func @transform_2(%arg0: i32, %arg1: i32) -> (i32, i32) {
    %c0_i32 = arith.constant 0 : i32
    %c0_i32_0 = arith.constant 0 : i32
    return %arg0, %c0_i32 : i32, i32
  }
  func.func @transform_3(%arg0: i32, %arg1: i32) -> (i32, i32) {
    %c0_i32 = arith.constant 0 : i32
    %c0_i32_0 = arith.constant 0 : i32
    %c0_i32_1 = arith.constant 0 : i32
    return %c0_i32, %c0_i32_0 : i32, i32
  }
  func.func @transform_4(%arg0: i32, %arg1: i32) -> (i32, i32) {
    %c0_i32 = arith.constant 0 : i32
    %c0_i32_0 = arith.constant 0 : i32
    %c0_i32_1 = arith.constant 0 : i32
    return %c0_i32, %c0_i32_0 : i32, i32
  }
  func.func @transform_5(%arg0: i32, %arg1: i32) -> (i32, i32) {
    %c0_i32 = arith.constant 0 : i32
    %c0_i32_0 = arith.constant 0 : i32
    %c0_i32_1 = arith.constant 0 : i32
    return %c0_i32, %c0_i32_0 : i32, i32
  }
  func.func @transform_6(%arg0: i32, %arg1: i32) -> (i32, i32) {
    %c0_i32 = arith.constant 0 : i32
    %c0_i32_0 = arith.constant 0 : i32
    %c0_i32_1 = arith.constant 0 : i32
    return %c0_i32, %c0_i32_0 : i32, i32
  }
  func.func @transform_7(%arg0: i32, %arg1: i32) -> (i32, i32) {
    %c0_i32 = arith.constant 0 : i32
    %c0_i32_0 = arith.constant 0 : i32
    %c0_i32_1 = arith.constant 0 : i32
    return %c0_i32, %c0_i32_0 : i32, i32
  }
  func.func @transform_8(%arg0: i32, %arg1: i32) -> (i32, i32) {
    %c0_i32 = arith.constant 0 : i32
    %c0_i32_0 = arith.constant 0 : i32
    %c0_i32_1 = arith.constant 0 : i32
    return %c0_i32, %c0_i32_0 : i32, i32
  }
  func.func @transform_9(%arg0: i32, %arg1: i32) -> (i32, i32) {
    %c0_i32 = arith.constant 0 : i32
    %c0_i32_0 = arith.constant 0 : i32
    return %arg0, %c0_i32 : i32, i32
  }
  func.func @transform_10(%arg0: i32, %arg1: i32) -> (i32, i32) {
    %c0_i32 = arith.constant 0 : i32
    %c0_i32_0 = arith.constant 0 : i32
    %c0_i32_1 = arith.constant 0 : i32
    return %c0_i32, %c0_i32_0 : i32, i32
  }
}

module attributes {stable_mosaic.version = 14 : i64} {
  func.func @_head_body(%arg0: i32, %arg1: memref<512x64xf32, #tpu.memory_space<vmem>>, %arg2: memref<512x64xf32, #tpu.memory_space<vmem>>, %arg3: memref<512x128xf32, #tpu.memory_space<vmem>>, %arg4: memref<512x256xf32, #tpu.memory_space<vmem>>, %arg5: memref<512x128xf32, #tpu.memory_space<vmem>>, %arg6: memref<8x128xf32, #tpu.memory_space<vmem>>, %arg7: memref<1x128xf32, #tpu.memory_space<vmem>>, %arg8: memref<1x128xf32, #tpu.memory_space<vmem>>, %arg9: memref<640x512xf32, #tpu.memory_space<vmem>>, %arg10: memref<1x512xf32, #tpu.memory_space<vmem>>, %arg11: memref<512x256xf32, #tpu.memory_space<vmem>>, %arg12: memref<1x256xf32, #tpu.memory_space<vmem>>, %arg13: memref<256x4xf32, #tpu.memory_space<vmem>>, %arg14: memref<1x4xf32, #tpu.memory_space<vmem>>, %arg15: memref<512x4xf32, #tpu.memory_space<vmem>>) attributes {dimension_semantics = [#tpu.dimension_semantics<arbitrary>], iteration_bounds = array<i64: 16>, scalar_prefetch = 0 : i64, scratch_operands = 0 : i64, tpu.core_type = #tpu.core_type<tc>, window_params = [{transform_indices = @transform_0, window_bounds = array<i64: 512, 64>}, {transform_indices = @transform_1, window_bounds = array<i64: 512, 64>}, {transform_indices = @transform_2, window_bounds = array<i64: 512, 128>}, {transform_indices = @transform_3, window_bounds = array<i64: 512, 256>}, {transform_indices = @transform_4, window_bounds = array<i64: 512, 128>}, {pipeline_mode = #tpu.pipeline_mode<synchronous>, transform_indices = @transform_5, window_bounds = array<i64: 8, 128>}, {pipeline_mode = #tpu.pipeline_mode<synchronous>, transform_indices = @transform_6, window_bounds = array<i64: 1, 128>}, {pipeline_mode = #tpu.pipeline_mode<synchronous>, transform_indices = @transform_7, window_bounds = array<i64: 1, 128>}, {pipeline_mode = #tpu.pipeline_mode<synchronous>, transform_indices = @transform_8, window_bounds = array<i64: 640, 512>}, {pipeline_mode = #tpu.pipeline_mode<synchronous>, transform_indices = @transform_9, window_bounds = array<i64: 1, 512>}, {pipeline_mode = #tpu.pipeline_mode<synchronous>, transform_indices = @transform_10, window_bounds = array<i64: 512, 256>}, {pipeline_mode = #tpu.pipeline_mode<synchronous>, transform_indices = @transform_11, window_bounds = array<i64: 1, 256>}, {pipeline_mode = #tpu.pipeline_mode<synchronous>, transform_indices = @transform_12, window_bounds = array<i64: 256, 4>}, {pipeline_mode = #tpu.pipeline_mode<synchronous>, transform_indices = @transform_13, window_bounds = array<i64: 1, 4>}, {transform_indices = @transform_14, window_bounds = array<i64: 512, 4>}]} {
    %get3A = arith.constant 0 : index
    %get3A_0 = arith.constant 0 : index
    %get3A_1 = vector.load %arg6[%get3A, %get3A_0] : memref<8x128xf32, #tpu.memory_space<vmem>>, vector<8x128xf32>
    %get3A_2 = arith.constant 0 : index
    %get3A_3 = arith.constant 0 : index
    %get3A_4 = vector.load %arg7[%get3A_2, %get3A_3] : memref<1x128xf32, #tpu.memory_space<vmem>>, vector<1x128xf32>
    %get3A_5 = arith.constant 0 : index
    %get3A_6 = arith.constant 0 : index
    %get3A_7 = vector.load %arg8[%get3A_5, %get3A_6] : memref<1x128xf32, #tpu.memory_space<vmem>>, vector<1x128xf32>
    %slice3A = vector.extract_strided_slice %get3A_1 {offsets = [0, 0], sizes = [1, 128], strides = [1, 1]} : vector<8x128xf32> to vector<1x128xf32>
    %div3A = arith.constant 1.638400e+05 : f32
    %div3A_8 = vector.broadcast %div3A : f32 to vector<1x128xf32>
    %div3A_9 = arith.divf %slice3A, %div3A_8 : vector<1x128xf32>
    %slice3A_10 = vector.extract_strided_slice %get3A_1 {offsets = [1, 0], sizes = [1, 128], strides = [1, 1]} : vector<8x128xf32> to vector<1x128xf32>
    %div3A_11 = arith.constant 1.638400e+05 : f32
    %div3A_12 = vector.broadcast %div3A_11 : f32 to vector<1x128xf32>
    %div3A_13 = arith.divf %slice3A_10, %div3A_12 : vector<1x128xf32>
    %mul3A = arith.mulf %div3A_9, %div3A_9 : vector<1x128xf32>
    %sub3A = arith.subf %div3A_13, %mul3A : vector<1x128xf32>
    %add3A = arith.constant 9.99999974E-6 : f32
    %add3A_14 = vector.broadcast %add3A : f32 to vector<1x128xf32>
    %add3A_15 = arith.addf %sub3A, %add3A_14 : vector<1x128xf32>
    %rsqrt3A = math.rsqrt %add3A_15 : vector<1x128xf32>
    %mul3A_16 = arith.mulf %get3A_4, %rsqrt3A : vector<1x128xf32>
    %mul3A_17 = arith.mulf %mul3A_16, %div3A_9 : vector<1x128xf32>
    %sub3A_18 = arith.subf %get3A_7, %mul3A_17 : vector<1x128xf32>
    %get3A_19 = arith.constant 0 : index
    %get3A_20 = arith.constant 0 : index
    %get3A_21 = vector.load %arg5[%get3A_19, %get3A_20] : memref<512x128xf32, #tpu.memory_space<vmem>>, vector<512x128xf32>
    %mul3A_22 = vector.broadcast %mul3A_16 : vector<1x128xf32> to vector<512x128xf32>
    %mul3A_23 = arith.mulf %mul3A_22, %get3A_21 : vector<512x128xf32>
    %add3A_24 = vector.broadcast %sub3A_18 : vector<1x128xf32> to vector<512x128xf32>
    %add3A_25 = arith.addf %mul3A_23, %add3A_24 : vector<512x128xf32>
    %ge3A = arith.constant 0.000000e+00 : f32
    %ge3A_26 = vector.broadcast %ge3A : f32 to vector<512x128xf32>
    %ge3A_27 = arith.cmpf oge, %add3A_25, %ge3A_26 : vector<512x128xf32>
    %mul3A_28 = arith.constant 2.000000e-01 : f32
    %mul3A_29 = vector.broadcast %mul3A_28 : f32 to vector<512x128xf32>
    %mul3A_30 = arith.mulf %mul3A_29, %add3A_25 : vector<512x128xf32>
    %select_n3A = arith.select %ge3A_27, %add3A_25, %mul3A_30 : vector<512x128xi1>, vector<512x128xf32>
    %get3A_31 = arith.constant 0 : index
    %get3A_32 = arith.constant 0 : index
    %get3A_33 = vector.load %arg1[%get3A_31, %get3A_32] : memref<512x64xf32, #tpu.memory_space<vmem>>, vector<512x64xf32>
    %get3A_34 = arith.constant 0 : index
    %get3A_35 = arith.constant 0 : index
    %get3A_36 = vector.load %arg2[%get3A_34, %get3A_35] : memref<512x64xf32, #tpu.memory_space<vmem>>, vector<512x64xf32>
    %get3A_37 = arith.constant 0 : index
    %get3A_38 = arith.constant 0 : index
    %get3A_39 = vector.load %arg3[%get3A_37, %get3A_38] : memref<512x128xf32, #tpu.memory_space<vmem>>, vector<512x128xf32>
    %get3A_40 = arith.constant 0 : index
    %get3A_41 = arith.constant 0 : index
    %get3A_42 = vector.load %arg4[%get3A_40, %get3A_41] : memref<512x256xf32, #tpu.memory_space<vmem>>, vector<512x256xf32>
    %get3A_43 = arith.constant 0 : index
    %get3A_44 = arith.constant 0 : index
    %get3A_45 = vector.load %arg10[%get3A_43, %get3A_44] : memref<1x512xf32, #tpu.memory_space<vmem>>, vector<1x512xf32>
    %get3A_46 = arith.constant 0 : index
    %get3A_47 = arith.constant 0 : index
    %get3A_48 = vector.load %arg9[%get3A_46, %get3A_47] : memref<640x512xf32, #tpu.memory_space<vmem>>, vector<64x512xf32>
    %convert_element_type3A = arith.truncf %get3A_33 : vector<512x64xf32> to vector<512x64xbf16>
    %convert_element_type3A_49 = arith.truncf %get3A_48 : vector<64x512xf32> to vector<64x512xbf16>
    %dot_general3A = arith.constant dense<0.000000e+00> : vector<512x512xf32>
    %dot_general3A_50 = tpu.matmul %convert_element_type3A, %convert_element_type3A_49, %dot_general3A {dimension_numbers = #tpu.dot_dimension_numbers<[1], [0], [0], [1], [0, 0, 1, 1], [], []>, transpose_lhs_hint = false} : vector<512x64xbf16>, vector<64x512xbf16>, vector<512x512xf32> -> vector<512x512xf32>
    %add3A_51 = vector.broadcast %get3A_45 : vector<1x512xf32> to vector<512x512xf32>
    %add3A_52 = arith.addf %add3A_51, %dot_general3A_50 : vector<512x512xf32>
    %get3A_53 = arith.constant 64 : index
    %get3A_54 = arith.constant 0 : index
    %get3A_55 = vector.load %arg9[%get3A_53, %get3A_54] : memref<640x512xf32, #tpu.memory_space<vmem>>, vector<64x512xf32>
    %convert_element_type3A_56 = arith.truncf %get3A_36 : vector<512x64xf32> to vector<512x64xbf16>
    %convert_element_type3A_57 = arith.truncf %get3A_55 : vector<64x512xf32> to vector<64x512xbf16>
    %dot_general3A_58 = arith.constant dense<0.000000e+00> : vector<512x512xf32>
    %dot_general3A_59 = tpu.matmul %convert_element_type3A_56, %convert_element_type3A_57, %dot_general3A_58 {dimension_numbers = #tpu.dot_dimension_numbers<[1], [0], [0], [1], [0, 0, 1, 1], [], []>, transpose_lhs_hint = false} : vector<512x64xbf16>, vector<64x512xbf16>, vector<512x512xf32> -> vector<512x512xf32>
    %add3A_60 = arith.addf %add3A_52, %dot_general3A_59 : vector<512x512xf32>
    %get3A_61 = arith.constant 128 : index
    %get3A_62 = arith.constant 0 : index
    %get3A_63 = vector.load %arg9[%get3A_61, %get3A_62] : memref<640x512xf32, #tpu.memory_space<vmem>>, vector<128x512xf32>
    %convert_element_type3A_64 = arith.truncf %get3A_39 : vector<512x128xf32> to vector<512x128xbf16>
    %convert_element_type3A_65 = arith.truncf %get3A_63 : vector<128x512xf32> to vector<128x512xbf16>
    %dot_general3A_66 = arith.constant dense<0.000000e+00> : vector<512x512xf32>
    %dot_general3A_67 = tpu.matmul %convert_element_type3A_64, %convert_element_type3A_65, %dot_general3A_66 {dimension_numbers = #tpu.dot_dimension_numbers<[1], [0], [0], [1], [0, 0, 1, 1], [], []>, transpose_lhs_hint = false} : vector<512x128xbf16>, vector<128x512xbf16>, vector<512x512xf32> -> vector<512x512xf32>
    %add3A_68 = arith.addf %add3A_60, %dot_general3A_67 : vector<512x512xf32>
    %get3A_69 = arith.constant 256 : index
    %get3A_70 = arith.constant 0 : index
    %get3A_71 = vector.load %arg9[%get3A_69, %get3A_70] : memref<640x512xf32, #tpu.memory_space<vmem>>, vector<256x512xf32>
    %convert_element_type3A_72 = arith.truncf %get3A_42 : vector<512x256xf32> to vector<512x256xbf16>
    %convert_element_type3A_73 = arith.truncf %get3A_71 : vector<256x512xf32> to vector<256x512xbf16>
    %dot_general3A_74 = arith.constant dense<0.000000e+00> : vector<512x512xf32>
    %dot_general3A_75 = tpu.matmul %convert_element_type3A_72, %convert_element_type3A_73, %dot_general3A_74 {dimension_numbers = #tpu.dot_dimension_numbers<[1], [0], [0], [1], [0, 0, 1, 1], [], []>, transpose_lhs_hint = false} : vector<512x256xbf16>, vector<256x512xbf16>, vector<512x512xf32> -> vector<512x512xf32>
    %add3A_76 = arith.addf %add3A_68, %dot_general3A_75 : vector<512x512xf32>
    %get3A_77 = arith.constant 512 : index
    %get3A_78 = arith.constant 0 : index
    %get3A_79 = vector.load %arg9[%get3A_77, %get3A_78] : memref<640x512xf32, #tpu.memory_space<vmem>>, vector<128x512xf32>
    %convert_element_type3A_80 = arith.truncf %select_n3A : vector<512x128xf32> to vector<512x128xbf16>
    %convert_element_type3A_81 = arith.truncf %get3A_79 : vector<128x512xf32> to vector<128x512xbf16>
    %dot_general3A_82 = arith.constant dense<0.000000e+00> : vector<512x512xf32>
    %dot_general3A_83 = tpu.matmul %convert_element_type3A_80, %convert_element_type3A_81, %dot_general3A_82 {dimension_numbers = #tpu.dot_dimension_numbers<[1], [0], [0], [1], [0, 0, 1, 1], [], []>, transpose_lhs_hint = false} : vector<512x128xbf16>, vector<128x512xbf16>, vector<512x512xf32> -> vector<512x512xf32>
    %add3A_84 = arith.addf %add3A_76, %dot_general3A_83 : vector<512x512xf32>
    %max3A = arith.constant 0.000000e+00 : f32
    %max3A_85 = vector.broadcast %max3A : f32 to vector<512x512xf32>
    %max3A_86 = arith.maximumf %add3A_84, %max3A_85 : vector<512x512xf32>
    %get3A_87 = arith.constant 0 : index
    %get3A_88 = arith.constant 0 : index
    %get3A_89 = vector.load %arg11[%get3A_87, %get3A_88] : memref<512x256xf32, #tpu.memory_space<vmem>>, vector<512x256xf32>
    %convert_element_type3A_90 = arith.truncf %max3A_86 : vector<512x512xf32> to vector<512x512xbf16>
    %convert_element_type3A_91 = arith.truncf %get3A_89 : vector<512x256xf32> to vector<512x256xbf16>
    %dot_general3A_92 = arith.constant dense<0.000000e+00> : vector<512x256xf32>
    %dot_general3A_93 = tpu.matmul %convert_element_type3A_90, %convert_element_type3A_91, %dot_general3A_92 {dimension_numbers = #tpu.dot_dimension_numbers<[1], [0], [0], [1], [0, 0, 1, 1], [], []>, transpose_lhs_hint = false} : vector<512x512xbf16>, vector<512x256xbf16>, vector<512x256xf32> -> vector<512x256xf32>
    %get3A_94 = arith.constant 0 : index
    %get3A_95 = arith.constant 0 : index
    %get3A_96 = vector.load %arg12[%get3A_94, %get3A_95] : memref<1x256xf32, #tpu.memory_space<vmem>>, vector<1x256xf32>
    %add3A_97 = vector.broadcast %get3A_96 : vector<1x256xf32> to vector<512x256xf32>
    %add3A_98 = arith.addf %dot_general3A_93, %add3A_97 : vector<512x256xf32>
    %max3A_99 = arith.constant 0.000000e+00 : f32
    %max3A_100 = vector.broadcast %max3A_99 : f32 to vector<512x256xf32>
    %max3A_101 = arith.maximumf %add3A_98, %max3A_100 : vector<512x256xf32>
    %get3A_102 = arith.constant 0 : index
    %get3A_103 = arith.constant 0 : index
    %get3A_104 = vector.load %arg13[%get3A_102, %get3A_103] : memref<256x4xf32, #tpu.memory_space<vmem>>, vector<256x4xf32>
    %convert_element_type3A_105 = arith.truncf %max3A_101 : vector<512x256xf32> to vector<512x256xbf16>
    %convert_element_type3A_106 = arith.truncf %get3A_104 : vector<256x4xf32> to vector<256x4xbf16>
    %dot_general3A_107 = arith.constant dense<0.000000e+00> : vector<512x4xf32>
    %dot_general3A_108 = tpu.matmul %convert_element_type3A_105, %convert_element_type3A_106, %dot_general3A_107 {dimension_numbers = #tpu.dot_dimension_numbers<[1], [0], [0], [1], [0, 0, 1, 1], [], []>, transpose_lhs_hint = false} : vector<512x256xbf16>, vector<256x4xbf16>, vector<512x4xf32> -> vector<512x4xf32>
    %get3A_109 = arith.constant 0 : index
    %get3A_110 = arith.constant 0 : index
    %get3A_111 = vector.load %arg14[%get3A_109, %get3A_110] : memref<1x4xf32, #tpu.memory_space<vmem>>, vector<1x4xf32>
    %add3A_112 = vector.broadcast %get3A_111 : vector<1x4xf32> to vector<512x4xf32>
    %add3A_113 = arith.addf %dot_general3A_108, %add3A_112 : vector<512x4xf32>
    %swap3A = arith.constant 0 : index
    %swap3A_114 = arith.constant 0 : index
    %swap3A_115 = vector.load %arg15[%swap3A, %swap3A_114] : memref<512x4xf32, #tpu.memory_space<vmem>>, vector<512x4xf32>
    tpu.vector_store %arg15[%swap3A, %swap3A_114], %add3A_113 {strides = array<i32>} : memref<512x4xf32, #tpu.memory_space<vmem>>, vector<512x4xf32>,
    return
  }
  func.func @transform_0(%arg0: i32) -> (i32, i32) {
    %c0_i32 = arith.constant 0 : i32
    %c0_i32_0 = arith.constant 0 : i32
    return %arg0, %c0_i32 : i32, i32
  }
  func.func @transform_1(%arg0: i32) -> (i32, i32) {
    %c0_i32 = arith.constant 0 : i32
    %c0_i32_0 = arith.constant 0 : i32
    return %arg0, %c0_i32 : i32, i32
  }
  func.func @transform_2(%arg0: i32) -> (i32, i32) {
    %c0_i32 = arith.constant 0 : i32
    %c0_i32_0 = arith.constant 0 : i32
    return %arg0, %c0_i32 : i32, i32
  }
  func.func @transform_3(%arg0: i32) -> (i32, i32) {
    %c0_i32 = arith.constant 0 : i32
    %c0_i32_0 = arith.constant 0 : i32
    return %arg0, %c0_i32 : i32, i32
  }
  func.func @transform_4(%arg0: i32) -> (i32, i32) {
    %c0_i32 = arith.constant 0 : i32
    %c0_i32_0 = arith.constant 0 : i32
    return %arg0, %c0_i32 : i32, i32
  }
  func.func @transform_5(%arg0: i32) -> (i32, i32) {
    %c0_i32 = arith.constant 0 : i32
    %c0_i32_0 = arith.constant 0 : i32
    %c0_i32_1 = arith.constant 0 : i32
    return %c0_i32, %c0_i32_0 : i32, i32
  }
  func.func @transform_6(%arg0: i32) -> (i32, i32) {
    %c0_i32 = arith.constant 0 : i32
    %c0_i32_0 = arith.constant 0 : i32
    %c0_i32_1 = arith.constant 0 : i32
    return %c0_i32, %c0_i32_0 : i32, i32
  }
  func.func @transform_7(%arg0: i32) -> (i32, i32) {
    %c0_i32 = arith.constant 0 : i32
    %c0_i32_0 = arith.constant 0 : i32
    %c0_i32_1 = arith.constant 0 : i32
    return %c0_i32, %c0_i32_0 : i32, i32
  }
  func.func @transform_8(%arg0: i32) -> (i32, i32) {
    %c0_i32 = arith.constant 0 : i32
    %c0_i32_0 = arith.constant 0 : i32
    %c0_i32_1 = arith.constant 0 : i32
    return %c0_i32, %c0_i32_0 : i32, i32
  }
  func.func @transform_9(%arg0: i32) -> (i32, i32) {
    %c0_i32 = arith.constant 0 : i32
    %c0_i32_0 = arith.constant 0 : i32
    %c0_i32_1 = arith.constant 0 : i32
    return %c0_i32, %c0_i32_0 : i32, i32
  }
  func.func @transform_10(%arg0: i32) -> (i32, i32) {
    %c0_i32 = arith.constant 0 : i32
    %c0_i32_0 = arith.constant 0 : i32
    %c0_i32_1 = arith.constant 0 : i32
    return %c0_i32, %c0_i32_0 : i32, i32
  }
  func.func @transform_11(%arg0: i32) -> (i32, i32) {
    %c0_i32 = arith.constant 0 : i32
    %c0_i32_0 = arith.constant 0 : i32
    %c0_i32_1 = arith.constant 0 : i32
    return %c0_i32, %c0_i32_0 : i32, i32
  }
  func.func @transform_12(%arg0: i32) -> (i32, i32) {
    %c0_i32 = arith.constant 0 : i32
    %c0_i32_0 = arith.constant 0 : i32
    %c0_i32_1 = arith.constant 0 : i32
    return %c0_i32, %c0_i32_0 : i32, i32
  }
  func.func @transform_13(%arg0: i32) -> (i32, i32) {
    %c0_i32 = arith.constant 0 : i32
    %c0_i32_0 = arith.constant 0 : i32
    %c0_i32_1 = arith.constant 0 : i32
    return %c0_i32, %c0_i32_0 : i32, i32
  }
  func.func @transform_14(%arg0: i32) -> (i32, i32) {
    %c0_i32 = arith.constant 0 : i32
    %c0_i32_0 = arith.constant 0 : i32
    return %arg0, %c0_i32 : i32, i32
  }
}

</mosaic_0001>

<sc_bundles>
// kernel: kernel.24.cloned.1.call-start
scs
__scs_entry_jumppad:
0x0: {  	(pc) =	sbr.rel $0x88, $3  }
0x1: {  	(tag) =	ssettag $0x0;
	lr =	simm.s32 $0x1  }
0x2: {  	[smem:$0x3F71] =	sst lr;
	_ =	strace $0xD0000000  }
0x3: {  	_ = 	snop  }
0x4: {  	_ = 	snop  }
0x5: {  	_ = 	snop  }
0x6: {  	_ = 	snop  }
0x7: {  	_ = 	snop  }
__scs_overlays_trampoline_lowered:
0x8: {  	[smem:$0x3F80] =	sst s0  }
0x9: {  	[smem:$0x3F81] =	sst s1  }
0xa: {  	[smem:$0x3F82] =	sst s2  }
0xb: {  	[smem:$0x3F83] =	sst s3  }
0xc: {  	[smem:$0x3F84] =	sst s4  }
0xd: {  	[smem:$0x3F85] =	sst s5  }
0xe: {  	[smem:$0x3F86] =	sst s6  }
0xf: {  	[smem:$0x3F87] =	sst s7  }
0x10: {  	[smem:$0x3F88] =	sst s8  }
0x11: {  	[smem:$0x3F89] =	sst s9;
	s0 =	simm.s32 @!p0 $0x0  }
0x12: {  	s1 =	sld [smem:$0x3F6F];
	s0 =	simm.s32 @p0 $0x1  }
0x13: {  	[smem:$0x3F8A] =	sst s0;
	s0 =	simm.s32 @!p1 $0x0  }
0x14: {  	s2 =	sld [smem:$0x3F6E];
	s0 =	simm.s32 @p1 $0x1  }
0x15: {  	[smem:$0x3F8B] =	sst s0;
	s0 =	simm.s32 @!p2 $0x0  }
0x16: {  	s3 =	sld [smem:$0x3FDB];
	s0 =	simm.s32 @p2 $0x1  }
0x17: {  	s4 =	simm.s32 $0x1BF5;
	[smem:$0x3F8D] =	sst s0  }
0x18: {  	s0 =	sld [smem:$0x3F70];
	_ =	swait.ge [sflag:s4], $0x0  }
0x19: {  	s7 =	sld [smem:$0x3F71]  }
0x1a: {  	s8 =	sadd.s32 $0xFFFFE003, lr  }
0x1b: {  	s9 =	sadd.s32 $0xFFFFFEF7, lr;
	s5 =	simm.s32 $0xFFFFFFFF;
	p2 =	slt.u32 s8, $0xFFFFF086  }
0x1c: {  	p1 =	slt.u32 s9, $0xF7A;
	s5 =	simm.s32 @!p2 $0x0  }
0x1d: {  	s5 =	simm.s32 @p1 $0x1;
	p0 =	seq.s32 s7, s2  }
0x1e: {  	s7 =	smul.u32 @!p0 $0xF7A, s2;
	p2 =	seq.s32 @!p0 s5, $0x0  }
0x1f: {  	s9 =	smul.u32 $0xF7A, s1;
	s8 =	simm.s32 @!p0 $0x1BF5;
	p2 =	por !p2, p0  }
0x20: {  	[sflag:s8] =	ssyncset.s32 @!p0 $0xFFFFF086;
	s6 =	sadd.s32 @!p0 s3, s7;
	s7 =	simm.s32 @!p0 $0x108  }
0x21: {  	s3 =	sadd.s32 s3, s9;
	s6 =	sadd.s32 @!p0 $0x88, s6;
	s7 =	simm.s32 @p2 $0x1082  }
0x22: {  	[simem:s7], [sflag:s8] =	dma.local @!p0 [hbm:s6], $0xF7A  }
0x23: {  	s9 =	sor.u32 $0xD0000000, s2;
	s6 =	simm.s32 $0x108;
	_ =	swait.ge @!p0 [sflag:s8], $0x0  }
0x24: {  	s3 =	sadd.s32 $0x88, s3;
	s6 =	simm.s32 @!p1 $0x1082;
	[sflag:s4] =	ssyncset.s32 $0xFFFFF086  }
0x25: {  	[simem:s6], [sflag:s4] =	dma.local [hbm:s3], $0xF7A  }
0x26: {  	[smem:$0x3F71] =	sst s1;
	(tag) =	ssettag s2;
	_ =	strace s9  }
0x27: {  	s1 =	sld [smem:$0x3F81]  }
0x28: {  	s2 =	sld [smem:$0x3F82]  }
0x29: {  	s4 =	sld [smem:$0x3F84]  }
0x2a: {  	p0 =	seq.s32 s5, $0x0;
	s5 =	sld [smem:$0x3F85]  }
0x2b: {  	s6 =	sld [smem:$0x3F86]  }
0x2c: {  	s7 =	sld [smem:$0x3F87]  }
0x2d: {  	s3 =	simm.s32 $0x108;
	s8 =	sld [smem:$0x3F88]  }
0x2e: {  	s3 =	simm.s32 @!p0 $0x1082;
	s9 =	sld [smem:$0x3F89]  }
0x2f: {  	lr =	sadd.s32 s0, s3;
	s0 =	sld [smem:$0x3F80]  }
0x30: {  	s3 =	sld [smem:$0x3F83]  }
0x31: {  	[smem:$0x3F8C] =	sst s10  }
0x32: {  	s10 =	sld [smem:$0x3F8A];
	_ =	sdelay $0x3  }
0x33: {  	p0 =	seq.s32 s10, $0x1;
	s10 =	sld [smem:$0x3F8C];
	_ =	sdelay $0x3  }
0x34: {  	[smem:$0x3F8C] =	sst s10  }
0x35: {  	s10 =	sld [smem:$0x3F8B];
	_ =	sdelay $0x3  }
0x36: {  	p1 =	seq.s32 s10, $0x1;
	s10 =	sld [smem:$0x3F8C];
	_ =	sdelay $0x3  }
0x37: {  	[smem:$0x3F8C] =	sst s10  }
0x38: {  	s10 =	sld [smem:$0x3F8D]  }
0x39: {  	_ = 	snop;
	(pc) =	sbr.ind lr, $3  }
0x3a: {  	_ = 	snop  }
0x3b: {  	_ = 	snop  }
0x3c: {  	p2 =	seq.s32 s10, $0x1;
	s10 =	sld [smem:$0x3F8C]  }
0x3d: {  	_ =	shalt  }
0x3e: {  	_ =	shalt  }
0x3f: {  	_ =	shalt  }
0x40: {  	_ =	shalt  }
0x41: {  	_ =	shalt  }
0x42: {  	_ =	shalt  }
0x43: {  	_ =	shalt  }
0x44: {  	_ =	shalt  }
0x45: {  	_ =	shalt  }
0x46: {  	_ =	shalt  }
0x47: {  	_ =	shalt  }
0x48: {  	_ =	shalt  }
0x49: {  	_ =	shalt  }
0x4a: {  	_ =	shalt  }
0x4b: {  	_ =	shalt  }
0x4c: {  	_ =	shalt  }
0x4d: {  	_ =	shalt  }
0x4e: {  	_ =	shalt  }
0x4f: {  	_ =	shalt  }
0x50: {  	_ =	shalt  }
0x51: {  	_ =	shalt  }
0x52: {  	_ =	shalt  }
0x53: {  	_ =	shalt  }
0x54: {  	_ =	shalt  }
0x55: {  	_ =	shalt  }
0x56: {  	_ =	shalt  }
0x57: {  	_ =	shalt  }
0x58: {  	_ =	shalt  }
0x59: {  	_ =	shalt  }
0x5a: {  	_ =	shalt  }
0x5b: {  	_ =	shalt  }
0x5c: {  	_ =	shalt  }
0x5d: {  	_ =	shalt  }
0x5e: {  	_ =	shalt  }
0x5f: {  	_ =	shalt  }
0x60: {  	_ =	shalt  }
0x61: {  	_ =	shalt  }
0x62: {  	_ =	shalt  }
0x63: {  	_ =	shalt  }
0x64: {  	_ =	shalt  }
0x65: {  	_ =	shalt  }
0x66: {  	_ =	shalt  }
0x67: {  	_ =	shalt  }
0x68: {  	_ =	shalt  }
0x69: {  	_ =	shalt  }
0x6a: {  	_ =	shalt  }
0x6b: {  	_ =	shalt  }
0x6c: {  	_ =	shalt  }
0x6d: {  	_ =	shalt  }
0x6e: {  	_ =	shalt  }
0x6f: {  	_ =	shalt  }
0x70: {  	_ =	shalt  }
0x71: {  	_ =	shalt  }
0x72: {  	_ =	shalt  }
0x73: {  	_ =	shalt  }
0x74: {  	_ =	shalt  }
0x75: {  	_ =	shalt  }
0x76: {  	_ =	shalt  }
0x77: {  	_ =	shalt  }
0x78: {  	_ =	shalt  }
0x79: {  	_ =	shalt  }
0x7a: {  	_ =	shalt  }
0x7b: {  	_ =	shalt  }
0x7c: {  	_ =	shalt  }
0x7d: {  	_ =	shalt  }
0x7e: {  	_ =	shalt  }
0x7f: {  	_ =	shalt  }
0x80: {  	_ =	shalt  }
0x81: {  	_ =	shalt  }
0x82: {  	_ =	shalt  }
0x83: {  	_ =	shalt  }
0x84: {  	_ =	shalt  }
0x85: {  	_ =	shalt  }
0x86: {  	_ =	shalt  }
0x87: {  	_ =	shalt  }
.Lfunc_end0:
.L_simem_size_0:
called_computation_lowered:
.L_overlay_start_0:
0x88: {  	s2 =	sld [smem:$0x3FD9]  }
0x89: {  	s3 =	sld [smem:$0x3FFE];
	_ =	sdelay $0x1  }
0x8a: {  	s1 =	srdreg.scid  }
0x8b: {  	s0 =	sand.u32 $0x1, s1  }
0x8c: {  	s16 =	sshll.u32 s0, $0xA;
	s2 =	sadd.s32 s3, s2  }
0x8d: {  	s2 =	sadd.s32 s2, s16  }
0x8e: {  	[smem:$0x3F98] =	sst s2  }
0x8f: {  	_ = 	snop  }
0x90: {  	(tm) =	ssettm $0x1  }
0x91: {  	s17 =	sld [smem:$0x3FFB];
	_ =	sdelay $0x3  }
0x92: {  	_ =	strace s17  }
0x93: {  	s2 =	sld [smem:$0x3FFC];
	_ =	sdelay $0x3  }
0x94: {  	_ =	strace s2  }
0x95: {  	s2 =	sld [smem:$0x3FFD];
	_ =	sdelay $0x3  }
0x96: {  	_ =	strace s2  }
0x97: {  	_ =	strace $0x8FFFFFFF  }
0x98: {  	s18 =	sld [smem:$0x3FDB];
	_ =	sdelay $0x1  }
0x99: {  	s19 =	simm.s32 $_scs_section_size  }
0x9a: {  	s4 =	simm.s32 $_size__tile_overlayer_lowered;
	s5 =	simm.s32 $_tile_overlayer_lowered  }
0x9b: {  	s22 =	simm.s32 $0x1BFF;
	s21 =	sshll.u32 s5, $0x1;
	s2 =	sadd.s32 s19, s18  }
0x9c: {  	s6 =	simm.s32 $0x0;
	s20 =	sshll.u32 s4, $0x1;
	s4 =	sadd.s32 s21, s2  }
0x9d: {  	[timem:s6], [sflag:s22] =	dma.local [hbm:s4], s20  }
0x9e: {  	_ =	swait.ge [sflag:s22], s20  }
0x9f: {  	s3 =	ssub.s32 $0x0, s20;
	[sflag:s22] =	ssyncset.done $0x0  }
0xa0: {  	[sflag:s22] =	ssyncadd.s32 s3;
	_ =	sdelay $0x1  }
0xa1: {  	s23 =	simm.s32 $0x1B8B  }
0xa2: {  	_ =	swait.ge [sflag:s23], $0x1  }
0xa3: {  	[sflag:s23] =	ssyncset.done $0x0  }
0xa4: {  	s25 =	simm.s32 $0x1B8E;
	s24 =	sld [smem:$0x3FFE];
	[sflag:s23] =	ssyncadd.s32 $0xFFFFFFFF  }
0xa5: {  	s26 =	simm.s32 $execute0_lowered;
	[smem:$0x3FD2] =	sst s25  }
0xa6: {  	s4 =	sshll.u32 s26, $0x1;
	_ =	strace $0x80000046;
	[dreg:$0x1] =	wrdreg $0xFFFFFFFF  }
0xa7: {  	s28 =	simm.s32 $_size_execute0_lowered;
	s2 =	sadd.s32 s2, s4;
	[dreg:$0x0] =	wrdreg $0x0  }
0xa8: {  	s4 =	sshll.u32 s28, $0x1;
	[dreg:$0x2] =	wrdreg s2  }
0xa9: {  	[dreg:$0x3] =	wrdreg s4  }
0xaa: {  	[dreg:$0x4] =	wrdreg $0xC0  }
0xab: {  	_ =	task [dreg:s6], $0x5FFFF  }
0xac: {  	[dreg:$0x1] =	wrdreg $0xFFFFFFFF  }
0xad: {  	[dreg:$0x0] =	wrdreg $0x60  }
0xae: {  	[dreg:$0x2] =	wrdreg s24  }
0xaf: {  	[dreg:$0x3] =	wrdreg $0x9  }
0xb0: {  	_ =	task.clear_ibuf [dreg:s6], $0x4FFFF;
	_ =	strace $0x90000046  }
0xb1: {  	s29 =	simm.s32 $0x9;
	_ =	strace $0x80000048  }
0xb2: {  	_ =	swait.ge [sflag:s29], $0x1  }
0xb3: {  	[sflag:s29] =	ssyncadd.s32 $0xFFFFFFFF  }
0xb4: {  	_ =	strace $0x90000048  }
0xb5: {  	_ =	sfence  }
0xb6: {  	s30 =	sld [smem:$0x0];
	_ =	sdelay $0x2  }
0xb7: {  	s31 =	sshll.u32 s1, $0xD;
	s1 =	sshrl.u32 s1, $0x2  }
0xb8: {  	s3 =	sand.u32 $0x4000, s31;
	s1 =	sadd.s32 s1, s30  }
0xb9: {  	s0 =	sor.u32 s3, s0;
	s1 =	sshll.u32 s1, $0x11  }
0xba: {  	s0 =	sor.u32 s1, s0  }
0xbb: {  	s0 =	sadd.s32 $0x8F2B, s0  }
0xbc: {  	[sflag:s0] =	ssyncadd.remote.s32 $0x1  }
0xbd: {  	_ =	sfence.sel $0xFFFF  }
0xbe: {  	[dreg:$0x0] =	wrdreg $0xFFFFFFFF;
	(pc) =	sbr.abs _section_cstart, $3  }
0xbf: {  	[dreg:$0x1] =	wrdreg $0xFFFFFFFF  }
0xc0: {  	_ =	task.clear_ibuf [dreg:s6], $0x2FFFF;
	_ =	strace $0x9FFFFFFF  }
0xc1: {  	(tm) =	ssettm $0x7FFFFFFF  }
tec
execute0_lowered:
.L_overlay_start_1:
0x0: {  	(tag) =	ssettag $0x1  }
0x1: {  	s4 =	rddreg [dreg:$0x0]  }
0x2: {  	s0 =	rddreg [dreg:$0x1];
	s2 =	simm.s32 $0x0;
	s1 =	stileid.u32  }
0x3: {  	s3 =	srdreg.scid;
	s10 =	simm.s32 $0x0;
	s6 =	smul.u32 $0x2800, s1  }
0x4: {  	[smem:$0x7FF] =	sst s2;
	s5 =	sand.u32 $0x1, s3;
	s8 =	smul.u32 $0x28000, s1  }
0x5: {  	s3 =	sadd.s32 $0x10200, s4;
	s7 =	smul.u32 $0x1400, s5;
	s9 =	ssub.s32 $0x2, s5  }
0x6: {  	_ =	strace $0x80000047;
	s5 =	smul.u32 $0x14000, s5;
	s31 =	sshrl.u32 s9, $0x1  }
0x7: {  	s8 =	sadd.s32 s8, s4;
	s6 =	sadd.s32 s7, s6;
	s7 =	ssub.s32 s9, s31  }
0x8: {  	s5 =	sadd.s32 s5, s8;
	s8 =	simm.s32 $0x80;
	s6 =	sshrl.u32 s6, $0x3  }
0x9: {  	s9 =	simm.s32 $0x1;
	s5 =	sadd.s32 $0x30200, s5;
	s6 =	sadd.s32 s6, s4  }
0xa: {  	s4 =	smax.u32 s7, $0x1;
	s7 =	simm.s32 $0x2;
	s6 =	sadd.s32 $0xB200, s6  }
.LBB2_1:
0xb: {  	s11 =	sadd.s32 $0x0, s6  }
0xc: {  	[tilespmem:s2], [sflag:$0x2] =	stream.linear.gather [hbm4b:s11+s2], $0x80, $0x38;
	[tilespmem:$0x4080] =	vst v63  }
0xd: {  	_ =	swait.ge [sflag:s7], $0x80  }
0xe: {  	[sflag:s7] =	ssyncset.done $0x0  }
0xf: {  	[sflag:s7] =	ssyncadd.s32 $0xFFFFFF80  }
0x10: {  	[tilespmem:s8], [sflag:$0x1] =	stream.indirect.gather [hbm4b:s3+s8], $0x80, s2, s8, $0xb8;
	[tilespmem:$0x4080] =	vst v63  }
0x11: {  	_ =	swait.ge [sflag:s9], $0x4000  }
0x12: {  	[sflag:s9] =	ssyncset.done $0x0  }
0x13: {  	[sflag:s9] =	ssyncadd.s32 $0xFFFFC000  }
0x14: {  	[hbm4b:s5+s2] =	stream.linear.scatter [tilespmem:s8], [sflag:$0x2], $0x4000, $0x38;
	[tilespmem:$0x4080] =	vst v63  }
0x15: {  	s12 =	simm.s32 $0x10;
	_ =	swait.ge [sflag:s7], $0x4000  }
0x16: {  	s13 =	simm.s32 $0x20;
	s11 =	sadd.s32 $0x800, s5;
	[sflag:s7] =	ssyncset.done $0x0  }
.LBB2_2:
0x17: {  	s14 =	sadd.s32 s12, s6  }
0x18: {  	[sflag:s7] =	ssyncadd.s32 $0xFFFFC000;
	s12 =	smov.u32 s13;
	s15 =	sadd.s32 $0x10, s13  }
0x19: {  	[tilespmem:s2], [sflag:$0x2] =	stream.linear.gather [hbm4b:s14+s2], $0x80, $0x38;
	[tilespmem:$0x4080] =	vst v63  }
0x1a: {  	p0 =	sne.s32 s13, $0x270;
	_ =	swait.ge [sflag:s7], $0x80  }
0x1b: {  	[sflag:s7] =	ssyncset.done $0x0  }
0x1c: {  	[sflag:s7] =	ssyncadd.s32 $0xFFFFFF80  }
0x1d: {  	[tilespmem:s8], [sflag:$0x1] =	stream.indirect.gather [hbm4b:s3+s8], $0x80, s2, s8, $0xb8;
	[tilespmem:$0x4080] =	vst v63  }
0x1e: {  	_ =	swait.ge [sflag:s9], $0x4000  }
.Ltmp0:
0x1f: {  	[sflag:s9] =	ssyncset.done $0x0;
	(pc) =	sbr.rel @p0 .LBB2_2-.Ltmp0, $4  }
0x20: {  	[sflag:s9] =	ssyncadd.s32 $0xFFFFC000  }
0x21: {  	[hbm4b:s11+s2] =	stream.linear.scatter [tilespmem:s8], [sflag:$0x2], $0x4000, $0x38;
	[tilespmem:$0x4080] =	vst v63  }
0x22: {  	_ =	swait.ge [sflag:s7], $0x4000  }
0x23: {  	s13 =	smov.u32 s15;
	s11 =	sadd.s32 $0x800, s11;
	[sflag:s7] =	ssyncset.done $0x0  }
0x24: {  	s12 =	sadd.s32 s12, s6;
	[sflag:s7] =	ssyncadd.s32 $0xFFFFC000  }
0x25: {  	[tilespmem:s2], [sflag:$0x2] =	stream.linear.gather [hbm4b:s12+s2], $0x80, $0x38;
	[tilespmem:$0x4080] =	vst v63  }
0x26: {  	_ =	swait.ge [sflag:s7], $0x80  }
0x27: {  	[sflag:s7] =	ssyncset.done $0x0  }
0x28: {  	[sflag:s7] =	ssyncadd.s32 $0xFFFFFF80  }
0x29: {  	[tilespmem:s8], [sflag:$0x1] =	stream.indirect.gather [hbm4b:s3+s8], $0x80, s2, s8, $0xb8;
	[tilespmem:$0x4080] =	vst v63  }
0x2a: {  	s10 =	sadd.s32 $0x1, s10;
	_ =	swait.ge [sflag:s9], $0x4000  }
0x2b: {  	p0 =	sne.s32 s10, s4;
	[sflag:s9] =	ssyncset.done $0x0  }
.Ltmp1:
0x2c: {  	[sflag:s9] =	ssyncadd.s32 $0xFFFFC000;
	(pc) =	sbr.rel @p0 .LBB2_1-.Ltmp1, $4  }
0x2d: {  	[hbm4b:s11+s2] =	stream.linear.scatter [tilespmem:s8], [sflag:$0x2], $0x4000, $0x38;
	[tilespmem:$0x4080] =	vst v63  }
0x2e: {  	_ =	swait.ge [sflag:s7], $0x4000  }
0x2f: {  	[sflag:s7] =	ssyncset.done $0x0  }
0x30: {  	[sflag:s7] =	ssyncadd.s32 $0xFFFFC000  }
0x31: {  	_ =	sfence.sel $0x180000  }
0x32: {  	[bflag:$0x0] =	sbarrier.arrive $0xFFFF  }
0x33: {  	p0 =	sne.s32 s1, $0x0;
	_ =	strace $0x90000047  }
0x34: {  	s0 =	sadd.s32 @!p0 $0x100000, s0;
	[bflag:$0x2] =	sbarrier.arrive $0xFFFF  }
0x35: {  	[sflag:s0] =	ssyncadd.tile.s32 @!p0 $0x1;
	_ =	shalt  }
.Lfunc_end2:
_tile_overlayer_lowered:
.L_overlay_start_2:
0x36: {  	(tag) =	ssettag $0x2  }
0x37: {  	s0 =	rddreg [dreg:$0x0];
	s2 =	stileid.u32  }
0x38: {  	s1 =	rddreg [dreg:$0x1];
	p0 =	sne.s32 s2, $0x0  }
0x39: {  	s3 =	rddreg [dreg:$0x2];
	[bflag:$0x3] =	sbarrier.arrive $0xFFFF;
	s2 =	simm.s32 @!p0 $0x1C02  }
0x3a: {  	[timem:s3], [sflag:s2] =	dma.local @!p0 [hbm:s0], s1  }
0x3b: {  	s0 =	simm.s32 @!p0 $0x2  }
0x3c: {  	_ =	swait.ge @!p0 [sflag:s0], s1  }
0x3d: {  	s1 =	ssub.s32 @!p0 $0x0, s1;
	[sflag:s0] =	ssyncset.done @!p0 $0x0  }
0x3e: {  	[sflag:s0] =	ssyncadd.s32 @!p0 s1  }
0x3f: {  	[bflag:$0x3] =	sbarrier.arrive $0xFFFF  }
0x40: {  	_ =	shalt  }

// kernel: kernel.27.cloned.1.call-start
scs
__scs_entry_jumppad:
0x0: {  	(pc) =	sbr.rel $0x88, $3  }
0x1: {  	(tag) =	ssettag $0x0;
	lr =	simm.s32 $0x1  }
0x2: {  	[smem:$0x3F71] =	sst lr;
	_ =	strace $0xD0000000  }
0x3: {  	_ = 	snop  }
0x4: {  	_ = 	snop  }
0x5: {  	_ = 	snop  }
0x6: {  	_ = 	snop  }
0x7: {  	_ = 	snop  }
__scs_overlays_trampoline_lowered:
0x8: {  	[smem:$0x3F80] =	sst s0  }
0x9: {  	[smem:$0x3F81] =	sst s1  }
0xa: {  	[smem:$0x3F82] =	sst s2  }
0xb: {  	[smem:$0x3F83] =	sst s3  }
0xc: {  	[smem:$0x3F84] =	sst s4  }
0xd: {  	[smem:$0x3F85] =	sst s5  }
0xe: {  	[smem:$0x3F86] =	sst s6  }
0xf: {  	[smem:$0x3F87] =	sst s7  }
0x10: {  	[smem:$0x3F88] =	sst s8  }
0x11: {  	[smem:$0x3F89] =	sst s9;
	s0 =	simm.s32 @!p0 $0x0  }
0x12: {  	s1 =	sld [smem:$0x3F6F];
	s0 =	simm.s32 @p0 $0x1  }
0x13: {  	[smem:$0x3F8A] =	sst s0;
	s0 =	simm.s32 @!p1 $0x0  }
0x14: {  	s2 =	sld [smem:$0x3F6E];
	s0 =	simm.s32 @p1 $0x1  }
0x15: {  	[smem:$0x3F8B] =	sst s0;
	s0 =	simm.s32 @!p2 $0x0  }
0x16: {  	s3 =	sld [smem:$0x3FDB];
	s0 =	simm.s32 @p2 $0x1  }
0x17: {  	s4 =	simm.s32 $0x1BF5;
	[smem:$0x3F8D] =	sst s0  }
0x18: {  	s0 =	sld [smem:$0x3F70];
	_ =	swait.ge [sflag:s4], $0x0  }
0x19: {  	s7 =	sld [smem:$0x3F71]  }
0x1a: {  	s8 =	sadd.s32 $0xFFFFE003, lr  }
0x1b: {  	s9 =	sadd.s32 $0xFFFFFEF7, lr;
	s5 =	simm.s32 $0xFFFFFFFF;
	p2 =	slt.u32 s8, $0xFFFFF086  }
0x1c: {  	p1 =	slt.u32 s9, $0xF7A;
	s5 =	simm.s32 @!p2 $0x0  }
0x1d: {  	s5 =	simm.s32 @p1 $0x1;
	p0 =	seq.s32 s7, s2  }
0x1e: {  	s7 =	smul.u32 @!p0 $0xF7A, s2;
	p2 =	seq.s32 @!p0 s5, $0x0  }
0x1f: {  	s9 =	smul.u32 $0xF7A, s1;
	s8 =	simm.s32 @!p0 $0x1BF5;
	p2 =	por !p2, p0  }
0x20: {  	[sflag:s8] =	ssyncset.s32 @!p0 $0xFFFFF086;
	s6 =	sadd.s32 @!p0 s3, s7;
	s7 =	simm.s32 @!p0 $0x108  }
0x21: {  	s3 =	sadd.s32 s3, s9;
	s6 =	sadd.s32 @!p0 $0x88, s6;
	s7 =	simm.s32 @p2 $0x1082  }
0x22: {  	[simem:s7], [sflag:s8] =	dma.local @!p0 [hbm:s6], $0xF7A  }
0x23: {  	s9 =	sor.u32 $0xD0000000, s2;
	s6 =	simm.s32 $0x108;
	_ =	swait.ge @!p0 [sflag:s8], $0x0  }
0x24: {  	s3 =	sadd.s32 $0x88, s3;
	s6 =	simm.s32 @!p1 $0x1082;
	[sflag:s4] =	ssyncset.s32 $0xFFFFF086  }
0x25: {  	[simem:s6], [sflag:s4] =	dma.local [hbm:s3], $0xF7A  }
0x26: {  	[smem:$0x3F71] =	sst s1;
	(tag) =	ssettag s2;
	_ =	strace s9  }
0x27: {  	s1 =	sld [smem:$0x3F81]  }
0x28: {  	s2 =	sld [smem:$0x3F82]  }
0x29: {  	s4 =	sld [smem:$0x3F84]  }
0x2a: {  	p0 =	seq.s32 s5, $0x0;
	s5 =	sld [smem:$0x3F85]  }
0x2b: {  	s6 =	sld [smem:$0x3F86]  }
0x2c: {  	s7 =	sld [smem:$0x3F87]  }
0x2d: {  	s3 =	simm.s32 $0x108;
	s8 =	sld [smem:$0x3F88]  }
0x2e: {  	s3 =	simm.s32 @!p0 $0x1082;
	s9 =	sld [smem:$0x3F89]  }
0x2f: {  	lr =	sadd.s32 s0, s3;
	s0 =	sld [smem:$0x3F80]  }
0x30: {  	s3 =	sld [smem:$0x3F83]  }
0x31: {  	[smem:$0x3F8C] =	sst s10  }
0x32: {  	s10 =	sld [smem:$0x3F8A];
	_ =	sdelay $0x3  }
0x33: {  	p0 =	seq.s32 s10, $0x1;
	s10 =	sld [smem:$0x3F8C];
	_ =	sdelay $0x3  }
0x34: {  	[smem:$0x3F8C] =	sst s10  }
0x35: {  	s10 =	sld [smem:$0x3F8B];
	_ =	sdelay $0x3  }
0x36: {  	p1 =	seq.s32 s10, $0x1;
	s10 =	sld [smem:$0x3F8C];
	_ =	sdelay $0x3  }
0x37: {  	[smem:$0x3F8C] =	sst s10  }
0x38: {  	s10 =	sld [smem:$0x3F8D]  }
0x39: {  	_ = 	snop;
	(pc) =	sbr.ind lr, $3  }
0x3a: {  	_ = 	snop  }
0x3b: {  	_ = 	snop  }
0x3c: {  	p2 =	seq.s32 s10, $0x1;
	s10 =	sld [smem:$0x3F8C]  }
0x3d: {  	_ =	shalt  }
0x3e: {  	_ =	shalt  }
0x3f: {  	_ =	shalt  }
0x40: {  	_ =	shalt  }
0x41: {  	_ =	shalt  }
0x42: {  	_ =	shalt  }
0x43: {  	_ =	shalt  }
0x44: {  	_ =	shalt  }
0x45: {  	_ =	shalt  }
0x46: {  	_ =	shalt  }
0x47: {  	_ =	shalt  }
0x48: {  	_ =	shalt  }
0x49: {  	_ =	shalt  }
0x4a: {  	_ =	shalt  }
0x4b: {  	_ =	shalt  }
0x4c: {  	_ =	shalt  }
0x4d: {  	_ =	shalt  }
0x4e: {  	_ =	shalt  }
0x4f: {  	_ =	shalt  }
0x50: {  	_ =	shalt  }
0x51: {  	_ =	shalt  }
0x52: {  	_ =	shalt  }
0x53: {  	_ =	shalt  }
0x54: {  	_ =	shalt  }
0x55: {  	_ =	shalt  }
0x56: {  	_ =	shalt  }
0x57: {  	_ =	shalt  }
0x58: {  	_ =	shalt  }
0x59: {  	_ =	shalt  }
0x5a: {  	_ =	shalt  }
0x5b: {  	_ =	shalt  }
0x5c: {  	_ =	shalt  }
0x5d: {  	_ =	shalt  }
0x5e: {  	_ =	shalt  }
0x5f: {  	_ =	shalt  }
0x60: {  	_ =	shalt  }
0x61: {  	_ =	shalt  }
0x62: {  	_ =	shalt  }
0x63: {  	_ =	shalt  }
0x64: {  	_ =	shalt  }
0x65: {  	_ =	shalt  }
0x66: {  	_ =	shalt  }
0x67: {  	_ =	shalt  }
0x68: {  	_ =	shalt  }
0x69: {  	_ =	shalt  }
0x6a: {  	_ =	shalt  }
0x6b: {  	_ =	shalt  }
0x6c: {  	_ =	shalt  }
0x6d: {  	_ =	shalt  }
0x6e: {  	_ =	shalt  }
0x6f: {  	_ =	shalt  }
0x70: {  	_ =	shalt  }
0x71: {  	_ =	shalt  }
0x72: {  	_ =	shalt  }
0x73: {  	_ =	shalt  }
0x74: {  	_ =	shalt  }
0x75: {  	_ =	shalt  }
0x76: {  	_ =	shalt  }
0x77: {  	_ =	shalt  }
0x78: {  	_ =	shalt  }
0x79: {  	_ =	shalt  }
0x7a: {  	_ =	shalt  }
0x7b: {  	_ =	shalt  }
0x7c: {  	_ =	shalt  }
0x7d: {  	_ =	shalt  }
0x7e: {  	_ =	shalt  }
0x7f: {  	_ =	shalt  }
0x80: {  	_ =	shalt  }
0x81: {  	_ =	shalt  }
0x82: {  	_ =	shalt  }
0x83: {  	_ =	shalt  }
0x84: {  	_ =	shalt  }
0x85: {  	_ =	shalt  }
0x86: {  	_ =	shalt  }
0x87: {  	_ =	shalt  }
.Lfunc_end0:
.L_simem_size_0:
called_computation.1_lowered:
.L_overlay_start_0:
0x88: {  	s2 =	sld [smem:$0x3FD9]  }
0x89: {  	s3 =	sld [smem:$0x3FFE];
	_ =	sdelay $0x1  }
0x8a: {  	s1 =	srdreg.scid  }
0x8b: {  	s0 =	sand.u32 $0x1, s1  }
0x8c: {  	s16 =	sshll.u32 s0, $0xA;
	s2 =	sadd.s32 s3, s2  }
0x8d: {  	s2 =	sadd.s32 s2, s16  }
0x8e: {  	[smem:$0x3F98] =	sst s2  }
0x8f: {  	_ = 	snop  }
0x90: {  	(tm) =	ssettm $0x1  }
0x91: {  	s17 =	sld [smem:$0x3FFB];
	_ =	sdelay $0x3  }
0x92: {  	_ =	strace s17  }
0x93: {  	s2 =	sld [smem:$0x3FFC];
	_ =	sdelay $0x3  }
0x94: {  	_ =	strace s2  }
0x95: {  	s2 =	sld [smem:$0x3FFD];
	_ =	sdelay $0x3  }
0x96: {  	_ =	strace s2  }
0x97: {  	_ =	strace $0x8FFFFFFF  }
0x98: {  	s18 =	sld [smem:$0x3FDB];
	_ =	sdelay $0x1  }
0x99: {  	s19 =	simm.s32 $_scs_section_size  }
0x9a: {  	s4 =	simm.s32 $_size__tile_overlayer_lowered;
	s5 =	simm.s32 $_tile_overlayer_lowered  }
0x9b: {  	s22 =	simm.s32 $0x1BFF;
	s21 =	sshll.u32 s5, $0x1;
	s2 =	sadd.s32 s19, s18  }
0x9c: {  	s6 =	simm.s32 $0x0;
	s20 =	sshll.u32 s4, $0x1;
	s4 =	sadd.s32 s21, s2  }
0x9d: {  	[timem:s6], [sflag:s22] =	dma.local [hbm:s4], s20  }
0x9e: {  	_ =	swait.ge [sflag:s22], s20  }
0x9f: {  	s3 =	ssub.s32 $0x0, s20;
	[sflag:s22] =	ssyncset.done $0x0  }
0xa0: {  	[sflag:s22] =	ssyncadd.s32 s3;
	_ =	sdelay $0x1  }
0xa1: {  	s23 =	simm.s32 $0x1B8B  }
0xa2: {  	_ =	swait.ge [sflag:s23], $0x1  }
0xa3: {  	[sflag:s23] =	ssyncset.done $0x0  }
0xa4: {  	s25 =	simm.s32 $0x1B8E;
	s24 =	sld [smem:$0x3FFE];
	[sflag:s23] =	ssyncadd.s32 $0xFFFFFFFF  }
0xa5: {  	s26 =	simm.s32 $execute0_lowered;
	[smem:$0x3FD2] =	sst s25  }
0xa6: {  	s4 =	sshll.u32 s26, $0x1;
	_ =	strace $0x80000049;
	[dreg:$0x1] =	wrdreg $0xFFFFFFFF  }
0xa7: {  	s28 =	simm.s32 $_size_execute0_lowered;
	s2 =	sadd.s32 s2, s4;
	[dreg:$0x0] =	wrdreg $0x0  }
0xa8: {  	s4 =	sshll.u32 s28, $0x1;
	[dreg:$0x2] =	wrdreg s2  }
0xa9: {  	[dreg:$0x3] =	wrdreg s4  }
0xaa: {  	[dreg:$0x4] =	wrdreg $0xC0  }
0xab: {  	_ =	task [dreg:s6], $0x5FFFF  }
0xac: {  	[dreg:$0x1] =	wrdreg $0xFFFFFFFF  }
0xad: {  	[dreg:$0x0] =	wrdreg $0x60  }
0xae: {  	[dreg:$0x2] =	wrdreg s24  }
0xaf: {  	[dreg:$0x3] =	wrdreg $0x9  }
0xb0: {  	_ =	task.clear_ibuf [dreg:s6], $0x4FFFF;
	_ =	strace $0x90000049  }
0xb1: {  	s29 =	simm.s32 $0x9;
	_ =	strace $0x8000004B  }
0xb2: {  	_ =	swait.ge [sflag:s29], $0x1  }
0xb3: {  	[sflag:s29] =	ssyncadd.s32 $0xFFFFFFFF  }
0xb4: {  	_ =	strace $0x9000004B  }
0xb5: {  	_ =	sfence  }
0xb6: {  	s30 =	sld [smem:$0x0];
	_ =	sdelay $0x2  }
0xb7: {  	s31 =	sshll.u32 s1, $0xD;
	s1 =	sshrl.u32 s1, $0x2  }
0xb8: {  	s3 =	sand.u32 $0x4000, s31;
	s1 =	sadd.s32 s1, s30  }
0xb9: {  	s0 =	sor.u32 s3, s0;
	s1 =	sshll.u32 s1, $0x11  }
0xba: {  	s0 =	sor.u32 s1, s0  }
0xbb: {  	s0 =	sadd.s32 $0x8F2B, s0  }
0xbc: {  	[sflag:s0] =	ssyncadd.remote.s32 $0x1  }
0xbd: {  	_ =	sfence.sel $0xFFFF  }
0xbe: {  	[dreg:$0x0] =	wrdreg $0xFFFFFFFF;
	(pc) =	sbr.abs _section_cstart, $3  }
0xbf: {  	[dreg:$0x1] =	wrdreg $0xFFFFFFFF  }
0xc0: {  	_ =	task.clear_ibuf [dreg:s6], $0x2FFFF;
	_ =	strace $0x9FFFFFFF  }
0xc1: {  	(tm) =	ssettm $0x7FFFFFFF  }
tec
execute0_lowered:
.L_overlay_start_1:
0x0: {  	(tag) =	ssettag $0x1  }
0x1: {  	s4 =	rddreg [dreg:$0x0]  }
0x2: {  	s0 =	rddreg [dreg:$0x1];
	s2 =	simm.s32 $0x0;
	s1 =	stileid.u32  }
0x3: {  	s3 =	srdreg.scid;
	s10 =	simm.s32 $0x0;
	s6 =	smul.u32 $0x2800, s1  }
0x4: {  	[smem:$0x7FF] =	sst s2;
	s5 =	sand.u32 $0x1, s3;
	s8 =	smul.u32 $0x28000, s1  }
0x5: {  	s3 =	sadd.s32 $0x10200, s4;
	s7 =	smul.u32 $0x1400, s5;
	s9 =	ssub.s32 $0x2, s5  }
0x6: {  	_ =	strace $0x8000004A;
	s5 =	smul.u32 $0x14000, s5;
	s31 =	sshrl.u32 s9, $0x1  }
0x7: {  	s8 =	sadd.s32 s8, s4;
	s6 =	sadd.s32 s7, s6;
	s7 =	ssub.s32 s9, s31  }
0x8: {  	s5 =	sadd.s32 s5, s8;
	s8 =	simm.s32 $0x80;
	s6 =	sshrl.u32 s6, $0x3  }
0x9: {  	s9 =	simm.s32 $0x1;
	s5 =	sadd.s32 $0x50200, s5;
	s6 =	sadd.s32 s6, s4  }
0xa: {  	s4 =	smax.u32 s7, $0x1;
	s7 =	simm.s32 $0x2;
	s6 =	sadd.s32 $0xB200, s6  }
.LBB2_1:
0xb: {  	s11 =	sadd.s32 $0x0, s6  }
0xc: {  	[tilespmem:s2], [sflag:$0x2] =	stream.linear.gather [hbm4b:s11+s2], $0x80, $0x38;
	[tilespmem:$0x4080] =	vst v63  }
0xd: {  	_ =	swait.ge [sflag:s7], $0x80  }
0xe: {  	[sflag:s7] =	ssyncset.done $0x0  }
0xf: {  	[sflag:s7] =	ssyncadd.s32 $0xFFFFFF80  }
0x10: {  	[tilespmem:s8], [sflag:$0x1] =	stream.indirect.gather [hbm4b:s3+s8], $0x80, s2, s8, $0xb8;
	[tilespmem:$0x4080] =	vst v63  }
0x11: {  	_ =	swait.ge [sflag:s9], $0x4000  }
0x12: {  	[sflag:s9] =	ssyncset.done $0x0  }
0x13: {  	[sflag:s9] =	ssyncadd.s32 $0xFFFFC000  }
0x14: {  	[hbm4b:s5+s2] =	stream.linear.scatter [tilespmem:s8], [sflag:$0x2], $0x4000, $0x38;
	[tilespmem:$0x4080] =	vst v63  }
0x15: {  	s12 =	simm.s32 $0x10;
	_ =	swait.ge [sflag:s7], $0x4000  }
0x16: {  	s13 =	simm.s32 $0x20;
	s11 =	sadd.s32 $0x800, s5;
	[sflag:s7] =	ssyncset.done $0x0  }
.LBB2_2:
0x17: {  	s14 =	sadd.s32 s12, s6  }
0x18: {  	[sflag:s7] =	ssyncadd.s32 $0xFFFFC000;
	s12 =	smov.u32 s13;
	s15 =	sadd.s32 $0x10, s13  }
0x19: {  	[tilespmem:s2], [sflag:$0x2] =	stream.linear.gather [hbm4b:s14+s2], $0x80, $0x38;
	[tilespmem:$0x4080] =	vst v63  }
0x1a: {  	p0 =	sne.s32 s13, $0x270;
	_ =	swait.ge [sflag:s7], $0x80  }
0x1b: {  	[sflag:s7] =	ssyncset.done $0x0  }
0x1c: {  	[sflag:s7] =	ssyncadd.s32 $0xFFFFFF80  }
0x1d: {  	[tilespmem:s8], [sflag:$0x1] =	stream.indirect.gather [hbm4b:s3+s8], $0x80, s2, s8, $0xb8;
	[tilespmem:$0x4080] =	vst v63  }
0x1e: {  	_ =	swait.ge [sflag:s9], $0x4000  }
.Ltmp0:
0x1f: {  	[sflag:s9] =	ssyncset.done $0x0;
	(pc) =	sbr.rel @p0 .LBB2_2-.Ltmp0, $4  }
0x20: {  	[sflag:s9] =	ssyncadd.s32 $0xFFFFC000  }
0x21: {  	[hbm4b:s11+s2] =	stream.linear.scatter [tilespmem:s8], [sflag:$0x2], $0x4000, $0x38;
	[tilespmem:$0x4080] =	vst v63  }
0x22: {  	_ =	swait.ge [sflag:s7], $0x4000  }
0x23: {  	s13 =	smov.u32 s15;
	s11 =	sadd.s32 $0x800, s11;
	[sflag:s7] =	ssyncset.done $0x0  }
0x24: {  	s12 =	sadd.s32 s12, s6;
	[sflag:s7] =	ssyncadd.s32 $0xFFFFC000  }
0x25: {  	[tilespmem:s2], [sflag:$0x2] =	stream.linear.gather [hbm4b:s12+s2], $0x80, $0x38;
	[tilespmem:$0x4080] =	vst v63  }
0x26: {  	_ =	swait.ge [sflag:s7], $0x80  }
0x27: {  	[sflag:s7] =	ssyncset.done $0x0  }
0x28: {  	[sflag:s7] =	ssyncadd.s32 $0xFFFFFF80  }
0x29: {  	[tilespmem:s8], [sflag:$0x1] =	stream.indirect.gather [hbm4b:s3+s8], $0x80, s2, s8, $0xb8;
	[tilespmem:$0x4080] =	vst v63  }
0x2a: {  	s10 =	sadd.s32 $0x1, s10;
	_ =	swait.ge [sflag:s9], $0x4000  }
0x2b: {  	p0 =	sne.s32 s10, s4;
	[sflag:s9] =	ssyncset.done $0x0  }
.Ltmp1:
0x2c: {  	[sflag:s9] =	ssyncadd.s32 $0xFFFFC000;
	(pc) =	sbr.rel @p0 .LBB2_1-.Ltmp1, $4  }
0x2d: {  	[hbm4b:s11+s2] =	stream.linear.scatter [tilespmem:s8], [sflag:$0x2], $0x4000, $0x38;
	[tilespmem:$0x4080] =	vst v63  }
0x2e: {  	_ =	swait.ge [sflag:s7], $0x4000  }
0x2f: {  	[sflag:s7] =	ssyncset.done $0x0  }
0x30: {  	[sflag:s7] =	ssyncadd.s32 $0xFFFFC000  }
0x31: {  	_ =	sfence.sel $0x180000  }
0x32: {  	[bflag:$0x0] =	sbarrier.arrive $0xFFFF  }
0x33: {  	p0 =	sne.s32 s1, $0x0;
	_ =	strace $0x9000004A  }
0x34: {  	s0 =	sadd.s32 @!p0 $0x100000, s0;
	[bflag:$0x2] =	sbarrier.arrive $0xFFFF  }
0x35: {  	[sflag:s0] =	ssyncadd.tile.s32 @!p0 $0x1;
	_ =	shalt  }
.Lfunc_end2:
_tile_overlayer_lowered:
.L_overlay_start_2:
0x36: {  	(tag) =	ssettag $0x2  }
0x37: {  	s0 =	rddreg [dreg:$0x0];
	s2 =	stileid.u32  }
0x38: {  	s1 =	rddreg [dreg:$0x1];
	p0 =	sne.s32 s2, $0x0  }
0x39: {  	s3 =	rddreg [dreg:$0x2];
	[bflag:$0x3] =	sbarrier.arrive $0xFFFF;
	s2 =	simm.s32 @!p0 $0x1C02  }
0x3a: {  	[timem:s3], [sflag:s2] =	dma.local @!p0 [hbm:s0], s1  }
0x3b: {  	s0 =	simm.s32 @!p0 $0x2  }
0x3c: {  	_ =	swait.ge @!p0 [sflag:s0], s1  }
0x3d: {  	s1 =	ssub.s32 @!p0 $0x0, s1;
	[sflag:s0] =	ssyncset.done @!p0 $0x0  }
0x3e: {  	[sflag:s0] =	ssyncadd.s32 @!p0 s1  }
0x3f: {  	[bflag:$0x3] =	sbarrier.arrive $0xFFFF  }
0x40: {  	_ =	shalt  }

// kernel: kernel.30.cloned.1.call-start
scs
__scs_entry_jumppad:
0x0: {  	(pc) =	sbr.rel $0x88, $3  }
0x1: {  	(tag) =	ssettag $0x0;
	lr =	simm.s32 $0x1  }
0x2: {  	[smem:$0x3F71] =	sst lr;
	_ =	strace $0xD0000000  }
0x3: {  	_ = 	snop  }
0x4: {  	_ = 	snop  }
0x5: {  	_ = 	snop  }
0x6: {  	_ = 	snop  }
0x7: {  	_ = 	snop  }
__scs_overlays_trampoline_lowered:
0x8: {  	[smem:$0x3F80] =	sst s0  }
0x9: {  	[smem:$0x3F81] =	sst s1  }
0xa: {  	[smem:$0x3F82] =	sst s2  }
0xb: {  	[smem:$0x3F83] =	sst s3  }
0xc: {  	[smem:$0x3F84] =	sst s4  }
0xd: {  	[smem:$0x3F85] =	sst s5  }
0xe: {  	[smem:$0x3F86] =	sst s6  }
0xf: {  	[smem:$0x3F87] =	sst s7  }
0x10: {  	[smem:$0x3F88] =	sst s8  }
0x11: {  	[smem:$0x3F89] =	sst s9;
	s0 =	simm.s32 @!p0 $0x0  }
0x12: {  	s1 =	sld [smem:$0x3F6F];
	s0 =	simm.s32 @p0 $0x1  }
0x13: {  	[smem:$0x3F8A] =	sst s0;
	s0 =	simm.s32 @!p1 $0x0  }
0x14: {  	s2 =	sld [smem:$0x3F6E];
	s0 =	simm.s32 @p1 $0x1  }
0x15: {  	[smem:$0x3F8B] =	sst s0;
	s0 =	simm.s32 @!p2 $0x0  }
0x16: {  	s3 =	sld [smem:$0x3FDB];
	s0 =	simm.s32 @p2 $0x1  }
0x17: {  	s4 =	simm.s32 $0x1BF5;
	[smem:$0x3F8D] =	sst s0  }
0x18: {  	s0 =	sld [smem:$0x3F70];
	_ =	swait.ge [sflag:s4], $0x0  }
0x19: {  	s7 =	sld [smem:$0x3F71]  }
0x1a: {  	s8 =	sadd.s32 $0xFFFFE003, lr  }
0x1b: {  	s9 =	sadd.s32 $0xFFFFFEF7, lr;
	s5 =	simm.s32 $0xFFFFFFFF;
	p2 =	slt.u32 s8, $0xFFFFF086  }
0x1c: {  	p1 =	slt.u32 s9, $0xF7A;
	s5 =	simm.s32 @!p2 $0x0  }
0x1d: {  	s5 =	simm.s32 @p1 $0x1;
	p0 =	seq.s32 s7, s2  }
0x1e: {  	s7 =	smul.u32 @!p0 $0xF7A, s2;
	p2 =	seq.s32 @!p0 s5, $0x0  }
0x1f: {  	s9 =	smul.u32 $0xF7A, s1;
	s8 =	simm.s32 @!p0 $0x1BF5;
	p2 =	por !p2, p0  }
0x20: {  	[sflag:s8] =	ssyncset.s32 @!p0 $0xFFFFF086;
	s6 =	sadd.s32 @!p0 s3, s7;
	s7 =	simm.s32 @!p0 $0x108  }
0x21: {  	s3 =	sadd.s32 s3, s9;
	s6 =	sadd.s32 @!p0 $0x88, s6;
	s7 =	simm.s32 @p2 $0x1082  }
0x22: {  	[simem:s7], [sflag:s8] =	dma.local @!p0 [hbm:s6], $0xF7A  }
0x23: {  	s9 =	sor.u32 $0xD0000000, s2;
	s6 =	simm.s32 $0x108;
	_ =	swait.ge @!p0 [sflag:s8], $0x0  }
0x24: {  	s3 =	sadd.s32 $0x88, s3;
	s6 =	simm.s32 @!p1 $0x1082;
	[sflag:s4] =	ssyncset.s32 $0xFFFFF086  }
0x25: {  	[simem:s6], [sflag:s4] =	dma.local [hbm:s3], $0xF7A  }
0x26: {  	[smem:$0x3F71] =	sst s1;
	(tag) =	ssettag s2;
	_ =	strace s9  }
0x27: {  	s1 =	sld [smem:$0x3F81]  }
0x28: {  	s2 =	sld [smem:$0x3F82]  }
0x29: {  	s4 =	sld [smem:$0x3F84]  }
0x2a: {  	p0 =	seq.s32 s5, $0x0;
	s5 =	sld [smem:$0x3F85]  }
0x2b: {  	s6 =	sld [smem:$0x3F86]  }
0x2c: {  	s7 =	sld [smem:$0x3F87]  }
0x2d: {  	s3 =	simm.s32 $0x108;
	s8 =	sld [smem:$0x3F88]  }
0x2e: {  	s3 =	simm.s32 @!p0 $0x1082;
	s9 =	sld [smem:$0x3F89]  }
0x2f: {  	lr =	sadd.s32 s0, s3;
	s0 =	sld [smem:$0x3F80]  }
0x30: {  	s3 =	sld [smem:$0x3F83]  }
0x31: {  	[smem:$0x3F8C] =	sst s10  }
0x32: {  	s10 =	sld [smem:$0x3F8A];
	_ =	sdelay $0x3  }
0x33: {  	p0 =	seq.s32 s10, $0x1;
	s10 =	sld [smem:$0x3F8C];
	_ =	sdelay $0x3  }
0x34: {  	[smem:$0x3F8C] =	sst s10  }
0x35: {  	s10 =	sld [smem:$0x3F8B];
	_ =	sdelay $0x3  }
0x36: {  	p1 =	seq.s32 s10, $0x1;
	s10 =	sld [smem:$0x3F8C];
	_ =	sdelay $0x3  }
0x37: {  	[smem:$0x3F8C] =	sst s10  }
0x38: {  	s10 =	sld [smem:$0x3F8D]  }
0x39: {  	_ = 	snop;
	(pc) =	sbr.ind lr, $3  }
0x3a: {  	_ = 	snop  }
0x3b: {  	_ = 	snop  }
0x3c: {  	p2 =	seq.s32 s10, $0x1;
	s10 =	sld [smem:$0x3F8C]  }
0x3d: {  	_ =	shalt  }
0x3e: {  	_ =	shalt  }
0x3f: {  	_ =	shalt  }
0x40: {  	_ =	shalt  }
0x41: {  	_ =	shalt  }
0x42: {  	_ =	shalt  }
0x43: {  	_ =	shalt  }
0x44: {  	_ =	shalt  }
0x45: {  	_ =	shalt  }
0x46: {  	_ =	shalt  }
0x47: {  	_ =	shalt  }
0x48: {  	_ =	shalt  }
0x49: {  	_ =	shalt  }
0x4a: {  	_ =	shalt  }
0x4b: {  	_ =	shalt  }
0x4c: {  	_ =	shalt  }
0x4d: {  	_ =	shalt  }
0x4e: {  	_ =	shalt  }
0x4f: {  	_ =	shalt  }
0x50: {  	_ =	shalt  }
0x51: {  	_ =	shalt  }
0x52: {  	_ =	shalt  }
0x53: {  	_ =	shalt  }
0x54: {  	_ =	shalt  }
0x55: {  	_ =	shalt  }
0x56: {  	_ =	shalt  }
0x57: {  	_ =	shalt  }
0x58: {  	_ =	shalt  }
0x59: {  	_ =	shalt  }
0x5a: {  	_ =	shalt  }
0x5b: {  	_ =	shalt  }
0x5c: {  	_ =	shalt  }
0x5d: {  	_ =	shalt  }
0x5e: {  	_ =	shalt  }
0x5f: {  	_ =	shalt  }
0x60: {  	_ =	shalt  }
0x61: {  	_ =	shalt  }
0x62: {  	_ =	shalt  }
0x63: {  	_ =	shalt  }
0x64: {  	_ =	shalt  }
0x65: {  	_ =	shalt  }
0x66: {  	_ =	shalt  }
0x67: {  	_ =	shalt  }
0x68: {  	_ =	shalt  }
0x69: {  	_ =	shalt  }
0x6a: {  	_ =	shalt  }
0x6b: {  	_ =	shalt  }
0x6c: {  	_ =	shalt  }
0x6d: {  	_ =	shalt  }
0x6e: {  	_ =	shalt  }
0x6f: {  	_ =	shalt  }
0x70: {  	_ =	shalt  }
0x71: {  	_ =	shalt  }
0x72: {  	_ =	shalt  }
0x73: {  	_ =	shalt  }
0x74: {  	_ =	shalt  }
0x75: {  	_ =	shalt  }
0x76: {  	_ =	shalt  }
0x77: {  	_ =	shalt  }
0x78: {  	_ =	shalt  }
0x79: {  	_ =	shalt  }
0x7a: {  	_ =	shalt  }
0x7b: {  	_ =	shalt  }
0x7c: {  	_ =	shalt  }
0x7d: {  	_ =	shalt  }
0x7e: {  	_ =	shalt  }
0x7f: {  	_ =	shalt  }
0x80: {  	_ =	shalt  }
0x81: {  	_ =	shalt  }
0x82: {  	_ =	shalt  }
0x83: {  	_ =	shalt  }
0x84: {  	_ =	shalt  }
0x85: {  	_ =	shalt  }
0x86: {  	_ =	shalt  }
0x87: {  	_ =	shalt  }
.Lfunc_end0:
.L_simem_size_0:
called_computation.2_lowered:
.L_overlay_start_0:
0x88: {  	s2 =	sld [smem:$0x3FD9]  }
0x89: {  	s3 =	sld [smem:$0x3FFE];
	_ =	sdelay $0x1  }
0x8a: {  	s1 =	srdreg.scid  }
0x8b: {  	s0 =	sand.u32 $0x1, s1  }
0x8c: {  	s16 =	sshll.u32 s0, $0xA;
	s2 =	sadd.s32 s3, s2  }
0x8d: {  	s2 =	sadd.s32 s2, s16  }
0x8e: {  	[smem:$0x3F98] =	sst s2  }
0x8f: {  	_ = 	snop  }
0x90: {  	(tm) =	ssettm $0x1  }
0x91: {  	s17 =	sld [smem:$0x3FFB];
	_ =	sdelay $0x3  }
0x92: {  	_ =	strace s17  }
0x93: {  	s2 =	sld [smem:$0x3FFC];
	_ =	sdelay $0x3  }
0x94: {  	_ =	strace s2  }
0x95: {  	s2 =	sld [smem:$0x3FFD];
	_ =	sdelay $0x3  }
0x96: {  	_ =	strace s2  }
0x97: {  	_ =	strace $0x8FFFFFFF  }
0x98: {  	s18 =	sld [smem:$0x3FDB];
	_ =	sdelay $0x1  }
0x99: {  	s19 =	simm.s32 $_scs_section_size  }
0x9a: {  	s4 =	simm.s32 $_size__tile_overlayer_lowered;
	s5 =	simm.s32 $_tile_overlayer_lowered  }
0x9b: {  	s22 =	simm.s32 $0x1BFF;
	s21 =	sshll.u32 s5, $0x1;
	s2 =	sadd.s32 s19, s18  }
0x9c: {  	s6 =	simm.s32 $0x0;
	s20 =	sshll.u32 s4, $0x1;
	s4 =	sadd.s32 s21, s2  }
0x9d: {  	[timem:s6], [sflag:s22] =	dma.local [hbm:s4], s20  }
0x9e: {  	_ =	swait.ge [sflag:s22], s20  }
0x9f: {  	s3 =	ssub.s32 $0x0, s20;
	[sflag:s22] =	ssyncset.done $0x0  }
0xa0: {  	[sflag:s22] =	ssyncadd.s32 s3;
	_ =	sdelay $0x1  }
0xa1: {  	s23 =	simm.s32 $0x1B8B  }
0xa2: {  	_ =	swait.ge [sflag:s23], $0x1  }
0xa3: {  	[sflag:s23] =	ssyncset.done $0x0  }
0xa4: {  	s25 =	simm.s32 $0x1B8E;
	s24 =	sld [smem:$0x3FFE];
	[sflag:s23] =	ssyncadd.s32 $0xFFFFFFFF  }
0xa5: {  	s26 =	simm.s32 $execute0_lowered;
	[smem:$0x3FD2] =	sst s25  }
0xa6: {  	s4 =	sshll.u32 s26, $0x1;
	_ =	strace $0x8000004C;
	[dreg:$0x1] =	wrdreg $0xFFFFFFFF  }
0xa7: {  	s28 =	simm.s32 $_size_execute0_lowered;
	s2 =	sadd.s32 s2, s4;
	[dreg:$0x0] =	wrdreg $0x0  }
0xa8: {  	s4 =	sshll.u32 s28, $0x1;
	[dreg:$0x2] =	wrdreg s2  }
0xa9: {  	[dreg:$0x3] =	wrdreg s4  }
0xaa: {  	[dreg:$0x4] =	wrdreg $0xC0  }
0xab: {  	_ =	task [dreg:s6], $0x5FFFF  }
0xac: {  	[dreg:$0x1] =	wrdreg $0xFFFFFFFF  }
0xad: {  	[dreg:$0x0] =	wrdreg $0x60  }
0xae: {  	[dreg:$0x2] =	wrdreg s24  }
0xaf: {  	[dreg:$0x3] =	wrdreg $0x9  }
0xb0: {  	_ =	task.clear_ibuf [dreg:s6], $0x4FFFF;
	_ =	strace $0x9000004C  }
0xb1: {  	s29 =	simm.s32 $0x9;
	_ =	strace $0x8000004E  }
0xb2: {  	_ =	swait.ge [sflag:s29], $0x1  }
0xb3: {  	[sflag:s29] =	ssyncadd.s32 $0xFFFFFFFF  }
0xb4: {  	_ =	strace $0x9000004E  }
0xb5: {  	_ =	sfence  }
0xb6: {  	s30 =	sld [smem:$0x0];
	_ =	sdelay $0x2  }
0xb7: {  	s31 =	sshll.u32 s1, $0xD;
	s1 =	sshrl.u32 s1, $0x2  }
0xb8: {  	s3 =	sand.u32 $0x4000, s31;
	s1 =	sadd.s32 s1, s30  }
0xb9: {  	s0 =	sor.u32 s3, s0;
	s1 =	sshll.u32 s1, $0x11  }
0xba: {  	s0 =	sor.u32 s1, s0  }
0xbb: {  	s0 =	sadd.s32 $0x8F2B, s0  }
0xbc: {  	[sflag:s0] =	ssyncadd.remote.s32 $0x1  }
0xbd: {  	_ =	sfence.sel $0xFFFF  }
0xbe: {  	[dreg:$0x0] =	wrdreg $0xFFFFFFFF;
	(pc) =	sbr.abs _section_cstart, $3  }
0xbf: {  	[dreg:$0x1] =	wrdreg $0xFFFFFFFF  }
0xc0: {  	_ =	task.clear_ibuf [dreg:s6], $0x2FFFF;
	_ =	strace $0x9FFFFFFF  }
0xc1: {  	(tm) =	ssettm $0x7FFFFFFF  }
tec
execute0_lowered:
.L_overlay_start_1:
0x0: {  	(tag) =	ssettag $0x1  }
0x1: {  	s4 =	rddreg [dreg:$0x0]  }
0x2: {  	s0 =	rddreg [dreg:$0x1];
	s2 =	simm.s32 $0x0;
	s1 =	stileid.u32  }
0x3: {  	s3 =	srdreg.scid;
	s10 =	simm.s32 $0x0;
	s6 =	smul.u32 $0x2800, s1  }
0x4: {  	[smem:$0x7FF] =	sst s2;
	s5 =	sand.u32 $0x1, s3;
	s8 =	smul.u32 $0x28000, s1  }
0x5: {  	s3 =	sadd.s32 $0x10200, s4;
	s7 =	smul.u32 $0x1400, s5;
	s9 =	ssub.s32 $0x2, s5  }
0x6: {  	_ =	strace $0x8000004D;
	s5 =	smul.u32 $0x14000, s5;
	s31 =	sshrl.u32 s9, $0x1  }
0x7: {  	s8 =	sadd.s32 s8, s4;
	s6 =	sadd.s32 s7, s6;
	s7 =	ssub.s32 s9, s31  }
0x8: {  	s5 =	sadd.s32 s5, s8;
	s8 =	simm.s32 $0x80;
	s6 =	sshrl.u32 s6, $0x3  }
0x9: {  	s9 =	simm.s32 $0x1;
	s5 =	sadd.s32 $0x70200, s5;
	s6 =	sadd.s32 s6, s4  }
0xa: {  	s4 =	smax.u32 s7, $0x1;
	s7 =	simm.s32 $0x2;
	s6 =	sadd.s32 $0xB200, s6  }
.LBB2_1:
0xb: {  	s11 =	sadd.s32 $0x0, s6  }
0xc: {  	[tilespmem:s2], [sflag:$0x2] =	stream.linear.gather [hbm4b:s11+s2], $0x80, $0x38;
	[tilespmem:$0x4080] =	vst v63  }
0xd: {  	_ =	swait.ge [sflag:s7], $0x80  }
0xe: {  	[sflag:s7] =	ssyncset.done $0x0  }
0xf: {  	[sflag:s7] =	ssyncadd.s32 $0xFFFFFF80  }
0x10: {  	[tilespmem:s8], [sflag:$0x1] =	stream.indirect.gather [hbm4b:s3+s8], $0x80, s2, s8, $0xb8;
	[tilespmem:$0x4080] =	vst v63  }
0x11: {  	_ =	swait.ge [sflag:s9], $0x4000  }
0x12: {  	[sflag:s9] =	ssyncset.done $0x0  }
0x13: {  	[sflag:s9] =	ssyncadd.s32 $0xFFFFC000  }
0x14: {  	[hbm4b:s5+s2] =	stream.linear.scatter [tilespmem:s8], [sflag:$0x2], $0x4000, $0x38;
	[tilespmem:$0x4080] =	vst v63  }
0x15: {  	s12 =	simm.s32 $0x10;
	_ =	swait.ge [sflag:s7], $0x4000  }
0x16: {  	s13 =	simm.s32 $0x20;
	s11 =	sadd.s32 $0x800, s5;
	[sflag:s7] =	ssyncset.done $0x0  }
.LBB2_2:
0x17: {  	s14 =	sadd.s32 s12, s6  }
0x18: {  	[sflag:s7] =	ssyncadd.s32 $0xFFFFC000;
	s12 =	smov.u32 s13;
	s15 =	sadd.s32 $0x10, s13  }
0x19: {  	[tilespmem:s2], [sflag:$0x2] =	stream.linear.gather [hbm4b:s14+s2], $0x80, $0x38;
	[tilespmem:$0x4080] =	vst v63  }
0x1a: {  	p0 =	sne.s32 s13, $0x270;
	_ =	swait.ge [sflag:s7], $0x80  }
0x1b: {  	[sflag:s7] =	ssyncset.done $0x0  }
0x1c: {  	[sflag:s7] =	ssyncadd.s32 $0xFFFFFF80  }
0x1d: {  	[tilespmem:s8], [sflag:$0x1] =	stream.indirect.gather [hbm4b:s3+s8], $0x80, s2, s8, $0xb8;
	[tilespmem:$0x4080] =	vst v63  }
0x1e: {  	_ =	swait.ge [sflag:s9], $0x4000  }
.Ltmp0:
0x1f: {  	[sflag:s9] =	ssyncset.done $0x0;
	(pc) =	sbr.rel @p0 .LBB2_2-.Ltmp0, $4  }
0x20: {  	[sflag:s9] =	ssyncadd.s32 $0xFFFFC000  }
0x21: {  	[hbm4b:s11+s2] =	stream.linear.scatter [tilespmem:s8], [sflag:$0x2], $0x4000, $0x38;
	[tilespmem:$0x4080] =	vst v63  }
0x22: {  	_ =	swait.ge [sflag:s7], $0x4000  }
0x23: {  	s13 =	smov.u32 s15;
	s11 =	sadd.s32 $0x800, s11;
	[sflag:s7] =	ssyncset.done $0x0  }
0x24: {  	s12 =	sadd.s32 s12, s6;
	[sflag:s7] =	ssyncadd.s32 $0xFFFFC000  }
0x25: {  	[tilespmem:s2], [sflag:$0x2] =	stream.linear.gather [hbm4b:s12+s2], $0x80, $0x38;
	[tilespmem:$0x4080] =	vst v63  }
0x26: {  	_ =	swait.ge [sflag:s7], $0x80  }
0x27: {  	[sflag:s7] =	ssyncset.done $0x0  }
0x28: {  	[sflag:s7] =	ssyncadd.s32 $0xFFFFFF80  }
0x29: {  	[tilespmem:s8], [sflag:$0x1] =	stream.indirect.gather [hbm4b:s3+s8], $0x80, s2, s8, $0xb8;
	[tilespmem:$0x4080] =	vst v63  }
0x2a: {  	s10 =	sadd.s32 $0x1, s10;
	_ =	swait.ge [sflag:s9], $0x4000  }
0x2b: {  	p0 =	sne.s32 s10, s4;
	[sflag:s9] =	ssyncset.done $0x0  }
.Ltmp1:
0x2c: {  	[sflag:s9] =	ssyncadd.s32 $0xFFFFC000;
	(pc) =	sbr.rel @p0 .LBB2_1-.Ltmp1, $4  }
0x2d: {  	[hbm4b:s11+s2] =	stream.linear.scatter [tilespmem:s8], [sflag:$0x2], $0x4000, $0x38;
	[tilespmem:$0x4080] =	vst v63  }
0x2e: {  	_ =	swait.ge [sflag:s7], $0x4000  }
0x2f: {  	[sflag:s7] =	ssyncset.done $0x0  }
0x30: {  	[sflag:s7] =	ssyncadd.s32 $0xFFFFC000  }
0x31: {  	_ =	sfence.sel $0x180000  }
0x32: {  	[bflag:$0x0] =	sbarrier.arrive $0xFFFF  }
0x33: {  	p0 =	sne.s32 s1, $0x0;
	_ =	strace $0x9000004D  }
0x34: {  	s0 =	sadd.s32 @!p0 $0x100000, s0;
	[bflag:$0x2] =	sbarrier.arrive $0xFFFF  }
0x35: {  	[sflag:s0] =	ssyncadd.tile.s32 @!p0 $0x1;
	_ =	shalt  }
.Lfunc_end2:
_tile_overlayer_lowered:
.L_overlay_start_2:
0x36: {  	(tag) =	ssettag $0x2  }
0x37: {  	s0 =	rddreg [dreg:$0x0];
	s2 =	stileid.u32  }
0x38: {  	s1 =	rddreg [dreg:$0x1];
	p0 =	sne.s32 s2, $0x0  }
0x39: {  	s3 =	rddreg [dreg:$0x2];
	[bflag:$0x3] =	sbarrier.arrive $0xFFFF;
	s2 =	simm.s32 @!p0 $0x1C02  }
0x3a: {  	[timem:s3], [sflag:s2] =	dma.local @!p0 [hbm:s0], s1  }
0x3b: {  	s0 =	simm.s32 @!p0 $0x2  }
0x3c: {  	_ =	swait.ge @!p0 [sflag:s0], s1  }
0x3d: {  	s1 =	ssub.s32 @!p0 $0x0, s1;
	[sflag:s0] =	ssyncset.done @!p0 $0x0  }
0x3e: {  	[sflag:s0] =	ssyncadd.s32 @!p0 s1  }
0x3f: {  	[bflag:$0x3] =	sbarrier.arrive $0xFFFF  }
0x40: {  	_ =	shalt  }

// kernel: kernel.33.cloned.1.call-start
scs
__scs_entry_jumppad:
0x0: {  	(pc) =	sbr.rel $0x88, $3  }
0x1: {  	(tag) =	ssettag $0x0;
	lr =	simm.s32 $0x1  }
0x2: {  	[smem:$0x3F71] =	sst lr;
	_ =	strace $0xD0000000  }
0x3: {  	_ = 	snop  }
0x4: {  	_ = 	snop  }
0x5: {  	_ = 	snop  }
0x6: {  	_ = 	snop  }
0x7: {  	_ = 	snop  }
__scs_overlays_trampoline_lowered:
0x8: {  	[smem:$0x3F80] =	sst s0  }
0x9: {  	[smem:$0x3F81] =	sst s1  }
0xa: {  	[smem:$0x3F82] =	sst s2  }
0xb: {  	[smem:$0x3F83] =	sst s3  }
0xc: {  	[smem:$0x3F84] =	sst s4  }
0xd: {  	[smem:$0x3F85] =	sst s5  }
0xe: {  	[smem:$0x3F86] =	sst s6  }
0xf: {  	[smem:$0x3F87] =	sst s7  }
0x10: {  	[smem:$0x3F88] =	sst s8  }
0x11: {  	[smem:$0x3F89] =	sst s9;
	s0 =	simm.s32 @!p0 $0x0  }
0x12: {  	s1 =	sld [smem:$0x3F6F];
	s0 =	simm.s32 @p0 $0x1  }
0x13: {  	[smem:$0x3F8A] =	sst s0;
	s0 =	simm.s32 @!p1 $0x0  }
0x14: {  	s2 =	sld [smem:$0x3F6E];
	s0 =	simm.s32 @p1 $0x1  }
0x15: {  	[smem:$0x3F8B] =	sst s0;
	s0 =	simm.s32 @!p2 $0x0  }
0x16: {  	s3 =	sld [smem:$0x3FDB];
	s0 =	simm.s32 @p2 $0x1  }
0x17: {  	s4 =	simm.s32 $0x1BF5;
	[smem:$0x3F8D] =	sst s0  }
0x18: {  	s0 =	sld [smem:$0x3F70];
	_ =	swait.ge [sflag:s4], $0x0  }
0x19: {  	s7 =	sld [smem:$0x3F71]  }
0x1a: {  	s8 =	sadd.s32 $0xFFFFE003, lr  }
0x1b: {  	s9 =	sadd.s32 $0xFFFFFEF7, lr;
	s5 =	simm.s32 $0xFFFFFFFF;
	p2 =	slt.u32 s8, $0xFFFFF086  }
0x1c: {  	p1 =	slt.u32 s9, $0xF7A;
	s5 =	simm.s32 @!p2 $0x0  }
0x1d: {  	s5 =	simm.s32 @p1 $0x1;
	p0 =	seq.s32 s7, s2  }
0x1e: {  	s7 =	smul.u32 @!p0 $0xF7A, s2;
	p2 =	seq.s32 @!p0 s5, $0x0  }
0x1f: {  	s9 =	smul.u32 $0xF7A, s1;
	s8 =	simm.s32 @!p0 $0x1BF5;
	p2 =	por !p2, p0  }
0x20: {  	[sflag:s8] =	ssyncset.s32 @!p0 $0xFFFFF086;
	s6 =	sadd.s32 @!p0 s3, s7;
	s7 =	simm.s32 @!p0 $0x108  }
0x21: {  	s3 =	sadd.s32 s3, s9;
	s6 =	sadd.s32 @!p0 $0x88, s6;
	s7 =	simm.s32 @p2 $0x1082  }
0x22: {  	[simem:s7], [sflag:s8] =	dma.local @!p0 [hbm:s6], $0xF7A  }
0x23: {  	s9 =	sor.u32 $0xD0000000, s2;
	s6 =	simm.s32 $0x108;
	_ =	swait.ge @!p0 [sflag:s8], $0x0  }
0x24: {  	s3 =	sadd.s32 $0x88, s3;
	s6 =	simm.s32 @!p1 $0x1082;
	[sflag:s4] =	ssyncset.s32 $0xFFFFF086  }
0x25: {  	[simem:s6], [sflag:s4] =	dma.local [hbm:s3], $0xF7A  }
0x26: {  	[smem:$0x3F71] =	sst s1;
	(tag) =	ssettag s2;
	_ =	strace s9  }
0x27: {  	s1 =	sld [smem:$0x3F81]  }
0x28: {  	s2 =	sld [smem:$0x3F82]  }
0x29: {  	s4 =	sld [smem:$0x3F84]  }
0x2a: {  	p0 =	seq.s32 s5, $0x0;
	s5 =	sld [smem:$0x3F85]  }
0x2b: {  	s6 =	sld [smem:$0x3F86]  }
0x2c: {  	s7 =	sld [smem:$0x3F87]  }
0x2d: {  	s3 =	simm.s32 $0x108;
	s8 =	sld [smem:$0x3F88]  }
0x2e: {  	s3 =	simm.s32 @!p0 $0x1082;
	s9 =	sld [smem:$0x3F89]  }
0x2f: {  	lr =	sadd.s32 s0, s3;
	s0 =	sld [smem:$0x3F80]  }
0x30: {  	s3 =	sld [smem:$0x3F83]  }
0x31: {  	[smem:$0x3F8C] =	sst s10  }
0x32: {  	s10 =	sld [smem:$0x3F8A];
	_ =	sdelay $0x3  }
0x33: {  	p0 =	seq.s32 s10, $0x1;
	s10 =	sld [smem:$0x3F8C];
	_ =	sdelay $0x3  }
0x34: {  	[smem:$0x3F8C] =	sst s10  }
0x35: {  	s10 =	sld [smem:$0x3F8B];
	_ =	sdelay $0x3  }
0x36: {  	p1 =	seq.s32 s10, $0x1;
	s10 =	sld [smem:$0x3F8C];
	_ =	sdelay $0x3  }
0x37: {  	[smem:$0x3F8C] =	sst s10  }
0x38: {  	s10 =	sld [smem:$0x3F8D]  }
0x39: {  	_ = 	snop;
	(pc) =	sbr.ind lr, $3  }
0x3a: {  	_ = 	snop  }
0x3b: {  	_ = 	snop  }
0x3c: {  	p2 =	seq.s32 s10, $0x1;
	s10 =	sld [smem:$0x3F8C]  }
0x3d: {  	_ =	shalt  }
0x3e: {  	_ =	shalt  }
0x3f: {  	_ =	shalt  }
0x40: {  	_ =	shalt  }
0x41: {  	_ =	shalt  }
0x42: {  	_ =	shalt  }
0x43: {  	_ =	shalt  }
0x44: {  	_ =	shalt  }
0x45: {  	_ =	shalt  }
0x46: {  	_ =	shalt  }
0x47: {  	_ =	shalt  }
0x48: {  	_ =	shalt  }
0x49: {  	_ =	shalt  }
0x4a: {  	_ =	shalt  }
0x4b: {  	_ =	shalt  }
0x4c: {  	_ =	shalt  }
0x4d: {  	_ =	shalt  }
0x4e: {  	_ =	shalt  }
0x4f: {  	_ =	shalt  }
0x50: {  	_ =	shalt  }
0x51: {  	_ =	shalt  }
0x52: {  	_ =	shalt  }
0x53: {  	_ =	shalt  }
0x54: {  	_ =	shalt  }
0x55: {  	_ =	shalt  }
0x56: {  	_ =	shalt  }
0x57: {  	_ =	shalt  }
0x58: {  	_ =	shalt  }
0x59: {  	_ =	shalt  }
0x5a: {  	_ =	shalt  }
0x5b: {  	_ =	shalt  }
0x5c: {  	_ =	shalt  }
0x5d: {  	_ =	shalt  }
0x5e: {  	_ =	shalt  }
0x5f: {  	_ =	shalt  }
0x60: {  	_ =	shalt  }
0x61: {  	_ =	shalt  }
0x62: {  	_ =	shalt  }
0x63: {  	_ =	shalt  }
0x64: {  	_ =	shalt  }
0x65: {  	_ =	shalt  }
0x66: {  	_ =	shalt  }
0x67: {  	_ =	shalt  }
0x68: {  	_ =	shalt  }
0x69: {  	_ =	shalt  }
0x6a: {  	_ =	shalt  }
0x6b: {  	_ =	shalt  }
0x6c: {  	_ =	shalt  }
0x6d: {  	_ =	shalt  }
0x6e: {  	_ =	shalt  }
0x6f: {  	_ =	shalt  }
0x70: {  	_ =	shalt  }
0x71: {  	_ =	shalt  }
0x72: {  	_ =	shalt  }
0x73: {  	_ =	shalt  }
0x74: {  	_ =	shalt  }
0x75: {  	_ =	shalt  }
0x76: {  	_ =	shalt  }
0x77: {  	_ =	shalt  }
0x78: {  	_ =	shalt  }
0x79: {  	_ =	shalt  }
0x7a: {  	_ =	shalt  }
0x7b: {  	_ =	shalt  }
0x7c: {  	_ =	shalt  }
0x7d: {  	_ =	shalt  }
0x7e: {  	_ =	shalt  }
0x7f: {  	_ =	shalt  }
0x80: {  	_ =	shalt  }
0x81: {  	_ =	shalt  }
0x82: {  	_ =	shalt  }
0x83: {  	_ =	shalt  }
0x84: {  	_ =	shalt  }
0x85: {  	_ =	shalt  }
0x86: {  	_ =	shalt  }
0x87: {  	_ =	shalt  }
.Lfunc_end0:
.L_simem_size_0:
called_computation.3_lowered:
.L_overlay_start_0:
0x88: {  	s2 =	sld [smem:$0x3FD9]  }
0x89: {  	s3 =	sld [smem:$0x3FFE];
	_ =	sdelay $0x1  }
0x8a: {  	s1 =	srdreg.scid  }
0x8b: {  	s0 =	sand.u32 $0x1, s1  }
0x8c: {  	s16 =	sshll.u32 s0, $0xA;
	s2 =	sadd.s32 s3, s2  }
0x8d: {  	s2 =	sadd.s32 s2, s16  }
0x8e: {  	[smem:$0x3F98] =	sst s2  }
0x8f: {  	_ = 	snop  }
0x90: {  	(tm) =	ssettm $0x1  }
0x91: {  	s17 =	sld [smem:$0x3FFB];
	_ =	sdelay $0x3  }
0x92: {  	_ =	strace s17  }
0x93: {  	s2 =	sld [smem:$0x3FFC];
	_ =	sdelay $0x3  }
0x94: {  	_ =	strace s2  }
0x95: {  	s2 =	sld [smem:$0x3FFD];
	_ =	sdelay $0x3  }
0x96: {  	_ =	strace s2  }
0x97: {  	_ =	strace $0x8FFFFFFF  }
0x98: {  	s18 =	sld [smem:$0x3FDB];
	_ =	sdelay $0x1  }
0x99: {  	s19 =	simm.s32 $_scs_section_size  }
0x9a: {  	s4 =	simm.s32 $_size__tile_overlayer_lowered;
	s5 =	simm.s32 $_tile_overlayer_lowered  }
0x9b: {  	s22 =	simm.s32 $0x1BFF;
	s21 =	sshll.u32 s5, $0x1;
	s2 =	sadd.s32 s19, s18  }
0x9c: {  	s6 =	simm.s32 $0x0;
	s20 =	sshll.u32 s4, $0x1;
	s4 =	sadd.s32 s21, s2  }
0x9d: {  	[timem:s6], [sflag:s22] =	dma.local [hbm:s4], s20  }
0x9e: {  	_ =	swait.ge [sflag:s22], s20  }
0x9f: {  	s3 =	ssub.s32 $0x0, s20;
	[sflag:s22] =	ssyncset.done $0x0  }
0xa0: {  	[sflag:s22] =	ssyncadd.s32 s3;
	_ =	sdelay $0x1  }
0xa1: {  	s23 =	simm.s32 $0x1B8B  }
0xa2: {  	_ =	swait.ge [sflag:s23], $0x1  }
0xa3: {  	[sflag:s23] =	ssyncset.done $0x0  }
0xa4: {  	s25 =	simm.s32 $0x1B8E;
	s24 =	sld [smem:$0x3FFE];
	[sflag:s23] =	ssyncadd.s32 $0xFFFFFFFF  }
0xa5: {  	s26 =	simm.s32 $execute0_lowered;
	[smem:$0x3FD2] =	sst s25  }
0xa6: {  	s4 =	sshll.u32 s26, $0x1;
	_ =	strace $0x8000004F;
	[dreg:$0x1] =	wrdreg $0xFFFFFFFF  }
0xa7: {  	s28 =	simm.s32 $_size_execute0_lowered;
	s2 =	sadd.s32 s2, s4;
	[dreg:$0x0] =	wrdreg $0x0  }
0xa8: {  	s4 =	sshll.u32 s28, $0x1;
	[dreg:$0x2] =	wrdreg s2  }
0xa9: {  	[dreg:$0x3] =	wrdreg s4  }
0xaa: {  	[dreg:$0x4] =	wrdreg $0xC0  }
0xab: {  	_ =	task [dreg:s6], $0x5FFFF  }
0xac: {  	[dreg:$0x1] =	wrdreg $0xFFFFFFFF  }
0xad: {  	[dreg:$0x0] =	wrdreg $0x60  }
0xae: {  	[dreg:$0x2] =	wrdreg s24  }
0xaf: {  	[dreg:$0x3] =	wrdreg $0x9  }
0xb0: {  	_ =	task.clear_ibuf [dreg:s6], $0x4FFFF;
	_ =	strace $0x9000004F  }
0xb1: {  	s29 =	simm.s32 $0x9;
	_ =	strace $0x80000051  }
0xb2: {  	_ =	swait.ge [sflag:s29], $0x1  }
0xb3: {  	[sflag:s29] =	ssyncadd.s32 $0xFFFFFFFF  }
0xb4: {  	_ =	strace $0x90000051  }
0xb5: {  	_ =	sfence  }
0xb6: {  	s30 =	sld [smem:$0x0];
	_ =	sdelay $0x2  }
0xb7: {  	s31 =	sshll.u32 s1, $0xD;
	s1 =	sshrl.u32 s1, $0x2  }
0xb8: {  	s3 =	sand.u32 $0x4000, s31;
	s1 =	sadd.s32 s1, s30  }
0xb9: {  	s0 =	sor.u32 s3, s0;
	s1 =	sshll.u32 s1, $0x11  }
0xba: {  	s0 =	sor.u32 s1, s0  }
0xbb: {  	s0 =	sadd.s32 $0x8F2B, s0  }
0xbc: {  	[sflag:s0] =	ssyncadd.remote.s32 $0x1  }
0xbd: {  	_ =	sfence.sel $0xFFFF  }
0xbe: {  	[dreg:$0x0] =	wrdreg $0xFFFFFFFF;
	(pc) =	sbr.abs _section_cstart, $3  }
0xbf: {  	[dreg:$0x1] =	wrdreg $0xFFFFFFFF  }
0xc0: {  	_ =	task.clear_ibuf [dreg:s6], $0x2FFFF;
	_ =	strace $0x9FFFFFFF  }
0xc1: {  	(tm) =	ssettm $0x7FFFFFFF  }
tec
execute0_lowered:
.L_overlay_start_1:
0x0: {  	(tag) =	ssettag $0x1  }
0x1: {  	s4 =	rddreg [dreg:$0x0]  }
0x2: {  	s0 =	rddreg [dreg:$0x1];
	s2 =	simm.s32 $0x0;
	s1 =	stileid.u32  }
0x3: {  	s3 =	srdreg.scid;
	s10 =	simm.s32 $0x0;
	s6 =	smul.u32 $0x2800, s1  }
0x4: {  	[smem:$0x7FF] =	sst s2;
	s5 =	sand.u32 $0x1, s3;
	s8 =	smul.u32 $0x28000, s1  }
0x5: {  	s3 =	sadd.s32 $0x10200, s4;
	s7 =	smul.u32 $0x1400, s5;
	s9 =	ssub.s32 $0x2, s5  }
0x6: {  	_ =	strace $0x80000050;
	s5 =	smul.u32 $0x14000, s5;
	s31 =	sshrl.u32 s9, $0x1  }
0x7: {  	s8 =	sadd.s32 s8, s4;
	s6 =	sadd.s32 s7, s6;
	s7 =	ssub.s32 s9, s31  }
0x8: {  	s5 =	sadd.s32 s5, s8;
	s8 =	simm.s32 $0x80;
	s6 =	sshrl.u32 s6, $0x3  }
0x9: {  	s9 =	simm.s32 $0x1;
	s5 =	sadd.s32 $0xD0200, s5;
	s6 =	sadd.s32 s6, s4  }
0xa: {  	s4 =	smax.u32 s7, $0x1;
	s7 =	simm.s32 $0x2;
	s6 =	sadd.s32 $0xB200, s6  }
.LBB2_1:
0xb: {  	s11 =	sadd.s32 $0x0, s6  }
0xc: {  	[tilespmem:s2], [sflag:$0x2] =	stream.linear.gather [hbm4b:s11+s2], $0x80, $0x38;
	[tilespmem:$0x4080] =	vst v63  }
0xd: {  	_ =	swait.ge [sflag:s7], $0x80  }
0xe: {  	[sflag:s7] =	ssyncset.done $0x0  }
0xf: {  	[sflag:s7] =	ssyncadd.s32 $0xFFFFFF80  }
0x10: {  	[tilespmem:s8], [sflag:$0x1] =	stream.indirect.gather [hbm4b:s3+s8], $0x80, s2, s8, $0xb8;
	[tilespmem:$0x4080] =	vst v63  }
0x11: {  	_ =	swait.ge [sflag:s9], $0x4000  }
0x12: {  	[sflag:s9] =	ssyncset.done $0x0  }
0x13: {  	[sflag:s9] =	ssyncadd.s32 $0xFFFFC000  }
0x14: {  	[hbm4b:s5+s2] =	stream.linear.scatter [tilespmem:s8], [sflag:$0x2], $0x4000, $0x38;
	[tilespmem:$0x4080] =	vst v63  }
0x15: {  	s12 =	simm.s32 $0x10;
	_ =	swait.ge [sflag:s7], $0x4000  }
0x16: {  	s13 =	simm.s32 $0x20;
	s11 =	sadd.s32 $0x800, s5;
	[sflag:s7] =	ssyncset.done $0x0  }
.LBB2_2:
0x17: {  	s14 =	sadd.s32 s12, s6  }
0x18: {  	[sflag:s7] =	ssyncadd.s32 $0xFFFFC000;
	s12 =	smov.u32 s13;
	s15 =	sadd.s32 $0x10, s13  }
0x19: {  	[tilespmem:s2], [sflag:$0x2] =	stream.linear.gather [hbm4b:s14+s2], $0x80, $0x38;
	[tilespmem:$0x4080] =	vst v63  }
0x1a: {  	p0 =	sne.s32 s13, $0x270;
	_ =	swait.ge [sflag:s7], $0x80  }
0x1b: {  	[sflag:s7] =	ssyncset.done $0x0  }
0x1c: {  	[sflag:s7] =	ssyncadd.s32 $0xFFFFFF80  }
0x1d: {  	[tilespmem:s8], [sflag:$0x1] =	stream.indirect.gather [hbm4b:s3+s8], $0x80, s2, s8, $0xb8;
	[tilespmem:$0x4080] =	vst v63  }
0x1e: {  	_ =	swait.ge [sflag:s9], $0x4000  }
.Ltmp0:
0x1f: {  	[sflag:s9] =	ssyncset.done $0x0;
	(pc) =	sbr.rel @p0 .LBB2_2-.Ltmp0, $4  }
0x20: {  	[sflag:s9] =	ssyncadd.s32 $0xFFFFC000  }
0x21: {  	[hbm4b:s11+s2] =	stream.linear.scatter [tilespmem:s8], [sflag:$0x2], $0x4000, $0x38;
	[tilespmem:$0x4080] =	vst v63  }
0x22: {  	_ =	swait.ge [sflag:s7], $0x4000  }
0x23: {  	s13 =	smov.u32 s15;
	s11 =	sadd.s32 $0x800, s11;
	[sflag:s7] =	ssyncset.done $0x0  }
0x24: {  	s12 =	sadd.s32 s12, s6;
	[sflag:s7] =	ssyncadd.s32 $0xFFFFC000  }
0x25: {  	[tilespmem:s2], [sflag:$0x2] =	stream.linear.gather [hbm4b:s12+s2], $0x80, $0x38;
	[tilespmem:$0x4080] =	vst v63  }
0x26: {  	_ =	swait.ge [sflag:s7], $0x80  }
0x27: {  	[sflag:s7] =	ssyncset.done $0x0  }
0x28: {  	[sflag:s7] =	ssyncadd.s32 $0xFFFFFF80  }
0x29: {  	[tilespmem:s8], [sflag:$0x1] =	stream.indirect.gather [hbm4b:s3+s8], $0x80, s2, s8, $0xb8;
	[tilespmem:$0x4080] =	vst v63  }
0x2a: {  	s10 =	sadd.s32 $0x1, s10;
	_ =	swait.ge [sflag:s9], $0x4000  }
0x2b: {  	p0 =	sne.s32 s10, s4;
	[sflag:s9] =	ssyncset.done $0x0  }
.Ltmp1:
0x2c: {  	[sflag:s9] =	ssyncadd.s32 $0xFFFFC000;
	(pc) =	sbr.rel @p0 .LBB2_1-.Ltmp1, $4  }
0x2d: {  	[hbm4b:s11+s2] =	stream.linear.scatter [tilespmem:s8], [sflag:$0x2], $0x4000, $0x38;
	[tilespmem:$0x4080] =	vst v63  }
0x2e: {  	_ =	swait.ge [sflag:s7], $0x4000  }
0x2f: {  	[sflag:s7] =	ssyncset.done $0x0  }
0x30: {  	[sflag:s7] =	ssyncadd.s32 $0xFFFFC000  }
0x31: {  	_ =	sfence.sel $0x180000  }
0x32: {  	[bflag:$0x0] =	sbarrier.arrive $0xFFFF  }
0x33: {  	p0 =	sne.s32 s1, $0x0;
	_ =	strace $0x90000050  }
0x34: {  	s0 =	sadd.s32 @!p0 $0x100000, s0;
	[bflag:$0x2] =	sbarrier.arrive $0xFFFF  }
0x35: {  	[sflag:s0] =	ssyncadd.tile.s32 @!p0 $0x1;
	_ =	shalt  }
.Lfunc_end2:
_tile_overlayer_lowered:
.L_overlay_start_2:
0x36: {  	(tag) =	ssettag $0x2  }
0x37: {  	s0 =	rddreg [dreg:$0x0];
	s2 =	stileid.u32  }
0x38: {  	s1 =	rddreg [dreg:$0x1];
	p0 =	sne.s32 s2, $0x0  }
0x39: {  	s3 =	rddreg [dreg:$0x2];
	[bflag:$0x3] =	sbarrier.arrive $0xFFFF;
	s2 =	simm.s32 @!p0 $0x1C02  }
0x3a: {  	[timem:s3], [sflag:s2] =	dma.local @!p0 [hbm:s0], s1  }
0x3b: {  	s0 =	simm.s32 @!p0 $0x2  }
0x3c: {  	_ =	swait.ge @!p0 [sflag:s0], s1  }
0x3d: {  	s1 =	ssub.s32 @!p0 $0x0, s1;
	[sflag:s0] =	ssyncset.done @!p0 $0x0  }
0x3e: {  	[sflag:s0] =	ssyncadd.s32 @!p0 s1  }
0x3f: {  	[bflag:$0x3] =	sbarrier.arrive $0xFFFF  }
0x40: {  	_ =	shalt  }

// kernel: kernel.36.cloned.1.call-start
scs
__scs_entry_jumppad:
0x0: {  	(pc) =	sbr.rel $0x88, $3  }
0x1: {  	(tag) =	ssettag $0x0;
	lr =	simm.s32 $0x1  }
0x2: {  	[smem:$0x3F71] =	sst lr;
	_ =	strace $0xD0000000  }
0x3: {  	_ = 	snop  }
0x4: {  	_ = 	snop  }
0x5: {  	_ = 	snop  }
0x6: {  	_ = 	snop  }
0x7: {  	_ = 	snop  }
__scs_overlays_trampoline_lowered:
0x8: {  	[smem:$0x3F80] =	sst s0  }
0x9: {  	[smem:$0x3F81] =	sst s1  }
0xa: {  	[smem:$0x3F82] =	sst s2  }
0xb: {  	[smem:$0x3F83] =	sst s3  }
0xc: {  	[smem:$0x3F84] =	sst s4  }
0xd: {  	[smem:$0x3F85] =	sst s5  }
0xe: {  	[smem:$0x3F86] =	sst s6  }
0xf: {  	[smem:$0x3F87] =	sst s7  }
0x10: {  	[smem:$0x3F88] =	sst s8  }
0x11: {  	[smem:$0x3F89] =	sst s9;
	s0 =	simm.s32 @!p0 $0x0  }
0x12: {  	s1 =	sld [smem:$0x3F6F];
	s0 =	simm.s32 @p0 $0x1  }
0x13: {  	[smem:$0x3F8A] =	sst s0;
	s0 =	simm.s32 @!p1 $0x0  }
0x14: {  	s2 =	sld [smem:$0x3F6E];
	s0 =	simm.s32 @p1 $0x1  }
0x15: {  	[smem:$0x3F8B] =	sst s0;
	s0 =	simm.s32 @!p2 $0x0  }
0x16: {  	s3 =	sld [smem:$0x3FDB];
	s0 =	simm.s32 @p2 $0x1  }
0x17: {  	s4 =	simm.s32 $0x1BF5;
	[smem:$0x3F8D] =	sst s0  }
0x18: {  	s0 =	sld [smem:$0x3F70];
	_ =	swait.ge [sflag:s4], $0x0  }
0x19: {  	s7 =	sld [smem:$0x3F71]  }
0x1a: {  	s8 =	sadd.s32 $0xFFFFE003, lr  }
0x1b: {  	s9 =	sadd.s32 $0xFFFFFEF7, lr;
	s5 =	simm.s32 $0xFFFFFFFF;
	p2 =	slt.u32 s8, $0xFFFFF086  }
0x1c: {  	p1 =	slt.u32 s9, $0xF7A;
	s5 =	simm.s32 @!p2 $0x0  }
0x1d: {  	s5 =	simm.s32 @p1 $0x1;
	p0 =	seq.s32 s7, s2  }
0x1e: {  	s7 =	smul.u32 @!p0 $0xF7A, s2;
	p2 =	seq.s32 @!p0 s5, $0x0  }
0x1f: {  	s9 =	smul.u32 $0xF7A, s1;
	s8 =	simm.s32 @!p0 $0x1BF5;
	p2 =	por !p2, p0  }
0x20: {  	[sflag:s8] =	ssyncset.s32 @!p0 $0xFFFFF086;
	s6 =	sadd.s32 @!p0 s3, s7;
	s7 =	simm.s32 @!p0 $0x108  }
0x21: {  	s3 =	sadd.s32 s3, s9;
	s6 =	sadd.s32 @!p0 $0x88, s6;
	s7 =	simm.s32 @p2 $0x1082  }
0x22: {  	[simem:s7], [sflag:s8] =	dma.local @!p0 [hbm:s6], $0xF7A  }
0x23: {  	s9 =	sor.u32 $0xD0000000, s2;
	s6 =	simm.s32 $0x108;
	_ =	swait.ge @!p0 [sflag:s8], $0x0  }
0x24: {  	s3 =	sadd.s32 $0x88, s3;
	s6 =	simm.s32 @!p1 $0x1082;
	[sflag:s4] =	ssyncset.s32 $0xFFFFF086  }
0x25: {  	[simem:s6], [sflag:s4] =	dma.local [hbm:s3], $0xF7A  }
0x26: {  	[smem:$0x3F71] =	sst s1;
	(tag) =	ssettag s2;
	_ =	strace s9  }
0x27: {  	s1 =	sld [smem:$0x3F81]  }
0x28: {  	s2 =	sld [smem:$0x3F82]  }
0x29: {  	s4 =	sld [smem:$0x3F84]  }
0x2a: {  	p0 =	seq.s32 s5, $0x0;
	s5 =	sld [smem:$0x3F85]  }
0x2b: {  	s6 =	sld [smem:$0x3F86]  }
0x2c: {  	s7 =	sld [smem:$0x3F87]  }
0x2d: {  	s3 =	simm.s32 $0x108;
	s8 =	sld [smem:$0x3F88]  }
0x2e: {  	s3 =	simm.s32 @!p0 $0x1082;
	s9 =	sld [smem:$0x3F89]  }
0x2f: {  	lr =	sadd.s32 s0, s3;
	s0 =	sld [smem:$0x3F80]  }
0x30: {  	s3 =	sld [smem:$0x3F83]  }
0x31: {  	[smem:$0x3F8C] =	sst s10  }
0x32: {  	s10 =	sld [smem:$0x3F8A];
	_ =	sdelay $0x3  }
0x33: {  	p0 =	seq.s32 s10, $0x1;
	s10 =	sld [smem:$0x3F8C];
	_ =	sdelay $0x3  }
0x34: {  	[smem:$0x3F8C] =	sst s10  }
0x35: {  	s10 =	sld [smem:$0x3F8B];
	_ =	sdelay $0x3  }
0x36: {  	p1 =	seq.s32 s10, $0x1;
	s10 =	sld [smem:$0x3F8C];
	_ =	sdelay $0x3  }
0x37: {  	[smem:$0x3F8C] =	sst s10  }
0x38: {  	s10 =	sld [smem:$0x3F8D]  }
0x39: {  	_ = 	snop;
	(pc) =	sbr.ind lr, $3  }
0x3a: {  	_ = 	snop  }
0x3b: {  	_ = 	snop  }
0x3c: {  	p2 =	seq.s32 s10, $0x1;
	s10 =	sld [smem:$0x3F8C]  }
0x3d: {  	_ =	shalt  }
0x3e: {  	_ =	shalt  }
0x3f: {  	_ =	shalt  }
0x40: {  	_ =	shalt  }
0x41: {  	_ =	shalt  }
0x42: {  	_ =	shalt  }
0x43: {  	_ =	shalt  }
0x44: {  	_ =	shalt  }
0x45: {  	_ =	shalt  }
0x46: {  	_ =	shalt  }
0x47: {  	_ =	shalt  }
0x48: {  	_ =	shalt  }
0x49: {  	_ =	shalt  }
0x4a: {  	_ =	shalt  }
0x4b: {  	_ =	shalt  }
0x4c: {  	_ =	shalt  }
0x4d: {  	_ =	shalt  }
0x4e: {  	_ =	shalt  }
0x4f: {  	_ =	shalt  }
0x50: {  	_ =	shalt  }
0x51: {  	_ =	shalt  }
0x52: {  	_ =	shalt  }
0x53: {  	_ =	shalt  }
0x54: {  	_ =	shalt  }
0x55: {  	_ =	shalt  }
0x56: {  	_ =	shalt  }
0x57: {  	_ =	shalt  }
0x58: {  	_ =	shalt  }
0x59: {  	_ =	shalt  }
0x5a: {  	_ =	shalt  }
0x5b: {  	_ =	shalt  }
0x5c: {  	_ =	shalt  }
0x5d: {  	_ =	shalt  }
0x5e: {  	_ =	shalt  }
0x5f: {  	_ =	shalt  }
0x60: {  	_ =	shalt  }
0x61: {  	_ =	shalt  }
0x62: {  	_ =	shalt  }
0x63: {  	_ =	shalt  }
0x64: {  	_ =	shalt  }
0x65: {  	_ =	shalt  }
0x66: {  	_ =	shalt  }
0x67: {  	_ =	shalt  }
0x68: {  	_ =	shalt  }
0x69: {  	_ =	shalt  }
0x6a: {  	_ =	shalt  }
0x6b: {  	_ =	shalt  }
0x6c: {  	_ =	shalt  }
0x6d: {  	_ =	shalt  }
0x6e: {  	_ =	shalt  }
0x6f: {  	_ =	shalt  }
0x70: {  	_ =	shalt  }
0x71: {  	_ =	shalt  }
0x72: {  	_ =	shalt  }
0x73: {  	_ =	shalt  }
0x74: {  	_ =	shalt  }
0x75: {  	_ =	shalt  }
0x76: {  	_ =	shalt  }
0x77: {  	_ =	shalt  }
0x78: {  	_ =	shalt  }
0x79: {  	_ =	shalt  }
0x7a: {  	_ =	shalt  }
0x7b: {  	_ =	shalt  }
0x7c: {  	_ =	shalt  }
0x7d: {  	_ =	shalt  }
0x7e: {  	_ =	shalt  }
0x7f: {  	_ =	shalt  }
0x80: {  	_ =	shalt  }
0x81: {  	_ =	shalt  }
0x82: {  	_ =	shalt  }
0x83: {  	_ =	shalt  }
0x84: {  	_ =	shalt  }
0x85: {  	_ =	shalt  }
0x86: {  	_ =	shalt  }
0x87: {  	_ =	shalt  }
.Lfunc_end0:
.L_simem_size_0:
called_computation.4_lowered:
.L_overlay_start_0:
0x88: {  	s2 =	sld [smem:$0x3FD9]  }
0x89: {  	s3 =	sld [smem:$0x3FFE];
	_ =	sdelay $0x1  }
0x8a: {  	s1 =	srdreg.scid  }
0x8b: {  	s0 =	sand.u32 $0x1, s1  }
0x8c: {  	s16 =	sshll.u32 s0, $0xA;
	s2 =	sadd.s32 s3, s2  }
0x8d: {  	s2 =	sadd.s32 s2, s16  }
0x8e: {  	[smem:$0x3F98] =	sst s2  }
0x8f: {  	_ = 	snop  }
0x90: {  	(tm) =	ssettm $0x1  }
0x91: {  	s17 =	sld [smem:$0x3FFB];
	_ =	sdelay $0x3  }
0x92: {  	_ =	strace s17  }
0x93: {  	s2 =	sld [smem:$0x3FFC];
	_ =	sdelay $0x3  }
0x94: {  	_ =	strace s2  }
0x95: {  	s2 =	sld [smem:$0x3FFD];
	_ =	sdelay $0x3  }
0x96: {  	_ =	strace s2  }
0x97: {  	_ =	strace $0x8FFFFFFF  }
0x98: {  	s18 =	sld [smem:$0x3FDB];
	_ =	sdelay $0x1  }
0x99: {  	s19 =	simm.s32 $_scs_section_size  }
0x9a: {  	s4 =	simm.s32 $_size__tile_overlayer_lowered;
	s5 =	simm.s32 $_tile_overlayer_lowered  }
0x9b: {  	s22 =	simm.s32 $0x1BFF;
	s21 =	sshll.u32 s5, $0x1;
	s2 =	sadd.s32 s19, s18  }
0x9c: {  	s6 =	simm.s32 $0x0;
	s20 =	sshll.u32 s4, $0x1;
	s4 =	sadd.s32 s21, s2  }
0x9d: {  	[timem:s6], [sflag:s22] =	dma.local [hbm:s4], s20  }
0x9e: {  	_ =	swait.ge [sflag:s22], s20  }
0x9f: {  	s3 =	ssub.s32 $0x0, s20;
	[sflag:s22] =	ssyncset.done $0x0  }
0xa0: {  	[sflag:s22] =	ssyncadd.s32 s3;
	_ =	sdelay $0x1  }
0xa1: {  	s23 =	simm.s32 $0x1B8B  }
0xa2: {  	_ =	swait.ge [sflag:s23], $0x1  }
0xa3: {  	[sflag:s23] =	ssyncset.done $0x0  }
0xa4: {  	s25 =	simm.s32 $0x1B8E;
	s24 =	sld [smem:$0x3FFE];
	[sflag:s23] =	ssyncadd.s32 $0xFFFFFFFF  }
0xa5: {  	s26 =	simm.s32 $execute0_lowered;
	[smem:$0x3FD2] =	sst s25  }
0xa6: {  	s4 =	sshll.u32 s26, $0x1;
	_ =	strace $0x80000052;
	[dreg:$0x1] =	wrdreg $0xFFFFFFFF  }
0xa7: {  	s28 =	simm.s32 $_size_execute0_lowered;
	s2 =	sadd.s32 s2, s4;
	[dreg:$0x0] =	wrdreg $0x0  }
0xa8: {  	s4 =	sshll.u32 s28, $0x1;
	[dreg:$0x2] =	wrdreg s2  }
0xa9: {  	[dreg:$0x3] =	wrdreg s4  }
0xaa: {  	[dreg:$0x4] =	wrdreg $0xC0  }
0xab: {  	_ =	task [dreg:s6], $0x5FFFF  }
0xac: {  	[dreg:$0x1] =	wrdreg $0xFFFFFFFF  }
0xad: {  	[dreg:$0x0] =	wrdreg $0x60  }
0xae: {  	[dreg:$0x2] =	wrdreg s24  }
0xaf: {  	[dreg:$0x3] =	wrdreg $0x9  }
0xb0: {  	_ =	task.clear_ibuf [dreg:s6], $0x4FFFF;
	_ =	strace $0x90000052  }
0xb1: {  	s29 =	simm.s32 $0x9;
	_ =	strace $0x80000054  }
0xb2: {  	_ =	swait.ge [sflag:s29], $0x1  }
0xb3: {  	[sflag:s29] =	ssyncadd.s32 $0xFFFFFFFF  }
0xb4: {  	_ =	strace $0x90000054  }
0xb5: {  	_ =	sfence  }
0xb6: {  	s30 =	sld [smem:$0x0];
	_ =	sdelay $0x2  }
0xb7: {  	s31 =	sshll.u32 s1, $0xD;
	s1 =	sshrl.u32 s1, $0x2  }
0xb8: {  	s3 =	sand.u32 $0x4000, s31;
	s1 =	sadd.s32 s1, s30  }
0xb9: {  	s0 =	sor.u32 s3, s0;
	s1 =	sshll.u32 s1, $0x11  }
0xba: {  	s0 =	sor.u32 s1, s0  }
0xbb: {  	s0 =	sadd.s32 $0x8F2B, s0  }
0xbc: {  	[sflag:s0] =	ssyncadd.remote.s32 $0x1  }
0xbd: {  	_ =	sfence.sel $0xFFFF  }
0xbe: {  	[dreg:$0x0] =	wrdreg $0xFFFFFFFF;
	(pc) =	sbr.abs _section_cstart, $3  }
0xbf: {  	[dreg:$0x1] =	wrdreg $0xFFFFFFFF  }
0xc0: {  	_ =	task.clear_ibuf [dreg:s6], $0x2FFFF;
	_ =	strace $0x9FFFFFFF  }
0xc1: {  	(tm) =	ssettm $0x7FFFFFFF  }
tec
execute0_lowered:
.L_overlay_start_1:
0x0: {  	(tag) =	ssettag $0x1  }
0x1: {  	s4 =	rddreg [dreg:$0x0]  }
0x2: {  	s0 =	rddreg [dreg:$0x1];
	s2 =	simm.s32 $0x0;
	s3 =	srdreg.scid  }
0x3: {  	s1 =	stileid.u32;
	s10 =	simm.s32 $0x1080;
	s11 =	simm.s32 $0x1880  }
0x4: {  	s12 =	simm.s32 $0x2080;
	s13 =	simm.s32 $0x2880;
	s14 =	simm.s32 $0x3080  }
0x5: {  	s15 =	simm.s32 $0x3880;
	s16 =	simm.s32 $0x4080;
	s17 =	simm.s32 $0x4880  }
0x6: {  	s18 =	simm.s32 $0x5080;
	s19 =	simm.s32 $0x5880;
	s20 =	simm.s32 $0x6080  }
0x7: {  	s21 =	simm.s32 $0x6880;
	s22 =	simm.s32 $0x7080;
	s23 =	simm.s32 $0x7880  }
0x8: {  	s24 =	simm.s32 $0x1;
	s25 =	simm.s32 $0x0;
	s6 =	smul.u32 $0x2800, s1  }
0x9: {  	[smem:$0x7FF] =	sst s2;
	s5 =	sand.u32 $0x1, s3;
	s8 =	smul.u32 $0x50000, s1  }
0xa: {  	s3 =	sadd.s32 $0x70200, s4;
	s7 =	smul.u32 $0x1400, s5;
	s9 =	ssub.s32 $0x2, s5  }
0xb: {  	_ =	strace $0x80000053;
	s5 =	smul.u32 $0x28000, s5;
	s31 =	sshrl.u32 s9, $0x1  }
0xc: {  	s8 =	sadd.s32 s8, s4;
	s6 =	sadd.s32 s7, s6;
	s7 =	ssub.s32 s9, s31  }
0xd: {  	v2 =	vlaneseq.u32;
	s5 =	sadd.s32 s5, s8;
	s8 =	simm.s32 $0x80;
	s6 =	sshrl.u32 s6, $0x3  }
0xe: {  	vm0 =	vmmov $0xffff;
	v1 =	vshrl.u32 v2, $0x3;
	s9 =	simm.s32 $0x880;
	s5 =	sadd.s32 $0x110200, s5;
	s6 =	sadd.s32 s6, s4  }
0xf: {  	v0 =	vand.u32 $0x7, v2;
	v2 =	vor.u32 $0x8, v2;
	v1 =	vmul.u32 $0x8, v1;
	s4 =	smax.u32 s7, $0x1;
	s7 =	simm.s32 $0x2;
	s6 =	sadd.s32 $0xB200, s6  }
.LBB2_1:
0x10: {  	s26 =	smov.u32 s5;
	s28 =	simm.s32 $0x0  }
.LBB2_2:
0x11: {  	s29 =	sadd.s32 s28, s6  }
0x12: {  	[tilespmem:s2], [sflag:$0x2] =	stream.linear.gather [hbm4b:s29+s2], $0x80, $0x38;
	[tilespmem:$0x8080] =	vst v63  }
0x13: {  	_ =	swait.ge [sflag:s7], $0x80  }
0x14: {  	[sflag:s7] =	ssyncset.done $0x0  }
0x15: {  	[sflag:s7] =	ssyncadd.s32 $0xFFFFFF80  }
0x16: {  	v3 =	vld [tilespmem:$0x0];
	_ =	sdelay $0x4  }
0x17: {  	v4 =	vshll.u32 v3, $0x1  }
0x18: {  	v3 =	vand.u32 $0x7, v3;
	v4 =	vand.u32 $0xFFFFFFF0, v4  }
0x19: {  	v3 =	vor.u32 v3, v4  }
0x1a: {  	v4 =	vperm.xlane v3, v0;
	_ =	sdelay $0x1  }
0x1b: {  	v3 =	vperm.xlane v3, v2;
	v4 =	vadd.s32 v1, v4;
	_ =	sdelay $0x1  }
0x1c: {  	v3 =	vadd.s32 v1, v3;
	_ =	sdelay $0x2  }
0x1d: {  	[tilespmem:s8], [sflag:$0x1] =	stream.indirect_vreg.gather [hbm4b:s3+s2], $0x80, v4, vm0, $0xb8;
	[tilespmem:$0x8080] =	vst v63  }
0x1e: {  	_ = 	snop  }
0x1f: {  	[tilespmem:s9], [sflag:$0x1] =	stream.indirect_vreg.gather [hbm4b:s3+s2], $0x80, v3, vm0, $0xb8;
	[tilespmem:$0x8080] =	vst v63  }
0x20: {  	v3 =	vld [tilespmem:$0x10];
	_ =	sdelay $0x4  }
0x21: {  	v57 =	vshll.u32 v3, $0x1  }
0x22: {  	v3 =	vand.u32 $0x7, v3;
	v4 =	vand.u32 $0xFFFFFFF0, v57  }
0x23: {  	v3 =	vor.u32 v3, v4  }
0x24: {  	v4 =	vperm.xlane v3, v0;
	_ =	sdelay $0x1  }
0x25: {  	v3 =	vperm.xlane v3, v2;
	v4 =	vadd.s32 v1, v4;
	_ =	sdelay $0x1  }
0x26: {  	v3 =	vadd.s32 v1, v3;
	_ =	sdelay $0x2  }
0x27: {  	[tilespmem:s10], [sflag:$0x1] =	stream.indirect_vreg.gather [hbm4b:s3+s2], $0x80, v4, vm0, $0xb8;
	[tilespmem:$0x8080] =	vst v63  }
0x28: {  	_ = 	snop  }
0x29: {  	[tilespmem:s11], [sflag:$0x1] =	stream.indirect_vreg.gather [hbm4b:s3+s2], $0x80, v3, vm0, $0xb8;
	[tilespmem:$0x8080] =	vst v63  }
0x2a: {  	v3 =	vld [tilespmem:$0x20];
	_ =	sdelay $0x4  }
0x2b: {  	v58 =	vshll.u32 v3, $0x1  }
0x2c: {  	v3 =	vand.u32 $0x7, v3;
	v4 =	vand.u32 $0xFFFFFFF0, v58  }
0x2d: {  	v3 =	vor.u32 v3, v4  }
0x2e: {  	v4 =	vperm.xlane v3, v0;
	_ =	sdelay $0x1  }
0x2f: {  	v3 =	vperm.xlane v3, v2;
	v4 =	vadd.s32 v1, v4;
	_ =	sdelay $0x1  }
0x30: {  	v3 =	vadd.s32 v1, v3;
	_ =	sdelay $0x2  }
0x31: {  	[tilespmem:s12], [sflag:$0x1] =	stream.indirect_vreg.gather [hbm4b:s3+s2], $0x80, v4, vm0, $0xb8;
	[tilespmem:$0x8080] =	vst v63  }
0x32: {  	_ = 	snop  }
0x33: {  	[tilespmem:s13], [sflag:$0x1] =	stream.indirect_vreg.gather [hbm4b:s3+s2], $0x80, v3, vm0, $0xb8;
	[tilespmem:$0x8080] =	vst v63  }
0x34: {  	v3 =	vld [tilespmem:$0x30];
	_ =	sdelay $0x4  }
0x35: {  	v59 =	vshll.u32 v3, $0x1  }
0x36: {  	v3 =	vand.u32 $0x7, v3;
	v4 =	vand.u32 $0xFFFFFFF0, v59  }
0x37: {  	v3 =	vor.u32 v3, v4  }
0x38: {  	v4 =	vperm.xlane v3, v0;
	_ =	sdelay $0x1  }
0x39: {  	v3 =	vperm.xlane v3, v2;
	v4 =	vadd.s32 v1, v4;
	_ =	sdelay $0x1  }
0x3a: {  	v3 =	vadd.s32 v1, v3;
	_ =	sdelay $0x2  }
0x3b: {  	[tilespmem:s14], [sflag:$0x1] =	stream.indirect_vreg.gather [hbm4b:s3+s2], $0x80, v4, vm0, $0xb8;
	[tilespmem:$0x8080] =	vst v63  }
0x3c: {  	_ = 	snop  }
0x3d: {  	[tilespmem:s15], [sflag:$0x1] =	stream.indirect_vreg.gather [hbm4b:s3+s2], $0x80, v3, vm0, $0xb8;
	[tilespmem:$0x8080] =	vst v63  }
0x3e: {  	v3 =	vld [tilespmem:$0x40];
	_ =	sdelay $0x4  }
0x3f: {  	v60 =	vshll.u32 v3, $0x1  }
0x40: {  	v3 =	vand.u32 $0x7, v3;
	v4 =	vand.u32 $0xFFFFFFF0, v60  }
0x41: {  	v3 =	vor.u32 v3, v4  }
0x42: {  	v4 =	vperm.xlane v3, v0;
	_ =	sdelay $0x1  }
0x43: {  	v3 =	vperm.xlane v3, v2;
	v4 =	vadd.s32 v1, v4;
	_ =	sdelay $0x1  }
0x44: {  	v3 =	vadd.s32 v1, v3;
	_ =	sdelay $0x2  }
0x45: {  	[tilespmem:s16], [sflag:$0x1] =	stream.indirect_vreg.gather [hbm4b:s3+s2], $0x80, v4, vm0, $0xb8;
	[tilespmem:$0x8080] =	vst v63  }
0x46: {  	_ = 	snop  }
0x47: {  	[tilespmem:s17], [sflag:$0x1] =	stream.indirect_vreg.gather [hbm4b:s3+s2], $0x80, v3, vm0, $0xb8;
	[tilespmem:$0x8080] =	vst v63  }
0x48: {  	v3 =	vld [tilespmem:$0x50];
	_ =	sdelay $0x4  }
0x49: {  	v61 =	vshll.u32 v3, $0x1  }
0x4a: {  	v3 =	vand.u32 $0x7, v3;
	v4 =	vand.u32 $0xFFFFFFF0, v61  }
0x4b: {  	v3 =	vor.u32 v3, v4  }
0x4c: {  	v4 =	vperm.xlane v3, v0;
	_ =	sdelay $0x1  }
0x4d: {  	v3 =	vperm.xlane v3, v2;
	v4 =	vadd.s32 v1, v4;
	_ =	sdelay $0x1  }
0x4e: {  	v3 =	vadd.s32 v1, v3;
	_ =	sdelay $0x2  }
0x4f: {  	[tilespmem:s18], [sflag:$0x1] =	stream.indirect_vreg.gather [hbm4b:s3+s2], $0x80, v4, vm0, $0xb8;
	[tilespmem:$0x8080] =	vst v63  }
0x50: {  	_ = 	snop  }
0x51: {  	[tilespmem:s19], [sflag:$0x1] =	stream.indirect_vreg.gather [hbm4b:s3+s2], $0x80, v3, vm0, $0xb8;
	[tilespmem:$0x8080] =	vst v63  }
0x52: {  	v3 =	vld [tilespmem:$0x60];
	_ =	sdelay $0x4  }
0x53: {  	v62 =	vshll.u32 v3, $0x1  }
0x54: {  	v3 =	vand.u32 $0x7, v3;
	v4 =	vand.u32 $0xFFFFFFF0, v62  }
0x55: {  	v3 =	vor.u32 v3, v4  }
0x56: {  	v4 =	vperm.xlane v3, v0;
	_ =	sdelay $0x1  }
0x57: {  	v3 =	vperm.xlane v3, v2;
	v4 =	vadd.s32 v1, v4;
	_ =	sdelay $0x1  }
0x58: {  	v3 =	vadd.s32 v1, v3;
	_ =	sdelay $0x2  }
0x59: {  	[tilespmem:s20], [sflag:$0x1] =	stream.indirect_vreg.gather [hbm4b:s3+s2], $0x80, v4, vm0, $0xb8;
	[tilespmem:$0x8080] =	vst v63  }
0x5a: {  	_ = 	snop  }
0x5b: {  	[tilespmem:s21], [sflag:$0x1] =	stream.indirect_vreg.gather [hbm4b:s3+s2], $0x80, v3, vm0, $0xb8;
	[tilespmem:$0x8080] =	vst v63  }
0x5c: {  	v3 =	vld [tilespmem:$0x70];
	_ =	sdelay $0x4  }
0x5d: {  	v63 =	vshll.u32 v3, $0x1  }
0x5e: {  	v3 =	vand.u32 $0x7, v3;
	v4 =	vand.u32 $0xFFFFFFF0, v63  }
0x5f: {  	v3 =	vor.u32 v3, v4  }
0x60: {  	v4 =	vperm.xlane v3, v0;
	_ =	sdelay $0x1  }
0x61: {  	v3 =	vperm.xlane v3, v2;
	v4 =	vadd.s32 v1, v4;
	_ =	sdelay $0x1  }
0x62: {  	v3 =	vadd.s32 v1, v3;
	_ =	sdelay $0x2  }
0x63: {  	[tilespmem:s22], [sflag:$0x1] =	stream.indirect_vreg.gather [hbm4b:s3+s2], $0x80, v4, vm0, $0xb8;
	[tilespmem:$0x8080] =	vst v63  }
0x64: {  	_ = 	snop  }
0x65: {  	[tilespmem:s23], [sflag:$0x1] =	stream.indirect_vreg.gather [hbm4b:s3+s2], $0x80, v3, vm0, $0xb8;
	[tilespmem:$0x8080] =	vst v63  }
0x66: {  	_ =	swait.ge [sflag:s24], $0x8000  }
0x67: {  	p0 =	sne.s32 s28, $0x270;
	[sflag:s24] =	ssyncset.done $0x0  }
.Ltmp0:
0x68: {  	[sflag:s24] =	ssyncadd.s32 $0xFFFF8000;
	(pc) =	sbr.rel @p0 .LBB2_2-.Ltmp0, $4  }
0x69: {  	[hbm4b:s26+s2] =	stream.linear.scatter [tilespmem:s8], [sflag:$0x2], $0x8000, $0x38;
	[tilespmem:$0x8080] =	vst v63  }
0x6a: {  	_ =	swait.ge [sflag:s7], $0x8000  }
0x6b: {  	[sflag:s7] =	ssyncset.done $0x0  }
0x6c: {  	s28 =	sadd.s32 $0x10, s28;
	s26 =	sadd.s32 $0x1000, s26;
	[sflag:s7] =	ssyncadd.s32 $0xFFFF8000  }
0x6d: {  	s25 =	sadd.s32 $0x1, s25  }
0x6e: {  	p0 =	sne.s32 s25, s4  }
.Ltmp1:
0x6f: {  	_ = 	snop;
	(pc) =	sbr.rel @p0 .LBB2_1-.Ltmp1, $1  }
0x70: {  	_ =	sdelay $0x3  }
0x71: {  	_ =	sfence.sel $0x180000  }
0x72: {  	[bflag:$0x0] =	sbarrier.arrive $0xFFFF  }
0x73: {  	p0 =	sne.s32 s1, $0x0;
	_ =	strace $0x90000053  }
0x74: {  	s0 =	sadd.s32 @!p0 $0x100000, s0;
	[bflag:$0x2] =	sbarrier.arrive $0xFFFF  }
0x75: {  	[sflag:s0] =	ssyncadd.tile.s32 @!p0 $0x1;
	_ =	shalt  }
.Lfunc_end2:
_tile_overlayer_lowered:
.L_overlay_start_2:
0x76: {  	(tag) =	ssettag $0x2  }
0x77: {  	s0 =	rddreg [dreg:$0x0];
	s2 =	stileid.u32  }
0x78: {  	s1 =	rddreg [dreg:$0x1];
	p0 =	sne.s32 s2, $0x0  }
0x79: {  	s3 =	rddreg [dreg:$0x2];
	[bflag:$0x3] =	sbarrier.arrive $0xFFFF;
	s2 =	simm.s32 @!p0 $0x1C02  }
0x7a: {  	[timem:s3], [sflag:s2] =	dma.local @!p0 [hbm:s0], s1  }
0x7b: {  	s0 =	simm.s32 @!p0 $0x2  }
0x7c: {  	_ =	swait.ge @!p0 [sflag:s0], s1  }
0x7d: {  	s1 =	ssub.s32 @!p0 $0x0, s1;
	[sflag:s0] =	ssyncset.done @!p0 $0x0  }
0x7e: {  	[sflag:s0] =	ssyncadd.s32 @!p0 s1  }
0x7f: {  	[bflag:$0x3] =	sbarrier.arrive $0xFFFF  }
0x80: {  	_ =	shalt  }

</sc_bundles>
